<compile_context>
chip_gen: v7x
topology: tpu7x:2x2x1
jax: 0.10.2.dev20260603
libtpu: 0.0.44.dev20260713+nightly
codegen_flags: <defaults>
</compile_context>

<pallas_src>
import jax
import jax.numpy as jnp
import numpy as np
from jax import lax
from jax.experimental import pallas as pl
from jax.experimental.pallas import tpu as pltpu
from jax.experimental.pallas import tpu_sc as plsc

_N = 10000
_NPAD = 10240
_E = 320000
_DIN = 128
_H = 64
_G = 64
_NC = 2
_NS = 16
_NW = _NC * _NS
_EPW = _E // _NW
_K = 6400
_NCHUNK = _E // _K
_PACK = 16384
_UNROLL = 16
_BLK = 512
_NBLK = _NPAD // _BLK
_BN_R = float(1.0 / np.sqrt(1.0 + 1e-5))

_SC_PARAMS = pltpu.CompilerParams(
    use_tc_tiling_on_sc=False, needs_layout_passes=False
)


def _sc_mesh():
    return plsc.VectorSubcoreMesh(core_axis_name="c", subcore_axis_name="s")


def _deg_body(pk_hbm, out_hbm, idxv, histv):
    c = lax.axis_index("c")
    sid = lax.axis_index("s")
    w = c * _NS + sid

    def _z(i, carry):
        histv[pl.ds(i * 16, 16)] = jnp.zeros((16,), jnp.float32)
        return carry

    lax.fori_loop(0, _NPAD // 16, _z, 0)
    pltpu.sync_copy(pk_hbm.at[pl.ds(w * _EPW, _EPW)], idxv)

    ones16 = jnp.ones((16,), jnp.float32)

    def _g(i, carry):
        dvs = []
        for u in range(8):
            ev = idxv[pl.ds((i * 8 + u) * 16, 16)]
            dvs.append(lax.shift_right_logical(ev, 14))
        for dv in dvs:
            plsc.addupdate_scatter(histv, [dv], ones16)
        return carry

    lax.fori_loop(0, _EPW // 128, _g, 0)
    pltpu.sync_copy(histv, out_hbm.at[w])


_deg_call = pl.kernel(
    _deg_body,
    out_type=jax.ShapeDtypeStruct((_NW, _NPAD), jnp.float32),
    mesh=_sc_mesh(),
    scratch_types=[
        pltpu.VMEM((_EPW,), jnp.int32),
        pltpu.VMEM((_NPAD,), jnp.float32),
    ],
    compiler_params=_SC_PARAMS,
)


def _edge_body(pk_hbm, s_hbm, out_hbm, sbuf, abuf, ib0, ib1, sem0, sem1):
    c = lax.axis_index("c")
    sid = lax.axis_index("s")
    w = c * _NS + sid

    pltpu.sync_copy(s_hbm.at[w], sbuf)

    def _z(i, carry):
        for f in range(2):
            abuf[f, pl.ds(i * 16, 16)] = jnp.zeros((16,), jnp.float32)
        return carry

    lax.fori_loop(0, _NPAD // 16, _z, 0)

    ibs = (ib0, ib1)
    sems = (sem0, sem1)
    pltpu.async_copy(pk_hbm.at[pl.ds(0, _K)], ib0, sem0)

    z16 = jnp.zeros((16,), jnp.int32)
    o16 = jnp.ones((16,), jnp.int32)
    m16 = jnp.full((16,), _PACK - 1, jnp.int32)
    mhi = jnp.full((16,), -65536, jnp.int32)

    def _round(r, carry):
        for b in range(2):
            cidx = r * 2 + b
            pltpu.make_async_copy(
                pk_hbm.at[pl.ds(0, _K)], ibs[b], sems[b]
            ).wait()
            nxt = jnp.minimum((cidx + 1) * _K, _E - _K)

            @pl.when(cidx + 1 < _NCHUNK)
            def _():
                pltpu.async_copy(
                    pk_hbm.at[pl.ds(nxt, _K)], ibs[b ^ 1], sems[b ^ 1]
                )

            ib = ibs[b]

            def _g(i, carry2):
                dvs, vals = [], []
                for u in range(_UNROLL):
                    ev = ib[pl.ds((i * _UNROLL + u) * 16, 16)]
                    sv = jnp.bitwise_and(ev, m16)
                    dvs.append(lax.shift_right_logical(ev, 14))
                    gv = plsc.load_gather(sbuf, [sv])
                    f0 = plsc.bitcast(lax.shift_left(gv, 16), jnp.float32)
                    f1 = plsc.bitcast(jnp.bitwise_and(gv, mhi), jnp.float32)
                    vals.append((f0, f1))
                for dv, (v0, v1) in zip(dvs, vals):
                    plsc.addupdate_scatter(abuf, [z16, dv], v0)
                    plsc.addupdate_scatter(abuf, [o16, dv], v1)
                return carry2

            lax.fori_loop(0, _K // (16 * _UNROLL), _g, 0)
        return carry

    lax.fori_loop(0, _NCHUNK // 2, _round, 0)
    pltpu.sync_copy(abuf.at[0], out_hbm.at[w])
    pltpu.sync_copy(abuf.at[1], out_hbm.at[w + _NW])


_edge_call = pl.kernel(
    _edge_body,
    out_type=jax.ShapeDtypeStruct((_H, _NPAD), jnp.float32),
    mesh=_sc_mesh(),
    scratch_types=[
        pltpu.VMEM((_NPAD,), jnp.int32),
        pltpu.VMEM((2, _NPAD), jnp.float32),
        pltpu.VMEM((_K,), jnp.int32),
        pltpu.VMEM((_K,), jnp.int32),
        pltpu.SemaphoreType.DMA,
        pltpu.SemaphoreType.DMA,
    ],
    compiler_params=_SC_PARAMS,
)


def _pack_bf16(s):
    sb = lax.bitcast_convert_type(s, jnp.int32)
    rb = lax.shift_right_logical(
        sb + 0x7FFF + jnp.bitwise_and(lax.shift_right_logical(sb, 16), 1), 16
    )
    return jnp.bitwise_or(rb[: _H // 2, :],
                          lax.shift_left(rb[_H // 2:, :], 16))


def _unpack_bf16(pk):
    lo = lax.bitcast_convert_type(lax.shift_left(pk, 16), jnp.float32)
    hi = lax.bitcast_convert_type(
        jnp.bitwise_and(pk, jnp.int32(-65536)), jnp.float32
    )
    return jnp.concatenate([lo, hi], axis=0)


def _prologue_body(x_ref, h_ref, w_ref, o_ref, d_ref):
    deg = 1.0 + jnp.sum(h_ref[...], axis=0, keepdims=True)
    dinv = lax.rsqrt(deg)
    d_ref[...] = dinv
    dn = (((0,), (0,)), ((), ()))
    s = lax.dot_general(w_ref[...], x_ref[...], dn,
                        preferred_element_type=jnp.float32) * dinv
    o_ref[...] = _pack_bf16(s)


_prologue_call = pl.pallas_call(
    _prologue_body,
    grid=(_NBLK,),
    in_specs=[
        pl.BlockSpec((_DIN, _BLK), lambda i: (0, i)),
        pl.BlockSpec((_NW, _BLK), lambda i: (0, i)),
        pl.BlockSpec((_DIN, _H), lambda i: (0, 0)),
    ],
    out_specs=[
        pl.BlockSpec((_H // 2, _BLK), lambda i: (0, i)),
        pl.BlockSpec((1, _BLK), lambda i: (0, i)),
    ],
    out_shape=[
        jax.ShapeDtypeStruct((_H // 2, _NPAD), jnp.int32),
        jax.ShapeDtypeStruct((1, _NPAD), jnp.float32),
    ],
)


def _mid_body(a, s, d_ref, ga, cb, w_ref, o_ref):
    dinv = d_ref[...]
    sf = _unpack_bf16(s[...])
    h = jnp.maximum(dinv * (a[...] + sf) * ga[...] + cb[...], 0.0)
    dn = (((0,), (0,)), ((), ()))
    o_ref[...] = _pack_bf16(
        lax.dot_general(w_ref[...], h, dn,
                        preferred_element_type=jnp.float32) * dinv
    )


_mid_call = pl.pallas_call(
    _mid_body,
    grid=(_NBLK,),
    in_specs=[
        pl.BlockSpec((_H, _BLK), lambda i: (0, i)),
        pl.BlockSpec((_H // 2, _BLK), lambda i: (0, i)),
        pl.BlockSpec((1, _BLK), lambda i: (0, i)),
        pl.BlockSpec((_H, 1), lambda i: (0, 0)),
        pl.BlockSpec((_H, 1), lambda i: (0, 0)),
        pl.BlockSpec((_H, _H), lambda i: (0, 0)),
    ],
    out_specs=pl.BlockSpec((_H // 2, _BLK), lambda i: (0, i)),
    out_shape=jax.ShapeDtypeStruct((_H // 2, _NPAD), jnp.int32),
)


def _pool_body(a, s, d_ref, ga, cb, b_ref,
               m1w, m1b, m2w, m2b, m3w, m3b, ow, ob,
               t1w, t1b, t2w, t2b, t3w, t3b, xl, bias,
               o_ref, sums, cnts):
    i = pl.program_id(0)
    f32 = jnp.float32
    dinv = d_ref[...]
    sf = _unpack_bf16(s[...])
    h3 = jnp.maximum(dinv * (a[...] + sf) * ga[...] + cb[...], 0.0)
    gid = lax.broadcasted_iota(jnp.int32, (_G, _BLK), 0)
    oh = (b_ref[...] == gid).astype(f32)
    dn1 = (((1,), (1,)), ((), ()))
    ps = lax.dot_general(h3, oh, dn1, preferred_element_type=f32)
    pc = lax.dot_general(
        jnp.ones((_H, _BLK), f32), oh, dn1, preferred_element_type=f32
    )

    @pl.when(i == 0)
    def _():
        sums[...] = jnp.zeros_like(sums)
        cnts[...] = jnp.zeros_like(cnts)

    sums[...] += ps
    cnts[...] += pc

    @pl.when(i == _NBLK - 1)
    def _():
        dn = (((0,), (0,)), ((), ()))
        pooled = sums[...] / jnp.maximum(cnts[...], 1.0)
        z = jnp.maximum(
            lax.dot_general(m1w[...], pooled, dn, preferred_element_type=f32)
            + m1b[...], 0.0)
        z = jnp.maximum(
            lax.dot_general(m2w[...], z, dn, preferred_element_type=f32)
            + m2b[...], 0.0)
        z = jnp.maximum(
            lax.dot_general(m3w[...], z, dn, preferred_element_type=f32)
            + m3b[...], 0.0)
        bf = (lax.dot_general(z, ow[...], dn, preferred_element_type=f32)
              + ob[...])
        t = jnp.maximum(
            jnp.dot(xl[...], t1w[...], preferred_element_type=f32)
            + t1b[...], 0.0)
        t = jnp.maximum(
            jnp.dot(t, t2w[...], preferred_element_type=f32) + t2b[...], 0.0)
        tf = jnp.dot(t, t3w[...], preferred_element_type=f32) + t3b[...]
        o_ref[...] = bf * tf + bias[...]


def _const_spec(shape):
    return pl.BlockSpec(shape, lambda i: tuple(0 for _ in shape))


_pool_call = pl.pallas_call(
    _pool_body,
    grid=(_NBLK,),
    in_specs=[
        pl.BlockSpec((_H, _BLK), lambda i: (0, i)),
        pl.BlockSpec((_H // 2, _BLK), lambda i: (0, i)),
        pl.BlockSpec((1, _BLK), lambda i: (0, i)),
        _const_spec((_H, 1)),
        _const_spec((_H, 1)),
        pl.BlockSpec((1, _BLK), lambda i: (0, i)),
        _const_spec((_H, _H)),
        _const_spec((_H, 1)),
        _const_spec((_H, 32)),
        _const_spec((32, 1)),
        _const_spec((32, 16)),
        _const_spec((16, 1)),
        _const_spec((16, 2)),
        _const_spec((1, 2)),
        _const_spec((2, 128)),
        _const_spec((1, 128)),
        _const_spec((128, 256)),
        _const_spec((1, 256)),
        _const_spec((256, 2)),
        _const_spec((1, 2)),
        _const_spec((_G, 2)),
        _const_spec((1, 2)),
    ],
    out_specs=pl.BlockSpec((_G, 2), lambda i: (0, 0)),
    out_shape=jax.ShapeDtypeStruct((_G, 2), jnp.float32),
    scratch_shapes=[
        pltpu.VMEM((_H, _G), jnp.float32),
        pltpu.VMEM((_H, _G), jnp.float32),
    ],
)


def kernel(x, edge_index, batch, x_loc, params):
    p = params
    pk = edge_index[0] + edge_index[1] * _PACK
    xT = jnp.pad(x, ((0, _NPAD - _N), (0, 0))).T
    bp = jnp.pad(batch, (0, _NPAD - _N), constant_values=_G).reshape(1, _NPAD)

    def fold(g, be, b):
        ga = (g * _BN_R).reshape(_H, 1)
        cb = (b * g * _BN_R + be).reshape(_H, 1)
        return ga, cb

    ga1, cb1 = fold(p["g1"], p["be1"], p["b1"])
    ga2, cb2 = fold(p["g2"], p["be2"], p["b2"])
    ga3, cb3 = fold(p["g3"], p["be3"], p["b3"])

    hist = _deg_call(pk)
    s1, dinv = _prologue_call(xT, hist, p["W1"])
    a1 = _edge_call(pk, s1)
    s2 = _mid_call(a1, s1, dinv, ga1, cb1, p["W2"])
    a2 = _edge_call(pk, s2)
    s3 = _mid_call(a2, s2, dinv, ga2, cb2, p["W3"])
    a3 = _edge_call(pk, s3)
    out = _pool_call(
        a3, s3, dinv, ga3, cb3, bp,
        p["m1W"], p["m1b"].reshape(-1, 1),
        p["m2W"], p["m2b"].reshape(-1, 1),
        p["m3W"], p["m3b"].reshape(-1, 1),
        p["oW"], p["ob"].reshape(1, -1),
        p["t1W"], p["t1b"].reshape(1, -1),
        p["t2W"], p["t2b"].reshape(1, -1),
        p["t3W"], p["t3b"].reshape(1, -1),
        x_loc, p["bias"].reshape(1, -1),
    )
    return out

# --- scband reference (transcript-rebuilt; emitter-appended) ---
"""Pipeline reference for scband-deep-onet-15530601742786 (READ-ONLY COPY).

The authoritative reference and input builder live on the scoring server;
editing this copy changes nothing except your own understanding.
"""

import jax, jax.numpy as jnp
import numpy as np

N = 10000
E = 320000
D_IN = 128
H = 64
H2 = 32
H3 = 16
HT = 128
OUT = 2
G = 64
TRUNK_IN = 2
EPS = 1e-5


def _lin_init(k, i, o):
    k1, k2 = jax.random.split(k)
    s = 1.0 / float(np.sqrt(i))
    W = jax.random.uniform(k1, (i, o), minval=-s, maxval=s, dtype=jnp.float32)
    b = jax.random.uniform(k2, (o,), minval=-s, maxval=s, dtype=jnp.float32)
    return W, b


def setup_inputs(seed: int = 0) -> dict:
    key = jax.random.key(seed)
    ks = jax.random.split(key, 16)
    x = jax.random.normal(ks[0], (N, D_IN), dtype=jnp.float32)
    edge_index = jax.random.randint(ks[1], (2, E), 0, N, dtype=jnp.int32)
    batch = jnp.sort(jax.random.randint(ks[2], (N,), 0, G, dtype=jnp.int32))
    x_loc = jax.random.normal(ks[3], (G, TRUNK_IN), dtype=jnp.float32)
    params = {}
    params['W1'], params['b1'] = _lin_init(ks[4], D_IN, H)
    params['g1'] = jnp.ones((H,), jnp.float32); params['be1'] = jnp.zeros((H,), jnp.float32)
    params['W2'], params['b2'] = _lin_init(ks[5], H, H)
    params['g2'] = jnp.ones((H,), jnp.float32); params['be2'] = jnp.zeros((H,), jnp.float32)
    params['W3'], params['b3'] = _lin_init(ks[6], H, H)
    params['g3'] = jnp.ones((H,), jnp.float32); params['be3'] = jnp.zeros((H,), jnp.float32)
    params['m1W'], params['m1b'] = _lin_init(ks[7], H, H)
    params['m2W'], params['m2b'] = _lin_init(ks[8], H, H2)
    params['m3W'], params['m3b'] = _lin_init(ks[9], H2, H3)
    params['oW'], params['ob'] = _lin_init(ks[10], H3, OUT)
    params['t1W'], params['t1b'] = _lin_init(ks[11], TRUNK_IN, HT)
    params['t2W'], params['t2b'] = _lin_init(ks[12], HT, 2 * HT)
    params['t3W'], params['t3b'] = _lin_init(ks[13], 2 * HT, OUT)
    params['bias'] = jnp.zeros((OUT,), jnp.float32)
    return {'x': x, 'edge_index': edge_index, 'batch': batch, 'x_loc': x_loc, 'params': params}


def _gcn_conv(h, src, dst, norm, W, b, n):
    m = h @ W
    msg = m[src] * norm[:, None]
    out = jnp.zeros((n, W.shape[1]), dtype=m.dtype).at[dst].add(msg)
    return out + b


def _bn_eval(h, g, be):
    # BatchNorm1d in eval mode with fresh running stats (mean=0, var=1)
    return h / jnp.sqrt(1.0 + EPS) * g + be


def reference(x, edge_index, batch, x_loc, params):
    n = x.shape[0]
    loops = jnp.arange(n, dtype=edge_index.dtype)
    src = jnp.concatenate([edge_index[0], loops])
    dst = jnp.concatenate([edge_index[1], loops])
    deg = jnp.zeros((n,), jnp.float32).at[dst].add(1.0)
    dinv = jnp.where(deg > 0, 1.0 / jnp.sqrt(deg), 0.0)
    norm = dinv[src] * dinv[dst]
    h = _gcn_conv(x, src, dst, norm, params['W1'], params['b1'], n)
    h = jax.nn.relu(_bn_eval(h, params['g1'], params['be1']))
    h = _gcn_conv(h, src, dst, norm, params['W2'], params['b2'], n)
    h = jax.nn.relu(_bn_eval(h, params['g2'], params['be2']))
    h = _gcn_conv(h, src, dst, norm, params['W3'], params['b3'], n)
    h = jax.nn.relu(_bn_eval(h, params['g3'], params['be3']))
    sums = jax.ops.segment_sum(h, batch, num_segments=G)
    cnts = jax.ops.segment_sum(jnp.ones((n,), jnp.float32), batch, num_segments=G)
    pooled = sums / jnp.maximum(cnts, 1.0)[:, None]
    z = jax.nn.relu(pooled @ params['m1W'] + params['m1b'])
    z = jax.nn.relu(z @ params['m2W'] + params['m2b'])
    z = jax.nn.relu(z @ params['m3W'] + params['m3b'])
    b_feat = z @ params['oW'] + params['ob']
    t = jax.nn.relu(x_loc @ params['t1W'] + params['t1b'])
    t = jax.nn.relu(t @ params['t2W'] + params['t2b'])
    t_feat = t @ params['t3W'] + params['t3b']
    return b_feat * t_feat + params['bias']

if __name__ == "__main__":
    import jax
    _d = setup_inputs()
    print(jax.jit(kernel)(*tuple(_d.values())))

</pallas_src>

<mosaic_0001>
#map = affine_map<(d0, d1) -> (0)>
#map1 = affine_map<(d0, d1) -> (0, 0)>
module attributes {stable_mosaic.version = 14 : i64} {
  func.func @_edge_body(%arg0: i32, %arg1: i32, %arg2: memref<320000xi32, #tpu.memory_space<hbm>>, %arg3: memref<32x10240xi32, #tpu.memory_space<hbm>>, %arg4: memref<64x10240xf32, #tpu.memory_space<hbm>>, %arg5: memref<10240xi32, #tpu.memory_space<vmem>>, %arg6: memref<2x10240xf32, #tpu.memory_space<vmem>>, %arg7: memref<6400xi32, #tpu.memory_space<vmem>>, %arg8: memref<6400xi32, #tpu.memory_space<vmem>>, %arg9: memref<!tpu.dma_semaphore, #tpu.memory_space<semaphore_mem>>, %arg10: memref<!tpu.dma_semaphore, #tpu.memory_space<semaphore_mem>>) attributes {dimension_semantics = [#tpu.dimension_semantics<core_parallel>, #tpu.dimension_semantics<subcore_parallel>], iteration_bounds = array<i64: 2, 16>, scalar_prefetch = 0 : i64, scratch_operands = 6 : i64, tpu.core_type = #tpu.core_type<sc_vector_subcore>, window_params = [{transform_indices = #map}, {transform_indices = #map1}, {transform_indices = #map1}]} {
    %mul3A = arith.constant 16 : i32
    %mul3A_0 = arith.muli %arg0, %mul3A : i32
    %add3A = arith.addi %mul3A_0, %arg1 : i32
    "tpu.region"() ({
      %run_scoped3A_25 = tpu.sem_alloc : memref<!tpu.dma_semaphore, #tpu.memory_space<semaphore_mem>>
      %dma_start3A_26 = arith.constant 0 : i32
      %dma_start3A_27 = tpu.memref_slice %arg3[%add3A, %dma_start3A_26] : memref<32x10240xi32, #tpu.memory_space<hbm>> -> memref<1x10240xi32, #tpu.memory_space<hbm>>
      %dma_start3A_28 = tpu.memref_squeeze %dma_start3A_27 : memref<1x10240xi32, #tpu.memory_space<hbm>> -> memref<10240xi32, #tpu.memory_space<hbm>>
      %dma_start3A_29 = arith.constant 0 : i32
      %dma_start3A_30 = tpu.memref_slice %arg3[%add3A, %dma_start3A_29] : memref<32x10240xi32, #tpu.memory_space<hbm>> -> memref<1x10240xi32, #tpu.memory_space<hbm>>
      %dma_start3A_31 = tpu.memref_squeeze %dma_start3A_30 : memref<1x10240xi32, #tpu.memory_space<hbm>> -> memref<10240xi32, #tpu.memory_space<hbm>>
      tpu.enqueue_dma source(%dma_start3A_31 : memref<10240xi32, #tpu.memory_space<hbm>>) target(%arg5 : memref<10240xi32, #tpu.memory_space<vmem>>) target_semaphore(%run_scoped3A_25 : memref<!tpu.dma_semaphore, #tpu.memory_space<semaphore_mem>>)
      %dma_wait3A = arith.constant 0 : i32
      %dma_wait3A_32 = tpu.memref_slice %arg3[%add3A, %dma_wait3A] : memref<32x10240xi32, #tpu.memory_space<hbm>> -> memref<1x10240xi32, #tpu.memory_space<hbm>>
      %dma_wait3A_33 = tpu.memref_squeeze %dma_wait3A_32 : memref<1x10240xi32, #tpu.memory_space<hbm>> -> memref<10240xi32, #tpu.memory_space<hbm>>
      %dma_wait3A_34 = arith.constant 0 : i32
      %dma_wait3A_35 = tpu.memref_slice %arg3[%add3A, %dma_wait3A_34] : memref<32x10240xi32, #tpu.memory_space<hbm>> -> memref<1x10240xi32, #tpu.memory_space<hbm>>
      %dma_wait3A_36 = tpu.memref_squeeze %dma_wait3A_35 : memref<1x10240xi32, #tpu.memory_space<hbm>> -> memref<10240xi32, #tpu.memory_space<hbm>>
      tpu.wait_dma2 semaphore(%run_scoped3A_25 : memref<!tpu.dma_semaphore, #tpu.memory_space<semaphore_mem>>) src(%dma_wait3A_36 : memref<10240xi32, #tpu.memory_space<hbm>>) dst(%arg5 : memref<10240xi32, #tpu.memory_space<vmem>>)
      tpu.yield
    }) : () -> ()
    %scan3A = arith.constant 0 : i32
    %scan3A_1 = arith.constant 0 : i32
    %scan3A_2 = arith.constant 640 : i32
    %scan3A_3 = arith.addi %scan3A_1, %scan3A_2 : i32
    %scan3A_4 = arith.constant 1 : i32
    scf.for %scan3A_25 = %scan3A_1 to %scan3A_3 step %scan3A_4  : i32 {
      %broadcast_in_dim3A_26 = arith.constant 0.000000e+00 : f32
      %broadcast_in_dim3A_27 = vector.broadcast %broadcast_in_dim3A_26 : f32 to vector<16xf32>
      %mul3A_28 = arith.constant 16 : i32
      %mul3A_29 = arith.muli %scan3A_25, %mul3A_28 : i32
      %swap3A = arith.constant 0 : i32
      %swap3A_30 = arith.index_cast %swap3A : i32 to index
      %swap3A_31 = arith.index_cast %mul3A_29 : i32 to index
      %swap3A_32 = tpu.vector_load %arg6[%swap3A_30, %swap3A_31] {strides = array<i32>} : memref<2x10240xf32, #tpu.memory_space<vmem>>, vector<16xf32>,
      tpu.vector_store %arg6[%swap3A_30, %swap3A_31], %broadcast_in_dim3A_27 {strides = array<i32>} : memref<2x10240xf32, #tpu.memory_space<vmem>>, vector<16xf32>,
      %broadcast_in_dim3A_33 = arith.constant 0.000000e+00 : f32
      %broadcast_in_dim3A_34 = vector.broadcast %broadcast_in_dim3A_33 : f32 to vector<16xf32>
      %mul3A_35 = arith.constant 16 : i32
      %mul3A_36 = arith.muli %scan3A_25, %mul3A_35 : i32
      %swap3A_37 = arith.constant 1 : i32
      %swap3A_38 = arith.index_cast %swap3A_37 : i32 to index
      %swap3A_39 = arith.index_cast %mul3A_36 : i32 to index
      %swap3A_40 = tpu.vector_load %arg6[%swap3A_38, %swap3A_39] {strides = array<i32>} : memref<2x10240xf32, #tpu.memory_space<vmem>>, vector<16xf32>,
      tpu.vector_store %arg6[%swap3A_38, %swap3A_39], %broadcast_in_dim3A_34 {strides = array<i32>} : memref<2x10240xf32, #tpu.memory_space<vmem>>, vector<16xf32>,
    }
    %scan3A_5 = arith.constant 640 : i32
    %dma_start3A = arith.constant 0 : i32
    %dma_start3A_6 = tpu.memref_slice %arg2[%dma_start3A] : memref<320000xi32, #tpu.memory_space<hbm>> -> memref<6400xi32, #tpu.memory_space<hbm>>
    %dma_start3A_7 = arith.constant 0 : i32
    %dma_start3A_8 = tpu.memref_slice %arg2[%dma_start3A_7] : memref<320000xi32, #tpu.memory_space<hbm>> -> memref<6400xi32, #tpu.memory_space<hbm>>
    tpu.enqueue_dma source(%dma_start3A_8 : memref<6400xi32, #tpu.memory_space<hbm>>) target(%arg7 : memref<6400xi32, #tpu.memory_space<vmem>>) target_semaphore(%arg9 : memref<!tpu.dma_semaphore, #tpu.memory_space<semaphore_mem>>)
    %broadcast_in_dim3A = arith.constant 0 : i32
    %broadcast_in_dim3A_9 = vector.broadcast %broadcast_in_dim3A : i32 to vector<16xi32>
    %broadcast_in_dim3A_10 = arith.constant 1 : i32
    %broadcast_in_dim3A_11 = vector.broadcast %broadcast_in_dim3A_10 : i32 to vector<16xi32>
    %broadcast_in_dim3A_12 = arith.constant 16383 : i32
    %broadcast_in_dim3A_13 = vector.broadcast %broadcast_in_dim3A_12 : i32 to vector<16xi32>
    %broadcast_in_dim3A_14 = arith.constant -65536 : i32
    %broadcast_in_dim3A_15 = vector.broadcast %broadcast_in_dim3A_14 : i32 to vector<16xi32>
    %scan3A_16 = arith.constant 0 : i32
    %scan3A_17 = arith.constant 0 : i32
    %scan3A_18 = arith.constant 25 : i32
    %scan3A_19 = arith.addi %scan3A_17, %scan3A_18 : i32
    %scan3A_20 = arith.constant 1 : i32
    scf.for %scan3A_25 = %scan3A_17 to %scan3A_19 step %scan3A_20  : i32 {
      %mul3A_26 = arith.constant 2 : i32
      %mul3A_27 = arith.muli %scan3A_25, %mul3A_26 : i32
      %add3A_28 = arith.constant 0 : i32
      %add3A_29 = arith.addi %mul3A_27, %add3A_28 : i32
      %dma_wait3A = arith.constant 0 : i32
      %dma_wait3A_30 = tpu.memref_slice %arg2[%dma_wait3A] : memref<320000xi32, #tpu.memory_space<hbm>> -> memref<6400xi32, #tpu.memory_space<hbm>>
      %dma_wait3A_31 = arith.constant 0 : i32
      %dma_wait3A_32 = tpu.memref_slice %arg2[%dma_wait3A_31] : memref<320000xi32, #tpu.memory_space<hbm>> -> memref<6400xi32, #tpu.memory_space<hbm>>
      tpu.wait_dma2 semaphore(%arg9 : memref<!tpu.dma_semaphore, #tpu.memory_space<semaphore_mem>>) src(%dma_wait3A_32 : memref<6400xi32, #tpu.memory_space<hbm>>) dst(%arg7 : memref<6400xi32, #tpu.memory_space<vmem>>)
      %add3A_33 = arith.constant 1 : i32
      %add3A_34 = arith.addi %add3A_29, %add3A_33 : i32
      %mul3A_35 = arith.constant 6400 : i32
      %mul3A_36 = arith.muli %add3A_34, %mul3A_35 : i32
      %min3A = arith.constant 313600 : i32
      %min3A_37 = arith.minsi %mul3A_36, %min3A : i32
      %add3A_38 = arith.constant 1 : i32
      %add3A_39 = arith.addi %add3A_29, %add3A_38 : i32
      %lt3A = arith.constant 50 : i32
      %lt3A_40 = arith.cmpi slt, %add3A_39, %lt3A : i32
      %convert_element_type3A = arith.extui %lt3A_40 : i1 to i32
      %cond3A = arith.constant 0 : i32
      %cond3A_41 = arith.cmpi ne, %convert_element_type3A, %cond3A : i32
      scf.if %cond3A_41 {
        %dma_start3A_75 = tpu.memref_slice %arg2[%min3A_37] : memref<320000xi32, #tpu.memory_space<hbm>> -> memref<6400xi32, #tpu.memory_space<hbm>>
        %dma_start3A_76 = tpu.memref_slice %arg2[%min3A_37] : memref<320000xi32, #tpu.memory_space<hbm>> -> memref<6400xi32, #tpu.memory_space<hbm>>
        tpu.enqueue_dma source(%dma_start3A_76 : memref<6400xi32, #tpu.memory_space<hbm>>) target(%arg8 : memref<6400xi32, #tpu.memory_space<vmem>>) target_semaphore(%arg10 : memref<!tpu.dma_semaphore, #tpu.memory_space<semaphore_mem>>)
      } else {
      }
      %scan3A_42 = arith.constant 0 : i32
      %scan3A_43 = arith.constant 0 : i32
      %scan3A_44 = arith.constant 25 : i32
      %scan3A_45 = arith.addi %scan3A_43, %scan3A_44 : i32
      %scan3A_46 = arith.constant 1 : i32
      scf.for %scan3A_75 = %scan3A_43 to %scan3A_45 step %scan3A_46  : i32 {
        %mul3A_76 = arith.constant 16 : i32
        %mul3A_77 = arith.muli %scan3A_75, %mul3A_76 : i32
        %add3A_78 = arith.constant 0 : i32
        %add3A_79 = arith.addi %mul3A_77, %add3A_78 : i32
        %mul3A_80 = arith.constant 16 : i32
        %mul3A_81 = arith.muli %add3A_79, %mul3A_80 : i32
        %get3A = arith.index_cast %mul3A_81 : i32 to index
        %get3A_82 = tpu.vector_load %arg7[%get3A] {strides = array<i32>} : memref<6400xi32, #tpu.memory_space<vmem>>, vector<16xi32>,
        %and3A = arith.andi %get3A_82, %broadcast_in_dim3A_13 : vector<16xi32>
        %shift_right_logical3A = arith.constant 14 : i32
        %shift_right_logical3A_83 = vector.broadcast %shift_right_logical3A : i32 to vector<16xi32>
        %shift_right_logical3A_84 = arith.shrui %get3A_82, %shift_right_logical3A_83 : vector<16xi32>
        %gather3A = tpu.vector_load_idx %arg5[%and3A] : memref<10240xi32, #tpu.memory_space<vmem>>[vector<16xi32>], vector<16xi32>,
        %shift_left3A = arith.constant 16 : i32
        %shift_left3A_85 = vector.broadcast %shift_left3A : i32 to vector<16xi32>
        %shift_left3A_86 = arith.shli %gather3A, %shift_left3A_85 : vector<16xi32>
        %bitcast3A = vector.bitcast %shift_left3A_86 : vector<16xi32> to vector<16xf32>
        %and3A_87 = arith.andi %gather3A, %broadcast_in_dim3A_15 : vector<16xi32>
        %bitcast3A_88 = vector.bitcast %and3A_87 : vector<16xi32> to vector<16xf32>
        %mul3A_89 = arith.constant 16 : i32
        %mul3A_90 = arith.muli %scan3A_75, %mul3A_89 : i32
        %add3A_91 = arith.constant 1 : i32
        %add3A_92 = arith.addi %mul3A_90, %add3A_91 : i32
        %mul3A_93 = arith.constant 16 : i32
        %mul3A_94 = arith.muli %add3A_92, %mul3A_93 : i32
        %get3A_95 = arith.index_cast %mul3A_94 : i32 to index
        %get3A_96 = tpu.vector_load %arg7[%get3A_95] {strides = array<i32>} : memref<6400xi32, #tpu.memory_space<vmem>>, vector<16xi32>,
        %and3A_97 = arith.andi %get3A_96, %broadcast_in_dim3A_13 : vector<16xi32>
        %shift_right_logical3A_98 = arith.constant 14 : i32
        %shift_right_logical3A_99 = vector.broadcast %shift_right_logical3A_98 : i32 to vector<16xi32>
        %shift_right_logical3A_100 = arith.shrui %get3A_96, %shift_right_logical3A_99 : vector<16xi32>
        %gather3A_101 = tpu.vector_load_idx %arg5[%and3A_97] : memref<10240xi32, #tpu.memory_space<vmem>>[vector<16xi32>], vector<16xi32>,
        %shift_left3A_102 = arith.constant 16 : i32
        %shift_left3A_103 = vector.broadcast %shift_left3A_102 : i32 to vector<16xi32>
        %shift_left3A_104 = arith.shli %gather3A_101, %shift_left3A_103 : vector<16xi32>
        %bitcast3A_105 = vector.bitcast %shift_left3A_104 : vector<16xi32> to vector<16xf32>
        %and3A_106 = arith.andi %gather3A_101, %broadcast_in_dim3A_15 : vector<16xi32>
        %bitcast3A_107 = vector.bitcast %and3A_106 : vector<16xi32> to vector<16xf32>
        %mul3A_108 = arith.constant 16 : i32
        %mul3A_109 = arith.muli %scan3A_75, %mul3A_108 : i32
        %add3A_110 = arith.constant 2 : i32
        %add3A_111 = arith.addi %mul3A_109, %add3A_110 : i32
        %mul3A_112 = arith.constant 16 : i32
        %mul3A_113 = arith.muli %add3A_111, %mul3A_112 : i32
        %get3A_114 = arith.index_cast %mul3A_113 : i32 to index
        %get3A_115 = tpu.vector_load %arg7[%get3A_114] {strides = array<i32>} : memref<6400xi32, #tpu.memory_space<vmem>>, vector<16xi32>,
        %and3A_116 = arith.andi %get3A_115, %broadcast_in_dim3A_13 : vector<16xi32>
        %shift_right_logical3A_117 = arith.constant 14 : i32
        %shift_right_logical3A_118 = vector.broadcast %shift_right_logical3A_117 : i32 to vector<16xi32>
        %shift_right_logical3A_119 = arith.shrui %get3A_115, %shift_right_logical3A_118 : vector<16xi32>
        %gather3A_120 = tpu.vector_load_idx %arg5[%and3A_116] : memref<10240xi32, #tpu.memory_space<vmem>>[vector<16xi32>], vector<16xi32>,
        %shift_left3A_121 = arith.constant 16 : i32
        %shift_left3A_122 = vector.broadcast %shift_left3A_121 : i32 to vector<16xi32>
        %shift_left3A_123 = arith.shli %gather3A_120, %shift_left3A_122 : vector<16xi32>
        %bitcast3A_124 = vector.bitcast %shift_left3A_123 : vector<16xi32> to vector<16xf32>
        %and3A_125 = arith.andi %gather3A_120, %broadcast_in_dim3A_15 : vector<16xi32>
        %bitcast3A_126 = vector.bitcast %and3A_125 : vector<16xi32> to vector<16xf32>
        %mul3A_127 = arith.constant 16 : i32
        %mul3A_128 = arith.muli %scan3A_75, %mul3A_127 : i32
        %add3A_129 = arith.constant 3 : i32
        %add3A_130 = arith.addi %mul3A_128, %add3A_129 : i32
        %mul3A_131 = arith.constant 16 : i32
        %mul3A_132 = arith.muli %add3A_130, %mul3A_131 : i32
        %get3A_133 = arith.index_cast %mul3A_132 : i32 to index
        %get3A_134 = tpu.vector_load %arg7[%get3A_133] {strides = array<i32>} : memref<6400xi32, #tpu.memory_space<vmem>>, vector<16xi32>,
        %and3A_135 = arith.andi %get3A_134, %broadcast_in_dim3A_13 : vector<16xi32>
        %shift_right_logical3A_136 = arith.constant 14 : i32
        %shift_right_logical3A_137 = vector.broadcast %shift_right_logical3A_136 : i32 to vector<16xi32>
        %shift_right_logical3A_138 = arith.shrui %get3A_134, %shift_right_logical3A_137 : vector<16xi32>
        %gather3A_139 = tpu.vector_load_idx %arg5[%and3A_135] : memref<10240xi32, #tpu.memory_space<vmem>>[vector<16xi32>], vector<16xi32>,
        %shift_left3A_140 = arith.constant 16 : i32
        %shift_left3A_141 = vector.broadcast %shift_left3A_140 : i32 to vector<16xi32>
        %shift_left3A_142 = arith.shli %gather3A_139, %shift_left3A_141 : vector<16xi32>
        %bitcast3A_143 = vector.bitcast %shift_left3A_142 : vector<16xi32> to vector<16xf32>
        %and3A_144 = arith.andi %gather3A_139, %broadcast_in_dim3A_15 : vector<16xi32>
        %bitcast3A_145 = vector.bitcast %and3A_144 : vector<16xi32> to vector<16xf32>
        %mul3A_146 = arith.constant 16 : i32
        %mul3A_147 = arith.muli %scan3A_75, %mul3A_146 : i32
        %add3A_148 = arith.constant 4 : i32
        %add3A_149 = arith.addi %mul3A_147, %add3A_148 : i32
        %mul3A_150 = arith.constant 16 : i32
        %mul3A_151 = arith.muli %add3A_149, %mul3A_150 : i32
        %get3A_152 = arith.index_cast %mul3A_151 : i32 to index
        %get3A_153 = tpu.vector_load %arg7[%get3A_152] {strides = array<i32>} : memref<6400xi32, #tpu.memory_space<vmem>>, vector<16xi32>,
        %and3A_154 = arith.andi %get3A_153, %broadcast_in_dim3A_13 : vector<16xi32>
        %shift_right_logical3A_155 = arith.constant 14 : i32
        %shift_right_logical3A_156 = vector.broadcast %shift_right_logical3A_155 : i32 to vector<16xi32>
        %shift_right_logical3A_157 = arith.shrui %get3A_153, %shift_right_logical3A_156 : vector<16xi32>
        %gather3A_158 = tpu.vector_load_idx %arg5[%and3A_154] : memref<10240xi32, #tpu.memory_space<vmem>>[vector<16xi32>], vector<16xi32>,
        %shift_left3A_159 = arith.constant 16 : i32
        %shift_left3A_160 = vector.broadcast %shift_left3A_159 : i32 to vector<16xi32>
        %shift_left3A_161 = arith.shli %gather3A_158, %shift_left3A_160 : vector<16xi32>
        %bitcast3A_162 = vector.bitcast %shift_left3A_161 : vector<16xi32> to vector<16xf32>
        %and3A_163 = arith.andi %gather3A_158, %broadcast_in_dim3A_15 : vector<16xi32>
        %bitcast3A_164 = vector.bitcast %and3A_163 : vector<16xi32> to vector<16xf32>
        %mul3A_165 = arith.constant 16 : i32
        %mul3A_166 = arith.muli %scan3A_75, %mul3A_165 : i32
        %add3A_167 = arith.constant 5 : i32
        %add3A_168 = arith.addi %mul3A_166, %add3A_167 : i32
        %mul3A_169 = arith.constant 16 : i32
        %mul3A_170 = arith.muli %add3A_168, %mul3A_169 : i32
        %get3A_171 = arith.index_cast %mul3A_170 : i32 to index
        %get3A_172 = tpu.vector_load %arg7[%get3A_171] {strides = array<i32>} : memref<6400xi32, #tpu.memory_space<vmem>>, vector<16xi32>,
        %and3A_173 = arith.andi %get3A_172, %broadcast_in_dim3A_13 : vector<16xi32>
        %shift_right_logical3A_174 = arith.constant 14 : i32
        %shift_right_logical3A_175 = vector.broadcast %shift_right_logical3A_174 : i32 to vector<16xi32>
        %shift_right_logical3A_176 = arith.shrui %get3A_172, %shift_right_logical3A_175 : vector<16xi32>
        %gather3A_177 = tpu.vector_load_idx %arg5[%and3A_173] : memref<10240xi32, #tpu.memory_space<vmem>>[vector<16xi32>], vector<16xi32>,
        %shift_left3A_178 = arith.constant 16 : i32
        %shift_left3A_179 = vector.broadcast %shift_left3A_178 : i32 to vector<16xi32>
        %shift_left3A_180 = arith.shli %gather3A_177, %shift_left3A_179 : vector<16xi32>
        %bitcast3A_181 = vector.bitcast %shift_left3A_180 : vector<16xi32> to vector<16xf32>
        %and3A_182 = arith.andi %gather3A_177, %broadcast_in_dim3A_15 : vector<16xi32>
        %bitcast3A_183 = vector.bitcast %and3A_182 : vector<16xi32> to vector<16xf32>
        %mul3A_184 = arith.constant 16 : i32
        %mul3A_185 = arith.muli %scan3A_75, %mul3A_184 : i32
        %add3A_186 = arith.constant 6 : i32
        %add3A_187 = arith.addi %mul3A_185, %add3A_186 : i32
        %mul3A_188 = arith.constant 16 : i32
        %mul3A_189 = arith.muli %add3A_187, %mul3A_188 : i32
        %get3A_190 = arith.index_cast %mul3A_189 : i32 to index
        %get3A_191 = tpu.vector_load %arg7[%get3A_190] {strides = array<i32>} : memref<6400xi32, #tpu.memory_space<vmem>>, vector<16xi32>,
        %and3A_192 = arith.andi %get3A_191, %broadcast_in_dim3A_13 : vector<16xi32>
        %shift_right_logical3A_193 = arith.constant 14 : i32
        %shift_right_logical3A_194 = vector.broadcast %shift_right_logical3A_193 : i32 to vector<16xi32>
        %shift_right_logical3A_195 = arith.shrui %get3A_191, %shift_right_logical3A_194 : vector<16xi32>
        %gather3A_196 = tpu.vector_load_idx %arg5[%and3A_192] : memref<10240xi32, #tpu.memory_space<vmem>>[vector<16xi32>], vector<16xi32>,
        %shift_left3A_197 = arith.constant 16 : i32
        %shift_left3A_198 = vector.broadcast %shift_left3A_197 : i32 to vector<16xi32>
        %shift_left3A_199 = arith.shli %gather3A_196, %shift_left3A_198 : vector<16xi32>
        %bitcast3A_200 = vector.bitcast %shift_left3A_199 : vector<16xi32> to vector<16xf32>
        %and3A_201 = arith.andi %gather3A_196, %broadcast_in_dim3A_15 : vector<16xi32>
        %bitcast3A_202 = vector.bitcast %and3A_201 : vector<16xi32> to vector<16xf32>
        %mul3A_203 = arith.constant 16 : i32
        %mul3A_204 = arith.muli %scan3A_75, %mul3A_203 : i32
        %add3A_205 = arith.constant 7 : i32
        %add3A_206 = arith.addi %mul3A_204, %add3A_205 : i32
        %mul3A_207 = arith.constant 16 : i32
        %mul3A_208 = arith.muli %add3A_206, %mul3A_207 : i32
        %get3A_209 = arith.index_cast %mul3A_208 : i32 to index
        %get3A_210 = tpu.vector_load %arg7[%get3A_209] {strides = array<i32>} : memref<6400xi32, #tpu.memory_space<vmem>>, vector<16xi32>,
        %and3A_211 = arith.andi %get3A_210, %broadcast_in_dim3A_13 : vector<16xi32>
        %shift_right_logical3A_212 = arith.constant 14 : i32
        %shift_right_logical3A_213 = vector.broadcast %shift_right_logical3A_212 : i32 to vector<16xi32>
        %shift_right_logical3A_214 = arith.shrui %get3A_210, %shift_right_logical3A_213 : vector<16xi32>
        %gather3A_215 = tpu.vector_load_idx %arg5[%and3A_211] : memref<10240xi32, #tpu.memory_space<vmem>>[vector<16xi32>], vector<16xi32>,
        %shift_left3A_216 = arith.constant 16 : i32
        %shift_left3A_217 = vector.broadcast %shift_left3A_216 : i32 to vector<16xi32>
        %shift_left3A_218 = arith.shli %gather3A_215, %shift_left3A_217 : vector<16xi32>
        %bitcast3A_219 = vector.bitcast %shift_left3A_218 : vector<16xi32> to vector<16xf32>
        %and3A_220 = arith.andi %gather3A_215, %broadcast_in_dim3A_15 : vector<16xi32>
        %bitcast3A_221 = vector.bitcast %and3A_220 : vector<16xi32> to vector<16xf32>
        %mul3A_222 = arith.constant 16 : i32
        %mul3A_223 = arith.muli %scan3A_75, %mul3A_222 : i32
        %add3A_224 = arith.constant 8 : i32
        %add3A_225 = arith.addi %mul3A_223, %add3A_224 : i32
        %mul3A_226 = arith.constant 16 : i32
        %mul3A_227 = arith.muli %add3A_225, %mul3A_226 : i32
        %get3A_228 = arith.index_cast %mul3A_227 : i32 to index
        %get3A_229 = tpu.vector_load %arg7[%get3A_228] {strides = array<i32>} : memref<6400xi32, #tpu.memory_space<vmem>>, vector<16xi32>,
        %and3A_230 = arith.andi %get3A_229, %broadcast_in_dim3A_13 : vector<16xi32>
        %shift_right_logical3A_231 = arith.constant 14 : i32
        %shift_right_logical3A_232 = vector.broadcast %shift_right_logical3A_231 : i32 to vector<16xi32>
        %shift_right_logical3A_233 = arith.shrui %get3A_229, %shift_right_logical3A_232 : vector<16xi32>
        %gather3A_234 = tpu.vector_load_idx %arg5[%and3A_230] : memref<10240xi32, #tpu.memory_space<vmem>>[vector<16xi32>], vector<16xi32>,
        %shift_left3A_235 = arith.constant 16 : i32
        %shift_left3A_236 = vector.broadcast %shift_left3A_235 : i32 to vector<16xi32>
        %shift_left3A_237 = arith.shli %gather3A_234, %shift_left3A_236 : vector<16xi32>
        %bitcast3A_238 = vector.bitcast %shift_left3A_237 : vector<16xi32> to vector<16xf32>
        %and3A_239 = arith.andi %gather3A_234, %broadcast_in_dim3A_15 : vector<16xi32>
        %bitcast3A_240 = vector.bitcast %and3A_239 : vector<16xi32> to vector<16xf32>
        %mul3A_241 = arith.constant 16 : i32
        %mul3A_242 = arith.muli %scan3A_75, %mul3A_241 : i32
        %add3A_243 = arith.constant 9 : i32
        %add3A_244 = arith.addi %mul3A_242, %add3A_243 : i32
        %mul3A_245 = arith.constant 16 : i32
        %mul3A_246 = arith.muli %add3A_244, %mul3A_245 : i32
        %get3A_247 = arith.index_cast %mul3A_246 : i32 to index
        %get3A_248 = tpu.vector_load %arg7[%get3A_247] {strides = array<i32>} : memref<6400xi32, #tpu.memory_space<vmem>>, vector<16xi32>,
        %and3A_249 = arith.andi %get3A_248, %broadcast_in_dim3A_13 : vector<16xi32>
        %shift_right_logical3A_250 = arith.constant 14 : i32
        %shift_right_logical3A_251 = vector.broadcast %shift_right_logical3A_250 : i32 to vector<16xi32>
        %shift_right_logical3A_252 = arith.shrui %get3A_248, %shift_right_logical3A_251 : vector<16xi32>
        %gather3A_253 = tpu.vector_load_idx %arg5[%and3A_249] : memref<10240xi32, #tpu.memory_space<vmem>>[vector<16xi32>], vector<16xi32>,
        %shift_left3A_254 = arith.constant 16 : i32
        %shift_left3A_255 = vector.broadcast %shift_left3A_254 : i32 to vector<16xi32>
        %shift_left3A_256 = arith.shli %gather3A_253, %shift_left3A_255 : vector<16xi32>
        %bitcast3A_257 = vector.bitcast %shift_left3A_256 : vector<16xi32> to vector<16xf32>
        %and3A_258 = arith.andi %gather3A_253, %broadcast_in_dim3A_15 : vector<16xi32>
        %bitcast3A_259 = vector.bitcast %and3A_258 : vector<16xi32> to vector<16xf32>
        %mul3A_260 = arith.constant 16 : i32
        %mul3A_261 = arith.muli %scan3A_75, %mul3A_260 : i32
        %add3A_262 = arith.constant 10 : i32
        %add3A_263 = arith.addi %mul3A_261, %add3A_262 : i32
        %mul3A_264 = arith.constant 16 : i32
        %mul3A_265 = arith.muli %add3A_263, %mul3A_264 : i32
        %get3A_266 = arith.index_cast %mul3A_265 : i32 to index
        %get3A_267 = tpu.vector_load %arg7[%get3A_266] {strides = array<i32>} : memref<6400xi32, #tpu.memory_space<vmem>>, vector<16xi32>,
        %and3A_268 = arith.andi %get3A_267, %broadcast_in_dim3A_13 : vector<16xi32>
        %shift_right_logical3A_269 = arith.constant 14 : i32
        %shift_right_logical3A_270 = vector.broadcast %shift_right_logical3A_269 : i32 to vector<16xi32>
        %shift_right_logical3A_271 = arith.shrui %get3A_267, %shift_right_logical3A_270 : vector<16xi32>
        %gather3A_272 = tpu.vector_load_idx %arg5[%and3A_268] : memref<10240xi32, #tpu.memory_space<vmem>>[vector<16xi32>], vector<16xi32>,
        %shift_left3A_273 = arith.constant 16 : i32
        %shift_left3A_274 = vector.broadcast %shift_left3A_273 : i32 to vector<16xi32>
        %shift_left3A_275 = arith.shli %gather3A_272, %shift_left3A_274 : vector<16xi32>
        %bitcast3A_276 = vector.bitcast %shift_left3A_275 : vector<16xi32> to vector<16xf32>
        %and3A_277 = arith.andi %gather3A_272, %broadcast_in_dim3A_15 : vector<16xi32>
        %bitcast3A_278 = vector.bitcast %and3A_277 : vector<16xi32> to vector<16xf32>
        %mul3A_279 = arith.constant 16 : i32
        %mul3A_280 = arith.muli %scan3A_75, %mul3A_279 : i32
        %add3A_281 = arith.constant 11 : i32
        %add3A_282 = arith.addi %mul3A_280, %add3A_281 : i32
        %mul3A_283 = arith.constant 16 : i32
        %mul3A_284 = arith.muli %add3A_282, %mul3A_283 : i32
        %get3A_285 = arith.index_cast %mul3A_284 : i32 to index
        %get3A_286 = tpu.vector_load %arg7[%get3A_285] {strides = array<i32>} : memref<6400xi32, #tpu.memory_space<vmem>>, vector<16xi32>,
        %and3A_287 = arith.andi %get3A_286, %broadcast_in_dim3A_13 : vector<16xi32>
        %shift_right_logical3A_288 = arith.constant 14 : i32
        %shift_right_logical3A_289 = vector.broadcast %shift_right_logical3A_288 : i32 to vector<16xi32>
        %shift_right_logical3A_290 = arith.shrui %get3A_286, %shift_right_logical3A_289 : vector<16xi32>
        %gather3A_291 = tpu.vector_load_idx %arg5[%and3A_287] : memref<10240xi32, #tpu.memory_space<vmem>>[vector<16xi32>], vector<16xi32>,
        %shift_left3A_292 = arith.constant 16 : i32
        %shift_left3A_293 = vector.broadcast %shift_left3A_292 : i32 to vector<16xi32>
        %shift_left3A_294 = arith.shli %gather3A_291, %shift_left3A_293 : vector<16xi32>
        %bitcast3A_295 = vector.bitcast %shift_left3A_294 : vector<16xi32> to vector<16xf32>
        %and3A_296 = arith.andi %gather3A_291, %broadcast_in_dim3A_15 : vector<16xi32>
        %bitcast3A_297 = vector.bitcast %and3A_296 : vector<16xi32> to vector<16xf32>
        %mul3A_298 = arith.constant 16 : i32
        %mul3A_299 = arith.muli %scan3A_75, %mul3A_298 : i32
        %add3A_300 = arith.constant 12 : i32
        %add3A_301 = arith.addi %mul3A_299, %add3A_300 : i32
        %mul3A_302 = arith.constant 16 : i32
        %mul3A_303 = arith.muli %add3A_301, %mul3A_302 : i32
        %get3A_304 = arith.index_cast %mul3A_303 : i32 to index
        %get3A_305 = tpu.vector_load %arg7[%get3A_304] {strides = array<i32>} : memref<6400xi32, #tpu.memory_space<vmem>>, vector<16xi32>,
        %and3A_306 = arith.andi %get3A_305, %broadcast_in_dim3A_13 : vector<16xi32>
        %shift_right_logical3A_307 = arith.constant 14 : i32
        %shift_right_logical3A_308 = vector.broadcast %shift_right_logical3A_307 : i32 to vector<16xi32>
        %shift_right_logical3A_309 = arith.shrui %get3A_305, %shift_right_logical3A_308 : vector<16xi32>
        %gather3A_310 = tpu.vector_load_idx %arg5[%and3A_306] : memref<10240xi32, #tpu.memory_space<vmem>>[vector<16xi32>], vector<16xi32>,
        %shift_left3A_311 = arith.constant 16 : i32
        %shift_left3A_312 = vector.broadcast %shift_left3A_311 : i32 to vector<16xi32>
        %shift_left3A_313 = arith.shli %gather3A_310, %shift_left3A_312 : vector<16xi32>
        %bitcast3A_314 = vector.bitcast %shift_left3A_313 : vector<16xi32> to vector<16xf32>
        %and3A_315 = arith.andi %gather3A_310, %broadcast_in_dim3A_15 : vector<16xi32>
        %bitcast3A_316 = vector.bitcast %and3A_315 : vector<16xi32> to vector<16xf32>
        %mul3A_317 = arith.constant 16 : i32
        %mul3A_318 = arith.muli %scan3A_75, %mul3A_317 : i32
        %add3A_319 = arith.constant 13 : i32
        %add3A_320 = arith.addi %mul3A_318, %add3A_319 : i32
        %mul3A_321 = arith.constant 16 : i32
        %mul3A_322 = arith.muli %add3A_320, %mul3A_321 : i32
        %get3A_323 = arith.index_cast %mul3A_322 : i32 to index
        %get3A_324 = tpu.vector_load %arg7[%get3A_323] {strides = array<i32>} : memref<6400xi32, #tpu.memory_space<vmem>>, vector<16xi32>,
        %and3A_325 = arith.andi %get3A_324, %broadcast_in_dim3A_13 : vector<16xi32>
        %shift_right_logical3A_326 = arith.constant 14 : i32
        %shift_right_logical3A_327 = vector.broadcast %shift_right_logical3A_326 : i32 to vector<16xi32>
        %shift_right_logical3A_328 = arith.shrui %get3A_324, %shift_right_logical3A_327 : vector<16xi32>
        %gather3A_329 = tpu.vector_load_idx %arg5[%and3A_325] : memref<10240xi32, #tpu.memory_space<vmem>>[vector<16xi32>], vector<16xi32>,
        %shift_left3A_330 = arith.constant 16 : i32
        %shift_left3A_331 = vector.broadcast %shift_left3A_330 : i32 to vector<16xi32>
        %shift_left3A_332 = arith.shli %gather3A_329, %shift_left3A_331 : vector<16xi32>
        %bitcast3A_333 = vector.bitcast %shift_left3A_332 : vector<16xi32> to vector<16xf32>
        %and3A_334 = arith.andi %gather3A_329, %broadcast_in_dim3A_15 : vector<16xi32>
        %bitcast3A_335 = vector.bitcast %and3A_334 : vector<16xi32> to vector<16xf32>
        %mul3A_336 = arith.constant 16 : i32
        %mul3A_337 = arith.muli %scan3A_75, %mul3A_336 : i32
        %add3A_338 = arith.constant 14 : i32
        %add3A_339 = arith.addi %mul3A_337, %add3A_338 : i32
        %mul3A_340 = arith.constant 16 : i32
        %mul3A_341 = arith.muli %add3A_339, %mul3A_340 : i32
        %get3A_342 = arith.index_cast %mul3A_341 : i32 to index
        %get3A_343 = tpu.vector_load %arg7[%get3A_342] {strides = array<i32>} : memref<6400xi32, #tpu.memory_space<vmem>>, vector<16xi32>,
        %and3A_344 = arith.andi %get3A_343, %broadcast_in_dim3A_13 : vector<16xi32>
        %shift_right_logical3A_345 = arith.constant 14 : i32
        %shift_right_logical3A_346 = vector.broadcast %shift_right_logical3A_345 : i32 to vector<16xi32>
        %shift_right_logical3A_347 = arith.shrui %get3A_343, %shift_right_logical3A_346 : vector<16xi32>
        %gather3A_348 = tpu.vector_load_idx %arg5[%and3A_344] : memref<10240xi32, #tpu.memory_space<vmem>>[vector<16xi32>], vector<16xi32>,
        %shift_left3A_349 = arith.constant 16 : i32
        %shift_left3A_350 = vector.broadcast %shift_left3A_349 : i32 to vector<16xi32>
        %shift_left3A_351 = arith.shli %gather3A_348, %shift_left3A_350 : vector<16xi32>
        %bitcast3A_352 = vector.bitcast %shift_left3A_351 : vector<16xi32> to vector<16xf32>
        %and3A_353 = arith.andi %gather3A_348, %broadcast_in_dim3A_15 : vector<16xi32>
        %bitcast3A_354 = vector.bitcast %and3A_353 : vector<16xi32> to vector<16xf32>
        %mul3A_355 = arith.constant 16 : i32
        %mul3A_356 = arith.muli %scan3A_75, %mul3A_355 : i32
        %add3A_357 = arith.constant 15 : i32
        %add3A_358 = arith.addi %mul3A_356, %add3A_357 : i32
        %mul3A_359 = arith.constant 16 : i32
        %mul3A_360 = arith.muli %add3A_358, %mul3A_359 : i32
        %get3A_361 = arith.index_cast %mul3A_360 : i32 to index
        %get3A_362 = tpu.vector_load %arg7[%get3A_361] {strides = array<i32>} : memref<6400xi32, #tpu.memory_space<vmem>>, vector<16xi32>,
        %and3A_363 = arith.andi %get3A_362, %broadcast_in_dim3A_13 : vector<16xi32>
        %shift_right_logical3A_364 = arith.constant 14 : i32
        %shift_right_logical3A_365 = vector.broadcast %shift_right_logical3A_364 : i32 to vector<16xi32>
        %shift_right_logical3A_366 = arith.shrui %get3A_362, %shift_right_logical3A_365 : vector<16xi32>
        %gather3A_367 = tpu.vector_load_idx %arg5[%and3A_363] : memref<10240xi32, #tpu.memory_space<vmem>>[vector<16xi32>], vector<16xi32>,
        %shift_left3A_368 = arith.constant 16 : i32
        %shift_left3A_369 = vector.broadcast %shift_left3A_368 : i32 to vector<16xi32>
        %shift_left3A_370 = arith.shli %gather3A_367, %shift_left3A_369 : vector<16xi32>
        %bitcast3A_371 = vector.bitcast %shift_left3A_370 : vector<16xi32> to vector<16xf32>
        %and3A_372 = arith.andi %gather3A_367, %broadcast_in_dim3A_15 : vector<16xi32>
        %bitcast3A_373 = vector.bitcast %and3A_372 : vector<16xi32> to vector<16xf32>
        tpu.vector_store_idx %arg6[%broadcast_in_dim3A_9, %shift_right_logical3A_84], %bitcast3A {add = true} : memref<2x10240xf32, #tpu.memory_space<vmem>>[vector<16xi32>, vector<16xi32>], vector<16xf32>,
        tpu.vector_store_idx %arg6[%broadcast_in_dim3A_11, %shift_right_logical3A_84], %bitcast3A_88 {add = true} : memref<2x10240xf32, #tpu.memory_space<vmem>>[vector<16xi32>, vector<16xi32>], vector<16xf32>,
        tpu.vector_store_idx %arg6[%broadcast_in_dim3A_9, %shift_right_logical3A_100], %bitcast3A_105 {add = true} : memref<2x10240xf32, #tpu.memory_space<vmem>>[vector<16xi32>, vector<16xi32>], vector<16xf32>,
        tpu.vector_store_idx %arg6[%broadcast_in_dim3A_11, %shift_right_logical3A_100], %bitcast3A_107 {add = true} : memref<2x10240xf32, #tpu.memory_space<vmem>>[vector<16xi32>, vector<16xi32>], vector<16xf32>,
        tpu.vector_store_idx %arg6[%broadcast_in_dim3A_9, %shift_right_logical3A_119], %bitcast3A_124 {add = true} : memref<2x10240xf32, #tpu.memory_space<vmem>>[vector<16xi32>, vector<16xi32>], vector<16xf32>,
        tpu.vector_store_idx %arg6[%broadcast_in_dim3A_11, %shift_right_logical3A_119], %bitcast3A_126 {add = true} : memref<2x10240xf32, #tpu.memory_space<vmem>>[vector<16xi32>, vector<16xi32>], vector<16xf32>,
        tpu.vector_store_idx %arg6[%broadcast_in_dim3A_9, %shift_right_logical3A_138], %bitcast3A_143 {add = true} : memref<2x10240xf32, #tpu.memory_space<vmem>>[vector<16xi32>, vector<16xi32>], vector<16xf32>,
        tpu.vector_store_idx %arg6[%broadcast_in_dim3A_11, %shift_right_logical3A_138], %bitcast3A_145 {add = true} : memref<2x10240xf32, #tpu.memory_space<vmem>>[vector<16xi32>, vector<16xi32>], vector<16xf32>,
        tpu.vector_store_idx %arg6[%broadcast_in_dim3A_9, %shift_right_logical3A_157], %bitcast3A_162 {add = true} : memref<2x10240xf32, #tpu.memory_space<vmem>>[vector<16xi32>, vector<16xi32>], vector<16xf32>,
        tpu.vector_store_idx %arg6[%broadcast_in_dim3A_11, %shift_right_logical3A_157], %bitcast3A_164 {add = true} : memref<2x10240xf32, #tpu.memory_space<vmem>>[vector<16xi32>, vector<16xi32>], vector<16xf32>,
        tpu.vector_store_idx %arg6[%broadcast_in_dim3A_9, %shift_right_logical3A_176], %bitcast3A_181 {add = true} : memref<2x10240xf32, #tpu.memory_space<vmem>>[vector<16xi32>, vector<16xi32>], vector<16xf32>,
        tpu.vector_store_idx %arg6[%broadcast_in_dim3A_11, %shift_right_logical3A_176], %bitcast3A_183 {add = true} : memref<2x10240xf32, #tpu.memory_space<vmem>>[vector<16xi32>, vector<16xi32>], vector<16xf32>,
        tpu.vector_store_idx %arg6[%broadcast_in_dim3A_9, %shift_right_logical3A_195], %bitcast3A_200 {add = true} : memref<2x10240xf32, #tpu.memory_space<vmem>>[vector<16xi32>, vector<16xi32>], vector<16xf32>,
        tpu.vector_store_idx %arg6[%broadcast_in_dim3A_11, %shift_right_logical3A_195], %bitcast3A_202 {add = true} : memref<2x10240xf32, #tpu.memory_space<vmem>>[vector<16xi32>, vector<16xi32>], vector<16xf32>,
        tpu.vector_store_idx %arg6[%broadcast_in_dim3A_9, %shift_right_logical3A_214], %bitcast3A_219 {add = true} : memref<2x10240xf32, #tpu.memory_space<vmem>>[vector<16xi32>, vector<16xi32>], vector<16xf32>,
        tpu.vector_store_idx %arg6[%broadcast_in_dim3A_11, %shift_right_logical3A_214], %bitcast3A_221 {add = true} : memref<2x10240xf32, #tpu.memory_space<vmem>>[vector<16xi32>, vector<16xi32>], vector<16xf32>,
        tpu.vector_store_idx %arg6[%broadcast_in_dim3A_9, %shift_right_logical3A_233], %bitcast3A_238 {add = true} : memref<2x10240xf32, #tpu.memory_space<vmem>>[vector<16xi32>, vector<16xi32>], vector<16xf32>,
        tpu.vector_store_idx %arg6[%broadcast_in_dim3A_11, %shift_right_logical3A_233], %bitcast3A_240 {add = true} : memref<2x10240xf32, #tpu.memory_space<vmem>>[vector<16xi32>, vector<16xi32>], vector<16xf32>,
        tpu.vector_store_idx %arg6[%broadcast_in_dim3A_9, %shift_right_logical3A_252], %bitcast3A_257 {add = true} : memref<2x10240xf32, #tpu.memory_space<vmem>>[vector<16xi32>, vector<16xi32>], vector<16xf32>,
        tpu.vector_store_idx %arg6[%broadcast_in_dim3A_11, %shift_right_logical3A_252], %bitcast3A_259 {add = true} : memref<2x10240xf32, #tpu.memory_space<vmem>>[vector<16xi32>, vector<16xi32>], vector<16xf32>,
        tpu.vector_store_idx %arg6[%broadcast_in_dim3A_9, %shift_right_logical3A_271], %bitcast3A_276 {add = true} : memref<2x10240xf32, #tpu.memory_space<vmem>>[vector<16xi32>, vector<16xi32>], vector<16xf32>,
        tpu.vector_store_idx %arg6[%broadcast_in_dim3A_11, %shift_right_logical3A_271], %bitcast3A_278 {add = true} : memref<2x10240xf32, #tpu.memory_space<vmem>>[vector<16xi32>, vector<16xi32>], vector<16xf32>,
        tpu.vector_store_idx %arg6[%broadcast_in_dim3A_9, %shift_right_logical3A_290], %bitcast3A_295 {add = true} : memref<2x10240xf32, #tpu.memory_space<vmem>>[vector<16xi32>, vector<16xi32>], vector<16xf32>,
        tpu.vector_store_idx %arg6[%broadcast_in_dim3A_11, %shift_right_logical3A_290], %bitcast3A_297 {add = true} : memref<2x10240xf32, #tpu.memory_space<vmem>>[vector<16xi32>, vector<16xi32>], vector<16xf32>,
        tpu.vector_store_idx %arg6[%broadcast_in_dim3A_9, %shift_right_logical3A_309], %bitcast3A_314 {add = true} : memref<2x10240xf32, #tpu.memory_space<vmem>>[vector<16xi32>, vector<16xi32>], vector<16xf32>,
        tpu.vector_store_idx %arg6[%broadcast_in_dim3A_11, %shift_right_logical3A_309], %bitcast3A_316 {add = true} : memref<2x10240xf32, #tpu.memory_space<vmem>>[vector<16xi32>, vector<16xi32>], vector<16xf32>,
        tpu.vector_store_idx %arg6[%broadcast_in_dim3A_9, %shift_right_logical3A_328], %bitcast3A_333 {add = true} : memref<2x10240xf32, #tpu.memory_space<vmem>>[vector<16xi32>, vector<16xi32>], vector<16xf32>,
        tpu.vector_store_idx %arg6[%broadcast_in_dim3A_11, %shift_right_logical3A_328], %bitcast3A_335 {add = true} : memref<2x10240xf32, #tpu.memory_space<vmem>>[vector<16xi32>, vector<16xi32>], vector<16xf32>,
        tpu.vector_store_idx %arg6[%broadcast_in_dim3A_9, %shift_right_logical3A_347], %bitcast3A_352 {add = true} : memref<2x10240xf32, #tpu.memory_space<vmem>>[vector<16xi32>, vector<16xi32>], vector<16xf32>,
        tpu.vector_store_idx %arg6[%broadcast_in_dim3A_11, %shift_right_logical3A_347], %bitcast3A_354 {add = true} : memref<2x10240xf32, #tpu.memory_space<vmem>>[vector<16xi32>, vector<16xi32>], vector<16xf32>,
        tpu.vector_store_idx %arg6[%broadcast_in_dim3A_9, %shift_right_logical3A_366], %bitcast3A_371 {add = true} : memref<2x10240xf32, #tpu.memory_space<vmem>>[vector<16xi32>, vector<16xi32>], vector<16xf32>,
        tpu.vector_store_idx %arg6[%broadcast_in_dim3A_11, %shift_right_logical3A_366], %bitcast3A_373 {add = true} : memref<2x10240xf32, #tpu.memory_space<vmem>>[vector<16xi32>, vector<16xi32>], vector<16xf32>,
      }
      %scan3A_47 = arith.constant 25 : i32
      %mul3A_48 = arith.constant 2 : i32
      %mul3A_49 = arith.muli %scan3A_25, %mul3A_48 : i32
      %add3A_50 = arith.constant 1 : i32
      %add3A_51 = arith.addi %mul3A_49, %add3A_50 : i32
      %dma_wait3A_52 = arith.constant 0 : i32
      %dma_wait3A_53 = tpu.memref_slice %arg2[%dma_wait3A_52] : memref<320000xi32, #tpu.memory_space<hbm>> -> memref<6400xi32, #tpu.memory_space<hbm>>
      %dma_wait3A_54 = arith.constant 0 : i32
      %dma_wait3A_55 = tpu.memref_slice %arg2[%dma_wait3A_54] : memref<320000xi32, #tpu.memory_space<hbm>> -> memref<6400xi32, #tpu.memory_space<hbm>>
      tpu.wait_dma2 semaphore(%arg10 : memref<!tpu.dma_semaphore, #tpu.memory_space<semaphore_mem>>) src(%dma_wait3A_55 : memref<6400xi32, #tpu.memory_space<hbm>>) dst(%arg8 : memref<6400xi32, #tpu.memory_space<vmem>>)
      %add3A_56 = arith.constant 1 : i32
      %add3A_57 = arith.addi %add3A_51, %add3A_56 : i32
      %mul3A_58 = arith.constant 6400 : i32
      %mul3A_59 = arith.muli %add3A_57, %mul3A_58 : i32
      %min3A_60 = arith.constant 313600 : i32
      %min3A_61 = arith.minsi %mul3A_59, %min3A_60 : i32
      %add3A_62 = arith.constant 1 : i32
      %add3A_63 = arith.addi %add3A_51, %add3A_62 : i32
      %lt3A_64 = arith.constant 50 : i32
      %lt3A_65 = arith.cmpi slt, %add3A_63, %lt3A_64 : i32
      %convert_element_type3A_66 = arith.extui %lt3A_65 : i1 to i32
      %cond3A_67 = arith.constant 0 : i32
      %cond3A_68 = arith.cmpi ne, %convert_element_type3A_66, %cond3A_67 : i32
      scf.if %cond3A_68 {
        %dma_start3A_75 = tpu.memref_slice %arg2[%min3A_61] : memref<320000xi32, #tpu.memory_space<hbm>> -> memref<6400xi32, #tpu.memory_space<hbm>>
        %dma_start3A_76 = tpu.memref_slice %arg2[%min3A_61] : memref<320000xi32, #tpu.memory_space<hbm>> -> memref<6400xi32, #tpu.memory_space<hbm>>
        tpu.enqueue_dma source(%dma_start3A_76 : memref<6400xi32, #tpu.memory_space<hbm>>) target(%arg7 : memref<6400xi32, #tpu.memory_space<vmem>>) target_semaphore(%arg9 : memref<!tpu.dma_semaphore, #tpu.memory_space<semaphore_mem>>)
      } else {
      }
      %scan3A_69 = arith.constant 0 : i32
      %scan3A_70 = arith.constant 0 : i32
      %scan3A_71 = arith.constant 25 : i32
      %scan3A_72 = arith.addi %scan3A_70, %scan3A_71 : i32
      %scan3A_73 = arith.constant 1 : i32
      scf.for %scan3A_75 = %scan3A_70 to %scan3A_72 step %scan3A_73  : i32 {
        %mul3A_76 = arith.constant 16 : i32
        %mul3A_77 = arith.muli %scan3A_75, %mul3A_76 : i32
        %add3A_78 = arith.constant 0 : i32
        %add3A_79 = arith.addi %mul3A_77, %add3A_78 : i32
        %mul3A_80 = arith.constant 16 : i32
        %mul3A_81 = arith.muli %add3A_79, %mul3A_80 : i32
        %get3A = arith.index_cast %mul3A_81 : i32 to index
        %get3A_82 = tpu.vector_load %arg8[%get3A] {strides = array<i32>} : memref<6400xi32, #tpu.memory_space<vmem>>, vector<16xi32>,
        %and3A = arith.andi %get3A_82, %broadcast_in_dim3A_13 : vector<16xi32>
        %shift_right_logical3A = arith.constant 14 : i32
        %shift_right_logical3A_83 = vector.broadcast %shift_right_logical3A : i32 to vector<16xi32>
        %shift_right_logical3A_84 = arith.shrui %get3A_82, %shift_right_logical3A_83 : vector<16xi32>
        %gather3A = tpu.vector_load_idx %arg5[%and3A] : memref<10240xi32, #tpu.memory_space<vmem>>[vector<16xi32>], vector<16xi32>,
        %shift_left3A = arith.constant 16 : i32
        %shift_left3A_85 = vector.broadcast %shift_left3A : i32 to vector<16xi32>
        %shift_left3A_86 = arith.shli %gather3A, %shift_left3A_85 : vector<16xi32>
        %bitcast3A = vector.bitcast %shift_left3A_86 : vector<16xi32> to vector<16xf32>
        %and3A_87 = arith.andi %gather3A, %broadcast_in_dim3A_15 : vector<16xi32>
        %bitcast3A_88 = vector.bitcast %and3A_87 : vector<16xi32> to vector<16xf32>
        %mul3A_89 = arith.constant 16 : i32
        %mul3A_90 = arith.muli %scan3A_75, %mul3A_89 : i32
        %add3A_91 = arith.constant 1 : i32
        %add3A_92 = arith.addi %mul3A_90, %add3A_91 : i32
        %mul3A_93 = arith.constant 16 : i32
        %mul3A_94 = arith.muli %add3A_92, %mul3A_93 : i32
        %get3A_95 = arith.index_cast %mul3A_94 : i32 to index
        %get3A_96 = tpu.vector_load %arg8[%get3A_95] {strides = array<i32>} : memref<6400xi32, #tpu.memory_space<vmem>>, vector<16xi32>,
        %and3A_97 = arith.andi %get3A_96, %broadcast_in_dim3A_13 : vector<16xi32>
        %shift_right_logical3A_98 = arith.constant 14 : i32
        %shift_right_logical3A_99 = vector.broadcast %shift_right_logical3A_98 : i32 to vector<16xi32>
        %shift_right_logical3A_100 = arith.shrui %get3A_96, %shift_right_logical3A_99 : vector<16xi32>
        %gather3A_101 = tpu.vector_load_idx %arg5[%and3A_97] : memref<10240xi32, #tpu.memory_space<vmem>>[vector<16xi32>], vector<16xi32>,
        %shift_left3A_102 = arith.constant 16 : i32
        %shift_left3A_103 = vector.broadcast %shift_left3A_102 : i32 to vector<16xi32>
        %shift_left3A_104 = arith.shli %gather3A_101, %shift_left3A_103 : vector<16xi32>
        %bitcast3A_105 = vector.bitcast %shift_left3A_104 : vector<16xi32> to vector<16xf32>
        %and3A_106 = arith.andi %gather3A_101, %broadcast_in_dim3A_15 : vector<16xi32>
        %bitcast3A_107 = vector.bitcast %and3A_106 : vector<16xi32> to vector<16xf32>
        %mul3A_108 = arith.constant 16 : i32
        %mul3A_109 = arith.muli %scan3A_75, %mul3A_108 : i32
        %add3A_110 = arith.constant 2 : i32
        %add3A_111 = arith.addi %mul3A_109, %add3A_110 : i32
        %mul3A_112 = arith.constant 16 : i32
        %mul3A_113 = arith.muli %add3A_111, %mul3A_112 : i32
        %get3A_114 = arith.index_cast %mul3A_113 : i32 to index
        %get3A_115 = tpu.vector_load %arg8[%get3A_114] {strides = array<i32>} : memref<6400xi32, #tpu.memory_space<vmem>>, vector<16xi32>,
        %and3A_116 = arith.andi %get3A_115, %broadcast_in_dim3A_13 : vector<16xi32>
        %shift_right_logical3A_117 = arith.constant 14 : i32
        %shift_right_logical3A_118 = vector.broadcast %shift_right_logical3A_117 : i32 to vector<16xi32>
        %shift_right_logical3A_119 = arith.shrui %get3A_115, %shift_right_logical3A_118 : vector<16xi32>
        %gather3A_120 = tpu.vector_load_idx %arg5[%and3A_116] : memref<10240xi32, #tpu.memory_space<vmem>>[vector<16xi32>], vector<16xi32>,
        %shift_left3A_121 = arith.constant 16 : i32
        %shift_left3A_122 = vector.broadcast %shift_left3A_121 : i32 to vector<16xi32>
        %shift_left3A_123 = arith.shli %gather3A_120, %shift_left3A_122 : vector<16xi32>
        %bitcast3A_124 = vector.bitcast %shift_left3A_123 : vector<16xi32> to vector<16xf32>
        %and3A_125 = arith.andi %gather3A_120, %broadcast_in_dim3A_15 : vector<16xi32>
        %bitcast3A_126 = vector.bitcast %and3A_125 : vector<16xi32> to vector<16xf32>
        %mul3A_127 = arith.constant 16 : i32
        %mul3A_128 = arith.muli %scan3A_75, %mul3A_127 : i32
        %add3A_129 = arith.constant 3 : i32
        %add3A_130 = arith.addi %mul3A_128, %add3A_129 : i32
        %mul3A_131 = arith.constant 16 : i32
        %mul3A_132 = arith.muli %add3A_130, %mul3A_131 : i32
        %get3A_133 = arith.index_cast %mul3A_132 : i32 to index
        %get3A_134 = tpu.vector_load %arg8[%get3A_133] {strides = array<i32>} : memref<6400xi32, #tpu.memory_space<vmem>>, vector<16xi32>,
        %and3A_135 = arith.andi %get3A_134, %broadcast_in_dim3A_13 : vector<16xi32>
        %shift_right_logical3A_136 = arith.constant 14 : i32
        %shift_right_logical3A_137 = vector.broadcast %shift_right_logical3A_136 : i32 to vector<16xi32>
        %shift_right_logical3A_138 = arith.shrui %get3A_134, %shift_right_logical3A_137 : vector<16xi32>
        %gather3A_139 = tpu.vector_load_idx %arg5[%and3A_135] : memref<10240xi32, #tpu.memory_space<vmem>>[vector<16xi32>], vector<16xi32>,
        %shift_left3A_140 = arith.constant 16 : i32
        %shift_left3A_141 = vector.broadcast %shift_left3A_140 : i32 to vector<16xi32>
        %shift_left3A_142 = arith.shli %gather3A_139, %shift_left3A_141 : vector<16xi32>
        %bitcast3A_143 = vector.bitcast %shift_left3A_142 : vector<16xi32> to vector<16xf32>
        %and3A_144 = arith.andi %gather3A_139, %broadcast_in_dim3A_15 : vector<16xi32>
        %bitcast3A_145 = vector.bitcast %and3A_144 : vector<16xi32> to vector<16xf32>
        %mul3A_146 = arith.constant 16 : i32
        %mul3A_147 = arith.muli %scan3A_75, %mul3A_146 : i32
        %add3A_148 = arith.constant 4 : i32
        %add3A_149 = arith.addi %mul3A_147, %add3A_148 : i32
        %mul3A_150 = arith.constant 16 : i32
        %mul3A_151 = arith.muli %add3A_149, %mul3A_150 : i32
        %get3A_152 = arith.index_cast %mul3A_151 : i32 to index
        %get3A_153 = tpu.vector_load %arg8[%get3A_152] {strides = array<i32>} : memref<6400xi32, #tpu.memory_space<vmem>>, vector<16xi32>,
        %and3A_154 = arith.andi %get3A_153, %broadcast_in_dim3A_13 : vector<16xi32>
        %shift_right_logical3A_155 = arith.constant 14 : i32
        %shift_right_logical3A_156 = vector.broadcast %shift_right_logical3A_155 : i32 to vector<16xi32>
        %shift_right_logical3A_157 = arith.shrui %get3A_153, %shift_right_logical3A_156 : vector<16xi32>
        %gather3A_158 = tpu.vector_load_idx %arg5[%and3A_154] : memref<10240xi32, #tpu.memory_space<vmem>>[vector<16xi32>], vector<16xi32>,
        %shift_left3A_159 = arith.constant 16 : i32
        %shift_left3A_160 = vector.broadcast %shift_left3A_159 : i32 to vector<16xi32>
        %shift_left3A_161 = arith.shli %gather3A_158, %shift_left3A_160 : vector<16xi32>
        %bitcast3A_162 = vector.bitcast %shift_left3A_161 : vector<16xi32> to vector<16xf32>
        %and3A_163 = arith.andi %gather3A_158, %broadcast_in_dim3A_15 : vector<16xi32>
        %bitcast3A_164 = vector.bitcast %and3A_163 : vector<16xi32> to vector<16xf32>
        %mul3A_165 = arith.constant 16 : i32
        %mul3A_166 = arith.muli %scan3A_75, %mul3A_165 : i32
        %add3A_167 = arith.constant 5 : i32
        %add3A_168 = arith.addi %mul3A_166, %add3A_167 : i32
        %mul3A_169 = arith.constant 16 : i32
        %mul3A_170 = arith.muli %add3A_168, %mul3A_169 : i32
        %get3A_171 = arith.index_cast %mul3A_170 : i32 to index
        %get3A_172 = tpu.vector_load %arg8[%get3A_171] {strides = array<i32>} : memref<6400xi32, #tpu.memory_space<vmem>>, vector<16xi32>,
        %and3A_173 = arith.andi %get3A_172, %broadcast_in_dim3A_13 : vector<16xi32>
        %shift_right_logical3A_174 = arith.constant 14 : i32
        %shift_right_logical3A_175 = vector.broadcast %shift_right_logical3A_174 : i32 to vector<16xi32>
        %shift_right_logical3A_176 = arith.shrui %get3A_172, %shift_right_logical3A_175 : vector<16xi32>
        %gather3A_177 = tpu.vector_load_idx %arg5[%and3A_173] : memref<10240xi32, #tpu.memory_space<vmem>>[vector<16xi32>], vector<16xi32>,
        %shift_left3A_178 = arith.constant 16 : i32
        %shift_left3A_179 = vector.broadcast %shift_left3A_178 : i32 to vector<16xi32>
        %shift_left3A_180 = arith.shli %gather3A_177, %shift_left3A_179 : vector<16xi32>
        %bitcast3A_181 = vector.bitcast %shift_left3A_180 : vector<16xi32> to vector<16xf32>
        %and3A_182 = arith.andi %gather3A_177, %broadcast_in_dim3A_15 : vector<16xi32>
        %bitcast3A_183 = vector.bitcast %and3A_182 : vector<16xi32> to vector<16xf32>
        %mul3A_184 = arith.constant 16 : i32
        %mul3A_185 = arith.muli %scan3A_75, %mul3A_184 : i32
        %add3A_186 = arith.constant 6 : i32
        %add3A_187 = arith.addi %mul3A_185, %add3A_186 : i32
        %mul3A_188 = arith.constant 16 : i32
        %mul3A_189 = arith.muli %add3A_187, %mul3A_188 : i32
        %get3A_190 = arith.index_cast %mul3A_189 : i32 to index
        %get3A_191 = tpu.vector_load %arg8[%get3A_190] {strides = array<i32>} : memref<6400xi32, #tpu.memory_space<vmem>>, vector<16xi32>,
        %and3A_192 = arith.andi %get3A_191, %broadcast_in_dim3A_13 : vector<16xi32>
        %shift_right_logical3A_193 = arith.constant 14 : i32
        %shift_right_logical3A_194 = vector.broadcast %shift_right_logical3A_193 : i32 to vector<16xi32>
        %shift_right_logical3A_195 = arith.shrui %get3A_191, %shift_right_logical3A_194 : vector<16xi32>
        %gather3A_196 = tpu.vector_load_idx %arg5[%and3A_192] : memref<10240xi32, #tpu.memory_space<vmem>>[vector<16xi32>], vector<16xi32>,
        %shift_left3A_197 = arith.constant 16 : i32
        %shift_left3A_198 = vector.broadcast %shift_left3A_197 : i32 to vector<16xi32>
        %shift_left3A_199 = arith.shli %gather3A_196, %shift_left3A_198 : vector<16xi32>
        %bitcast3A_200 = vector.bitcast %shift_left3A_199 : vector<16xi32> to vector<16xf32>
        %and3A_201 = arith.andi %gather3A_196, %broadcast_in_dim3A_15 : vector<16xi32>
        %bitcast3A_202 = vector.bitcast %and3A_201 : vector<16xi32> to vector<16xf32>
        %mul3A_203 = arith.constant 16 : i32
        %mul3A_204 = arith.muli %scan3A_75, %mul3A_203 : i32
        %add3A_205 = arith.constant 7 : i32
        %add3A_206 = arith.addi %mul3A_204, %add3A_205 : i32
        %mul3A_207 = arith.constant 16 : i32
        %mul3A_208 = arith.muli %add3A_206, %mul3A_207 : i32
        %get3A_209 = arith.index_cast %mul3A_208 : i32 to index
        %get3A_210 = tpu.vector_load %arg8[%get3A_209] {strides = array<i32>} : memref<6400xi32, #tpu.memory_space<vmem>>, vector<16xi32>,
        %and3A_211 = arith.andi %get3A_210, %broadcast_in_dim3A_13 : vector<16xi32>
        %shift_right_logical3A_212 = arith.constant 14 : i32
        %shift_right_logical3A_213 = vector.broadcast %shift_right_logical3A_212 : i32 to vector<16xi32>
        %shift_right_logical3A_214 = arith.shrui %get3A_210, %shift_right_logical3A_213 : vector<16xi32>
        %gather3A_215 = tpu.vector_load_idx %arg5[%and3A_211] : memref<10240xi32, #tpu.memory_space<vmem>>[vector<16xi32>], vector<16xi32>,
        %shift_left3A_216 = arith.constant 16 : i32
        %shift_left3A_217 = vector.broadcast %shift_left3A_216 : i32 to vector<16xi32>
        %shift_left3A_218 = arith.shli %gather3A_215, %shift_left3A_217 : vector<16xi32>
        %bitcast3A_219 = vector.bitcast %shift_left3A_218 : vector<16xi32> to vector<16xf32>
        %and3A_220 = arith.andi %gather3A_215, %broadcast_in_dim3A_15 : vector<16xi32>
        %bitcast3A_221 = vector.bitcast %and3A_220 : vector<16xi32> to vector<16xf32>
        %mul3A_222 = arith.constant 16 : i32
        %mul3A_223 = arith.muli %scan3A_75, %mul3A_222 : i32
        %add3A_224 = arith.constant 8 : i32
        %add3A_225 = arith.addi %mul3A_223, %add3A_224 : i32
        %mul3A_226 = arith.constant 16 : i32
        %mul3A_227 = arith.muli %add3A_225, %mul3A_226 : i32
        %get3A_228 = arith.index_cast %mul3A_227 : i32 to index
        %get3A_229 = tpu.vector_load %arg8[%get3A_228] {strides = array<i32>} : memref<6400xi32, #tpu.memory_space<vmem>>, vector<16xi32>,
        %and3A_230 = arith.andi %get3A_229, %broadcast_in_dim3A_13 : vector<16xi32>
        %shift_right_logical3A_231 = arith.constant 14 : i32
        %shift_right_logical3A_232 = vector.broadcast %shift_right_logical3A_231 : i32 to vector<16xi32>
        %shift_right_logical3A_233 = arith.shrui %get3A_229, %shift_right_logical3A_232 : vector<16xi32>
        %gather3A_234 = tpu.vector_load_idx %arg5[%and3A_230] : memref<10240xi32, #tpu.memory_space<vmem>>[vector<16xi32>], vector<16xi32>,
        %shift_left3A_235 = arith.constant 16 : i32
        %shift_left3A_236 = vector.broadcast %shift_left3A_235 : i32 to vector<16xi32>
        %shift_left3A_237 = arith.shli %gather3A_234, %shift_left3A_236 : vector<16xi32>
        %bitcast3A_238 = vector.bitcast %shift_left3A_237 : vector<16xi32> to vector<16xf32>
        %and3A_239 = arith.andi %gather3A_234, %broadcast_in_dim3A_15 : vector<16xi32>
        %bitcast3A_240 = vector.bitcast %and3A_239 : vector<16xi32> to vector<16xf32>
        %mul3A_241 = arith.constant 16 : i32
        %mul3A_242 = arith.muli %scan3A_75, %mul3A_241 : i32
        %add3A_243 = arith.constant 9 : i32
        %add3A_244 = arith.addi %mul3A_242, %add3A_243 : i32
        %mul3A_245 = arith.constant 16 : i32
        %mul3A_246 = arith.muli %add3A_244, %mul3A_245 : i32
        %get3A_247 = arith.index_cast %mul3A_246 : i32 to index
        %get3A_248 = tpu.vector_load %arg8[%get3A_247] {strides = array<i32>} : memref<6400xi32, #tpu.memory_space<vmem>>, vector<16xi32>,
        %and3A_249 = arith.andi %get3A_248, %broadcast_in_dim3A_13 : vector<16xi32>
        %shift_right_logical3A_250 = arith.constant 14 : i32
        %shift_right_logical3A_251 = vector.broadcast %shift_right_logical3A_250 : i32 to vector<16xi32>
        %shift_right_logical3A_252 = arith.shrui %get3A_248, %shift_right_logical3A_251 : vector<16xi32>
        %gather3A_253 = tpu.vector_load_idx %arg5[%and3A_249] : memref<10240xi32, #tpu.memory_space<vmem>>[vector<16xi32>], vector<16xi32>,
        %shift_left3A_254 = arith.constant 16 : i32
        %shift_left3A_255 = vector.broadcast %shift_left3A_254 : i32 to vector<16xi32>
        %shift_left3A_256 = arith.shli %gather3A_253, %shift_left3A_255 : vector<16xi32>
        %bitcast3A_257 = vector.bitcast %shift_left3A_256 : vector<16xi32> to vector<16xf32>
        %and3A_258 = arith.andi %gather3A_253, %broadcast_in_dim3A_15 : vector<16xi32>
        %bitcast3A_259 = vector.bitcast %and3A_258 : vector<16xi32> to vector<16xf32>
        %mul3A_260 = arith.constant 16 : i32
        %mul3A_261 = arith.muli %scan3A_75, %mul3A_260 : i32
        %add3A_262 = arith.constant 10 : i32
        %add3A_263 = arith.addi %mul3A_261, %add3A_262 : i32
        %mul3A_264 = arith.constant 16 : i32
        %mul3A_265 = arith.muli %add3A_263, %mul3A_264 : i32
        %get3A_266 = arith.index_cast %mul3A_265 : i32 to index
        %get3A_267 = tpu.vector_load %arg8[%get3A_266] {strides = array<i32>} : memref<6400xi32, #tpu.memory_space<vmem>>, vector<16xi32>,
        %and3A_268 = arith.andi %get3A_267, %broadcast_in_dim3A_13 : vector<16xi32>
        %shift_right_logical3A_269 = arith.constant 14 : i32
        %shift_right_logical3A_270 = vector.broadcast %shift_right_logical3A_269 : i32 to vector<16xi32>
        %shift_right_logical3A_271 = arith.shrui %get3A_267, %shift_right_logical3A_270 : vector<16xi32>
        %gather3A_272 = tpu.vector_load_idx %arg5[%and3A_268] : memref<10240xi32, #tpu.memory_space<vmem>>[vector<16xi32>], vector<16xi32>,
        %shift_left3A_273 = arith.constant 16 : i32
        %shift_left3A_274 = vector.broadcast %shift_left3A_273 : i32 to vector<16xi32>
        %shift_left3A_275 = arith.shli %gather3A_272, %shift_left3A_274 : vector<16xi32>
        %bitcast3A_276 = vector.bitcast %shift_left3A_275 : vector<16xi32> to vector<16xf32>
        %and3A_277 = arith.andi %gather3A_272, %broadcast_in_dim3A_15 : vector<16xi32>
        %bitcast3A_278 = vector.bitcast %and3A_277 : vector<16xi32> to vector<16xf32>
        %mul3A_279 = arith.constant 16 : i32
        %mul3A_280 = arith.muli %scan3A_75, %mul3A_279 : i32
        %add3A_281 = arith.constant 11 : i32
        %add3A_282 = arith.addi %mul3A_280, %add3A_281 : i32
        %mul3A_283 = arith.constant 16 : i32
        %mul3A_284 = arith.muli %add3A_282, %mul3A_283 : i32
        %get3A_285 = arith.index_cast %mul3A_284 : i32 to index
        %get3A_286 = tpu.vector_load %arg8[%get3A_285] {strides = array<i32>} : memref<6400xi32, #tpu.memory_space<vmem>>, vector<16xi32>,
        %and3A_287 = arith.andi %get3A_286, %broadcast_in_dim3A_13 : vector<16xi32>
        %shift_right_logical3A_288 = arith.constant 14 : i32
        %shift_right_logical3A_289 = vector.broadcast %shift_right_logical3A_288 : i32 to vector<16xi32>
        %shift_right_logical3A_290 = arith.shrui %get3A_286, %shift_right_logical3A_289 : vector<16xi32>
        %gather3A_291 = tpu.vector_load_idx %arg5[%and3A_287] : memref<10240xi32, #tpu.memory_space<vmem>>[vector<16xi32>], vector<16xi32>,
        %shift_left3A_292 = arith.constant 16 : i32
        %shift_left3A_293 = vector.broadcast %shift_left3A_292 : i32 to vector<16xi32>
        %shift_left3A_294 = arith.shli %gather3A_291, %shift_left3A_293 : vector<16xi32>
        %bitcast3A_295 = vector.bitcast %shift_left3A_294 : vector<16xi32> to vector<16xf32>
        %and3A_296 = arith.andi %gather3A_291, %broadcast_in_dim3A_15 : vector<16xi32>
        %bitcast3A_297 = vector.bitcast %and3A_296 : vector<16xi32> to vector<16xf32>
        %mul3A_298 = arith.constant 16 : i32
        %mul3A_299 = arith.muli %scan3A_75, %mul3A_298 : i32
        %add3A_300 = arith.constant 12 : i32
        %add3A_301 = arith.addi %mul3A_299, %add3A_300 : i32
        %mul3A_302 = arith.constant 16 : i32
        %mul3A_303 = arith.muli %add3A_301, %mul3A_302 : i32
        %get3A_304 = arith.index_cast %mul3A_303 : i32 to index
        %get3A_305 = tpu.vector_load %arg8[%get3A_304] {strides = array<i32>} : memref<6400xi32, #tpu.memory_space<vmem>>, vector<16xi32>,
        %and3A_306 = arith.andi %get3A_305, %broadcast_in_dim3A_13 : vector<16xi32>
        %shift_right_logical3A_307 = arith.constant 14 : i32
        %shift_right_logical3A_308 = vector.broadcast %shift_right_logical3A_307 : i32 to vector<16xi32>
        %shift_right_logical3A_309 = arith.shrui %get3A_305, %shift_right_logical3A_308 : vector<16xi32>
        %gather3A_310 = tpu.vector_load_idx %arg5[%and3A_306] : memref<10240xi32, #tpu.memory_space<vmem>>[vector<16xi32>], vector<16xi32>,
        %shift_left3A_311 = arith.constant 16 : i32
        %shift_left3A_312 = vector.broadcast %shift_left3A_311 : i32 to vector<16xi32>
        %shift_left3A_313 = arith.shli %gather3A_310, %shift_left3A_312 : vector<16xi32>
        %bitcast3A_314 = vector.bitcast %shift_left3A_313 : vector<16xi32> to vector<16xf32>
        %and3A_315 = arith.andi %gather3A_310, %broadcast_in_dim3A_15 : vector<16xi32>
        %bitcast3A_316 = vector.bitcast %and3A_315 : vector<16xi32> to vector<16xf32>
        %mul3A_317 = arith.constant 16 : i32
        %mul3A_318 = arith.muli %scan3A_75, %mul3A_317 : i32
        %add3A_319 = arith.constant 13 : i32
        %add3A_320 = arith.addi %mul3A_318, %add3A_319 : i32
        %mul3A_321 = arith.constant 16 : i32
        %mul3A_322 = arith.muli %add3A_320, %mul3A_321 : i32
        %get3A_323 = arith.index_cast %mul3A_322 : i32 to index
        %get3A_324 = tpu.vector_load %arg8[%get3A_323] {strides = array<i32>} : memref<6400xi32, #tpu.memory_space<vmem>>, vector<16xi32>,
        %and3A_325 = arith.andi %get3A_324, %broadcast_in_dim3A_13 : vector<16xi32>
        %shift_right_logical3A_326 = arith.constant 14 : i32
        %shift_right_logical3A_327 = vector.broadcast %shift_right_logical3A_326 : i32 to vector<16xi32>
        %shift_right_logical3A_328 = arith.shrui %get3A_324, %shift_right_logical3A_327 : vector<16xi32>
        %gather3A_329 = tpu.vector_load_idx %arg5[%and3A_325] : memref<10240xi32, #tpu.memory_space<vmem>>[vector<16xi32>], vector<16xi32>,
        %shift_left3A_330 = arith.constant 16 : i32
        %shift_left3A_331 = vector.broadcast %shift_left3A_330 : i32 to vector<16xi32>
        %shift_left3A_332 = arith.shli %gather3A_329, %shift_left3A_331 : vector<16xi32>
        %bitcast3A_333 = vector.bitcast %shift_left3A_332 : vector<16xi32> to vector<16xf32>
        %and3A_334 = arith.andi %gather3A_329, %broadcast_in_dim3A_15 : vector<16xi32>
        %bitcast3A_335 = vector.bitcast %and3A_334 : vector<16xi32> to vector<16xf32>
        %mul3A_336 = arith.constant 16 : i32
        %mul3A_337 = arith.muli %scan3A_75, %mul3A_336 : i32
        %add3A_338 = arith.constant 14 : i32
        %add3A_339 = arith.addi %mul3A_337, %add3A_338 : i32
        %mul3A_340 = arith.constant 16 : i32
        %mul3A_341 = arith.muli %add3A_339, %mul3A_340 : i32
        %get3A_342 = arith.index_cast %mul3A_341 : i32 to index
        %get3A_343 = tpu.vector_load %arg8[%get3A_342] {strides = array<i32>} : memref<6400xi32, #tpu.memory_space<vmem>>, vector<16xi32>,
        %and3A_344 = arith.andi %get3A_343, %broadcast_in_dim3A_13 : vector<16xi32>
        %shift_right_logical3A_345 = arith.constant 14 : i32
        %shift_right_logical3A_346 = vector.broadcast %shift_right_logical3A_345 : i32 to vector<16xi32>
        %shift_right_logical3A_347 = arith.shrui %get3A_343, %shift_right_logical3A_346 : vector<16xi32>
        %gather3A_348 = tpu.vector_load_idx %arg5[%and3A_344] : memref<10240xi32, #tpu.memory_space<vmem>>[vector<16xi32>], vector<16xi32>,
        %shift_left3A_349 = arith.constant 16 : i32
        %shift_left3A_350 = vector.broadcast %shift_left3A_349 : i32 to vector<16xi32>
        %shift_left3A_351 = arith.shli %gather3A_348, %shift_left3A_350 : vector<16xi32>
        %bitcast3A_352 = vector.bitcast %shift_left3A_351 : vector<16xi32> to vector<16xf32>
        %and3A_353 = arith.andi %gather3A_348, %broadcast_in_dim3A_15 : vector<16xi32>
        %bitcast3A_354 = vector.bitcast %and3A_353 : vector<16xi32> to vector<16xf32>
        %mul3A_355 = arith.constant 16 : i32
        %mul3A_356 = arith.muli %scan3A_75, %mul3A_355 : i32
        %add3A_357 = arith.constant 15 : i32
        %add3A_358 = arith.addi %mul3A_356, %add3A_357 : i32
        %mul3A_359 = arith.constant 16 : i32
        %mul3A_360 = arith.muli %add3A_358, %mul3A_359 : i32
        %get3A_361 = arith.index_cast %mul3A_360 : i32 to index
        %get3A_362 = tpu.vector_load %arg8[%get3A_361] {strides = array<i32>} : memref<6400xi32, #tpu.memory_space<vmem>>, vector<16xi32>,
        %and3A_363 = arith.andi %get3A_362, %broadcast_in_dim3A_13 : vector<16xi32>
        %shift_right_logical3A_364 = arith.constant 14 : i32
        %shift_right_logical3A_365 = vector.broadcast %shift_right_logical3A_364 : i32 to vector<16xi32>
        %shift_right_logical3A_366 = arith.shrui %get3A_362, %shift_right_logical3A_365 : vector<16xi32>
        %gather3A_367 = tpu.vector_load_idx %arg5[%and3A_363] : memref<10240xi32, #tpu.memory_space<vmem>>[vector<16xi32>], vector<16xi32>,
        %shift_left3A_368 = arith.constant 16 : i32
        %shift_left3A_369 = vector.broadcast %shift_left3A_368 : i32 to vector<16xi32>
        %shift_left3A_370 = arith.shli %gather3A_367, %shift_left3A_369 : vector<16xi32>
        %bitcast3A_371 = vector.bitcast %shift_left3A_370 : vector<16xi32> to vector<16xf32>
        %and3A_372 = arith.andi %gather3A_367, %broadcast_in_dim3A_15 : vector<16xi32>
        %bitcast3A_373 = vector.bitcast %and3A_372 : vector<16xi32> to vector<16xf32>
        tpu.vector_store_idx %arg6[%broadcast_in_dim3A_9, %shift_right_logical3A_84], %bitcast3A {add = true} : memref<2x10240xf32, #tpu.memory_space<vmem>>[vector<16xi32>, vector<16xi32>], vector<16xf32>,
        tpu.vector_store_idx %arg6[%broadcast_in_dim3A_11, %shift_right_logical3A_84], %bitcast3A_88 {add = true} : memref<2x10240xf32, #tpu.memory_space<vmem>>[vector<16xi32>, vector<16xi32>], vector<16xf32>,
        tpu.vector_store_idx %arg6[%broadcast_in_dim3A_9, %shift_right_logical3A_100], %bitcast3A_105 {add = true} : memref<2x10240xf32, #tpu.memory_space<vmem>>[vector<16xi32>, vector<16xi32>], vector<16xf32>,
        tpu.vector_store_idx %arg6[%broadcast_in_dim3A_11, %shift_right_logical3A_100], %bitcast3A_107 {add = true} : memref<2x10240xf32, #tpu.memory_space<vmem>>[vector<16xi32>, vector<16xi32>], vector<16xf32>,
        tpu.vector_store_idx %arg6[%broadcast_in_dim3A_9, %shift_right_logical3A_119], %bitcast3A_124 {add = true} : memref<2x10240xf32, #tpu.memory_space<vmem>>[vector<16xi32>, vector<16xi32>], vector<16xf32>,
        tpu.vector_store_idx %arg6[%broadcast_in_dim3A_11, %shift_right_logical3A_119], %bitcast3A_126 {add = true} : memref<2x10240xf32, #tpu.memory_space<vmem>>[vector<16xi32>, vector<16xi32>], vector<16xf32>,
        tpu.vector_store_idx %arg6[%broadcast_in_dim3A_9, %shift_right_logical3A_138], %bitcast3A_143 {add = true} : memref<2x10240xf32, #tpu.memory_space<vmem>>[vector<16xi32>, vector<16xi32>], vector<16xf32>,
        tpu.vector_store_idx %arg6[%broadcast_in_dim3A_11, %shift_right_logical3A_138], %bitcast3A_145 {add = true} : memref<2x10240xf32, #tpu.memory_space<vmem>>[vector<16xi32>, vector<16xi32>], vector<16xf32>,
        tpu.vector_store_idx %arg6[%broadcast_in_dim3A_9, %shift_right_logical3A_157], %bitcast3A_162 {add = true} : memref<2x10240xf32, #tpu.memory_space<vmem>>[vector<16xi32>, vector<16xi32>], vector<16xf32>,
        tpu.vector_store_idx %arg6[%broadcast_in_dim3A_11, %shift_right_logical3A_157], %bitcast3A_164 {add = true} : memref<2x10240xf32, #tpu.memory_space<vmem>>[vector<16xi32>, vector<16xi32>], vector<16xf32>,
        tpu.vector_store_idx %arg6[%broadcast_in_dim3A_9, %shift_right_logical3A_176], %bitcast3A_181 {add = true} : memref<2x10240xf32, #tpu.memory_space<vmem>>[vector<16xi32>, vector<16xi32>], vector<16xf32>,
        tpu.vector_store_idx %arg6[%broadcast_in_dim3A_11, %shift_right_logical3A_176], %bitcast3A_183 {add = true} : memref<2x10240xf32, #tpu.memory_space<vmem>>[vector<16xi32>, vector<16xi32>], vector<16xf32>,
        tpu.vector_store_idx %arg6[%broadcast_in_dim3A_9, %shift_right_logical3A_195], %bitcast3A_200 {add = true} : memref<2x10240xf32, #tpu.memory_space<vmem>>[vector<16xi32>, vector<16xi32>], vector<16xf32>,
        tpu.vector_store_idx %arg6[%broadcast_in_dim3A_11, %shift_right_logical3A_195], %bitcast3A_202 {add = true} : memref<2x10240xf32, #tpu.memory_space<vmem>>[vector<16xi32>, vector<16xi32>], vector<16xf32>,
        tpu.vector_store_idx %arg6[%broadcast_in_dim3A_9, %shift_right_logical3A_214], %bitcast3A_219 {add = true} : memref<2x10240xf32, #tpu.memory_space<vmem>>[vector<16xi32>, vector<16xi32>], vector<16xf32>,
        tpu.vector_store_idx %arg6[%broadcast_in_dim3A_11, %shift_right_logical3A_214], %bitcast3A_221 {add = true} : memref<2x10240xf32, #tpu.memory_space<vmem>>[vector<16xi32>, vector<16xi32>], vector<16xf32>,
        tpu.vector_store_idx %arg6[%broadcast_in_dim3A_9, %shift_right_logical3A_233], %bitcast3A_238 {add = true} : memref<2x10240xf32, #tpu.memory_space<vmem>>[vector<16xi32>, vector<16xi32>], vector<16xf32>,
        tpu.vector_store_idx %arg6[%broadcast_in_dim3A_11, %shift_right_logical3A_233], %bitcast3A_240 {add = true} : memref<2x10240xf32, #tpu.memory_space<vmem>>[vector<16xi32>, vector<16xi32>], vector<16xf32>,
        tpu.vector_store_idx %arg6[%broadcast_in_dim3A_9, %shift_right_logical3A_252], %bitcast3A_257 {add = true} : memref<2x10240xf32, #tpu.memory_space<vmem>>[vector<16xi32>, vector<16xi32>], vector<16xf32>,
        tpu.vector_store_idx %arg6[%broadcast_in_dim3A_11, %shift_right_logical3A_252], %bitcast3A_259 {add = true} : memref<2x10240xf32, #tpu.memory_space<vmem>>[vector<16xi32>, vector<16xi32>], vector<16xf32>,
        tpu.vector_store_idx %arg6[%broadcast_in_dim3A_9, %shift_right_logical3A_271], %bitcast3A_276 {add = true} : memref<2x10240xf32, #tpu.memory_space<vmem>>[vector<16xi32>, vector<16xi32>], vector<16xf32>,
        tpu.vector_store_idx %arg6[%broadcast_in_dim3A_11, %shift_right_logical3A_271], %bitcast3A_278 {add = true} : memref<2x10240xf32, #tpu.memory_space<vmem>>[vector<16xi32>, vector<16xi32>], vector<16xf32>,
        tpu.vector_store_idx %arg6[%broadcast_in_dim3A_9, %shift_right_logical3A_290], %bitcast3A_295 {add = true} : memref<2x10240xf32, #tpu.memory_space<vmem>>[vector<16xi32>, vector<16xi32>], vector<16xf32>,
        tpu.vector_store_idx %arg6[%broadcast_in_dim3A_11, %shift_right_logical3A_290], %bitcast3A_297 {add = true} : memref<2x10240xf32, #tpu.memory_space<vmem>>[vector<16xi32>, vector<16xi32>], vector<16xf32>,
        tpu.vector_store_idx %arg6[%broadcast_in_dim3A_9, %shift_right_logical3A_309], %bitcast3A_314 {add = true} : memref<2x10240xf32, #tpu.memory_space<vmem>>[vector<16xi32>, vector<16xi32>], vector<16xf32>,
        tpu.vector_store_idx %arg6[%broadcast_in_dim3A_11, %shift_right_logical3A_309], %bitcast3A_316 {add = true} : memref<2x10240xf32, #tpu.memory_space<vmem>>[vector<16xi32>, vector<16xi32>], vector<16xf32>,
        tpu.vector_store_idx %arg6[%broadcast_in_dim3A_9, %shift_right_logical3A_328], %bitcast3A_333 {add = true} : memref<2x10240xf32, #tpu.memory_space<vmem>>[vector<16xi32>, vector<16xi32>], vector<16xf32>,
        tpu.vector_store_idx %arg6[%broadcast_in_dim3A_11, %shift_right_logical3A_328], %bitcast3A_335 {add = true} : memref<2x10240xf32, #tpu.memory_space<vmem>>[vector<16xi32>, vector<16xi32>], vector<16xf32>,
        tpu.vector_store_idx %arg6[%broadcast_in_dim3A_9, %shift_right_logical3A_347], %bitcast3A_352 {add = true} : memref<2x10240xf32, #tpu.memory_space<vmem>>[vector<16xi32>, vector<16xi32>], vector<16xf32>,
        tpu.vector_store_idx %arg6[%broadcast_in_dim3A_11, %shift_right_logical3A_347], %bitcast3A_354 {add = true} : memref<2x10240xf32, #tpu.memory_space<vmem>>[vector<16xi32>, vector<16xi32>], vector<16xf32>,
        tpu.vector_store_idx %arg6[%broadcast_in_dim3A_9, %shift_right_logical3A_366], %bitcast3A_371 {add = true} : memref<2x10240xf32, #tpu.memory_space<vmem>>[vector<16xi32>, vector<16xi32>], vector<16xf32>,
        tpu.vector_store_idx %arg6[%broadcast_in_dim3A_11, %shift_right_logical3A_366], %bitcast3A_373 {add = true} : memref<2x10240xf32, #tpu.memory_space<vmem>>[vector<16xi32>, vector<16xi32>], vector<16xf32>,
      }
      %scan3A_74 = arith.constant 25 : i32
    }
    %scan3A_21 = arith.constant 25 : i32
    %run_scoped3A = arith.constant 0 : i32
    "tpu.region"() ({
      %run_scoped3A_25 = tpu.sem_alloc : memref<!tpu.dma_semaphore, #tpu.memory_space<semaphore_mem>>
      %dma_start3A_26 = arith.constant 0 : i32
      %dma_start3A_27 = tpu.memref_slice %arg6[%run_scoped3A, %dma_start3A_26] : memref<2x10240xf32, #tpu.memory_space<vmem>> -> memref<1x10240xf32, #tpu.memory_space<vmem>>
      %dma_start3A_28 = tpu.memref_squeeze %dma_start3A_27 : memref<1x10240xf32, #tpu.memory_space<vmem>> -> memref<10240xf32, #tpu.memory_space<vmem>>
      %dma_start3A_29 = arith.constant 0 : i32
      %dma_start3A_30 = tpu.memref_slice %arg4[%add3A, %dma_start3A_29] : memref<64x10240xf32, #tpu.memory_space<hbm>> -> memref<1x10240xf32, #tpu.memory_space<hbm>>
      %dma_start3A_31 = tpu.memref_squeeze %dma_start3A_30 : memref<1x10240xf32, #tpu.memory_space<hbm>> -> memref<10240xf32, #tpu.memory_space<hbm>>
      %dma_start3A_32 = arith.constant 0 : i32
      %dma_start3A_33 = tpu.memref_slice %arg4[%add3A, %dma_start3A_32] : memref<64x10240xf32, #tpu.memory_space<hbm>> -> memref<1x10240xf32, #tpu.memory_space<hbm>>
      %dma_start3A_34 = tpu.memref_squeeze %dma_start3A_33 : memref<1x10240xf32, #tpu.memory_space<hbm>> -> memref<10240xf32, #tpu.memory_space<hbm>>
      %dma_start3A_35 = arith.constant 0 : i32
      %dma_start3A_36 = tpu.memref_slice %arg6[%run_scoped3A, %dma_start3A_35] : memref<2x10240xf32, #tpu.memory_space<vmem>> -> memref<1x10240xf32, #tpu.memory_space<vmem>>
      %dma_start3A_37 = tpu.memref_squeeze %dma_start3A_36 : memref<1x10240xf32, #tpu.memory_space<vmem>> -> memref<10240xf32, #tpu.memory_space<vmem>>
      tpu.enqueue_dma source(%dma_start3A_37 : memref<10240xf32, #tpu.memory_space<vmem>>) target(%dma_start3A_34 : memref<10240xf32, #tpu.memory_space<hbm>>) target_semaphore(%run_scoped3A_25 : memref<!tpu.dma_semaphore, #tpu.memory_space<semaphore_mem>>)
      %dma_wait3A = arith.constant 0 : i32
      %dma_wait3A_38 = tpu.memref_slice %arg6[%run_scoped3A, %dma_wait3A] : memref<2x10240xf32, #tpu.memory_space<vmem>> -> memref<1x10240xf32, #tpu.memory_space<vmem>>
      %dma_wait3A_39 = tpu.memref_squeeze %dma_wait3A_38 : memref<1x10240xf32, #tpu.memory_space<vmem>> -> memref<10240xf32, #tpu.memory_space<vmem>>
      %dma_wait3A_40 = arith.constant 0 : i32
      %dma_wait3A_41 = tpu.memref_slice %arg4[%add3A, %dma_wait3A_40] : memref<64x10240xf32, #tpu.memory_space<hbm>> -> memref<1x10240xf32, #tpu.memory_space<hbm>>
      %dma_wait3A_42 = tpu.memref_squeeze %dma_wait3A_41 : memref<1x10240xf32, #tpu.memory_space<hbm>> -> memref<10240xf32, #tpu.memory_space<hbm>>
      %dma_wait3A_43 = arith.constant 0 : i32
      %dma_wait3A_44 = tpu.memref_slice %arg4[%add3A, %dma_wait3A_43] : memref<64x10240xf32, #tpu.memory_space<hbm>> -> memref<1x10240xf32, #tpu.memory_space<hbm>>
      %dma_wait3A_45 = tpu.memref_squeeze %dma_wait3A_44 : memref<1x10240xf32, #tpu.memory_space<hbm>> -> memref<10240xf32, #tpu.memory_space<hbm>>
      %dma_wait3A_46 = arith.constant 0 : i32
      %dma_wait3A_47 = tpu.memref_slice %arg6[%run_scoped3A, %dma_wait3A_46] : memref<2x10240xf32, #tpu.memory_space<vmem>> -> memref<1x10240xf32, #tpu.memory_space<vmem>>
      %dma_wait3A_48 = tpu.memref_squeeze %dma_wait3A_47 : memref<1x10240xf32, #tpu.memory_space<vmem>> -> memref<10240xf32, #tpu.memory_space<vmem>>
      tpu.wait_dma2 semaphore(%run_scoped3A_25 : memref<!tpu.dma_semaphore, #tpu.memory_space<semaphore_mem>>) src(%dma_wait3A_48 : memref<10240xf32, #tpu.memory_space<vmem>>) dst(%dma_wait3A_45 : memref<10240xf32, #tpu.memory_space<hbm>>)
      tpu.yield
    }) : () -> ()
    %add3A_22 = arith.constant 32 : i32
    %add3A_23 = arith.addi %add3A, %add3A_22 : i32
    %run_scoped3A_24 = arith.constant 1 : i32
    "tpu.region"() ({
      %run_scoped3A_25 = tpu.sem_alloc : memref<!tpu.dma_semaphore, #tpu.memory_space<semaphore_mem>>
      %dma_start3A_26 = arith.constant 0 : i32
      %dma_start3A_27 = tpu.memref_slice %arg6[%run_scoped3A_24, %dma_start3A_26] : memref<2x10240xf32, #tpu.memory_space<vmem>> -> memref<1x10240xf32, #tpu.memory_space<vmem>>
      %dma_start3A_28 = tpu.memref_squeeze %dma_start3A_27 : memref<1x10240xf32, #tpu.memory_space<vmem>> -> memref<10240xf32, #tpu.memory_space<vmem>>
      %dma_start3A_29 = arith.constant 0 : i32
      %dma_start3A_30 = tpu.memref_slice %arg4[%add3A_23, %dma_start3A_29] : memref<64x10240xf32, #tpu.memory_space<hbm>> -> memref<1x10240xf32, #tpu.memory_space<hbm>>
      %dma_start3A_31 = tpu.memref_squeeze %dma_start3A_30 : memref<1x10240xf32, #tpu.memory_space<hbm>> -> memref<10240xf32, #tpu.memory_space<hbm>>
      %dma_start3A_32 = arith.constant 0 : i32
      %dma_start3A_33 = tpu.memref_slice %arg4[%add3A_23, %dma_start3A_32] : memref<64x10240xf32, #tpu.memory_space<hbm>> -> memref<1x10240xf32, #tpu.memory_space<hbm>>
      %dma_start3A_34 = tpu.memref_squeeze %dma_start3A_33 : memref<1x10240xf32, #tpu.memory_space<hbm>> -> memref<10240xf32, #tpu.memory_space<hbm>>
      %dma_start3A_35 = arith.constant 0 : i32
      %dma_start3A_36 = tpu.memref_slice %arg6[%run_scoped3A_24, %dma_start3A_35] : memref<2x10240xf32, #tpu.memory_space<vmem>> -> memref<1x10240xf32, #tpu.memory_space<vmem>>
      %dma_start3A_37 = tpu.memref_squeeze %dma_start3A_36 : memref<1x10240xf32, #tpu.memory_space<vmem>> -> memref<10240xf32, #tpu.memory_space<vmem>>
      tpu.enqueue_dma source(%dma_start3A_37 : memref<10240xf32, #tpu.memory_space<vmem>>) target(%dma_start3A_34 : memref<10240xf32, #tpu.memory_space<hbm>>) target_semaphore(%run_scoped3A_25 : memref<!tpu.dma_semaphore, #tpu.memory_space<semaphore_mem>>)
      %dma_wait3A = arith.constant 0 : i32
      %dma_wait3A_38 = tpu.memref_slice %arg6[%run_scoped3A_24, %dma_wait3A] : memref<2x10240xf32, #tpu.memory_space<vmem>> -> memref<1x10240xf32, #tpu.memory_space<vmem>>
      %dma_wait3A_39 = tpu.memref_squeeze %dma_wait3A_38 : memref<1x10240xf32, #tpu.memory_space<vmem>> -> memref<10240xf32, #tpu.memory_space<vmem>>
      %dma_wait3A_40 = arith.constant 0 : i32
      %dma_wait3A_41 = tpu.memref_slice %arg4[%add3A_23, %dma_wait3A_40] : memref<64x10240xf32, #tpu.memory_space<hbm>> -> memref<1x10240xf32, #tpu.memory_space<hbm>>
      %dma_wait3A_42 = tpu.memref_squeeze %dma_wait3A_41 : memref<1x10240xf32, #tpu.memory_space<hbm>> -> memref<10240xf32, #tpu.memory_space<hbm>>
      %dma_wait3A_43 = arith.constant 0 : i32
      %dma_wait3A_44 = tpu.memref_slice %arg4[%add3A_23, %dma_wait3A_43] : memref<64x10240xf32, #tpu.memory_space<hbm>> -> memref<1x10240xf32, #tpu.memory_space<hbm>>
      %dma_wait3A_45 = tpu.memref_squeeze %dma_wait3A_44 : memref<1x10240xf32, #tpu.memory_space<hbm>> -> memref<10240xf32, #tpu.memory_space<hbm>>
      %dma_wait3A_46 = arith.constant 0 : i32
      %dma_wait3A_47 = tpu.memref_slice %arg6[%run_scoped3A_24, %dma_wait3A_46] : memref<2x10240xf32, #tpu.memory_space<vmem>> -> memref<1x10240xf32, #tpu.memory_space<vmem>>
      %dma_wait3A_48 = tpu.memref_squeeze %dma_wait3A_47 : memref<1x10240xf32, #tpu.memory_space<vmem>> -> memref<10240xf32, #tpu.memory_space<vmem>>
      tpu.wait_dma2 semaphore(%run_scoped3A_25 : memref<!tpu.dma_semaphore, #tpu.memory_space<semaphore_mem>>) src(%dma_wait3A_48 : memref<10240xf32, #tpu.memory_space<vmem>>) dst(%dma_wait3A_45 : memref<10240xf32, #tpu.memory_space<hbm>>)
      tpu.yield
    }) : () -> ()
    return
  }
}

#map = affine_map<(d0, d1) -> (0)>
#map1 = affine_map<(d0, d1) -> (0, 0)>
module attributes {stable_mosaic.version = 14 : i64} {
  func.func @_deg_body(%arg0: i32, %arg1: i32, %arg2: memref<320000xi32, #tpu.memory_space<hbm>>, %arg3: memref<32x10240xf32, #tpu.memory_space<hbm>>, %arg4: memref<10000xi32, #tpu.memory_space<vmem>>, %arg5: memref<10240xf32, #tpu.memory_space<vmem>>) attributes {dimension_semantics = [#tpu.dimension_semantics<core_parallel>, #tpu.dimension_semantics<subcore_parallel>], iteration_bounds = array<i64: 2, 16>, scalar_prefetch = 0 : i64, scratch_operands = 2 : i64, tpu.core_type = #tpu.core_type<sc_vector_subcore>, window_params = [{transform_indices = #map}, {transform_indices = #map1}]} {
    %mul3A = arith.constant 16 : i32
    %mul3A_0 = arith.muli %arg0, %mul3A : i32
    %add3A = arith.addi %mul3A_0, %arg1 : i32
    %scan3A = arith.constant 0 : i32
    %scan3A_1 = arith.constant 0 : i32
    %scan3A_2 = arith.constant 640 : i32
    %scan3A_3 = arith.addi %scan3A_1, %scan3A_2 : i32
    %scan3A_4 = arith.constant 1 : i32
    scf.for %scan3A_15 = %scan3A_1 to %scan3A_3 step %scan3A_4  : i32 {
      %broadcast_in_dim3A_16 = arith.constant 0.000000e+00 : f32
      %broadcast_in_dim3A_17 = vector.broadcast %broadcast_in_dim3A_16 : f32 to vector<16xf32>
      %mul3A_18 = arith.constant 16 : i32
      %mul3A_19 = arith.muli %scan3A_15, %mul3A_18 : i32
      %swap3A = arith.index_cast %mul3A_19 : i32 to index
      %swap3A_20 = tpu.vector_load %arg5[%swap3A] {strides = array<i32>} : memref<10240xf32, #tpu.memory_space<vmem>>, vector<16xf32>,
      tpu.vector_store %arg5[%swap3A], %broadcast_in_dim3A_17 {strides = array<i32>} : memref<10240xf32, #tpu.memory_space<vmem>>, vector<16xf32>,
    }
    %scan3A_5 = arith.constant 640 : i32
    %mul3A_6 = arith.constant 10000 : i32
    %mul3A_7 = arith.muli %add3A, %mul3A_6 : i32
    "tpu.region"() ({
      %run_scoped3A = tpu.sem_alloc : memref<!tpu.dma_semaphore, #tpu.memory_space<semaphore_mem>>
      %dma_start3A = tpu.memref_slice %arg2[%mul3A_7] : memref<320000xi32, #tpu.memory_space<hbm>> -> memref<10000xi32, #tpu.memory_space<hbm>>
      %dma_start3A_15 = tpu.memref_slice %arg2[%mul3A_7] : memref<320000xi32, #tpu.memory_space<hbm>> -> memref<10000xi32, #tpu.memory_space<hbm>>
      tpu.enqueue_dma source(%dma_start3A_15 : memref<10000xi32, #tpu.memory_space<hbm>>) target(%arg4 : memref<10000xi32, #tpu.memory_space<vmem>>) target_semaphore(%run_scoped3A : memref<!tpu.dma_semaphore, #tpu.memory_space<semaphore_mem>>)
      %dma_wait3A = tpu.memref_slice %arg2[%mul3A_7] : memref<320000xi32, #tpu.memory_space<hbm>> -> memref<10000xi32, #tpu.memory_space<hbm>>
      %dma_wait3A_16 = tpu.memref_slice %arg2[%mul3A_7] : memref<320000xi32, #tpu.memory_space<hbm>> -> memref<10000xi32, #tpu.memory_space<hbm>>
      tpu.wait_dma2 semaphore(%run_scoped3A : memref<!tpu.dma_semaphore, #tpu.memory_space<semaphore_mem>>) src(%dma_wait3A_16 : memref<10000xi32, #tpu.memory_space<hbm>>) dst(%arg4 : memref<10000xi32, #tpu.memory_space<vmem>>)
      tpu.yield
    }) : () -> ()
    %broadcast_in_dim3A = arith.constant 1.000000e+00 : f32
    %broadcast_in_dim3A_8 = vector.broadcast %broadcast_in_dim3A : f32 to vector<16xf32>
    %scan3A_9 = arith.constant 0 : i32
    %scan3A_10 = arith.constant 0 : i32
    %scan3A_11 = arith.constant 78 : i32
    %scan3A_12 = arith.addi %scan3A_10, %scan3A_11 : i32
    %scan3A_13 = arith.constant 1 : i32
    scf.for %scan3A_15 = %scan3A_10 to %scan3A_12 step %scan3A_13  : i32 {
      %mul3A_16 = arith.constant 8 : i32
      %mul3A_17 = arith.muli %scan3A_15, %mul3A_16 : i32
      %add3A_18 = arith.constant 0 : i32
      %add3A_19 = arith.addi %mul3A_17, %add3A_18 : i32
      %mul3A_20 = arith.constant 16 : i32
      %mul3A_21 = arith.muli %add3A_19, %mul3A_20 : i32
      %get3A = arith.index_cast %mul3A_21 : i32 to index
      %get3A_22 = tpu.vector_load %arg4[%get3A] {strides = array<i32>} : memref<10000xi32, #tpu.memory_space<vmem>>, vector<16xi32>,
      %shift_right_logical3A = arith.constant 14 : i32
      %shift_right_logical3A_23 = vector.broadcast %shift_right_logical3A : i32 to vector<16xi32>
      %shift_right_logical3A_24 = arith.shrui %get3A_22, %shift_right_logical3A_23 : vector<16xi32>
      %mul3A_25 = arith.constant 8 : i32
      %mul3A_26 = arith.muli %scan3A_15, %mul3A_25 : i32
      %add3A_27 = arith.constant 1 : i32
      %add3A_28 = arith.addi %mul3A_26, %add3A_27 : i32
      %mul3A_29 = arith.constant 16 : i32
      %mul3A_30 = arith.muli %add3A_28, %mul3A_29 : i32
      %get3A_31 = arith.index_cast %mul3A_30 : i32 to index
      %get3A_32 = tpu.vector_load %arg4[%get3A_31] {strides = array<i32>} : memref<10000xi32, #tpu.memory_space<vmem>>, vector<16xi32>,
      %shift_right_logical3A_33 = arith.constant 14 : i32
      %shift_right_logical3A_34 = vector.broadcast %shift_right_logical3A_33 : i32 to vector<16xi32>
      %shift_right_logical3A_35 = arith.shrui %get3A_32, %shift_right_logical3A_34 : vector<16xi32>
      %mul3A_36 = arith.constant 8 : i32
      %mul3A_37 = arith.muli %scan3A_15, %mul3A_36 : i32
      %add3A_38 = arith.constant 2 : i32
      %add3A_39 = arith.addi %mul3A_37, %add3A_38 : i32
      %mul3A_40 = arith.constant 16 : i32
      %mul3A_41 = arith.muli %add3A_39, %mul3A_40 : i32
      %get3A_42 = arith.index_cast %mul3A_41 : i32 to index
      %get3A_43 = tpu.vector_load %arg4[%get3A_42] {strides = array<i32>} : memref<10000xi32, #tpu.memory_space<vmem>>, vector<16xi32>,
      %shift_right_logical3A_44 = arith.constant 14 : i32
      %shift_right_logical3A_45 = vector.broadcast %shift_right_logical3A_44 : i32 to vector<16xi32>
      %shift_right_logical3A_46 = arith.shrui %get3A_43, %shift_right_logical3A_45 : vector<16xi32>
      %mul3A_47 = arith.constant 8 : i32
      %mul3A_48 = arith.muli %scan3A_15, %mul3A_47 : i32
      %add3A_49 = arith.constant 3 : i32
      %add3A_50 = arith.addi %mul3A_48, %add3A_49 : i32
      %mul3A_51 = arith.constant 16 : i32
      %mul3A_52 = arith.muli %add3A_50, %mul3A_51 : i32
      %get3A_53 = arith.index_cast %mul3A_52 : i32 to index
      %get3A_54 = tpu.vector_load %arg4[%get3A_53] {strides = array<i32>} : memref<10000xi32, #tpu.memory_space<vmem>>, vector<16xi32>,
      %shift_right_logical3A_55 = arith.constant 14 : i32
      %shift_right_logical3A_56 = vector.broadcast %shift_right_logical3A_55 : i32 to vector<16xi32>
      %shift_right_logical3A_57 = arith.shrui %get3A_54, %shift_right_logical3A_56 : vector<16xi32>
      %mul3A_58 = arith.constant 8 : i32
      %mul3A_59 = arith.muli %scan3A_15, %mul3A_58 : i32
      %add3A_60 = arith.constant 4 : i32
      %add3A_61 = arith.addi %mul3A_59, %add3A_60 : i32
      %mul3A_62 = arith.constant 16 : i32
      %mul3A_63 = arith.muli %add3A_61, %mul3A_62 : i32
      %get3A_64 = arith.index_cast %mul3A_63 : i32 to index
      %get3A_65 = tpu.vector_load %arg4[%get3A_64] {strides = array<i32>} : memref<10000xi32, #tpu.memory_space<vmem>>, vector<16xi32>,
      %shift_right_logical3A_66 = arith.constant 14 : i32
      %shift_right_logical3A_67 = vector.broadcast %shift_right_logical3A_66 : i32 to vector<16xi32>
      %shift_right_logical3A_68 = arith.shrui %get3A_65, %shift_right_logical3A_67 : vector<16xi32>
      %mul3A_69 = arith.constant 8 : i32
      %mul3A_70 = arith.muli %scan3A_15, %mul3A_69 : i32
      %add3A_71 = arith.constant 5 : i32
      %add3A_72 = arith.addi %mul3A_70, %add3A_71 : i32
      %mul3A_73 = arith.constant 16 : i32
      %mul3A_74 = arith.muli %add3A_72, %mul3A_73 : i32
      %get3A_75 = arith.index_cast %mul3A_74 : i32 to index
      %get3A_76 = tpu.vector_load %arg4[%get3A_75] {strides = array<i32>} : memref<10000xi32, #tpu.memory_space<vmem>>, vector<16xi32>,
      %shift_right_logical3A_77 = arith.constant 14 : i32
      %shift_right_logical3A_78 = vector.broadcast %shift_right_logical3A_77 : i32 to vector<16xi32>
      %shift_right_logical3A_79 = arith.shrui %get3A_76, %shift_right_logical3A_78 : vector<16xi32>
      %mul3A_80 = arith.constant 8 : i32
      %mul3A_81 = arith.muli %scan3A_15, %mul3A_80 : i32
      %add3A_82 = arith.constant 6 : i32
      %add3A_83 = arith.addi %mul3A_81, %add3A_82 : i32
      %mul3A_84 = arith.constant 16 : i32
      %mul3A_85 = arith.muli %add3A_83, %mul3A_84 : i32
      %get3A_86 = arith.index_cast %mul3A_85 : i32 to index
      %get3A_87 = tpu.vector_load %arg4[%get3A_86] {strides = array<i32>} : memref<10000xi32, #tpu.memory_space<vmem>>, vector<16xi32>,
      %shift_right_logical3A_88 = arith.constant 14 : i32
      %shift_right_logical3A_89 = vector.broadcast %shift_right_logical3A_88 : i32 to vector<16xi32>
      %shift_right_logical3A_90 = arith.shrui %get3A_87, %shift_right_logical3A_89 : vector<16xi32>
      %mul3A_91 = arith.constant 8 : i32
      %mul3A_92 = arith.muli %scan3A_15, %mul3A_91 : i32
      %add3A_93 = arith.constant 7 : i32
      %add3A_94 = arith.addi %mul3A_92, %add3A_93 : i32
      %mul3A_95 = arith.constant 16 : i32
      %mul3A_96 = arith.muli %add3A_94, %mul3A_95 : i32
      %get3A_97 = arith.index_cast %mul3A_96 : i32 to index
      %get3A_98 = tpu.vector_load %arg4[%get3A_97] {strides = array<i32>} : memref<10000xi32, #tpu.memory_space<vmem>>, vector<16xi32>,
      %shift_right_logical3A_99 = arith.constant 14 : i32
      %shift_right_logical3A_100 = vector.broadcast %shift_right_logical3A_99 : i32 to vector<16xi32>
      %shift_right_logical3A_101 = arith.shrui %get3A_98, %shift_right_logical3A_100 : vector<16xi32>
      tpu.vector_store_idx %arg5[%shift_right_logical3A_24], %broadcast_in_dim3A_8 {add = true} : memref<10240xf32, #tpu.memory_space<vmem>>[vector<16xi32>], vector<16xf32>,
      tpu.vector_store_idx %arg5[%shift_right_logical3A_35], %broadcast_in_dim3A_8 {add = true} : memref<10240xf32, #tpu.memory_space<vmem>>[vector<16xi32>], vector<16xf32>,
      tpu.vector_store_idx %arg5[%shift_right_logical3A_46], %broadcast_in_dim3A_8 {add = true} : memref<10240xf32, #tpu.memory_space<vmem>>[vector<16xi32>], vector<16xf32>,
      tpu.vector_store_idx %arg5[%shift_right_logical3A_57], %broadcast_in_dim3A_8 {add = true} : memref<10240xf32, #tpu.memory_space<vmem>>[vector<16xi32>], vector<16xf32>,
      tpu.vector_store_idx %arg5[%shift_right_logical3A_68], %broadcast_in_dim3A_8 {add = true} : memref<10240xf32, #tpu.memory_space<vmem>>[vector<16xi32>], vector<16xf32>,
      tpu.vector_store_idx %arg5[%shift_right_logical3A_79], %broadcast_in_dim3A_8 {add = true} : memref<10240xf32, #tpu.memory_space<vmem>>[vector<16xi32>], vector<16xf32>,
      tpu.vector_store_idx %arg5[%shift_right_logical3A_90], %broadcast_in_dim3A_8 {add = true} : memref<10240xf32, #tpu.memory_space<vmem>>[vector<16xi32>], vector<16xf32>,
      tpu.vector_store_idx %arg5[%shift_right_logical3A_101], %broadcast_in_dim3A_8 {add = true} : memref<10240xf32, #tpu.memory_space<vmem>>[vector<16xi32>], vector<16xf32>,
    }
    %scan3A_14 = arith.constant 78 : i32
    "tpu.region"() ({
      %run_scoped3A = tpu.sem_alloc : memref<!tpu.dma_semaphore, #tpu.memory_space<semaphore_mem>>
      %dma_start3A = arith.constant 0 : i32
      %dma_start3A_15 = tpu.memref_slice %arg3[%add3A, %dma_start3A] : memref<32x10240xf32, #tpu.memory_space<hbm>> -> memref<1x10240xf32, #tpu.memory_space<hbm>>
      %dma_start3A_16 = tpu.memref_squeeze %dma_start3A_15 : memref<1x10240xf32, #tpu.memory_space<hbm>> -> memref<10240xf32, #tpu.memory_space<hbm>>
      %dma_start3A_17 = arith.constant 0 : i32
      %dma_start3A_18 = tpu.memref_slice %arg3[%add3A, %dma_start3A_17] : memref<32x10240xf32, #tpu.memory_space<hbm>> -> memref<1x10240xf32, #tpu.memory_space<hbm>>
      %dma_start3A_19 = tpu.memref_squeeze %dma_start3A_18 : memref<1x10240xf32, #tpu.memory_space<hbm>> -> memref<10240xf32, #tpu.memory_space<hbm>>
      tpu.enqueue_dma source(%arg5 : memref<10240xf32, #tpu.memory_space<vmem>>) target(%dma_start3A_19 : memref<10240xf32, #tpu.memory_space<hbm>>) target_semaphore(%run_scoped3A : memref<!tpu.dma_semaphore, #tpu.memory_space<semaphore_mem>>)
      %dma_wait3A = arith.constant 0 : i32
      %dma_wait3A_20 = tpu.memref_slice %arg3[%add3A, %dma_wait3A] : memref<32x10240xf32, #tpu.memory_space<hbm>> -> memref<1x10240xf32, #tpu.memory_space<hbm>>
      %dma_wait3A_21 = tpu.memref_squeeze %dma_wait3A_20 : memref<1x10240xf32, #tpu.memory_space<hbm>> -> memref<10240xf32, #tpu.memory_space<hbm>>
      %dma_wait3A_22 = arith.constant 0 : i32
      %dma_wait3A_23 = tpu.memref_slice %arg3[%add3A, %dma_wait3A_22] : memref<32x10240xf32, #tpu.memory_space<hbm>> -> memref<1x10240xf32, #tpu.memory_space<hbm>>
      %dma_wait3A_24 = tpu.memref_squeeze %dma_wait3A_23 : memref<1x10240xf32, #tpu.memory_space<hbm>> -> memref<10240xf32, #tpu.memory_space<hbm>>
      tpu.wait_dma2 semaphore(%run_scoped3A : memref<!tpu.dma_semaphore, #tpu.memory_space<semaphore_mem>>) src(%arg5 : memref<10240xf32, #tpu.memory_space<vmem>>) dst(%dma_wait3A_24 : memref<10240xf32, #tpu.memory_space<hbm>>)
      tpu.yield
    }) : () -> ()
    return
  }
}

#map = affine_map<(d0, d1) -> (0)>
#map1 = affine_map<(d0, d1) -> (0, 0)>
module attributes {stable_mosaic.version = 14 : i64} {
  func.func @_edge_body(%arg0: i32, %arg1: i32, %arg2: memref<320000xi32, #tpu.memory_space<hbm>>, %arg3: memref<32x10240xi32, #tpu.memory_space<hbm>>, %arg4: memref<64x10240xf32, #tpu.memory_space<hbm>>, %arg5: memref<10240xi32, #tpu.memory_space<vmem>>, %arg6: memref<2x10240xf32, #tpu.memory_space<vmem>>, %arg7: memref<6400xi32, #tpu.memory_space<vmem>>, %arg8: memref<6400xi32, #tpu.memory_space<vmem>>, %arg9: memref<!tpu.dma_semaphore, #tpu.memory_space<semaphore_mem>>, %arg10: memref<!tpu.dma_semaphore, #tpu.memory_space<semaphore_mem>>) attributes {dimension_semantics = [#tpu.dimension_semantics<core_parallel>, #tpu.dimension_semantics<subcore_parallel>], iteration_bounds = array<i64: 2, 16>, scalar_prefetch = 0 : i64, scratch_operands = 6 : i64, tpu.core_type = #tpu.core_type<sc_vector_subcore>, window_params = [{transform_indices = #map}, {transform_indices = #map1}, {transform_indices = #map1}]} {
    %mul3A = arith.constant 16 : i32
    %mul3A_0 = arith.muli %arg0, %mul3A : i32
    %add3A = arith.addi %mul3A_0, %arg1 : i32
    "tpu.region"() ({
      %run_scoped3A_25 = tpu.sem_alloc : memref<!tpu.dma_semaphore, #tpu.memory_space<semaphore_mem>>
      %dma_start3A_26 = arith.constant 0 : i32
      %dma_start3A_27 = tpu.memref_slice %arg3[%add3A, %dma_start3A_26] : memref<32x10240xi32, #tpu.memory_space<hbm>> -> memref<1x10240xi32, #tpu.memory_space<hbm>>
      %dma_start3A_28 = tpu.memref_squeeze %dma_start3A_27 : memref<1x10240xi32, #tpu.memory_space<hbm>> -> memref<10240xi32, #tpu.memory_space<hbm>>
      %dma_start3A_29 = arith.constant 0 : i32
      %dma_start3A_30 = tpu.memref_slice %arg3[%add3A, %dma_start3A_29] : memref<32x10240xi32, #tpu.memory_space<hbm>> -> memref<1x10240xi32, #tpu.memory_space<hbm>>
      %dma_start3A_31 = tpu.memref_squeeze %dma_start3A_30 : memref<1x10240xi32, #tpu.memory_space<hbm>> -> memref<10240xi32, #tpu.memory_space<hbm>>
      tpu.enqueue_dma source(%dma_start3A_31 : memref<10240xi32, #tpu.memory_space<hbm>>) target(%arg5 : memref<10240xi32, #tpu.memory_space<vmem>>) target_semaphore(%run_scoped3A_25 : memref<!tpu.dma_semaphore, #tpu.memory_space<semaphore_mem>>)
      %dma_wait3A = arith.constant 0 : i32
      %dma_wait3A_32 = tpu.memref_slice %arg3[%add3A, %dma_wait3A] : memref<32x10240xi32, #tpu.memory_space<hbm>> -> memref<1x10240xi32, #tpu.memory_space<hbm>>
      %dma_wait3A_33 = tpu.memref_squeeze %dma_wait3A_32 : memref<1x10240xi32, #tpu.memory_space<hbm>> -> memref<10240xi32, #tpu.memory_space<hbm>>
      %dma_wait3A_34 = arith.constant 0 : i32
      %dma_wait3A_35 = tpu.memref_slice %arg3[%add3A, %dma_wait3A_34] : memref<32x10240xi32, #tpu.memory_space<hbm>> -> memref<1x10240xi32, #tpu.memory_space<hbm>>
      %dma_wait3A_36 = tpu.memref_squeeze %dma_wait3A_35 : memref<1x10240xi32, #tpu.memory_space<hbm>> -> memref<10240xi32, #tpu.memory_space<hbm>>
      tpu.wait_dma2 semaphore(%run_scoped3A_25 : memref<!tpu.dma_semaphore, #tpu.memory_space<semaphore_mem>>) src(%dma_wait3A_36 : memref<10240xi32, #tpu.memory_space<hbm>>) dst(%arg5 : memref<10240xi32, #tpu.memory_space<vmem>>)
      tpu.yield
    }) : () -> ()
    %scan3A = arith.constant 0 : i32
    %scan3A_1 = arith.constant 0 : i32
    %scan3A_2 = arith.constant 640 : i32
    %scan3A_3 = arith.addi %scan3A_1, %scan3A_2 : i32
    %scan3A_4 = arith.constant 1 : i32
    scf.for %scan3A_25 = %scan3A_1 to %scan3A_3 step %scan3A_4  : i32 {
      %broadcast_in_dim3A_26 = arith.constant 0.000000e+00 : f32
      %broadcast_in_dim3A_27 = vector.broadcast %broadcast_in_dim3A_26 : f32 to vector<16xf32>
      %mul3A_28 = arith.constant 16 : i32
      %mul3A_29 = arith.muli %scan3A_25, %mul3A_28 : i32
      %swap3A = arith.constant 0 : i32
      %swap3A_30 = arith.index_cast %swap3A : i32 to index
      %swap3A_31 = arith.index_cast %mul3A_29 : i32 to index
      %swap3A_32 = tpu.vector_load %arg6[%swap3A_30, %swap3A_31] {strides = array<i32>} : memref<2x10240xf32, #tpu.memory_space<vmem>>, vector<16xf32>,
      tpu.vector_store %arg6[%swap3A_30, %swap3A_31], %broadcast_in_dim3A_27 {strides = array<i32>} : memref<2x10240xf32, #tpu.memory_space<vmem>>, vector<16xf32>,
      %broadcast_in_dim3A_33 = arith.constant 0.000000e+00 : f32
      %broadcast_in_dim3A_34 = vector.broadcast %broadcast_in_dim3A_33 : f32 to vector<16xf32>
      %mul3A_35 = arith.constant 16 : i32
      %mul3A_36 = arith.muli %scan3A_25, %mul3A_35 : i32
      %swap3A_37 = arith.constant 1 : i32
      %swap3A_38 = arith.index_cast %swap3A_37 : i32 to index
      %swap3A_39 = arith.index_cast %mul3A_36 : i32 to index
      %swap3A_40 = tpu.vector_load %arg6[%swap3A_38, %swap3A_39] {strides = array<i32>} : memref<2x10240xf32, #tpu.memory_space<vmem>>, vector<16xf32>,
      tpu.vector_store %arg6[%swap3A_38, %swap3A_39], %broadcast_in_dim3A_34 {strides = array<i32>} : memref<2x10240xf32, #tpu.memory_space<vmem>>, vector<16xf32>,
    }
    %scan3A_5 = arith.constant 640 : i32
    %dma_start3A = arith.constant 0 : i32
    %dma_start3A_6 = tpu.memref_slice %arg2[%dma_start3A] : memref<320000xi32, #tpu.memory_space<hbm>> -> memref<6400xi32, #tpu.memory_space<hbm>>
    %dma_start3A_7 = arith.constant 0 : i32
    %dma_start3A_8 = tpu.memref_slice %arg2[%dma_start3A_7] : memref<320000xi32, #tpu.memory_space<hbm>> -> memref<6400xi32, #tpu.memory_space<hbm>>
    tpu.enqueue_dma source(%dma_start3A_8 : memref<6400xi32, #tpu.memory_space<hbm>>) target(%arg7 : memref<6400xi32, #tpu.memory_space<vmem>>) target_semaphore(%arg9 : memref<!tpu.dma_semaphore, #tpu.memory_space<semaphore_mem>>)
    %broadcast_in_dim3A = arith.constant 0 : i32
    %broadcast_in_dim3A_9 = vector.broadcast %broadcast_in_dim3A : i32 to vector<16xi32>
    %broadcast_in_dim3A_10 = arith.constant 1 : i32
    %broadcast_in_dim3A_11 = vector.broadcast %broadcast_in_dim3A_10 : i32 to vector<16xi32>
    %broadcast_in_dim3A_12 = arith.constant 16383 : i32
    %broadcast_in_dim3A_13 = vector.broadcast %broadcast_in_dim3A_12 : i32 to vector<16xi32>
    %broadcast_in_dim3A_14 = arith.constant -65536 : i32
    %broadcast_in_dim3A_15 = vector.broadcast %broadcast_in_dim3A_14 : i32 to vector<16xi32>
    %scan3A_16 = arith.constant 0 : i32
    %scan3A_17 = arith.constant 0 : i32
    %scan3A_18 = arith.constant 25 : i32
    %scan3A_19 = arith.addi %scan3A_17, %scan3A_18 : i32
    %scan3A_20 = arith.constant 1 : i32
    scf.for %scan3A_25 = %scan3A_17 to %scan3A_19 step %scan3A_20  : i32 {
      %mul3A_26 = arith.constant 2 : i32
      %mul3A_27 = arith.muli %scan3A_25, %mul3A_26 : i32
      %add3A_28 = arith.constant 0 : i32
      %add3A_29 = arith.addi %mul3A_27, %add3A_28 : i32
      %dma_wait3A = arith.constant 0 : i32
      %dma_wait3A_30 = tpu.memref_slice %arg2[%dma_wait3A] : memref<320000xi32, #tpu.memory_space<hbm>> -> memref<6400xi32, #tpu.memory_space<hbm>>
      %dma_wait3A_31 = arith.constant 0 : i32
      %dma_wait3A_32 = tpu.memref_slice %arg2[%dma_wait3A_31] : memref<320000xi32, #tpu.memory_space<hbm>> -> memref<6400xi32, #tpu.memory_space<hbm>>
      tpu.wait_dma2 semaphore(%arg9 : memref<!tpu.dma_semaphore, #tpu.memory_space<semaphore_mem>>) src(%dma_wait3A_32 : memref<6400xi32, #tpu.memory_space<hbm>>) dst(%arg7 : memref<6400xi32, #tpu.memory_space<vmem>>)
      %add3A_33 = arith.constant 1 : i32
      %add3A_34 = arith.addi %add3A_29, %add3A_33 : i32
      %mul3A_35 = arith.constant 6400 : i32
      %mul3A_36 = arith.muli %add3A_34, %mul3A_35 : i32
      %min3A = arith.constant 313600 : i32
      %min3A_37 = arith.minsi %mul3A_36, %min3A : i32
      %add3A_38 = arith.constant 1 : i32
      %add3A_39 = arith.addi %add3A_29, %add3A_38 : i32
      %lt3A = arith.constant 50 : i32
      %lt3A_40 = arith.cmpi slt, %add3A_39, %lt3A : i32
      %convert_element_type3A = arith.extui %lt3A_40 : i1 to i32
      %cond3A = arith.constant 0 : i32
      %cond3A_41 = arith.cmpi ne, %convert_element_type3A, %cond3A : i32
      scf.if %cond3A_41 {
        %dma_start3A_75 = tpu.memref_slice %arg2[%min3A_37] : memref<320000xi32, #tpu.memory_space<hbm>> -> memref<6400xi32, #tpu.memory_space<hbm>>
        %dma_start3A_76 = tpu.memref_slice %arg2[%min3A_37] : memref<320000xi32, #tpu.memory_space<hbm>> -> memref<6400xi32, #tpu.memory_space<hbm>>
        tpu.enqueue_dma source(%dma_start3A_76 : memref<6400xi32, #tpu.memory_space<hbm>>) target(%arg8 : memref<6400xi32, #tpu.memory_space<vmem>>) target_semaphore(%arg10 : memref<!tpu.dma_semaphore, #tpu.memory_space<semaphore_mem>>)
      } else {
      }
      %scan3A_42 = arith.constant 0 : i32
      %scan3A_43 = arith.constant 0 : i32
      %scan3A_44 = arith.constant 25 : i32
      %scan3A_45 = arith.addi %scan3A_43, %scan3A_44 : i32
      %scan3A_46 = arith.constant 1 : i32
      scf.for %scan3A_75 = %scan3A_43 to %scan3A_45 step %scan3A_46  : i32 {
        %mul3A_76 = arith.constant 16 : i32
        %mul3A_77 = arith.muli %scan3A_75, %mul3A_76 : i32
        %add3A_78 = arith.constant 0 : i32
        %add3A_79 = arith.addi %mul3A_77, %add3A_78 : i32
        %mul3A_80 = arith.constant 16 : i32
        %mul3A_81 = arith.muli %add3A_79, %mul3A_80 : i32
        %get3A = arith.index_cast %mul3A_81 : i32 to index
        %get3A_82 = tpu.vector_load %arg7[%get3A] {strides = array<i32>} : memref<6400xi32, #tpu.memory_space<vmem>>, vector<16xi32>,
        %and3A = arith.andi %get3A_82, %broadcast_in_dim3A_13 : vector<16xi32>
        %shift_right_logical3A = arith.constant 14 : i32
        %shift_right_logical3A_83 = vector.broadcast %shift_right_logical3A : i32 to vector<16xi32>
        %shift_right_logical3A_84 = arith.shrui %get3A_82, %shift_right_logical3A_83 : vector<16xi32>
        %gather3A = tpu.vector_load_idx %arg5[%and3A] : memref<10240xi32, #tpu.memory_space<vmem>>[vector<16xi32>], vector<16xi32>,
        %shift_left3A = arith.constant 16 : i32
        %shift_left3A_85 = vector.broadcast %shift_left3A : i32 to vector<16xi32>
        %shift_left3A_86 = arith.shli %gather3A, %shift_left3A_85 : vector<16xi32>
        %bitcast3A = vector.bitcast %shift_left3A_86 : vector<16xi32> to vector<16xf32>
        %and3A_87 = arith.andi %gather3A, %broadcast_in_dim3A_15 : vector<16xi32>
        %bitcast3A_88 = vector.bitcast %and3A_87 : vector<16xi32> to vector<16xf32>
        %mul3A_89 = arith.constant 16 : i32
        %mul3A_90 = arith.muli %scan3A_75, %mul3A_89 : i32
        %add3A_91 = arith.constant 1 : i32
        %add3A_92 = arith.addi %mul3A_90, %add3A_91 : i32
        %mul3A_93 = arith.constant 16 : i32
        %mul3A_94 = arith.muli %add3A_92, %mul3A_93 : i32
        %get3A_95 = arith.index_cast %mul3A_94 : i32 to index
        %get3A_96 = tpu.vector_load %arg7[%get3A_95] {strides = array<i32>} : memref<6400xi32, #tpu.memory_space<vmem>>, vector<16xi32>,
        %and3A_97 = arith.andi %get3A_96, %broadcast_in_dim3A_13 : vector<16xi32>
        %shift_right_logical3A_98 = arith.constant 14 : i32
        %shift_right_logical3A_99 = vector.broadcast %shift_right_logical3A_98 : i32 to vector<16xi32>
        %shift_right_logical3A_100 = arith.shrui %get3A_96, %shift_right_logical3A_99 : vector<16xi32>
        %gather3A_101 = tpu.vector_load_idx %arg5[%and3A_97] : memref<10240xi32, #tpu.memory_space<vmem>>[vector<16xi32>], vector<16xi32>,
        %shift_left3A_102 = arith.constant 16 : i32
        %shift_left3A_103 = vector.broadcast %shift_left3A_102 : i32 to vector<16xi32>
        %shift_left3A_104 = arith.shli %gather3A_101, %shift_left3A_103 : vector<16xi32>
        %bitcast3A_105 = vector.bitcast %shift_left3A_104 : vector<16xi32> to vector<16xf32>
        %and3A_106 = arith.andi %gather3A_101, %broadcast_in_dim3A_15 : vector<16xi32>
        %bitcast3A_107 = vector.bitcast %and3A_106 : vector<16xi32> to vector<16xf32>
        %mul3A_108 = arith.constant 16 : i32
        %mul3A_109 = arith.muli %scan3A_75, %mul3A_108 : i32
        %add3A_110 = arith.constant 2 : i32
        %add3A_111 = arith.addi %mul3A_109, %add3A_110 : i32
        %mul3A_112 = arith.constant 16 : i32
        %mul3A_113 = arith.muli %add3A_111, %mul3A_112 : i32
        %get3A_114 = arith.index_cast %mul3A_113 : i32 to index
        %get3A_115 = tpu.vector_load %arg7[%get3A_114] {strides = array<i32>} : memref<6400xi32, #tpu.memory_space<vmem>>, vector<16xi32>,
        %and3A_116 = arith.andi %get3A_115, %broadcast_in_dim3A_13 : vector<16xi32>
        %shift_right_logical3A_117 = arith.constant 14 : i32
        %shift_right_logical3A_118 = vector.broadcast %shift_right_logical3A_117 : i32 to vector<16xi32>
        %shift_right_logical3A_119 = arith.shrui %get3A_115, %shift_right_logical3A_118 : vector<16xi32>
        %gather3A_120 = tpu.vector_load_idx %arg5[%and3A_116] : memref<10240xi32, #tpu.memory_space<vmem>>[vector<16xi32>], vector<16xi32>,
        %shift_left3A_121 = arith.constant 16 : i32
        %shift_left3A_122 = vector.broadcast %shift_left3A_121 : i32 to vector<16xi32>
        %shift_left3A_123 = arith.shli %gather3A_120, %shift_left3A_122 : vector<16xi32>
        %bitcast3A_124 = vector.bitcast %shift_left3A_123 : vector<16xi32> to vector<16xf32>
        %and3A_125 = arith.andi %gather3A_120, %broadcast_in_dim3A_15 : vector<16xi32>
        %bitcast3A_126 = vector.bitcast %and3A_125 : vector<16xi32> to vector<16xf32>
        %mul3A_127 = arith.constant 16 : i32
        %mul3A_128 = arith.muli %scan3A_75, %mul3A_127 : i32
        %add3A_129 = arith.constant 3 : i32
        %add3A_130 = arith.addi %mul3A_128, %add3A_129 : i32
        %mul3A_131 = arith.constant 16 : i32
        %mul3A_132 = arith.muli %add3A_130, %mul3A_131 : i32
        %get3A_133 = arith.index_cast %mul3A_132 : i32 to index
        %get3A_134 = tpu.vector_load %arg7[%get3A_133] {strides = array<i32>} : memref<6400xi32, #tpu.memory_space<vmem>>, vector<16xi32>,
        %and3A_135 = arith.andi %get3A_134, %broadcast_in_dim3A_13 : vector<16xi32>
        %shift_right_logical3A_136 = arith.constant 14 : i32
        %shift_right_logical3A_137 = vector.broadcast %shift_right_logical3A_136 : i32 to vector<16xi32>
        %shift_right_logical3A_138 = arith.shrui %get3A_134, %shift_right_logical3A_137 : vector<16xi32>
        %gather3A_139 = tpu.vector_load_idx %arg5[%and3A_135] : memref<10240xi32, #tpu.memory_space<vmem>>[vector<16xi32>], vector<16xi32>,
        %shift_left3A_140 = arith.constant 16 : i32
        %shift_left3A_141 = vector.broadcast %shift_left3A_140 : i32 to vector<16xi32>
        %shift_left3A_142 = arith.shli %gather3A_139, %shift_left3A_141 : vector<16xi32>
        %bitcast3A_143 = vector.bitcast %shift_left3A_142 : vector<16xi32> to vector<16xf32>
        %and3A_144 = arith.andi %gather3A_139, %broadcast_in_dim3A_15 : vector<16xi32>
        %bitcast3A_145 = vector.bitcast %and3A_144 : vector<16xi32> to vector<16xf32>
        %mul3A_146 = arith.constant 16 : i32
        %mul3A_147 = arith.muli %scan3A_75, %mul3A_146 : i32
        %add3A_148 = arith.constant 4 : i32
        %add3A_149 = arith.addi %mul3A_147, %add3A_148 : i32
        %mul3A_150 = arith.constant 16 : i32
        %mul3A_151 = arith.muli %add3A_149, %mul3A_150 : i32
        %get3A_152 = arith.index_cast %mul3A_151 : i32 to index
        %get3A_153 = tpu.vector_load %arg7[%get3A_152] {strides = array<i32>} : memref<6400xi32, #tpu.memory_space<vmem>>, vector<16xi32>,
        %and3A_154 = arith.andi %get3A_153, %broadcast_in_dim3A_13 : vector<16xi32>
        %shift_right_logical3A_155 = arith.constant 14 : i32
        %shift_right_logical3A_156 = vector.broadcast %shift_right_logical3A_155 : i32 to vector<16xi32>
        %shift_right_logical3A_157 = arith.shrui %get3A_153, %shift_right_logical3A_156 : vector<16xi32>
        %gather3A_158 = tpu.vector_load_idx %arg5[%and3A_154] : memref<10240xi32, #tpu.memory_space<vmem>>[vector<16xi32>], vector<16xi32>,
        %shift_left3A_159 = arith.constant 16 : i32
        %shift_left3A_160 = vector.broadcast %shift_left3A_159 : i32 to vector<16xi32>
        %shift_left3A_161 = arith.shli %gather3A_158, %shift_left3A_160 : vector<16xi32>
        %bitcast3A_162 = vector.bitcast %shift_left3A_161 : vector<16xi32> to vector<16xf32>
        %and3A_163 = arith.andi %gather3A_158, %broadcast_in_dim3A_15 : vector<16xi32>
        %bitcast3A_164 = vector.bitcast %and3A_163 : vector<16xi32> to vector<16xf32>
        %mul3A_165 = arith.constant 16 : i32
        %mul3A_166 = arith.muli %scan3A_75, %mul3A_165 : i32
        %add3A_167 = arith.constant 5 : i32
        %add3A_168 = arith.addi %mul3A_166, %add3A_167 : i32
        %mul3A_169 = arith.constant 16 : i32
        %mul3A_170 = arith.muli %add3A_168, %mul3A_169 : i32
        %get3A_171 = arith.index_cast %mul3A_170 : i32 to index
        %get3A_172 = tpu.vector_load %arg7[%get3A_171] {strides = array<i32>} : memref<6400xi32, #tpu.memory_space<vmem>>, vector<16xi32>,
        %and3A_173 = arith.andi %get3A_172, %broadcast_in_dim3A_13 : vector<16xi32>
        %shift_right_logical3A_174 = arith.constant 14 : i32
        %shift_right_logical3A_175 = vector.broadcast %shift_right_logical3A_174 : i32 to vector<16xi32>
        %shift_right_logical3A_176 = arith.shrui %get3A_172, %shift_right_logical3A_175 : vector<16xi32>
        %gather3A_177 = tpu.vector_load_idx %arg5[%and3A_173] : memref<10240xi32, #tpu.memory_space<vmem>>[vector<16xi32>], vector<16xi32>,
        %shift_left3A_178 = arith.constant 16 : i32
        %shift_left3A_179 = vector.broadcast %shift_left3A_178 : i32 to vector<16xi32>
        %shift_left3A_180 = arith.shli %gather3A_177, %shift_left3A_179 : vector<16xi32>
        %bitcast3A_181 = vector.bitcast %shift_left3A_180 : vector<16xi32> to vector<16xf32>
        %and3A_182 = arith.andi %gather3A_177, %broadcast_in_dim3A_15 : vector<16xi32>
        %bitcast3A_183 = vector.bitcast %and3A_182 : vector<16xi32> to vector<16xf32>
        %mul3A_184 = arith.constant 16 : i32
        %mul3A_185 = arith.muli %scan3A_75, %mul3A_184 : i32
        %add3A_186 = arith.constant 6 : i32
        %add3A_187 = arith.addi %mul3A_185, %add3A_186 : i32
        %mul3A_188 = arith.constant 16 : i32
        %mul3A_189 = arith.muli %add3A_187, %mul3A_188 : i32
        %get3A_190 = arith.index_cast %mul3A_189 : i32 to index
        %get3A_191 = tpu.vector_load %arg7[%get3A_190] {strides = array<i32>} : memref<6400xi32, #tpu.memory_space<vmem>>, vector<16xi32>,
        %and3A_192 = arith.andi %get3A_191, %broadcast_in_dim3A_13 : vector<16xi32>
        %shift_right_logical3A_193 = arith.constant 14 : i32
        %shift_right_logical3A_194 = vector.broadcast %shift_right_logical3A_193 : i32 to vector<16xi32>
        %shift_right_logical3A_195 = arith.shrui %get3A_191, %shift_right_logical3A_194 : vector<16xi32>
        %gather3A_196 = tpu.vector_load_idx %arg5[%and3A_192] : memref<10240xi32, #tpu.memory_space<vmem>>[vector<16xi32>], vector<16xi32>,
        %shift_left3A_197 = arith.constant 16 : i32
        %shift_left3A_198 = vector.broadcast %shift_left3A_197 : i32 to vector<16xi32>
        %shift_left3A_199 = arith.shli %gather3A_196, %shift_left3A_198 : vector<16xi32>
        %bitcast3A_200 = vector.bitcast %shift_left3A_199 : vector<16xi32> to vector<16xf32>
        %and3A_201 = arith.andi %gather3A_196, %broadcast_in_dim3A_15 : vector<16xi32>
        %bitcast3A_202 = vector.bitcast %and3A_201 : vector<16xi32> to vector<16xf32>
        %mul3A_203 = arith.constant 16 : i32
        %mul3A_204 = arith.muli %scan3A_75, %mul3A_203 : i32
        %add3A_205 = arith.constant 7 : i32
        %add3A_206 = arith.addi %mul3A_204, %add3A_205 : i32
        %mul3A_207 = arith.constant 16 : i32
        %mul3A_208 = arith.muli %add3A_206, %mul3A_207 : i32
        %get3A_209 = arith.index_cast %mul3A_208 : i32 to index
        %get3A_210 = tpu.vector_load %arg7[%get3A_209] {strides = array<i32>} : memref<6400xi32, #tpu.memory_space<vmem>>, vector<16xi32>,
        %and3A_211 = arith.andi %get3A_210, %broadcast_in_dim3A_13 : vector<16xi32>
        %shift_right_logical3A_212 = arith.constant 14 : i32
        %shift_right_logical3A_213 = vector.broadcast %shift_right_logical3A_212 : i32 to vector<16xi32>
        %shift_right_logical3A_214 = arith.shrui %get3A_210, %shift_right_logical3A_213 : vector<16xi32>
        %gather3A_215 = tpu.vector_load_idx %arg5[%and3A_211] : memref<10240xi32, #tpu.memory_space<vmem>>[vector<16xi32>], vector<16xi32>,
        %shift_left3A_216 = arith.constant 16 : i32
        %shift_left3A_217 = vector.broadcast %shift_left3A_216 : i32 to vector<16xi32>
        %shift_left3A_218 = arith.shli %gather3A_215, %shift_left3A_217 : vector<16xi32>
        %bitcast3A_219 = vector.bitcast %shift_left3A_218 : vector<16xi32> to vector<16xf32>
        %and3A_220 = arith.andi %gather3A_215, %broadcast_in_dim3A_15 : vector<16xi32>
        %bitcast3A_221 = vector.bitcast %and3A_220 : vector<16xi32> to vector<16xf32>
        %mul3A_222 = arith.constant 16 : i32
        %mul3A_223 = arith.muli %scan3A_75, %mul3A_222 : i32
        %add3A_224 = arith.constant 8 : i32
        %add3A_225 = arith.addi %mul3A_223, %add3A_224 : i32
        %mul3A_226 = arith.constant 16 : i32
        %mul3A_227 = arith.muli %add3A_225, %mul3A_226 : i32
        %get3A_228 = arith.index_cast %mul3A_227 : i32 to index
        %get3A_229 = tpu.vector_load %arg7[%get3A_228] {strides = array<i32>} : memref<6400xi32, #tpu.memory_space<vmem>>, vector<16xi32>,
        %and3A_230 = arith.andi %get3A_229, %broadcast_in_dim3A_13 : vector<16xi32>
        %shift_right_logical3A_231 = arith.constant 14 : i32
        %shift_right_logical3A_232 = vector.broadcast %shift_right_logical3A_231 : i32 to vector<16xi32>
        %shift_right_logical3A_233 = arith.shrui %get3A_229, %shift_right_logical3A_232 : vector<16xi32>
        %gather3A_234 = tpu.vector_load_idx %arg5[%and3A_230] : memref<10240xi32, #tpu.memory_space<vmem>>[vector<16xi32>], vector<16xi32>,
        %shift_left3A_235 = arith.constant 16 : i32
        %shift_left3A_236 = vector.broadcast %shift_left3A_235 : i32 to vector<16xi32>
        %shift_left3A_237 = arith.shli %gather3A_234, %shift_left3A_236 : vector<16xi32>
        %bitcast3A_238 = vector.bitcast %shift_left3A_237 : vector<16xi32> to vector<16xf32>
        %and3A_239 = arith.andi %gather3A_234, %broadcast_in_dim3A_15 : vector<16xi32>
        %bitcast3A_240 = vector.bitcast %and3A_239 : vector<16xi32> to vector<16xf32>
        %mul3A_241 = arith.constant 16 : i32
        %mul3A_242 = arith.muli %scan3A_75, %mul3A_241 : i32
        %add3A_243 = arith.constant 9 : i32
        %add3A_244 = arith.addi %mul3A_242, %add3A_243 : i32
        %mul3A_245 = arith.constant 16 : i32
        %mul3A_246 = arith.muli %add3A_244, %mul3A_245 : i32
        %get3A_247 = arith.index_cast %mul3A_246 : i32 to index
        %get3A_248 = tpu.vector_load %arg7[%get3A_247] {strides = array<i32>} : memref<6400xi32, #tpu.memory_space<vmem>>, vector<16xi32>,
        %and3A_249 = arith.andi %get3A_248, %broadcast_in_dim3A_13 : vector<16xi32>
        %shift_right_logical3A_250 = arith.constant 14 : i32
        %shift_right_logical3A_251 = vector.broadcast %shift_right_logical3A_250 : i32 to vector<16xi32>
        %shift_right_logical3A_252 = arith.shrui %get3A_248, %shift_right_logical3A_251 : vector<16xi32>
        %gather3A_253 = tpu.vector_load_idx %arg5[%and3A_249] : memref<10240xi32, #tpu.memory_space<vmem>>[vector<16xi32>], vector<16xi32>,
        %shift_left3A_254 = arith.constant 16 : i32
        %shift_left3A_255 = vector.broadcast %shift_left3A_254 : i32 to vector<16xi32>
        %shift_left3A_256 = arith.shli %gather3A_253, %shift_left3A_255 : vector<16xi32>
        %bitcast3A_257 = vector.bitcast %shift_left3A_256 : vector<16xi32> to vector<16xf32>
        %and3A_258 = arith.andi %gather3A_253, %broadcast_in_dim3A_15 : vector<16xi32>
        %bitcast3A_259 = vector.bitcast %and3A_258 : vector<16xi32> to vector<16xf32>
        %mul3A_260 = arith.constant 16 : i32
        %mul3A_261 = arith.muli %scan3A_75, %mul3A_260 : i32
        %add3A_262 = arith.constant 10 : i32
        %add3A_263 = arith.addi %mul3A_261, %add3A_262 : i32
        %mul3A_264 = arith.constant 16 : i32
        %mul3A_265 = arith.muli %add3A_263, %mul3A_264 : i32
        %get3A_266 = arith.index_cast %mul3A_265 : i32 to index
        %get3A_267 = tpu.vector_load %arg7[%get3A_266] {strides = array<i32>} : memref<6400xi32, #tpu.memory_space<vmem>>, vector<16xi32>,
        %and3A_268 = arith.andi %get3A_267, %broadcast_in_dim3A_13 : vector<16xi32>
        %shift_right_logical3A_269 = arith.constant 14 : i32
        %shift_right_logical3A_270 = vector.broadcast %shift_right_logical3A_269 : i32 to vector<16xi32>
        %shift_right_logical3A_271 = arith.shrui %get3A_267, %shift_right_logical3A_270 : vector<16xi32>
        %gather3A_272 = tpu.vector_load_idx %arg5[%and3A_268] : memref<10240xi32, #tpu.memory_space<vmem>>[vector<16xi32>], vector<16xi32>,
        %shift_left3A_273 = arith.constant 16 : i32
        %shift_left3A_274 = vector.broadcast %shift_left3A_273 : i32 to vector<16xi32>
        %shift_left3A_275 = arith.shli %gather3A_272, %shift_left3A_274 : vector<16xi32>
        %bitcast3A_276 = vector.bitcast %shift_left3A_275 : vector<16xi32> to vector<16xf32>
        %and3A_277 = arith.andi %gather3A_272, %broadcast_in_dim3A_15 : vector<16xi32>
        %bitcast3A_278 = vector.bitcast %and3A_277 : vector<16xi32> to vector<16xf32>
        %mul3A_279 = arith.constant 16 : i32
        %mul3A_280 = arith.muli %scan3A_75, %mul3A_279 : i32
        %add3A_281 = arith.constant 11 : i32
        %add3A_282 = arith.addi %mul3A_280, %add3A_281 : i32
        %mul3A_283 = arith.constant 16 : i32
        %mul3A_284 = arith.muli %add3A_282, %mul3A_283 : i32
        %get3A_285 = arith.index_cast %mul3A_284 : i32 to index
        %get3A_286 = tpu.vector_load %arg7[%get3A_285] {strides = array<i32>} : memref<6400xi32, #tpu.memory_space<vmem>>, vector<16xi32>,
        %and3A_287 = arith.andi %get3A_286, %broadcast_in_dim3A_13 : vector<16xi32>
        %shift_right_logical3A_288 = arith.constant 14 : i32
        %shift_right_logical3A_289 = vector.broadcast %shift_right_logical3A_288 : i32 to vector<16xi32>
        %shift_right_logical3A_290 = arith.shrui %get3A_286, %shift_right_logical3A_289 : vector<16xi32>
        %gather3A_291 = tpu.vector_load_idx %arg5[%and3A_287] : memref<10240xi32, #tpu.memory_space<vmem>>[vector<16xi32>], vector<16xi32>,
        %shift_left3A_292 = arith.constant 16 : i32
        %shift_left3A_293 = vector.broadcast %shift_left3A_292 : i32 to vector<16xi32>
        %shift_left3A_294 = arith.shli %gather3A_291, %shift_left3A_293 : vector<16xi32>
        %bitcast3A_295 = vector.bitcast %shift_left3A_294 : vector<16xi32> to vector<16xf32>
        %and3A_296 = arith.andi %gather3A_291, %broadcast_in_dim3A_15 : vector<16xi32>
        %bitcast3A_297 = vector.bitcast %and3A_296 : vector<16xi32> to vector<16xf32>
        %mul3A_298 = arith.constant 16 : i32
        %mul3A_299 = arith.muli %scan3A_75, %mul3A_298 : i32
        %add3A_300 = arith.constant 12 : i32
        %add3A_301 = arith.addi %mul3A_299, %add3A_300 : i32
        %mul3A_302 = arith.constant 16 : i32
        %mul3A_303 = arith.muli %add3A_301, %mul3A_302 : i32
        %get3A_304 = arith.index_cast %mul3A_303 : i32 to index
        %get3A_305 = tpu.vector_load %arg7[%get3A_304] {strides = array<i32>} : memref<6400xi32, #tpu.memory_space<vmem>>, vector<16xi32>,
        %and3A_306 = arith.andi %get3A_305, %broadcast_in_dim3A_13 : vector<16xi32>
        %shift_right_logical3A_307 = arith.constant 14 : i32
        %shift_right_logical3A_308 = vector.broadcast %shift_right_logical3A_307 : i32 to vector<16xi32>
        %shift_right_logical3A_309 = arith.shrui %get3A_305, %shift_right_logical3A_308 : vector<16xi32>
        %gather3A_310 = tpu.vector_load_idx %arg5[%and3A_306] : memref<10240xi32, #tpu.memory_space<vmem>>[vector<16xi32>], vector<16xi32>,
        %shift_left3A_311 = arith.constant 16 : i32
        %shift_left3A_312 = vector.broadcast %shift_left3A_311 : i32 to vector<16xi32>
        %shift_left3A_313 = arith.shli %gather3A_310, %shift_left3A_312 : vector<16xi32>
        %bitcast3A_314 = vector.bitcast %shift_left3A_313 : vector<16xi32> to vector<16xf32>
        %and3A_315 = arith.andi %gather3A_310, %broadcast_in_dim3A_15 : vector<16xi32>
        %bitcast3A_316 = vector.bitcast %and3A_315 : vector<16xi32> to vector<16xf32>
        %mul3A_317 = arith.constant 16 : i32
        %mul3A_318 = arith.muli %scan3A_75, %mul3A_317 : i32
        %add3A_319 = arith.constant 13 : i32
        %add3A_320 = arith.addi %mul3A_318, %add3A_319 : i32
        %mul3A_321 = arith.constant 16 : i32
        %mul3A_322 = arith.muli %add3A_320, %mul3A_321 : i32
        %get3A_323 = arith.index_cast %mul3A_322 : i32 to index
        %get3A_324 = tpu.vector_load %arg7[%get3A_323] {strides = array<i32>} : memref<6400xi32, #tpu.memory_space<vmem>>, vector<16xi32>,
        %and3A_325 = arith.andi %get3A_324, %broadcast_in_dim3A_13 : vector<16xi32>
        %shift_right_logical3A_326 = arith.constant 14 : i32
        %shift_right_logical3A_327 = vector.broadcast %shift_right_logical3A_326 : i32 to vector<16xi32>
        %shift_right_logical3A_328 = arith.shrui %get3A_324, %shift_right_logical3A_327 : vector<16xi32>
        %gather3A_329 = tpu.vector_load_idx %arg5[%and3A_325] : memref<10240xi32, #tpu.memory_space<vmem>>[vector<16xi32>], vector<16xi32>,
        %shift_left3A_330 = arith.constant 16 : i32
        %shift_left3A_331 = vector.broadcast %shift_left3A_330 : i32 to vector<16xi32>
        %shift_left3A_332 = arith.shli %gather3A_329, %shift_left3A_331 : vector<16xi32>
        %bitcast3A_333 = vector.bitcast %shift_left3A_332 : vector<16xi32> to vector<16xf32>
        %and3A_334 = arith.andi %gather3A_329, %broadcast_in_dim3A_15 : vector<16xi32>
        %bitcast3A_335 = vector.bitcast %and3A_334 : vector<16xi32> to vector<16xf32>
        %mul3A_336 = arith.constant 16 : i32
        %mul3A_337 = arith.muli %scan3A_75, %mul3A_336 : i32
        %add3A_338 = arith.constant 14 : i32
        %add3A_339 = arith.addi %mul3A_337, %add3A_338 : i32
        %mul3A_340 = arith.constant 16 : i32
        %mul3A_341 = arith.muli %add3A_339, %mul3A_340 : i32
        %get3A_342 = arith.index_cast %mul3A_341 : i32 to index
        %get3A_343 = tpu.vector_load %arg7[%get3A_342] {strides = array<i32>} : memref<6400xi32, #tpu.memory_space<vmem>>, vector<16xi32>,
        %and3A_344 = arith.andi %get3A_343, %broadcast_in_dim3A_13 : vector<16xi32>
        %shift_right_logical3A_345 = arith.constant 14 : i32
        %shift_right_logical3A_346 = vector.broadcast %shift_right_logical3A_345 : i32 to vector<16xi32>
        %shift_right_logical3A_347 = arith.shrui %get3A_343, %shift_right_logical3A_346 : vector<16xi32>
        %gather3A_348 = tpu.vector_load_idx %arg5[%and3A_344] : memref<10240xi32, #tpu.memory_space<vmem>>[vector<16xi32>], vector<16xi32>,
        %shift_left3A_349 = arith.constant 16 : i32
        %shift_left3A_350 = vector.broadcast %shift_left3A_349 : i32 to vector<16xi32>
        %shift_left3A_351 = arith.shli %gather3A_348, %shift_left3A_350 : vector<16xi32>
        %bitcast3A_352 = vector.bitcast %shift_left3A_351 : vector<16xi32> to vector<16xf32>
        %and3A_353 = arith.andi %gather3A_348, %broadcast_in_dim3A_15 : vector<16xi32>
        %bitcast3A_354 = vector.bitcast %and3A_353 : vector<16xi32> to vector<16xf32>
        %mul3A_355 = arith.constant 16 : i32
        %mul3A_356 = arith.muli %scan3A_75, %mul3A_355 : i32
        %add3A_357 = arith.constant 15 : i32
        %add3A_358 = arith.addi %mul3A_356, %add3A_357 : i32
        %mul3A_359 = arith.constant 16 : i32
        %mul3A_360 = arith.muli %add3A_358, %mul3A_359 : i32
        %get3A_361 = arith.index_cast %mul3A_360 : i32 to index
        %get3A_362 = tpu.vector_load %arg7[%get3A_361] {strides = array<i32>} : memref<6400xi32, #tpu.memory_space<vmem>>, vector<16xi32>,
        %and3A_363 = arith.andi %get3A_362, %broadcast_in_dim3A_13 : vector<16xi32>
        %shift_right_logical3A_364 = arith.constant 14 : i32
        %shift_right_logical3A_365 = vector.broadcast %shift_right_logical3A_364 : i32 to vector<16xi32>
        %shift_right_logical3A_366 = arith.shrui %get3A_362, %shift_right_logical3A_365 : vector<16xi32>
        %gather3A_367 = tpu.vector_load_idx %arg5[%and3A_363] : memref<10240xi32, #tpu.memory_space<vmem>>[vector<16xi32>], vector<16xi32>,
        %shift_left3A_368 = arith.constant 16 : i32
        %shift_left3A_369 = vector.broadcast %shift_left3A_368 : i32 to vector<16xi32>
        %shift_left3A_370 = arith.shli %gather3A_367, %shift_left3A_369 : vector<16xi32>
        %bitcast3A_371 = vector.bitcast %shift_left3A_370 : vector<16xi32> to vector<16xf32>
        %and3A_372 = arith.andi %gather3A_367, %broadcast_in_dim3A_15 : vector<16xi32>
        %bitcast3A_373 = vector.bitcast %and3A_372 : vector<16xi32> to vector<16xf32>
        tpu.vector_store_idx %arg6[%broadcast_in_dim3A_9, %shift_right_logical3A_84], %bitcast3A {add = true} : memref<2x10240xf32, #tpu.memory_space<vmem>>[vector<16xi32>, vector<16xi32>], vector<16xf32>,
        tpu.vector_store_idx %arg6[%broadcast_in_dim3A_11, %shift_right_logical3A_84], %bitcast3A_88 {add = true} : memref<2x10240xf32, #tpu.memory_space<vmem>>[vector<16xi32>, vector<16xi32>], vector<16xf32>,
        tpu.vector_store_idx %arg6[%broadcast_in_dim3A_9, %shift_right_logical3A_100], %bitcast3A_105 {add = true} : memref<2x10240xf32, #tpu.memory_space<vmem>>[vector<16xi32>, vector<16xi32>], vector<16xf32>,
        tpu.vector_store_idx %arg6[%broadcast_in_dim3A_11, %shift_right_logical3A_100], %bitcast3A_107 {add = true} : memref<2x10240xf32, #tpu.memory_space<vmem>>[vector<16xi32>, vector<16xi32>], vector<16xf32>,
        tpu.vector_store_idx %arg6[%broadcast_in_dim3A_9, %shift_right_logical3A_119], %bitcast3A_124 {add = true} : memref<2x10240xf32, #tpu.memory_space<vmem>>[vector<16xi32>, vector<16xi32>], vector<16xf32>,
        tpu.vector_store_idx %arg6[%broadcast_in_dim3A_11, %shift_right_logical3A_119], %bitcast3A_126 {add = true} : memref<2x10240xf32, #tpu.memory_space<vmem>>[vector<16xi32>, vector<16xi32>], vector<16xf32>,
        tpu.vector_store_idx %arg6[%broadcast_in_dim3A_9, %shift_right_logical3A_138], %bitcast3A_143 {add = true} : memref<2x10240xf32, #tpu.memory_space<vmem>>[vector<16xi32>, vector<16xi32>], vector<16xf32>,
        tpu.vector_store_idx %arg6[%broadcast_in_dim3A_11, %shift_right_logical3A_138], %bitcast3A_145 {add = true} : memref<2x10240xf32, #tpu.memory_space<vmem>>[vector<16xi32>, vector<16xi32>], vector<16xf32>,
        tpu.vector_store_idx %arg6[%broadcast_in_dim3A_9, %shift_right_logical3A_157], %bitcast3A_162 {add = true} : memref<2x10240xf32, #tpu.memory_space<vmem>>[vector<16xi32>, vector<16xi32>], vector<16xf32>,
        tpu.vector_store_idx %arg6[%broadcast_in_dim3A_11, %shift_right_logical3A_157], %bitcast3A_164 {add = true} : memref<2x10240xf32, #tpu.memory_space<vmem>>[vector<16xi32>, vector<16xi32>], vector<16xf32>,
        tpu.vector_store_idx %arg6[%broadcast_in_dim3A_9, %shift_right_logical3A_176], %bitcast3A_181 {add = true} : memref<2x10240xf32, #tpu.memory_space<vmem>>[vector<16xi32>, vector<16xi32>], vector<16xf32>,
        tpu.vector_store_idx %arg6[%broadcast_in_dim3A_11, %shift_right_logical3A_176], %bitcast3A_183 {add = true} : memref<2x10240xf32, #tpu.memory_space<vmem>>[vector<16xi32>, vector<16xi32>], vector<16xf32>,
        tpu.vector_store_idx %arg6[%broadcast_in_dim3A_9, %shift_right_logical3A_195], %bitcast3A_200 {add = true} : memref<2x10240xf32, #tpu.memory_space<vmem>>[vector<16xi32>, vector<16xi32>], vector<16xf32>,
        tpu.vector_store_idx %arg6[%broadcast_in_dim3A_11, %shift_right_logical3A_195], %bitcast3A_202 {add = true} : memref<2x10240xf32, #tpu.memory_space<vmem>>[vector<16xi32>, vector<16xi32>], vector<16xf32>,
        tpu.vector_store_idx %arg6[%broadcast_in_dim3A_9, %shift_right_logical3A_214], %bitcast3A_219 {add = true} : memref<2x10240xf32, #tpu.memory_space<vmem>>[vector<16xi32>, vector<16xi32>], vector<16xf32>,
        tpu.vector_store_idx %arg6[%broadcast_in_dim3A_11, %shift_right_logical3A_214], %bitcast3A_221 {add = true} : memref<2x10240xf32, #tpu.memory_space<vmem>>[vector<16xi32>, vector<16xi32>], vector<16xf32>,
        tpu.vector_store_idx %arg6[%broadcast_in_dim3A_9, %shift_right_logical3A_233], %bitcast3A_238 {add = true} : memref<2x10240xf32, #tpu.memory_space<vmem>>[vector<16xi32>, vector<16xi32>], vector<16xf32>,
        tpu.vector_store_idx %arg6[%broadcast_in_dim3A_11, %shift_right_logical3A_233], %bitcast3A_240 {add = true} : memref<2x10240xf32, #tpu.memory_space<vmem>>[vector<16xi32>, vector<16xi32>], vector<16xf32>,
        tpu.vector_store_idx %arg6[%broadcast_in_dim3A_9, %shift_right_logical3A_252], %bitcast3A_257 {add = true} : memref<2x10240xf32, #tpu.memory_space<vmem>>[vector<16xi32>, vector<16xi32>], vector<16xf32>,
        tpu.vector_store_idx %arg6[%broadcast_in_dim3A_11, %shift_right_logical3A_252], %bitcast3A_259 {add = true} : memref<2x10240xf32, #tpu.memory_space<vmem>>[vector<16xi32>, vector<16xi32>], vector<16xf32>,
        tpu.vector_store_idx %arg6[%broadcast_in_dim3A_9, %shift_right_logical3A_271], %bitcast3A_276 {add = true} : memref<2x10240xf32, #tpu.memory_space<vmem>>[vector<16xi32>, vector<16xi32>], vector<16xf32>,
        tpu.vector_store_idx %arg6[%broadcast_in_dim3A_11, %shift_right_logical3A_271], %bitcast3A_278 {add = true} : memref<2x10240xf32, #tpu.memory_space<vmem>>[vector<16xi32>, vector<16xi32>], vector<16xf32>,
        tpu.vector_store_idx %arg6[%broadcast_in_dim3A_9, %shift_right_logical3A_290], %bitcast3A_295 {add = true} : memref<2x10240xf32, #tpu.memory_space<vmem>>[vector<16xi32>, vector<16xi32>], vector<16xf32>,
        tpu.vector_store_idx %arg6[%broadcast_in_dim3A_11, %shift_right_logical3A_290], %bitcast3A_297 {add = true} : memref<2x10240xf32, #tpu.memory_space<vmem>>[vector<16xi32>, vector<16xi32>], vector<16xf32>,
        tpu.vector_store_idx %arg6[%broadcast_in_dim3A_9, %shift_right_logical3A_309], %bitcast3A_314 {add = true} : memref<2x10240xf32, #tpu.memory_space<vmem>>[vector<16xi32>, vector<16xi32>], vector<16xf32>,
        tpu.vector_store_idx %arg6[%broadcast_in_dim3A_11, %shift_right_logical3A_309], %bitcast3A_316 {add = true} : memref<2x10240xf32, #tpu.memory_space<vmem>>[vector<16xi32>, vector<16xi32>], vector<16xf32>,
        tpu.vector_store_idx %arg6[%broadcast_in_dim3A_9, %shift_right_logical3A_328], %bitcast3A_333 {add = true} : memref<2x10240xf32, #tpu.memory_space<vmem>>[vector<16xi32>, vector<16xi32>], vector<16xf32>,
        tpu.vector_store_idx %arg6[%broadcast_in_dim3A_11, %shift_right_logical3A_328], %bitcast3A_335 {add = true} : memref<2x10240xf32, #tpu.memory_space<vmem>>[vector<16xi32>, vector<16xi32>], vector<16xf32>,
        tpu.vector_store_idx %arg6[%broadcast_in_dim3A_9, %shift_right_logical3A_347], %bitcast3A_352 {add = true} : memref<2x10240xf32, #tpu.memory_space<vmem>>[vector<16xi32>, vector<16xi32>], vector<16xf32>,
        tpu.vector_store_idx %arg6[%broadcast_in_dim3A_11, %shift_right_logical3A_347], %bitcast3A_354 {add = true} : memref<2x10240xf32, #tpu.memory_space<vmem>>[vector<16xi32>, vector<16xi32>], vector<16xf32>,
        tpu.vector_store_idx %arg6[%broadcast_in_dim3A_9, %shift_right_logical3A_366], %bitcast3A_371 {add = true} : memref<2x10240xf32, #tpu.memory_space<vmem>>[vector<16xi32>, vector<16xi32>], vector<16xf32>,
        tpu.vector_store_idx %arg6[%broadcast_in_dim3A_11, %shift_right_logical3A_366], %bitcast3A_373 {add = true} : memref<2x10240xf32, #tpu.memory_space<vmem>>[vector<16xi32>, vector<16xi32>], vector<16xf32>,
      }
      %scan3A_47 = arith.constant 25 : i32
      %mul3A_48 = arith.constant 2 : i32
      %mul3A_49 = arith.muli %scan3A_25, %mul3A_48 : i32
      %add3A_50 = arith.constant 1 : i32
      %add3A_51 = arith.addi %mul3A_49, %add3A_50 : i32
      %dma_wait3A_52 = arith.constant 0 : i32
      %dma_wait3A_53 = tpu.memref_slice %arg2[%dma_wait3A_52] : memref<320000xi32, #tpu.memory_space<hbm>> -> memref<6400xi32, #tpu.memory_space<hbm>>
      %dma_wait3A_54 = arith.constant 0 : i32
      %dma_wait3A_55 = tpu.memref_slice %arg2[%dma_wait3A_54] : memref<320000xi32, #tpu.memory_space<hbm>> -> memref<6400xi32, #tpu.memory_space<hbm>>
      tpu.wait_dma2 semaphore(%arg10 : memref<!tpu.dma_semaphore, #tpu.memory_space<semaphore_mem>>) src(%dma_wait3A_55 : memref<6400xi32, #tpu.memory_space<hbm>>) dst(%arg8 : memref<6400xi32, #tpu.memory_space<vmem>>)
      %add3A_56 = arith.constant 1 : i32
      %add3A_57 = arith.addi %add3A_51, %add3A_56 : i32
      %mul3A_58 = arith.constant 6400 : i32
      %mul3A_59 = arith.muli %add3A_57, %mul3A_58 : i32
      %min3A_60 = arith.constant 313600 : i32
      %min3A_61 = arith.minsi %mul3A_59, %min3A_60 : i32
      %add3A_62 = arith.constant 1 : i32
      %add3A_63 = arith.addi %add3A_51, %add3A_62 : i32
      %lt3A_64 = arith.constant 50 : i32
      %lt3A_65 = arith.cmpi slt, %add3A_63, %lt3A_64 : i32
      %convert_element_type3A_66 = arith.extui %lt3A_65 : i1 to i32
      %cond3A_67 = arith.constant 0 : i32
      %cond3A_68 = arith.cmpi ne, %convert_element_type3A_66, %cond3A_67 : i32
      scf.if %cond3A_68 {
        %dma_start3A_75 = tpu.memref_slice %arg2[%min3A_61] : memref<320000xi32, #tpu.memory_space<hbm>> -> memref<6400xi32, #tpu.memory_space<hbm>>
        %dma_start3A_76 = tpu.memref_slice %arg2[%min3A_61] : memref<320000xi32, #tpu.memory_space<hbm>> -> memref<6400xi32, #tpu.memory_space<hbm>>
        tpu.enqueue_dma source(%dma_start3A_76 : memref<6400xi32, #tpu.memory_space<hbm>>) target(%arg7 : memref<6400xi32, #tpu.memory_space<vmem>>) target_semaphore(%arg9 : memref<!tpu.dma_semaphore, #tpu.memory_space<semaphore_mem>>)
      } else {
      }
      %scan3A_69 = arith.constant 0 : i32
      %scan3A_70 = arith.constant 0 : i32
      %scan3A_71 = arith.constant 25 : i32
      %scan3A_72 = arith.addi %scan3A_70, %scan3A_71 : i32
      %scan3A_73 = arith.constant 1 : i32
      scf.for %scan3A_75 = %scan3A_70 to %scan3A_72 step %scan3A_73  : i32 {
        %mul3A_76 = arith.constant 16 : i32
        %mul3A_77 = arith.muli %scan3A_75, %mul3A_76 : i32
        %add3A_78 = arith.constant 0 : i32
        %add3A_79 = arith.addi %mul3A_77, %add3A_78 : i32
        %mul3A_80 = arith.constant 16 : i32
        %mul3A_81 = arith.muli %add3A_79, %mul3A_80 : i32
        %get3A = arith.index_cast %mul3A_81 : i32 to index
        %get3A_82 = tpu.vector_load %arg8[%get3A] {strides = array<i32>} : memref<6400xi32, #tpu.memory_space<vmem>>, vector<16xi32>,
        %and3A = arith.andi %get3A_82, %broadcast_in_dim3A_13 : vector<16xi32>
        %shift_right_logical3A = arith.constant 14 : i32
        %shift_right_logical3A_83 = vector.broadcast %shift_right_logical3A : i32 to vector<16xi32>
        %shift_right_logical3A_84 = arith.shrui %get3A_82, %shift_right_logical3A_83 : vector<16xi32>
        %gather3A = tpu.vector_load_idx %arg5[%and3A] : memref<10240xi32, #tpu.memory_space<vmem>>[vector<16xi32>], vector<16xi32>,
        %shift_left3A = arith.constant 16 : i32
        %shift_left3A_85 = vector.broadcast %shift_left3A : i32 to vector<16xi32>
        %shift_left3A_86 = arith.shli %gather3A, %shift_left3A_85 : vector<16xi32>
        %bitcast3A = vector.bitcast %shift_left3A_86 : vector<16xi32> to vector<16xf32>
        %and3A_87 = arith.andi %gather3A, %broadcast_in_dim3A_15 : vector<16xi32>
        %bitcast3A_88 = vector.bitcast %and3A_87 : vector<16xi32> to vector<16xf32>
        %mul3A_89 = arith.constant 16 : i32
        %mul3A_90 = arith.muli %scan3A_75, %mul3A_89 : i32
        %add3A_91 = arith.constant 1 : i32
        %add3A_92 = arith.addi %mul3A_90, %add3A_91 : i32
        %mul3A_93 = arith.constant 16 : i32
        %mul3A_94 = arith.muli %add3A_92, %mul3A_93 : i32
        %get3A_95 = arith.index_cast %mul3A_94 : i32 to index
        %get3A_96 = tpu.vector_load %arg8[%get3A_95] {strides = array<i32>} : memref<6400xi32, #tpu.memory_space<vmem>>, vector<16xi32>,
        %and3A_97 = arith.andi %get3A_96, %broadcast_in_dim3A_13 : vector<16xi32>
        %shift_right_logical3A_98 = arith.constant 14 : i32
        %shift_right_logical3A_99 = vector.broadcast %shift_right_logical3A_98 : i32 to vector<16xi32>
        %shift_right_logical3A_100 = arith.shrui %get3A_96, %shift_right_logical3A_99 : vector<16xi32>
        %gather3A_101 = tpu.vector_load_idx %arg5[%and3A_97] : memref<10240xi32, #tpu.memory_space<vmem>>[vector<16xi32>], vector<16xi32>,
        %shift_left3A_102 = arith.constant 16 : i32
        %shift_left3A_103 = vector.broadcast %shift_left3A_102 : i32 to vector<16xi32>
        %shift_left3A_104 = arith.shli %gather3A_101, %shift_left3A_103 : vector<16xi32>
        %bitcast3A_105 = vector.bitcast %shift_left3A_104 : vector<16xi32> to vector<16xf32>
        %and3A_106 = arith.andi %gather3A_101, %broadcast_in_dim3A_15 : vector<16xi32>
        %bitcast3A_107 = vector.bitcast %and3A_106 : vector<16xi32> to vector<16xf32>
        %mul3A_108 = arith.constant 16 : i32
        %mul3A_109 = arith.muli %scan3A_75, %mul3A_108 : i32
        %add3A_110 = arith.constant 2 : i32
        %add3A_111 = arith.addi %mul3A_109, %add3A_110 : i32
        %mul3A_112 = arith.constant 16 : i32
        %mul3A_113 = arith.muli %add3A_111, %mul3A_112 : i32
        %get3A_114 = arith.index_cast %mul3A_113 : i32 to index
        %get3A_115 = tpu.vector_load %arg8[%get3A_114] {strides = array<i32>} : memref<6400xi32, #tpu.memory_space<vmem>>, vector<16xi32>,
        %and3A_116 = arith.andi %get3A_115, %broadcast_in_dim3A_13 : vector<16xi32>
        %shift_right_logical3A_117 = arith.constant 14 : i32
        %shift_right_logical3A_118 = vector.broadcast %shift_right_logical3A_117 : i32 to vector<16xi32>
        %shift_right_logical3A_119 = arith.shrui %get3A_115, %shift_right_logical3A_118 : vector<16xi32>
        %gather3A_120 = tpu.vector_load_idx %arg5[%and3A_116] : memref<10240xi32, #tpu.memory_space<vmem>>[vector<16xi32>], vector<16xi32>,
        %shift_left3A_121 = arith.constant 16 : i32
        %shift_left3A_122 = vector.broadcast %shift_left3A_121 : i32 to vector<16xi32>
        %shift_left3A_123 = arith.shli %gather3A_120, %shift_left3A_122 : vector<16xi32>
        %bitcast3A_124 = vector.bitcast %shift_left3A_123 : vector<16xi32> to vector<16xf32>
        %and3A_125 = arith.andi %gather3A_120, %broadcast_in_dim3A_15 : vector<16xi32>
        %bitcast3A_126 = vector.bitcast %and3A_125 : vector<16xi32> to vector<16xf32>
        %mul3A_127 = arith.constant 16 : i32
        %mul3A_128 = arith.muli %scan3A_75, %mul3A_127 : i32
        %add3A_129 = arith.constant 3 : i32
        %add3A_130 = arith.addi %mul3A_128, %add3A_129 : i32
        %mul3A_131 = arith.constant 16 : i32
        %mul3A_132 = arith.muli %add3A_130, %mul3A_131 : i32
        %get3A_133 = arith.index_cast %mul3A_132 : i32 to index
        %get3A_134 = tpu.vector_load %arg8[%get3A_133] {strides = array<i32>} : memref<6400xi32, #tpu.memory_space<vmem>>, vector<16xi32>,
        %and3A_135 = arith.andi %get3A_134, %broadcast_in_dim3A_13 : vector<16xi32>
        %shift_right_logical3A_136 = arith.constant 14 : i32
        %shift_right_logical3A_137 = vector.broadcast %shift_right_logical3A_136 : i32 to vector<16xi32>
        %shift_right_logical3A_138 = arith.shrui %get3A_134, %shift_right_logical3A_137 : vector<16xi32>
        %gather3A_139 = tpu.vector_load_idx %arg5[%and3A_135] : memref<10240xi32, #tpu.memory_space<vmem>>[vector<16xi32>], vector<16xi32>,
        %shift_left3A_140 = arith.constant 16 : i32
        %shift_left3A_141 = vector.broadcast %shift_left3A_140 : i32 to vector<16xi32>
        %shift_left3A_142 = arith.shli %gather3A_139, %shift_left3A_141 : vector<16xi32>
        %bitcast3A_143 = vector.bitcast %shift_left3A_142 : vector<16xi32> to vector<16xf32>
        %and3A_144 = arith.andi %gather3A_139, %broadcast_in_dim3A_15 : vector<16xi32>
        %bitcast3A_145 = vector.bitcast %and3A_144 : vector<16xi32> to vector<16xf32>
        %mul3A_146 = arith.constant 16 : i32
        %mul3A_147 = arith.muli %scan3A_75, %mul3A_146 : i32
        %add3A_148 = arith.constant 4 : i32
        %add3A_149 = arith.addi %mul3A_147, %add3A_148 : i32
        %mul3A_150 = arith.constant 16 : i32
        %mul3A_151 = arith.muli %add3A_149, %mul3A_150 : i32
        %get3A_152 = arith.index_cast %mul3A_151 : i32 to index
        %get3A_153 = tpu.vector_load %arg8[%get3A_152] {strides = array<i32>} : memref<6400xi32, #tpu.memory_space<vmem>>, vector<16xi32>,
        %and3A_154 = arith.andi %get3A_153, %broadcast_in_dim3A_13 : vector<16xi32>
        %shift_right_logical3A_155 = arith.constant 14 : i32
        %shift_right_logical3A_156 = vector.broadcast %shift_right_logical3A_155 : i32 to vector<16xi32>
        %shift_right_logical3A_157 = arith.shrui %get3A_153, %shift_right_logical3A_156 : vector<16xi32>
        %gather3A_158 = tpu.vector_load_idx %arg5[%and3A_154] : memref<10240xi32, #tpu.memory_space<vmem>>[vector<16xi32>], vector<16xi32>,
        %shift_left3A_159 = arith.constant 16 : i32
        %shift_left3A_160 = vector.broadcast %shift_left3A_159 : i32 to vector<16xi32>
        %shift_left3A_161 = arith.shli %gather3A_158, %shift_left3A_160 : vector<16xi32>
        %bitcast3A_162 = vector.bitcast %shift_left3A_161 : vector<16xi32> to vector<16xf32>
        %and3A_163 = arith.andi %gather3A_158, %broadcast_in_dim3A_15 : vector<16xi32>
        %bitcast3A_164 = vector.bitcast %and3A_163 : vector<16xi32> to vector<16xf32>
        %mul3A_165 = arith.constant 16 : i32
        %mul3A_166 = arith.muli %scan3A_75, %mul3A_165 : i32
        %add3A_167 = arith.constant 5 : i32
        %add3A_168 = arith.addi %mul3A_166, %add3A_167 : i32
        %mul3A_169 = arith.constant 16 : i32
        %mul3A_170 = arith.muli %add3A_168, %mul3A_169 : i32
        %get3A_171 = arith.index_cast %mul3A_170 : i32 to index
        %get3A_172 = tpu.vector_load %arg8[%get3A_171] {strides = array<i32>} : memref<6400xi32, #tpu.memory_space<vmem>>, vector<16xi32>,
        %and3A_173 = arith.andi %get3A_172, %broadcast_in_dim3A_13 : vector<16xi32>
        %shift_right_logical3A_174 = arith.constant 14 : i32
        %shift_right_logical3A_175 = vector.broadcast %shift_right_logical3A_174 : i32 to vector<16xi32>
        %shift_right_logical3A_176 = arith.shrui %get3A_172, %shift_right_logical3A_175 : vector<16xi32>
        %gather3A_177 = tpu.vector_load_idx %arg5[%and3A_173] : memref<10240xi32, #tpu.memory_space<vmem>>[vector<16xi32>], vector<16xi32>,
        %shift_left3A_178 = arith.constant 16 : i32
        %shift_left3A_179 = vector.broadcast %shift_left3A_178 : i32 to vector<16xi32>
        %shift_left3A_180 = arith.shli %gather3A_177, %shift_left3A_179 : vector<16xi32>
        %bitcast3A_181 = vector.bitcast %shift_left3A_180 : vector<16xi32> to vector<16xf32>
        %and3A_182 = arith.andi %gather3A_177, %broadcast_in_dim3A_15 : vector<16xi32>
        %bitcast3A_183 = vector.bitcast %and3A_182 : vector<16xi32> to vector<16xf32>
        %mul3A_184 = arith.constant 16 : i32
        %mul3A_185 = arith.muli %scan3A_75, %mul3A_184 : i32
        %add3A_186 = arith.constant 6 : i32
        %add3A_187 = arith.addi %mul3A_185, %add3A_186 : i32
        %mul3A_188 = arith.constant 16 : i32
        %mul3A_189 = arith.muli %add3A_187, %mul3A_188 : i32
        %get3A_190 = arith.index_cast %mul3A_189 : i32 to index
        %get3A_191 = tpu.vector_load %arg8[%get3A_190] {strides = array<i32>} : memref<6400xi32, #tpu.memory_space<vmem>>, vector<16xi32>,
        %and3A_192 = arith.andi %get3A_191, %broadcast_in_dim3A_13 : vector<16xi32>
        %shift_right_logical3A_193 = arith.constant 14 : i32
        %shift_right_logical3A_194 = vector.broadcast %shift_right_logical3A_193 : i32 to vector<16xi32>
        %shift_right_logical3A_195 = arith.shrui %get3A_191, %shift_right_logical3A_194 : vector<16xi32>
        %gather3A_196 = tpu.vector_load_idx %arg5[%and3A_192] : memref<10240xi32, #tpu.memory_space<vmem>>[vector<16xi32>], vector<16xi32>,
        %shift_left3A_197 = arith.constant 16 : i32
        %shift_left3A_198 = vector.broadcast %shift_left3A_197 : i32 to vector<16xi32>
        %shift_left3A_199 = arith.shli %gather3A_196, %shift_left3A_198 : vector<16xi32>
        %bitcast3A_200 = vector.bitcast %shift_left3A_199 : vector<16xi32> to vector<16xf32>
        %and3A_201 = arith.andi %gather3A_196, %broadcast_in_dim3A_15 : vector<16xi32>
        %bitcast3A_202 = vector.bitcast %and3A_201 : vector<16xi32> to vector<16xf32>
        %mul3A_203 = arith.constant 16 : i32
        %mul3A_204 = arith.muli %scan3A_75, %mul3A_203 : i32
        %add3A_205 = arith.constant 7 : i32
        %add3A_206 = arith.addi %mul3A_204, %add3A_205 : i32
        %mul3A_207 = arith.constant 16 : i32
        %mul3A_208 = arith.muli %add3A_206, %mul3A_207 : i32
        %get3A_209 = arith.index_cast %mul3A_208 : i32 to index
        %get3A_210 = tpu.vector_load %arg8[%get3A_209] {strides = array<i32>} : memref<6400xi32, #tpu.memory_space<vmem>>, vector<16xi32>,
        %and3A_211 = arith.andi %get3A_210, %broadcast_in_dim3A_13 : vector<16xi32>
        %shift_right_logical3A_212 = arith.constant 14 : i32
        %shift_right_logical3A_213 = vector.broadcast %shift_right_logical3A_212 : i32 to vector<16xi32>
        %shift_right_logical3A_214 = arith.shrui %get3A_210, %shift_right_logical3A_213 : vector<16xi32>
        %gather3A_215 = tpu.vector_load_idx %arg5[%and3A_211] : memref<10240xi32, #tpu.memory_space<vmem>>[vector<16xi32>], vector<16xi32>,
        %shift_left3A_216 = arith.constant 16 : i32
        %shift_left3A_217 = vector.broadcast %shift_left3A_216 : i32 to vector<16xi32>
        %shift_left3A_218 = arith.shli %gather3A_215, %shift_left3A_217 : vector<16xi32>
        %bitcast3A_219 = vector.bitcast %shift_left3A_218 : vector<16xi32> to vector<16xf32>
        %and3A_220 = arith.andi %gather3A_215, %broadcast_in_dim3A_15 : vector<16xi32>
        %bitcast3A_221 = vector.bitcast %and3A_220 : vector<16xi32> to vector<16xf32>
        %mul3A_222 = arith.constant 16 : i32
        %mul3A_223 = arith.muli %scan3A_75, %mul3A_222 : i32
        %add3A_224 = arith.constant 8 : i32
        %add3A_225 = arith.addi %mul3A_223, %add3A_224 : i32
        %mul3A_226 = arith.constant 16 : i32
        %mul3A_227 = arith.muli %add3A_225, %mul3A_226 : i32
        %get3A_228 = arith.index_cast %mul3A_227 : i32 to index
        %get3A_229 = tpu.vector_load %arg8[%get3A_228] {strides = array<i32>} : memref<6400xi32, #tpu.memory_space<vmem>>, vector<16xi32>,
        %and3A_230 = arith.andi %get3A_229, %broadcast_in_dim3A_13 : vector<16xi32>
        %shift_right_logical3A_231 = arith.constant 14 : i32
        %shift_right_logical3A_232 = vector.broadcast %shift_right_logical3A_231 : i32 to vector<16xi32>
        %shift_right_logical3A_233 = arith.shrui %get3A_229, %shift_right_logical3A_232 : vector<16xi32>
        %gather3A_234 = tpu.vector_load_idx %arg5[%and3A_230] : memref<10240xi32, #tpu.memory_space<vmem>>[vector<16xi32>], vector<16xi32>,
        %shift_left3A_235 = arith.constant 16 : i32
        %shift_left3A_236 = vector.broadcast %shift_left3A_235 : i32 to vector<16xi32>
        %shift_left3A_237 = arith.shli %gather3A_234, %shift_left3A_236 : vector<16xi32>
        %bitcast3A_238 = vector.bitcast %shift_left3A_237 : vector<16xi32> to vector<16xf32>
        %and3A_239 = arith.andi %gather3A_234, %broadcast_in_dim3A_15 : vector<16xi32>
        %bitcast3A_240 = vector.bitcast %and3A_239 : vector<16xi32> to vector<16xf32>
        %mul3A_241 = arith.constant 16 : i32
        %mul3A_242 = arith.muli %scan3A_75, %mul3A_241 : i32
        %add3A_243 = arith.constant 9 : i32
        %add3A_244 = arith.addi %mul3A_242, %add3A_243 : i32
        %mul3A_245 = arith.constant 16 : i32
        %mul3A_246 = arith.muli %add3A_244, %mul3A_245 : i32
        %get3A_247 = arith.index_cast %mul3A_246 : i32 to index
        %get3A_248 = tpu.vector_load %arg8[%get3A_247] {strides = array<i32>} : memref<6400xi32, #tpu.memory_space<vmem>>, vector<16xi32>,
        %and3A_249 = arith.andi %get3A_248, %broadcast_in_dim3A_13 : vector<16xi32>
        %shift_right_logical3A_250 = arith.constant 14 : i32
        %shift_right_logical3A_251 = vector.broadcast %shift_right_logical3A_250 : i32 to vector<16xi32>
        %shift_right_logical3A_252 = arith.shrui %get3A_248, %shift_right_logical3A_251 : vector<16xi32>
        %gather3A_253 = tpu.vector_load_idx %arg5[%and3A_249] : memref<10240xi32, #tpu.memory_space<vmem>>[vector<16xi32>], vector<16xi32>,
        %shift_left3A_254 = arith.constant 16 : i32
        %shift_left3A_255 = vector.broadcast %shift_left3A_254 : i32 to vector<16xi32>
        %shift_left3A_256 = arith.shli %gather3A_253, %shift_left3A_255 : vector<16xi32>
        %bitcast3A_257 = vector.bitcast %shift_left3A_256 : vector<16xi32> to vector<16xf32>
        %and3A_258 = arith.andi %gather3A_253, %broadcast_in_dim3A_15 : vector<16xi32>
        %bitcast3A_259 = vector.bitcast %and3A_258 : vector<16xi32> to vector<16xf32>
        %mul3A_260 = arith.constant 16 : i32
        %mul3A_261 = arith.muli %scan3A_75, %mul3A_260 : i32
        %add3A_262 = arith.constant 10 : i32
        %add3A_263 = arith.addi %mul3A_261, %add3A_262 : i32
        %mul3A_264 = arith.constant 16 : i32
        %mul3A_265 = arith.muli %add3A_263, %mul3A_264 : i32
        %get3A_266 = arith.index_cast %mul3A_265 : i32 to index
        %get3A_267 = tpu.vector_load %arg8[%get3A_266] {strides = array<i32>} : memref<6400xi32, #tpu.memory_space<vmem>>, vector<16xi32>,
        %and3A_268 = arith.andi %get3A_267, %broadcast_in_dim3A_13 : vector<16xi32>
        %shift_right_logical3A_269 = arith.constant 14 : i32
        %shift_right_logical3A_270 = vector.broadcast %shift_right_logical3A_269 : i32 to vector<16xi32>
        %shift_right_logical3A_271 = arith.shrui %get3A_267, %shift_right_logical3A_270 : vector<16xi32>
        %gather3A_272 = tpu.vector_load_idx %arg5[%and3A_268] : memref<10240xi32, #tpu.memory_space<vmem>>[vector<16xi32>], vector<16xi32>,
        %shift_left3A_273 = arith.constant 16 : i32
        %shift_left3A_274 = vector.broadcast %shift_left3A_273 : i32 to vector<16xi32>
        %shift_left3A_275 = arith.shli %gather3A_272, %shift_left3A_274 : vector<16xi32>
        %bitcast3A_276 = vector.bitcast %shift_left3A_275 : vector<16xi32> to vector<16xf32>
        %and3A_277 = arith.andi %gather3A_272, %broadcast_in_dim3A_15 : vector<16xi32>
        %bitcast3A_278 = vector.bitcast %and3A_277 : vector<16xi32> to vector<16xf32>
        %mul3A_279 = arith.constant 16 : i32
        %mul3A_280 = arith.muli %scan3A_75, %mul3A_279 : i32
        %add3A_281 = arith.constant 11 : i32
        %add3A_282 = arith.addi %mul3A_280, %add3A_281 : i32
        %mul3A_283 = arith.constant 16 : i32
        %mul3A_284 = arith.muli %add3A_282, %mul3A_283 : i32
        %get3A_285 = arith.index_cast %mul3A_284 : i32 to index
        %get3A_286 = tpu.vector_load %arg8[%get3A_285] {strides = array<i32>} : memref<6400xi32, #tpu.memory_space<vmem>>, vector<16xi32>,
        %and3A_287 = arith.andi %get3A_286, %broadcast_in_dim3A_13 : vector<16xi32>
        %shift_right_logical3A_288 = arith.constant 14 : i32
        %shift_right_logical3A_289 = vector.broadcast %shift_right_logical3A_288 : i32 to vector<16xi32>
        %shift_right_logical3A_290 = arith.shrui %get3A_286, %shift_right_logical3A_289 : vector<16xi32>
        %gather3A_291 = tpu.vector_load_idx %arg5[%and3A_287] : memref<10240xi32, #tpu.memory_space<vmem>>[vector<16xi32>], vector<16xi32>,
        %shift_left3A_292 = arith.constant 16 : i32
        %shift_left3A_293 = vector.broadcast %shift_left3A_292 : i32 to vector<16xi32>
        %shift_left3A_294 = arith.shli %gather3A_291, %shift_left3A_293 : vector<16xi32>
        %bitcast3A_295 = vector.bitcast %shift_left3A_294 : vector<16xi32> to vector<16xf32>
        %and3A_296 = arith.andi %gather3A_291, %broadcast_in_dim3A_15 : vector<16xi32>
        %bitcast3A_297 = vector.bitcast %and3A_296 : vector<16xi32> to vector<16xf32>
        %mul3A_298 = arith.constant 16 : i32
        %mul3A_299 = arith.muli %scan3A_75, %mul3A_298 : i32
        %add3A_300 = arith.constant 12 : i32
        %add3A_301 = arith.addi %mul3A_299, %add3A_300 : i32
        %mul3A_302 = arith.constant 16 : i32
        %mul3A_303 = arith.muli %add3A_301, %mul3A_302 : i32
        %get3A_304 = arith.index_cast %mul3A_303 : i32 to index
        %get3A_305 = tpu.vector_load %arg8[%get3A_304] {strides = array<i32>} : memref<6400xi32, #tpu.memory_space<vmem>>, vector<16xi32>,
        %and3A_306 = arith.andi %get3A_305, %broadcast_in_dim3A_13 : vector<16xi32>
        %shift_right_logical3A_307 = arith.constant 14 : i32
        %shift_right_logical3A_308 = vector.broadcast %shift_right_logical3A_307 : i32 to vector<16xi32>
        %shift_right_logical3A_309 = arith.shrui %get3A_305, %shift_right_logical3A_308 : vector<16xi32>
        %gather3A_310 = tpu.vector_load_idx %arg5[%and3A_306] : memref<10240xi32, #tpu.memory_space<vmem>>[vector<16xi32>], vector<16xi32>,
        %shift_left3A_311 = arith.constant 16 : i32
        %shift_left3A_312 = vector.broadcast %shift_left3A_311 : i32 to vector<16xi32>
        %shift_left3A_313 = arith.shli %gather3A_310, %shift_left3A_312 : vector<16xi32>
        %bitcast3A_314 = vector.bitcast %shift_left3A_313 : vector<16xi32> to vector<16xf32>
        %and3A_315 = arith.andi %gather3A_310, %broadcast_in_dim3A_15 : vector<16xi32>
        %bitcast3A_316 = vector.bitcast %and3A_315 : vector<16xi32> to vector<16xf32>
        %mul3A_317 = arith.constant 16 : i32
        %mul3A_318 = arith.muli %scan3A_75, %mul3A_317 : i32
        %add3A_319 = arith.constant 13 : i32
        %add3A_320 = arith.addi %mul3A_318, %add3A_319 : i32
        %mul3A_321 = arith.constant 16 : i32
        %mul3A_322 = arith.muli %add3A_320, %mul3A_321 : i32
        %get3A_323 = arith.index_cast %mul3A_322 : i32 to index
        %get3A_324 = tpu.vector_load %arg8[%get3A_323] {strides = array<i32>} : memref<6400xi32, #tpu.memory_space<vmem>>, vector<16xi32>,
        %and3A_325 = arith.andi %get3A_324, %broadcast_in_dim3A_13 : vector<16xi32>
        %shift_right_logical3A_326 = arith.constant 14 : i32
        %shift_right_logical3A_327 = vector.broadcast %shift_right_logical3A_326 : i32 to vector<16xi32>
        %shift_right_logical3A_328 = arith.shrui %get3A_324, %shift_right_logical3A_327 : vector<16xi32>
        %gather3A_329 = tpu.vector_load_idx %arg5[%and3A_325] : memref<10240xi32, #tpu.memory_space<vmem>>[vector<16xi32>], vector<16xi32>,
        %shift_left3A_330 = arith.constant 16 : i32
        %shift_left3A_331 = vector.broadcast %shift_left3A_330 : i32 to vector<16xi32>
        %shift_left3A_332 = arith.shli %gather3A_329, %shift_left3A_331 : vector<16xi32>
        %bitcast3A_333 = vector.bitcast %shift_left3A_332 : vector<16xi32> to vector<16xf32>
        %and3A_334 = arith.andi %gather3A_329, %broadcast_in_dim3A_15 : vector<16xi32>
        %bitcast3A_335 = vector.bitcast %and3A_334 : vector<16xi32> to vector<16xf32>
        %mul3A_336 = arith.constant 16 : i32
        %mul3A_337 = arith.muli %scan3A_75, %mul3A_336 : i32
        %add3A_338 = arith.constant 14 : i32
        %add3A_339 = arith.addi %mul3A_337, %add3A_338 : i32
        %mul3A_340 = arith.constant 16 : i32
        %mul3A_341 = arith.muli %add3A_339, %mul3A_340 : i32
        %get3A_342 = arith.index_cast %mul3A_341 : i32 to index
        %get3A_343 = tpu.vector_load %arg8[%get3A_342] {strides = array<i32>} : memref<6400xi32, #tpu.memory_space<vmem>>, vector<16xi32>,
        %and3A_344 = arith.andi %get3A_343, %broadcast_in_dim3A_13 : vector<16xi32>
        %shift_right_logical3A_345 = arith.constant 14 : i32
        %shift_right_logical3A_346 = vector.broadcast %shift_right_logical3A_345 : i32 to vector<16xi32>
        %shift_right_logical3A_347 = arith.shrui %get3A_343, %shift_right_logical3A_346 : vector<16xi32>
        %gather3A_348 = tpu.vector_load_idx %arg5[%and3A_344] : memref<10240xi32, #tpu.memory_space<vmem>>[vector<16xi32>], vector<16xi32>,
        %shift_left3A_349 = arith.constant 16 : i32
        %shift_left3A_350 = vector.broadcast %shift_left3A_349 : i32 to vector<16xi32>
        %shift_left3A_351 = arith.shli %gather3A_348, %shift_left3A_350 : vector<16xi32>
        %bitcast3A_352 = vector.bitcast %shift_left3A_351 : vector<16xi32> to vector<16xf32>
        %and3A_353 = arith.andi %gather3A_348, %broadcast_in_dim3A_15 : vector<16xi32>
        %bitcast3A_354 = vector.bitcast %and3A_353 : vector<16xi32> to vector<16xf32>
        %mul3A_355 = arith.constant 16 : i32
        %mul3A_356 = arith.muli %scan3A_75, %mul3A_355 : i32
        %add3A_357 = arith.constant 15 : i32
        %add3A_358 = arith.addi %mul3A_356, %add3A_357 : i32
        %mul3A_359 = arith.constant 16 : i32
        %mul3A_360 = arith.muli %add3A_358, %mul3A_359 : i32
        %get3A_361 = arith.index_cast %mul3A_360 : i32 to index
        %get3A_362 = tpu.vector_load %arg8[%get3A_361] {strides = array<i32>} : memref<6400xi32, #tpu.memory_space<vmem>>, vector<16xi32>,
        %and3A_363 = arith.andi %get3A_362, %broadcast_in_dim3A_13 : vector<16xi32>
        %shift_right_logical3A_364 = arith.constant 14 : i32
        %shift_right_logical3A_365 = vector.broadcast %shift_right_logical3A_364 : i32 to vector<16xi32>
        %shift_right_logical3A_366 = arith.shrui %get3A_362, %shift_right_logical3A_365 : vector<16xi32>
        %gather3A_367 = tpu.vector_load_idx %arg5[%and3A_363] : memref<10240xi32, #tpu.memory_space<vmem>>[vector<16xi32>], vector<16xi32>,
        %shift_left3A_368 = arith.constant 16 : i32
        %shift_left3A_369 = vector.broadcast %shift_left3A_368 : i32 to vector<16xi32>
        %shift_left3A_370 = arith.shli %gather3A_367, %shift_left3A_369 : vector<16xi32>
        %bitcast3A_371 = vector.bitcast %shift_left3A_370 : vector<16xi32> to vector<16xf32>
        %and3A_372 = arith.andi %gather3A_367, %broadcast_in_dim3A_15 : vector<16xi32>
        %bitcast3A_373 = vector.bitcast %and3A_372 : vector<16xi32> to vector<16xf32>
        tpu.vector_store_idx %arg6[%broadcast_in_dim3A_9, %shift_right_logical3A_84], %bitcast3A {add = true} : memref<2x10240xf32, #tpu.memory_space<vmem>>[vector<16xi32>, vector<16xi32>], vector<16xf32>,
        tpu.vector_store_idx %arg6[%broadcast_in_dim3A_11, %shift_right_logical3A_84], %bitcast3A_88 {add = true} : memref<2x10240xf32, #tpu.memory_space<vmem>>[vector<16xi32>, vector<16xi32>], vector<16xf32>,
        tpu.vector_store_idx %arg6[%broadcast_in_dim3A_9, %shift_right_logical3A_100], %bitcast3A_105 {add = true} : memref<2x10240xf32, #tpu.memory_space<vmem>>[vector<16xi32>, vector<16xi32>], vector<16xf32>,
        tpu.vector_store_idx %arg6[%broadcast_in_dim3A_11, %shift_right_logical3A_100], %bitcast3A_107 {add = true} : memref<2x10240xf32, #tpu.memory_space<vmem>>[vector<16xi32>, vector<16xi32>], vector<16xf32>,
        tpu.vector_store_idx %arg6[%broadcast_in_dim3A_9, %shift_right_logical3A_119], %bitcast3A_124 {add = true} : memref<2x10240xf32, #tpu.memory_space<vmem>>[vector<16xi32>, vector<16xi32>], vector<16xf32>,
        tpu.vector_store_idx %arg6[%broadcast_in_dim3A_11, %shift_right_logical3A_119], %bitcast3A_126 {add = true} : memref<2x10240xf32, #tpu.memory_space<vmem>>[vector<16xi32>, vector<16xi32>], vector<16xf32>,
        tpu.vector_store_idx %arg6[%broadcast_in_dim3A_9, %shift_right_logical3A_138], %bitcast3A_143 {add = true} : memref<2x10240xf32, #tpu.memory_space<vmem>>[vector<16xi32>, vector<16xi32>], vector<16xf32>,
        tpu.vector_store_idx %arg6[%broadcast_in_dim3A_11, %shift_right_logical3A_138], %bitcast3A_145 {add = true} : memref<2x10240xf32, #tpu.memory_space<vmem>>[vector<16xi32>, vector<16xi32>], vector<16xf32>,
        tpu.vector_store_idx %arg6[%broadcast_in_dim3A_9, %shift_right_logical3A_157], %bitcast3A_162 {add = true} : memref<2x10240xf32, #tpu.memory_space<vmem>>[vector<16xi32>, vector<16xi32>], vector<16xf32>,
        tpu.vector_store_idx %arg6[%broadcast_in_dim3A_11, %shift_right_logical3A_157], %bitcast3A_164 {add = true} : memref<2x10240xf32, #tpu.memory_space<vmem>>[vector<16xi32>, vector<16xi32>], vector<16xf32>,
        tpu.vector_store_idx %arg6[%broadcast_in_dim3A_9, %shift_right_logical3A_176], %bitcast3A_181 {add = true} : memref<2x10240xf32, #tpu.memory_space<vmem>>[vector<16xi32>, vector<16xi32>], vector<16xf32>,
        tpu.vector_store_idx %arg6[%broadcast_in_dim3A_11, %shift_right_logical3A_176], %bitcast3A_183 {add = true} : memref<2x10240xf32, #tpu.memory_space<vmem>>[vector<16xi32>, vector<16xi32>], vector<16xf32>,
        tpu.vector_store_idx %arg6[%broadcast_in_dim3A_9, %shift_right_logical3A_195], %bitcast3A_200 {add = true} : memref<2x10240xf32, #tpu.memory_space<vmem>>[vector<16xi32>, vector<16xi32>], vector<16xf32>,
        tpu.vector_store_idx %arg6[%broadcast_in_dim3A_11, %shift_right_logical3A_195], %bitcast3A_202 {add = true} : memref<2x10240xf32, #tpu.memory_space<vmem>>[vector<16xi32>, vector<16xi32>], vector<16xf32>,
        tpu.vector_store_idx %arg6[%broadcast_in_dim3A_9, %shift_right_logical3A_214], %bitcast3A_219 {add = true} : memref<2x10240xf32, #tpu.memory_space<vmem>>[vector<16xi32>, vector<16xi32>], vector<16xf32>,
        tpu.vector_store_idx %arg6[%broadcast_in_dim3A_11, %shift_right_logical3A_214], %bitcast3A_221 {add = true} : memref<2x10240xf32, #tpu.memory_space<vmem>>[vector<16xi32>, vector<16xi32>], vector<16xf32>,
        tpu.vector_store_idx %arg6[%broadcast_in_dim3A_9, %shift_right_logical3A_233], %bitcast3A_238 {add = true} : memref<2x10240xf32, #tpu.memory_space<vmem>>[vector<16xi32>, vector<16xi32>], vector<16xf32>,
        tpu.vector_store_idx %arg6[%broadcast_in_dim3A_11, %shift_right_logical3A_233], %bitcast3A_240 {add = true} : memref<2x10240xf32, #tpu.memory_space<vmem>>[vector<16xi32>, vector<16xi32>], vector<16xf32>,
        tpu.vector_store_idx %arg6[%broadcast_in_dim3A_9, %shift_right_logical3A_252], %bitcast3A_257 {add = true} : memref<2x10240xf32, #tpu.memory_space<vmem>>[vector<16xi32>, vector<16xi32>], vector<16xf32>,
        tpu.vector_store_idx %arg6[%broadcast_in_dim3A_11, %shift_right_logical3A_252], %bitcast3A_259 {add = true} : memref<2x10240xf32, #tpu.memory_space<vmem>>[vector<16xi32>, vector<16xi32>], vector<16xf32>,
        tpu.vector_store_idx %arg6[%broadcast_in_dim3A_9, %shift_right_logical3A_271], %bitcast3A_276 {add = true} : memref<2x10240xf32, #tpu.memory_space<vmem>>[vector<16xi32>, vector<16xi32>], vector<16xf32>,
        tpu.vector_store_idx %arg6[%broadcast_in_dim3A_11, %shift_right_logical3A_271], %bitcast3A_278 {add = true} : memref<2x10240xf32, #tpu.memory_space<vmem>>[vector<16xi32>, vector<16xi32>], vector<16xf32>,
        tpu.vector_store_idx %arg6[%broadcast_in_dim3A_9, %shift_right_logical3A_290], %bitcast3A_295 {add = true} : memref<2x10240xf32, #tpu.memory_space<vmem>>[vector<16xi32>, vector<16xi32>], vector<16xf32>,
        tpu.vector_store_idx %arg6[%broadcast_in_dim3A_11, %shift_right_logical3A_290], %bitcast3A_297 {add = true} : memref<2x10240xf32, #tpu.memory_space<vmem>>[vector<16xi32>, vector<16xi32>], vector<16xf32>,
        tpu.vector_store_idx %arg6[%broadcast_in_dim3A_9, %shift_right_logical3A_309], %bitcast3A_314 {add = true} : memref<2x10240xf32, #tpu.memory_space<vmem>>[vector<16xi32>, vector<16xi32>], vector<16xf32>,
        tpu.vector_store_idx %arg6[%broadcast_in_dim3A_11, %shift_right_logical3A_309], %bitcast3A_316 {add = true} : memref<2x10240xf32, #tpu.memory_space<vmem>>[vector<16xi32>, vector<16xi32>], vector<16xf32>,
        tpu.vector_store_idx %arg6[%broadcast_in_dim3A_9, %shift_right_logical3A_328], %bitcast3A_333 {add = true} : memref<2x10240xf32, #tpu.memory_space<vmem>>[vector<16xi32>, vector<16xi32>], vector<16xf32>,
        tpu.vector_store_idx %arg6[%broadcast_in_dim3A_11, %shift_right_logical3A_328], %bitcast3A_335 {add = true} : memref<2x10240xf32, #tpu.memory_space<vmem>>[vector<16xi32>, vector<16xi32>], vector<16xf32>,
        tpu.vector_store_idx %arg6[%broadcast_in_dim3A_9, %shift_right_logical3A_347], %bitcast3A_352 {add = true} : memref<2x10240xf32, #tpu.memory_space<vmem>>[vector<16xi32>, vector<16xi32>], vector<16xf32>,
        tpu.vector_store_idx %arg6[%broadcast_in_dim3A_11, %shift_right_logical3A_347], %bitcast3A_354 {add = true} : memref<2x10240xf32, #tpu.memory_space<vmem>>[vector<16xi32>, vector<16xi32>], vector<16xf32>,
        tpu.vector_store_idx %arg6[%broadcast_in_dim3A_9, %shift_right_logical3A_366], %bitcast3A_371 {add = true} : memref<2x10240xf32, #tpu.memory_space<vmem>>[vector<16xi32>, vector<16xi32>], vector<16xf32>,
        tpu.vector_store_idx %arg6[%broadcast_in_dim3A_11, %shift_right_logical3A_366], %bitcast3A_373 {add = true} : memref<2x10240xf32, #tpu.memory_space<vmem>>[vector<16xi32>, vector<16xi32>], vector<16xf32>,
      }
      %scan3A_74 = arith.constant 25 : i32
    }
    %scan3A_21 = arith.constant 25 : i32
    %run_scoped3A = arith.constant 0 : i32
    "tpu.region"() ({
      %run_scoped3A_25 = tpu.sem_alloc : memref<!tpu.dma_semaphore, #tpu.memory_space<semaphore_mem>>
      %dma_start3A_26 = arith.constant 0 : i32
      %dma_start3A_27 = tpu.memref_slice %arg6[%run_scoped3A, %dma_start3A_26] : memref<2x10240xf32, #tpu.memory_space<vmem>> -> memref<1x10240xf32, #tpu.memory_space<vmem>>
      %dma_start3A_28 = tpu.memref_squeeze %dma_start3A_27 : memref<1x10240xf32, #tpu.memory_space<vmem>> -> memref<10240xf32, #tpu.memory_space<vmem>>
      %dma_start3A_29 = arith.constant 0 : i32
      %dma_start3A_30 = tpu.memref_slice %arg4[%add3A, %dma_start3A_29] : memref<64x10240xf32, #tpu.memory_space<hbm>> -> memref<1x10240xf32, #tpu.memory_space<hbm>>
      %dma_start3A_31 = tpu.memref_squeeze %dma_start3A_30 : memref<1x10240xf32, #tpu.memory_space<hbm>> -> memref<10240xf32, #tpu.memory_space<hbm>>
      %dma_start3A_32 = arith.constant 0 : i32
      %dma_start3A_33 = tpu.memref_slice %arg4[%add3A, %dma_start3A_32] : memref<64x10240xf32, #tpu.memory_space<hbm>> -> memref<1x10240xf32, #tpu.memory_space<hbm>>
      %dma_start3A_34 = tpu.memref_squeeze %dma_start3A_33 : memref<1x10240xf32, #tpu.memory_space<hbm>> -> memref<10240xf32, #tpu.memory_space<hbm>>
      %dma_start3A_35 = arith.constant 0 : i32
      %dma_start3A_36 = tpu.memref_slice %arg6[%run_scoped3A, %dma_start3A_35] : memref<2x10240xf32, #tpu.memory_space<vmem>> -> memref<1x10240xf32, #tpu.memory_space<vmem>>
      %dma_start3A_37 = tpu.memref_squeeze %dma_start3A_36 : memref<1x10240xf32, #tpu.memory_space<vmem>> -> memref<10240xf32, #tpu.memory_space<vmem>>
      tpu.enqueue_dma source(%dma_start3A_37 : memref<10240xf32, #tpu.memory_space<vmem>>) target(%dma_start3A_34 : memref<10240xf32, #tpu.memory_space<hbm>>) target_semaphore(%run_scoped3A_25 : memref<!tpu.dma_semaphore, #tpu.memory_space<semaphore_mem>>)
      %dma_wait3A = arith.constant 0 : i32
      %dma_wait3A_38 = tpu.memref_slice %arg6[%run_scoped3A, %dma_wait3A] : memref<2x10240xf32, #tpu.memory_space<vmem>> -> memref<1x10240xf32, #tpu.memory_space<vmem>>
      %dma_wait3A_39 = tpu.memref_squeeze %dma_wait3A_38 : memref<1x10240xf32, #tpu.memory_space<vmem>> -> memref<10240xf32, #tpu.memory_space<vmem>>
      %dma_wait3A_40 = arith.constant 0 : i32
      %dma_wait3A_41 = tpu.memref_slice %arg4[%add3A, %dma_wait3A_40] : memref<64x10240xf32, #tpu.memory_space<hbm>> -> memref<1x10240xf32, #tpu.memory_space<hbm>>
      %dma_wait3A_42 = tpu.memref_squeeze %dma_wait3A_41 : memref<1x10240xf32, #tpu.memory_space<hbm>> -> memref<10240xf32, #tpu.memory_space<hbm>>
      %dma_wait3A_43 = arith.constant 0 : i32
      %dma_wait3A_44 = tpu.memref_slice %arg4[%add3A, %dma_wait3A_43] : memref<64x10240xf32, #tpu.memory_space<hbm>> -> memref<1x10240xf32, #tpu.memory_space<hbm>>
      %dma_wait3A_45 = tpu.memref_squeeze %dma_wait3A_44 : memref<1x10240xf32, #tpu.memory_space<hbm>> -> memref<10240xf32, #tpu.memory_space<hbm>>
      %dma_wait3A_46 = arith.constant 0 : i32
      %dma_wait3A_47 = tpu.memref_slice %arg6[%run_scoped3A, %dma_wait3A_46] : memref<2x10240xf32, #tpu.memory_space<vmem>> -> memref<1x10240xf32, #tpu.memory_space<vmem>>
      %dma_wait3A_48 = tpu.memref_squeeze %dma_wait3A_47 : memref<1x10240xf32, #tpu.memory_space<vmem>> -> memref<10240xf32, #tpu.memory_space<vmem>>
      tpu.wait_dma2 semaphore(%run_scoped3A_25 : memref<!tpu.dma_semaphore, #tpu.memory_space<semaphore_mem>>) src(%dma_wait3A_48 : memref<10240xf32, #tpu.memory_space<vmem>>) dst(%dma_wait3A_45 : memref<10240xf32, #tpu.memory_space<hbm>>)
      tpu.yield
    }) : () -> ()
    %add3A_22 = arith.constant 32 : i32
    %add3A_23 = arith.addi %add3A, %add3A_22 : i32
    %run_scoped3A_24 = arith.constant 1 : i32
    "tpu.region"() ({
      %run_scoped3A_25 = tpu.sem_alloc : memref<!tpu.dma_semaphore, #tpu.memory_space<semaphore_mem>>
      %dma_start3A_26 = arith.constant 0 : i32
      %dma_start3A_27 = tpu.memref_slice %arg6[%run_scoped3A_24, %dma_start3A_26] : memref<2x10240xf32, #tpu.memory_space<vmem>> -> memref<1x10240xf32, #tpu.memory_space<vmem>>
      %dma_start3A_28 = tpu.memref_squeeze %dma_start3A_27 : memref<1x10240xf32, #tpu.memory_space<vmem>> -> memref<10240xf32, #tpu.memory_space<vmem>>
      %dma_start3A_29 = arith.constant 0 : i32
      %dma_start3A_30 = tpu.memref_slice %arg4[%add3A_23, %dma_start3A_29] : memref<64x10240xf32, #tpu.memory_space<hbm>> -> memref<1x10240xf32, #tpu.memory_space<hbm>>
      %dma_start3A_31 = tpu.memref_squeeze %dma_start3A_30 : memref<1x10240xf32, #tpu.memory_space<hbm>> -> memref<10240xf32, #tpu.memory_space<hbm>>
      %dma_start3A_32 = arith.constant 0 : i32
      %dma_start3A_33 = tpu.memref_slice %arg4[%add3A_23, %dma_start3A_32] : memref<64x10240xf32, #tpu.memory_space<hbm>> -> memref<1x10240xf32, #tpu.memory_space<hbm>>
      %dma_start3A_34 = tpu.memref_squeeze %dma_start3A_33 : memref<1x10240xf32, #tpu.memory_space<hbm>> -> memref<10240xf32, #tpu.memory_space<hbm>>
      %dma_start3A_35 = arith.constant 0 : i32
      %dma_start3A_36 = tpu.memref_slice %arg6[%run_scoped3A_24, %dma_start3A_35] : memref<2x10240xf32, #tpu.memory_space<vmem>> -> memref<1x10240xf32, #tpu.memory_space<vmem>>
      %dma_start3A_37 = tpu.memref_squeeze %dma_start3A_36 : memref<1x10240xf32, #tpu.memory_space<vmem>> -> memref<10240xf32, #tpu.memory_space<vmem>>
      tpu.enqueue_dma source(%dma_start3A_37 : memref<10240xf32, #tpu.memory_space<vmem>>) target(%dma_start3A_34 : memref<10240xf32, #tpu.memory_space<hbm>>) target_semaphore(%run_scoped3A_25 : memref<!tpu.dma_semaphore, #tpu.memory_space<semaphore_mem>>)
      %dma_wait3A = arith.constant 0 : i32
      %dma_wait3A_38 = tpu.memref_slice %arg6[%run_scoped3A_24, %dma_wait3A] : memref<2x10240xf32, #tpu.memory_space<vmem>> -> memref<1x10240xf32, #tpu.memory_space<vmem>>
      %dma_wait3A_39 = tpu.memref_squeeze %dma_wait3A_38 : memref<1x10240xf32, #tpu.memory_space<vmem>> -> memref<10240xf32, #tpu.memory_space<vmem>>
      %dma_wait3A_40 = arith.constant 0 : i32
      %dma_wait3A_41 = tpu.memref_slice %arg4[%add3A_23, %dma_wait3A_40] : memref<64x10240xf32, #tpu.memory_space<hbm>> -> memref<1x10240xf32, #tpu.memory_space<hbm>>
      %dma_wait3A_42 = tpu.memref_squeeze %dma_wait3A_41 : memref<1x10240xf32, #tpu.memory_space<hbm>> -> memref<10240xf32, #tpu.memory_space<hbm>>
      %dma_wait3A_43 = arith.constant 0 : i32
      %dma_wait3A_44 = tpu.memref_slice %arg4[%add3A_23, %dma_wait3A_43] : memref<64x10240xf32, #tpu.memory_space<hbm>> -> memref<1x10240xf32, #tpu.memory_space<hbm>>
      %dma_wait3A_45 = tpu.memref_squeeze %dma_wait3A_44 : memref<1x10240xf32, #tpu.memory_space<hbm>> -> memref<10240xf32, #tpu.memory_space<hbm>>
      %dma_wait3A_46 = arith.constant 0 : i32
      %dma_wait3A_47 = tpu.memref_slice %arg6[%run_scoped3A_24, %dma_wait3A_46] : memref<2x10240xf32, #tpu.memory_space<vmem>> -> memref<1x10240xf32, #tpu.memory_space<vmem>>
      %dma_wait3A_48 = tpu.memref_squeeze %dma_wait3A_47 : memref<1x10240xf32, #tpu.memory_space<vmem>> -> memref<10240xf32, #tpu.memory_space<vmem>>
      tpu.wait_dma2 semaphore(%run_scoped3A_25 : memref<!tpu.dma_semaphore, #tpu.memory_space<semaphore_mem>>) src(%dma_wait3A_48 : memref<10240xf32, #tpu.memory_space<vmem>>) dst(%dma_wait3A_45 : memref<10240xf32, #tpu.memory_space<hbm>>)
      tpu.yield
    }) : () -> ()
    return
  }
}

#map = affine_map<(d0, d1) -> (0)>
#map1 = affine_map<(d0, d1) -> (0, 0)>
module attributes {stable_mosaic.version = 14 : i64} {
  func.func @_edge_body(%arg0: i32, %arg1: i32, %arg2: memref<320000xi32, #tpu.memory_space<hbm>>, %arg3: memref<32x10240xi32, #tpu.memory_space<hbm>>, %arg4: memref<64x10240xf32, #tpu.memory_space<hbm>>, %arg5: memref<10240xi32, #tpu.memory_space<vmem>>, %arg6: memref<2x10240xf32, #tpu.memory_space<vmem>>, %arg7: memref<6400xi32, #tpu.memory_space<vmem>>, %arg8: memref<6400xi32, #tpu.memory_space<vmem>>, %arg9: memref<!tpu.dma_semaphore, #tpu.memory_space<semaphore_mem>>, %arg10: memref<!tpu.dma_semaphore, #tpu.memory_space<semaphore_mem>>) attributes {dimension_semantics = [#tpu.dimension_semantics<core_parallel>, #tpu.dimension_semantics<subcore_parallel>], iteration_bounds = array<i64: 2, 16>, scalar_prefetch = 0 : i64, scratch_operands = 6 : i64, tpu.core_type = #tpu.core_type<sc_vector_subcore>, window_params = [{transform_indices = #map}, {transform_indices = #map1}, {transform_indices = #map1}]} {
    %mul3A = arith.constant 16 : i32
    %mul3A_0 = arith.muli %arg0, %mul3A : i32
    %add3A = arith.addi %mul3A_0, %arg1 : i32
    "tpu.region"() ({
      %run_scoped3A_25 = tpu.sem_alloc : memref<!tpu.dma_semaphore, #tpu.memory_space<semaphore_mem>>
      %dma_start3A_26 = arith.constant 0 : i32
      %dma_start3A_27 = tpu.memref_slice %arg3[%add3A, %dma_start3A_26] : memref<32x10240xi32, #tpu.memory_space<hbm>> -> memref<1x10240xi32, #tpu.memory_space<hbm>>
      %dma_start3A_28 = tpu.memref_squeeze %dma_start3A_27 : memref<1x10240xi32, #tpu.memory_space<hbm>> -> memref<10240xi32, #tpu.memory_space<hbm>>
      %dma_start3A_29 = arith.constant 0 : i32
      %dma_start3A_30 = tpu.memref_slice %arg3[%add3A, %dma_start3A_29] : memref<32x10240xi32, #tpu.memory_space<hbm>> -> memref<1x10240xi32, #tpu.memory_space<hbm>>
      %dma_start3A_31 = tpu.memref_squeeze %dma_start3A_30 : memref<1x10240xi32, #tpu.memory_space<hbm>> -> memref<10240xi32, #tpu.memory_space<hbm>>
      tpu.enqueue_dma source(%dma_start3A_31 : memref<10240xi32, #tpu.memory_space<hbm>>) target(%arg5 : memref<10240xi32, #tpu.memory_space<vmem>>) target_semaphore(%run_scoped3A_25 : memref<!tpu.dma_semaphore, #tpu.memory_space<semaphore_mem>>)
      %dma_wait3A = arith.constant 0 : i32
      %dma_wait3A_32 = tpu.memref_slice %arg3[%add3A, %dma_wait3A] : memref<32x10240xi32, #tpu.memory_space<hbm>> -> memref<1x10240xi32, #tpu.memory_space<hbm>>
      %dma_wait3A_33 = tpu.memref_squeeze %dma_wait3A_32 : memref<1x10240xi32, #tpu.memory_space<hbm>> -> memref<10240xi32, #tpu.memory_space<hbm>>
      %dma_wait3A_34 = arith.constant 0 : i32
      %dma_wait3A_35 = tpu.memref_slice %arg3[%add3A, %dma_wait3A_34] : memref<32x10240xi32, #tpu.memory_space<hbm>> -> memref<1x10240xi32, #tpu.memory_space<hbm>>
      %dma_wait3A_36 = tpu.memref_squeeze %dma_wait3A_35 : memref<1x10240xi32, #tpu.memory_space<hbm>> -> memref<10240xi32, #tpu.memory_space<hbm>>
      tpu.wait_dma2 semaphore(%run_scoped3A_25 : memref<!tpu.dma_semaphore, #tpu.memory_space<semaphore_mem>>) src(%dma_wait3A_36 : memref<10240xi32, #tpu.memory_space<hbm>>) dst(%arg5 : memref<10240xi32, #tpu.memory_space<vmem>>)
      tpu.yield
    }) : () -> ()
    %scan3A = arith.constant 0 : i32
    %scan3A_1 = arith.constant 0 : i32
    %scan3A_2 = arith.constant 640 : i32
    %scan3A_3 = arith.addi %scan3A_1, %scan3A_2 : i32
    %scan3A_4 = arith.constant 1 : i32
    scf.for %scan3A_25 = %scan3A_1 to %scan3A_3 step %scan3A_4  : i32 {
      %broadcast_in_dim3A_26 = arith.constant 0.000000e+00 : f32
      %broadcast_in_dim3A_27 = vector.broadcast %broadcast_in_dim3A_26 : f32 to vector<16xf32>
      %mul3A_28 = arith.constant 16 : i32
      %mul3A_29 = arith.muli %scan3A_25, %mul3A_28 : i32
      %swap3A = arith.constant 0 : i32
      %swap3A_30 = arith.index_cast %swap3A : i32 to index
      %swap3A_31 = arith.index_cast %mul3A_29 : i32 to index
      %swap3A_32 = tpu.vector_load %arg6[%swap3A_30, %swap3A_31] {strides = array<i32>} : memref<2x10240xf32, #tpu.memory_space<vmem>>, vector<16xf32>,
      tpu.vector_store %arg6[%swap3A_30, %swap3A_31], %broadcast_in_dim3A_27 {strides = array<i32>} : memref<2x10240xf32, #tpu.memory_space<vmem>>, vector<16xf32>,
      %broadcast_in_dim3A_33 = arith.constant 0.000000e+00 : f32
      %broadcast_in_dim3A_34 = vector.broadcast %broadcast_in_dim3A_33 : f32 to vector<16xf32>
      %mul3A_35 = arith.constant 16 : i32
      %mul3A_36 = arith.muli %scan3A_25, %mul3A_35 : i32
      %swap3A_37 = arith.constant 1 : i32
      %swap3A_38 = arith.index_cast %swap3A_37 : i32 to index
      %swap3A_39 = arith.index_cast %mul3A_36 : i32 to index
      %swap3A_40 = tpu.vector_load %arg6[%swap3A_38, %swap3A_39] {strides = array<i32>} : memref<2x10240xf32, #tpu.memory_space<vmem>>, vector<16xf32>,
      tpu.vector_store %arg6[%swap3A_38, %swap3A_39], %broadcast_in_dim3A_34 {strides = array<i32>} : memref<2x10240xf32, #tpu.memory_space<vmem>>, vector<16xf32>,
    }
    %scan3A_5 = arith.constant 640 : i32
    %dma_start3A = arith.constant 0 : i32
    %dma_start3A_6 = tpu.memref_slice %arg2[%dma_start3A] : memref<320000xi32, #tpu.memory_space<hbm>> -> memref<6400xi32, #tpu.memory_space<hbm>>
    %dma_start3A_7 = arith.constant 0 : i32
    %dma_start3A_8 = tpu.memref_slice %arg2[%dma_start3A_7] : memref<320000xi32, #tpu.memory_space<hbm>> -> memref<6400xi32, #tpu.memory_space<hbm>>
    tpu.enqueue_dma source(%dma_start3A_8 : memref<6400xi32, #tpu.memory_space<hbm>>) target(%arg7 : memref<6400xi32, #tpu.memory_space<vmem>>) target_semaphore(%arg9 : memref<!tpu.dma_semaphore, #tpu.memory_space<semaphore_mem>>)
    %broadcast_in_dim3A = arith.constant 0 : i32
    %broadcast_in_dim3A_9 = vector.broadcast %broadcast_in_dim3A : i32 to vector<16xi32>
    %broadcast_in_dim3A_10 = arith.constant 1 : i32
    %broadcast_in_dim3A_11 = vector.broadcast %broadcast_in_dim3A_10 : i32 to vector<16xi32>
    %broadcast_in_dim3A_12 = arith.constant 16383 : i32
    %broadcast_in_dim3A_13 = vector.broadcast %broadcast_in_dim3A_12 : i32 to vector<16xi32>
    %broadcast_in_dim3A_14 = arith.constant -65536 : i32
    %broadcast_in_dim3A_15 = vector.broadcast %broadcast_in_dim3A_14 : i32 to vector<16xi32>
    %scan3A_16 = arith.constant 0 : i32
    %scan3A_17 = arith.constant 0 : i32
    %scan3A_18 = arith.constant 25 : i32
    %scan3A_19 = arith.addi %scan3A_17, %scan3A_18 : i32
    %scan3A_20 = arith.constant 1 : i32
    scf.for %scan3A_25 = %scan3A_17 to %scan3A_19 step %scan3A_20  : i32 {
      %mul3A_26 = arith.constant 2 : i32
      %mul3A_27 = arith.muli %scan3A_25, %mul3A_26 : i32
      %add3A_28 = arith.constant 0 : i32
      %add3A_29 = arith.addi %mul3A_27, %add3A_28 : i32
      %dma_wait3A = arith.constant 0 : i32
      %dma_wait3A_30 = tpu.memref_slice %arg2[%dma_wait3A] : memref<320000xi32, #tpu.memory_space<hbm>> -> memref<6400xi32, #tpu.memory_space<hbm>>
      %dma_wait3A_31 = arith.constant 0 : i32
      %dma_wait3A_32 = tpu.memref_slice %arg2[%dma_wait3A_31] : memref<320000xi32, #tpu.memory_space<hbm>> -> memref<6400xi32, #tpu.memory_space<hbm>>
      tpu.wait_dma2 semaphore(%arg9 : memref<!tpu.dma_semaphore, #tpu.memory_space<semaphore_mem>>) src(%dma_wait3A_32 : memref<6400xi32, #tpu.memory_space<hbm>>) dst(%arg7 : memref<6400xi32, #tpu.memory_space<vmem>>)
      %add3A_33 = arith.constant 1 : i32
      %add3A_34 = arith.addi %add3A_29, %add3A_33 : i32
      %mul3A_35 = arith.constant 6400 : i32
      %mul3A_36 = arith.muli %add3A_34, %mul3A_35 : i32
      %min3A = arith.constant 313600 : i32
      %min3A_37 = arith.minsi %mul3A_36, %min3A : i32
      %add3A_38 = arith.constant 1 : i32
      %add3A_39 = arith.addi %add3A_29, %add3A_38 : i32
      %lt3A = arith.constant 50 : i32
      %lt3A_40 = arith.cmpi slt, %add3A_39, %lt3A : i32
      %convert_element_type3A = arith.extui %lt3A_40 : i1 to i32
      %cond3A = arith.constant 0 : i32
      %cond3A_41 = arith.cmpi ne, %convert_element_type3A, %cond3A : i32
      scf.if %cond3A_41 {
        %dma_start3A_75 = tpu.memref_slice %arg2[%min3A_37] : memref<320000xi32, #tpu.memory_space<hbm>> -> memref<6400xi32, #tpu.memory_space<hbm>>
        %dma_start3A_76 = tpu.memref_slice %arg2[%min3A_37] : memref<320000xi32, #tpu.memory_space<hbm>> -> memref<6400xi32, #tpu.memory_space<hbm>>
        tpu.enqueue_dma source(%dma_start3A_76 : memref<6400xi32, #tpu.memory_space<hbm>>) target(%arg8 : memref<6400xi32, #tpu.memory_space<vmem>>) target_semaphore(%arg10 : memref<!tpu.dma_semaphore, #tpu.memory_space<semaphore_mem>>)
      } else {
      }
      %scan3A_42 = arith.constant 0 : i32
      %scan3A_43 = arith.constant 0 : i32
      %scan3A_44 = arith.constant 25 : i32
      %scan3A_45 = arith.addi %scan3A_43, %scan3A_44 : i32
      %scan3A_46 = arith.constant 1 : i32
      scf.for %scan3A_75 = %scan3A_43 to %scan3A_45 step %scan3A_46  : i32 {
        %mul3A_76 = arith.constant 16 : i32
        %mul3A_77 = arith.muli %scan3A_75, %mul3A_76 : i32
        %add3A_78 = arith.constant 0 : i32
        %add3A_79 = arith.addi %mul3A_77, %add3A_78 : i32
        %mul3A_80 = arith.constant 16 : i32
        %mul3A_81 = arith.muli %add3A_79, %mul3A_80 : i32
        %get3A = arith.index_cast %mul3A_81 : i32 to index
        %get3A_82 = tpu.vector_load %arg7[%get3A] {strides = array<i32>} : memref<6400xi32, #tpu.memory_space<vmem>>, vector<16xi32>,
        %and3A = arith.andi %get3A_82, %broadcast_in_dim3A_13 : vector<16xi32>
        %shift_right_logical3A = arith.constant 14 : i32
        %shift_right_logical3A_83 = vector.broadcast %shift_right_logical3A : i32 to vector<16xi32>
        %shift_right_logical3A_84 = arith.shrui %get3A_82, %shift_right_logical3A_83 : vector<16xi32>
        %gather3A = tpu.vector_load_idx %arg5[%and3A] : memref<10240xi32, #tpu.memory_space<vmem>>[vector<16xi32>], vector<16xi32>,
        %shift_left3A = arith.constant 16 : i32
        %shift_left3A_85 = vector.broadcast %shift_left3A : i32 to vector<16xi32>
        %shift_left3A_86 = arith.shli %gather3A, %shift_left3A_85 : vector<16xi32>
        %bitcast3A = vector.bitcast %shift_left3A_86 : vector<16xi32> to vector<16xf32>
        %and3A_87 = arith.andi %gather3A, %broadcast_in_dim3A_15 : vector<16xi32>
        %bitcast3A_88 = vector.bitcast %and3A_87 : vector<16xi32> to vector<16xf32>
        %mul3A_89 = arith.constant 16 : i32
        %mul3A_90 = arith.muli %scan3A_75, %mul3A_89 : i32
        %add3A_91 = arith.constant 1 : i32
        %add3A_92 = arith.addi %mul3A_90, %add3A_91 : i32
        %mul3A_93 = arith.constant 16 : i32
        %mul3A_94 = arith.muli %add3A_92, %mul3A_93 : i32
        %get3A_95 = arith.index_cast %mul3A_94 : i32 to index
        %get3A_96 = tpu.vector_load %arg7[%get3A_95] {strides = array<i32>} : memref<6400xi32, #tpu.memory_space<vmem>>, vector<16xi32>,
        %and3A_97 = arith.andi %get3A_96, %broadcast_in_dim3A_13 : vector<16xi32>
        %shift_right_logical3A_98 = arith.constant 14 : i32
        %shift_right_logical3A_99 = vector.broadcast %shift_right_logical3A_98 : i32 to vector<16xi32>
        %shift_right_logical3A_100 = arith.shrui %get3A_96, %shift_right_logical3A_99 : vector<16xi32>
        %gather3A_101 = tpu.vector_load_idx %arg5[%and3A_97] : memref<10240xi32, #tpu.memory_space<vmem>>[vector<16xi32>], vector<16xi32>,
        %shift_left3A_102 = arith.constant 16 : i32
        %shift_left3A_103 = vector.broadcast %shift_left3A_102 : i32 to vector<16xi32>
        %shift_left3A_104 = arith.shli %gather3A_101, %shift_left3A_103 : vector<16xi32>
        %bitcast3A_105 = vector.bitcast %shift_left3A_104 : vector<16xi32> to vector<16xf32>
        %and3A_106 = arith.andi %gather3A_101, %broadcast_in_dim3A_15 : vector<16xi32>
        %bitcast3A_107 = vector.bitcast %and3A_106 : vector<16xi32> to vector<16xf32>
        %mul3A_108 = arith.constant 16 : i32
        %mul3A_109 = arith.muli %scan3A_75, %mul3A_108 : i32
        %add3A_110 = arith.constant 2 : i32
        %add3A_111 = arith.addi %mul3A_109, %add3A_110 : i32
        %mul3A_112 = arith.constant 16 : i32
        %mul3A_113 = arith.muli %add3A_111, %mul3A_112 : i32
        %get3A_114 = arith.index_cast %mul3A_113 : i32 to index
        %get3A_115 = tpu.vector_load %arg7[%get3A_114] {strides = array<i32>} : memref<6400xi32, #tpu.memory_space<vmem>>, vector<16xi32>,
        %and3A_116 = arith.andi %get3A_115, %broadcast_in_dim3A_13 : vector<16xi32>
        %shift_right_logical3A_117 = arith.constant 14 : i32
        %shift_right_logical3A_118 = vector.broadcast %shift_right_logical3A_117 : i32 to vector<16xi32>
        %shift_right_logical3A_119 = arith.shrui %get3A_115, %shift_right_logical3A_118 : vector<16xi32>
        %gather3A_120 = tpu.vector_load_idx %arg5[%and3A_116] : memref<10240xi32, #tpu.memory_space<vmem>>[vector<16xi32>], vector<16xi32>,
        %shift_left3A_121 = arith.constant 16 : i32
        %shift_left3A_122 = vector.broadcast %shift_left3A_121 : i32 to vector<16xi32>
        %shift_left3A_123 = arith.shli %gather3A_120, %shift_left3A_122 : vector<16xi32>
        %bitcast3A_124 = vector.bitcast %shift_left3A_123 : vector<16xi32> to vector<16xf32>
        %and3A_125 = arith.andi %gather3A_120, %broadcast_in_dim3A_15 : vector<16xi32>
        %bitcast3A_126 = vector.bitcast %and3A_125 : vector<16xi32> to vector<16xf32>
        %mul3A_127 = arith.constant 16 : i32
        %mul3A_128 = arith.muli %scan3A_75, %mul3A_127 : i32
        %add3A_129 = arith.constant 3 : i32
        %add3A_130 = arith.addi %mul3A_128, %add3A_129 : i32
        %mul3A_131 = arith.constant 16 : i32
        %mul3A_132 = arith.muli %add3A_130, %mul3A_131 : i32
        %get3A_133 = arith.index_cast %mul3A_132 : i32 to index
        %get3A_134 = tpu.vector_load %arg7[%get3A_133] {strides = array<i32>} : memref<6400xi32, #tpu.memory_space<vmem>>, vector<16xi32>,
        %and3A_135 = arith.andi %get3A_134, %broadcast_in_dim3A_13 : vector<16xi32>
        %shift_right_logical3A_136 = arith.constant 14 : i32
        %shift_right_logical3A_137 = vector.broadcast %shift_right_logical3A_136 : i32 to vector<16xi32>
        %shift_right_logical3A_138 = arith.shrui %get3A_134, %shift_right_logical3A_137 : vector<16xi32>
        %gather3A_139 = tpu.vector_load_idx %arg5[%and3A_135] : memref<10240xi32, #tpu.memory_space<vmem>>[vector<16xi32>], vector<16xi32>,
        %shift_left3A_140 = arith.constant 16 : i32
        %shift_left3A_141 = vector.broadcast %shift_left3A_140 : i32 to vector<16xi32>
        %shift_left3A_142 = arith.shli %gather3A_139, %shift_left3A_141 : vector<16xi32>
        %bitcast3A_143 = vector.bitcast %shift_left3A_142 : vector<16xi32> to vector<16xf32>
        %and3A_144 = arith.andi %gather3A_139, %broadcast_in_dim3A_15 : vector<16xi32>
        %bitcast3A_145 = vector.bitcast %and3A_144 : vector<16xi32> to vector<16xf32>
        %mul3A_146 = arith.constant 16 : i32
        %mul3A_147 = arith.muli %scan3A_75, %mul3A_146 : i32
        %add3A_148 = arith.constant 4 : i32
        %add3A_149 = arith.addi %mul3A_147, %add3A_148 : i32
        %mul3A_150 = arith.constant 16 : i32
        %mul3A_151 = arith.muli %add3A_149, %mul3A_150 : i32
        %get3A_152 = arith.index_cast %mul3A_151 : i32 to index
        %get3A_153 = tpu.vector_load %arg7[%get3A_152] {strides = array<i32>} : memref<6400xi32, #tpu.memory_space<vmem>>, vector<16xi32>,
        %and3A_154 = arith.andi %get3A_153, %broadcast_in_dim3A_13 : vector<16xi32>
        %shift_right_logical3A_155 = arith.constant 14 : i32
        %shift_right_logical3A_156 = vector.broadcast %shift_right_logical3A_155 : i32 to vector<16xi32>
        %shift_right_logical3A_157 = arith.shrui %get3A_153, %shift_right_logical3A_156 : vector<16xi32>
        %gather3A_158 = tpu.vector_load_idx %arg5[%and3A_154] : memref<10240xi32, #tpu.memory_space<vmem>>[vector<16xi32>], vector<16xi32>,
        %shift_left3A_159 = arith.constant 16 : i32
        %shift_left3A_160 = vector.broadcast %shift_left3A_159 : i32 to vector<16xi32>
        %shift_left3A_161 = arith.shli %gather3A_158, %shift_left3A_160 : vector<16xi32>
        %bitcast3A_162 = vector.bitcast %shift_left3A_161 : vector<16xi32> to vector<16xf32>
        %and3A_163 = arith.andi %gather3A_158, %broadcast_in_dim3A_15 : vector<16xi32>
        %bitcast3A_164 = vector.bitcast %and3A_163 : vector<16xi32> to vector<16xf32>
        %mul3A_165 = arith.constant 16 : i32
        %mul3A_166 = arith.muli %scan3A_75, %mul3A_165 : i32
        %add3A_167 = arith.constant 5 : i32
        %add3A_168 = arith.addi %mul3A_166, %add3A_167 : i32
        %mul3A_169 = arith.constant 16 : i32
        %mul3A_170 = arith.muli %add3A_168, %mul3A_169 : i32
        %get3A_171 = arith.index_cast %mul3A_170 : i32 to index
        %get3A_172 = tpu.vector_load %arg7[%get3A_171] {strides = array<i32>} : memref<6400xi32, #tpu.memory_space<vmem>>, vector<16xi32>,
        %and3A_173 = arith.andi %get3A_172, %broadcast_in_dim3A_13 : vector<16xi32>
        %shift_right_logical3A_174 = arith.constant 14 : i32
        %shift_right_logical3A_175 = vector.broadcast %shift_right_logical3A_174 : i32 to vector<16xi32>
        %shift_right_logical3A_176 = arith.shrui %get3A_172, %shift_right_logical3A_175 : vector<16xi32>
        %gather3A_177 = tpu.vector_load_idx %arg5[%and3A_173] : memref<10240xi32, #tpu.memory_space<vmem>>[vector<16xi32>], vector<16xi32>,
        %shift_left3A_178 = arith.constant 16 : i32
        %shift_left3A_179 = vector.broadcast %shift_left3A_178 : i32 to vector<16xi32>
        %shift_left3A_180 = arith.shli %gather3A_177, %shift_left3A_179 : vector<16xi32>
        %bitcast3A_181 = vector.bitcast %shift_left3A_180 : vector<16xi32> to vector<16xf32>
        %and3A_182 = arith.andi %gather3A_177, %broadcast_in_dim3A_15 : vector<16xi32>
        %bitcast3A_183 = vector.bitcast %and3A_182 : vector<16xi32> to vector<16xf32>
        %mul3A_184 = arith.constant 16 : i32
        %mul3A_185 = arith.muli %scan3A_75, %mul3A_184 : i32
        %add3A_186 = arith.constant 6 : i32
        %add3A_187 = arith.addi %mul3A_185, %add3A_186 : i32
        %mul3A_188 = arith.constant 16 : i32
        %mul3A_189 = arith.muli %add3A_187, %mul3A_188 : i32
        %get3A_190 = arith.index_cast %mul3A_189 : i32 to index
        %get3A_191 = tpu.vector_load %arg7[%get3A_190] {strides = array<i32>} : memref<6400xi32, #tpu.memory_space<vmem>>, vector<16xi32>,
        %and3A_192 = arith.andi %get3A_191, %broadcast_in_dim3A_13 : vector<16xi32>
        %shift_right_logical3A_193 = arith.constant 14 : i32
        %shift_right_logical3A_194 = vector.broadcast %shift_right_logical3A_193 : i32 to vector<16xi32>
        %shift_right_logical3A_195 = arith.shrui %get3A_191, %shift_right_logical3A_194 : vector<16xi32>
        %gather3A_196 = tpu.vector_load_idx %arg5[%and3A_192] : memref<10240xi32, #tpu.memory_space<vmem>>[vector<16xi32>], vector<16xi32>,
        %shift_left3A_197 = arith.constant 16 : i32
        %shift_left3A_198 = vector.broadcast %shift_left3A_197 : i32 to vector<16xi32>
        %shift_left3A_199 = arith.shli %gather3A_196, %shift_left3A_198 : vector<16xi32>
        %bitcast3A_200 = vector.bitcast %shift_left3A_199 : vector<16xi32> to vector<16xf32>
        %and3A_201 = arith.andi %gather3A_196, %broadcast_in_dim3A_15 : vector<16xi32>
        %bitcast3A_202 = vector.bitcast %and3A_201 : vector<16xi32> to vector<16xf32>
        %mul3A_203 = arith.constant 16 : i32
        %mul3A_204 = arith.muli %scan3A_75, %mul3A_203 : i32
        %add3A_205 = arith.constant 7 : i32
        %add3A_206 = arith.addi %mul3A_204, %add3A_205 : i32
        %mul3A_207 = arith.constant 16 : i32
        %mul3A_208 = arith.muli %add3A_206, %mul3A_207 : i32
        %get3A_209 = arith.index_cast %mul3A_208 : i32 to index
        %get3A_210 = tpu.vector_load %arg7[%get3A_209] {strides = array<i32>} : memref<6400xi32, #tpu.memory_space<vmem>>, vector<16xi32>,
        %and3A_211 = arith.andi %get3A_210, %broadcast_in_dim3A_13 : vector<16xi32>
        %shift_right_logical3A_212 = arith.constant 14 : i32
        %shift_right_logical3A_213 = vector.broadcast %shift_right_logical3A_212 : i32 to vector<16xi32>
        %shift_right_logical3A_214 = arith.shrui %get3A_210, %shift_right_logical3A_213 : vector<16xi32>
        %gather3A_215 = tpu.vector_load_idx %arg5[%and3A_211] : memref<10240xi32, #tpu.memory_space<vmem>>[vector<16xi32>], vector<16xi32>,
        %shift_left3A_216 = arith.constant 16 : i32
        %shift_left3A_217 = vector.broadcast %shift_left3A_216 : i32 to vector<16xi32>
        %shift_left3A_218 = arith.shli %gather3A_215, %shift_left3A_217 : vector<16xi32>
        %bitcast3A_219 = vector.bitcast %shift_left3A_218 : vector<16xi32> to vector<16xf32>
        %and3A_220 = arith.andi %gather3A_215, %broadcast_in_dim3A_15 : vector<16xi32>
        %bitcast3A_221 = vector.bitcast %and3A_220 : vector<16xi32> to vector<16xf32>
        %mul3A_222 = arith.constant 16 : i32
        %mul3A_223 = arith.muli %scan3A_75, %mul3A_222 : i32
        %add3A_224 = arith.constant 8 : i32
        %add3A_225 = arith.addi %mul3A_223, %add3A_224 : i32
        %mul3A_226 = arith.constant 16 : i32
        %mul3A_227 = arith.muli %add3A_225, %mul3A_226 : i32
        %get3A_228 = arith.index_cast %mul3A_227 : i32 to index
        %get3A_229 = tpu.vector_load %arg7[%get3A_228] {strides = array<i32>} : memref<6400xi32, #tpu.memory_space<vmem>>, vector<16xi32>,
        %and3A_230 = arith.andi %get3A_229, %broadcast_in_dim3A_13 : vector<16xi32>
        %shift_right_logical3A_231 = arith.constant 14 : i32
        %shift_right_logical3A_232 = vector.broadcast %shift_right_logical3A_231 : i32 to vector<16xi32>
        %shift_right_logical3A_233 = arith.shrui %get3A_229, %shift_right_logical3A_232 : vector<16xi32>
        %gather3A_234 = tpu.vector_load_idx %arg5[%and3A_230] : memref<10240xi32, #tpu.memory_space<vmem>>[vector<16xi32>], vector<16xi32>,
        %shift_left3A_235 = arith.constant 16 : i32
        %shift_left3A_236 = vector.broadcast %shift_left3A_235 : i32 to vector<16xi32>
        %shift_left3A_237 = arith.shli %gather3A_234, %shift_left3A_236 : vector<16xi32>
        %bitcast3A_238 = vector.bitcast %shift_left3A_237 : vector<16xi32> to vector<16xf32>
        %and3A_239 = arith.andi %gather3A_234, %broadcast_in_dim3A_15 : vector<16xi32>
        %bitcast3A_240 = vector.bitcast %and3A_239 : vector<16xi32> to vector<16xf32>
        %mul3A_241 = arith.constant 16 : i32
        %mul3A_242 = arith.muli %scan3A_75, %mul3A_241 : i32
        %add3A_243 = arith.constant 9 : i32
        %add3A_244 = arith.addi %mul3A_242, %add3A_243 : i32
        %mul3A_245 = arith.constant 16 : i32
        %mul3A_246 = arith.muli %add3A_244, %mul3A_245 : i32
        %get3A_247 = arith.index_cast %mul3A_246 : i32 to index
        %get3A_248 = tpu.vector_load %arg7[%get3A_247] {strides = array<i32>} : memref<6400xi32, #tpu.memory_space<vmem>>, vector<16xi32>,
        %and3A_249 = arith.andi %get3A_248, %broadcast_in_dim3A_13 : vector<16xi32>
        %shift_right_logical3A_250 = arith.constant 14 : i32
        %shift_right_logical3A_251 = vector.broadcast %shift_right_logical3A_250 : i32 to vector<16xi32>
        %shift_right_logical3A_252 = arith.shrui %get3A_248, %shift_right_logical3A_251 : vector<16xi32>
        %gather3A_253 = tpu.vector_load_idx %arg5[%and3A_249] : memref<10240xi32, #tpu.memory_space<vmem>>[vector<16xi32>], vector<16xi32>,
        %shift_left3A_254 = arith.constant 16 : i32
        %shift_left3A_255 = vector.broadcast %shift_left3A_254 : i32 to vector<16xi32>
        %shift_left3A_256 = arith.shli %gather3A_253, %shift_left3A_255 : vector<16xi32>
        %bitcast3A_257 = vector.bitcast %shift_left3A_256 : vector<16xi32> to vector<16xf32>
        %and3A_258 = arith.andi %gather3A_253, %broadcast_in_dim3A_15 : vector<16xi32>
        %bitcast3A_259 = vector.bitcast %and3A_258 : vector<16xi32> to vector<16xf32>
        %mul3A_260 = arith.constant 16 : i32
        %mul3A_261 = arith.muli %scan3A_75, %mul3A_260 : i32
        %add3A_262 = arith.constant 10 : i32
        %add3A_263 = arith.addi %mul3A_261, %add3A_262 : i32
        %mul3A_264 = arith.constant 16 : i32
        %mul3A_265 = arith.muli %add3A_263, %mul3A_264 : i32
        %get3A_266 = arith.index_cast %mul3A_265 : i32 to index
        %get3A_267 = tpu.vector_load %arg7[%get3A_266] {strides = array<i32>} : memref<6400xi32, #tpu.memory_space<vmem>>, vector<16xi32>,
        %and3A_268 = arith.andi %get3A_267, %broadcast_in_dim3A_13 : vector<16xi32>
        %shift_right_logical3A_269 = arith.constant 14 : i32
        %shift_right_logical3A_270 = vector.broadcast %shift_right_logical3A_269 : i32 to vector<16xi32>
        %shift_right_logical3A_271 = arith.shrui %get3A_267, %shift_right_logical3A_270 : vector<16xi32>
        %gather3A_272 = tpu.vector_load_idx %arg5[%and3A_268] : memref<10240xi32, #tpu.memory_space<vmem>>[vector<16xi32>], vector<16xi32>,
        %shift_left3A_273 = arith.constant 16 : i32
        %shift_left3A_274 = vector.broadcast %shift_left3A_273 : i32 to vector<16xi32>
        %shift_left3A_275 = arith.shli %gather3A_272, %shift_left3A_274 : vector<16xi32>
        %bitcast3A_276 = vector.bitcast %shift_left3A_275 : vector<16xi32> to vector<16xf32>
        %and3A_277 = arith.andi %gather3A_272, %broadcast_in_dim3A_15 : vector<16xi32>
        %bitcast3A_278 = vector.bitcast %and3A_277 : vector<16xi32> to vector<16xf32>
        %mul3A_279 = arith.constant 16 : i32
        %mul3A_280 = arith.muli %scan3A_75, %mul3A_279 : i32
        %add3A_281 = arith.constant 11 : i32
        %add3A_282 = arith.addi %mul3A_280, %add3A_281 : i32
        %mul3A_283 = arith.constant 16 : i32
        %mul3A_284 = arith.muli %add3A_282, %mul3A_283 : i32
        %get3A_285 = arith.index_cast %mul3A_284 : i32 to index
        %get3A_286 = tpu.vector_load %arg7[%get3A_285] {strides = array<i32>} : memref<6400xi32, #tpu.memory_space<vmem>>, vector<16xi32>,
        %and3A_287 = arith.andi %get3A_286, %broadcast_in_dim3A_13 : vector<16xi32>
        %shift_right_logical3A_288 = arith.constant 14 : i32
        %shift_right_logical3A_289 = vector.broadcast %shift_right_logical3A_288 : i32 to vector<16xi32>
        %shift_right_logical3A_290 = arith.shrui %get3A_286, %shift_right_logical3A_289 : vector<16xi32>
        %gather3A_291 = tpu.vector_load_idx %arg5[%and3A_287] : memref<10240xi32, #tpu.memory_space<vmem>>[vector<16xi32>], vector<16xi32>,
        %shift_left3A_292 = arith.constant 16 : i32
        %shift_left3A_293 = vector.broadcast %shift_left3A_292 : i32 to vector<16xi32>
        %shift_left3A_294 = arith.shli %gather3A_291, %shift_left3A_293 : vector<16xi32>
        %bitcast3A_295 = vector.bitcast %shift_left3A_294 : vector<16xi32> to vector<16xf32>
        %and3A_296 = arith.andi %gather3A_291, %broadcast_in_dim3A_15 : vector<16xi32>
        %bitcast3A_297 = vector.bitcast %and3A_296 : vector<16xi32> to vector<16xf32>
        %mul3A_298 = arith.constant 16 : i32
        %mul3A_299 = arith.muli %scan3A_75, %mul3A_298 : i32
        %add3A_300 = arith.constant 12 : i32
        %add3A_301 = arith.addi %mul3A_299, %add3A_300 : i32
        %mul3A_302 = arith.constant 16 : i32
        %mul3A_303 = arith.muli %add3A_301, %mul3A_302 : i32
        %get3A_304 = arith.index_cast %mul3A_303 : i32 to index
        %get3A_305 = tpu.vector_load %arg7[%get3A_304] {strides = array<i32>} : memref<6400xi32, #tpu.memory_space<vmem>>, vector<16xi32>,
        %and3A_306 = arith.andi %get3A_305, %broadcast_in_dim3A_13 : vector<16xi32>
        %shift_right_logical3A_307 = arith.constant 14 : i32
        %shift_right_logical3A_308 = vector.broadcast %shift_right_logical3A_307 : i32 to vector<16xi32>
        %shift_right_logical3A_309 = arith.shrui %get3A_305, %shift_right_logical3A_308 : vector<16xi32>
        %gather3A_310 = tpu.vector_load_idx %arg5[%and3A_306] : memref<10240xi32, #tpu.memory_space<vmem>>[vector<16xi32>], vector<16xi32>,
        %shift_left3A_311 = arith.constant 16 : i32
        %shift_left3A_312 = vector.broadcast %shift_left3A_311 : i32 to vector<16xi32>
        %shift_left3A_313 = arith.shli %gather3A_310, %shift_left3A_312 : vector<16xi32>
        %bitcast3A_314 = vector.bitcast %shift_left3A_313 : vector<16xi32> to vector<16xf32>
        %and3A_315 = arith.andi %gather3A_310, %broadcast_in_dim3A_15 : vector<16xi32>
        %bitcast3A_316 = vector.bitcast %and3A_315 : vector<16xi32> to vector<16xf32>
        %mul3A_317 = arith.constant 16 : i32
        %mul3A_318 = arith.muli %scan3A_75, %mul3A_317 : i32
        %add3A_319 = arith.constant 13 : i32
        %add3A_320 = arith.addi %mul3A_318, %add3A_319 : i32
        %mul3A_321 = arith.constant 16 : i32
        %mul3A_322 = arith.muli %add3A_320, %mul3A_321 : i32
        %get3A_323 = arith.index_cast %mul3A_322 : i32 to index
        %get3A_324 = tpu.vector_load %arg7[%get3A_323] {strides = array<i32>} : memref<6400xi32, #tpu.memory_space<vmem>>, vector<16xi32>,
        %and3A_325 = arith.andi %get3A_324, %broadcast_in_dim3A_13 : vector<16xi32>
        %shift_right_logical3A_326 = arith.constant 14 : i32
        %shift_right_logical3A_327 = vector.broadcast %shift_right_logical3A_326 : i32 to vector<16xi32>
        %shift_right_logical3A_328 = arith.shrui %get3A_324, %shift_right_logical3A_327 : vector<16xi32>
        %gather3A_329 = tpu.vector_load_idx %arg5[%and3A_325] : memref<10240xi32, #tpu.memory_space<vmem>>[vector<16xi32>], vector<16xi32>,
        %shift_left3A_330 = arith.constant 16 : i32
        %shift_left3A_331 = vector.broadcast %shift_left3A_330 : i32 to vector<16xi32>
        %shift_left3A_332 = arith.shli %gather3A_329, %shift_left3A_331 : vector<16xi32>
        %bitcast3A_333 = vector.bitcast %shift_left3A_332 : vector<16xi32> to vector<16xf32>
        %and3A_334 = arith.andi %gather3A_329, %broadcast_in_dim3A_15 : vector<16xi32>
        %bitcast3A_335 = vector.bitcast %and3A_334 : vector<16xi32> to vector<16xf32>
        %mul3A_336 = arith.constant 16 : i32
        %mul3A_337 = arith.muli %scan3A_75, %mul3A_336 : i32
        %add3A_338 = arith.constant 14 : i32
        %add3A_339 = arith.addi %mul3A_337, %add3A_338 : i32
        %mul3A_340 = arith.constant 16 : i32
        %mul3A_341 = arith.muli %add3A_339, %mul3A_340 : i32
        %get3A_342 = arith.index_cast %mul3A_341 : i32 to index
        %get3A_343 = tpu.vector_load %arg7[%get3A_342] {strides = array<i32>} : memref<6400xi32, #tpu.memory_space<vmem>>, vector<16xi32>,
        %and3A_344 = arith.andi %get3A_343, %broadcast_in_dim3A_13 : vector<16xi32>
        %shift_right_logical3A_345 = arith.constant 14 : i32
        %shift_right_logical3A_346 = vector.broadcast %shift_right_logical3A_345 : i32 to vector<16xi32>
        %shift_right_logical3A_347 = arith.shrui %get3A_343, %shift_right_logical3A_346 : vector<16xi32>
        %gather3A_348 = tpu.vector_load_idx %arg5[%and3A_344] : memref<10240xi32, #tpu.memory_space<vmem>>[vector<16xi32>], vector<16xi32>,
        %shift_left3A_349 = arith.constant 16 : i32
        %shift_left3A_350 = vector.broadcast %shift_left3A_349 : i32 to vector<16xi32>
        %shift_left3A_351 = arith.shli %gather3A_348, %shift_left3A_350 : vector<16xi32>
        %bitcast3A_352 = vector.bitcast %shift_left3A_351 : vector<16xi32> to vector<16xf32>
        %and3A_353 = arith.andi %gather3A_348, %broadcast_in_dim3A_15 : vector<16xi32>
        %bitcast3A_354 = vector.bitcast %and3A_353 : vector<16xi32> to vector<16xf32>
        %mul3A_355 = arith.constant 16 : i32
        %mul3A_356 = arith.muli %scan3A_75, %mul3A_355 : i32
        %add3A_357 = arith.constant 15 : i32
        %add3A_358 = arith.addi %mul3A_356, %add3A_357 : i32
        %mul3A_359 = arith.constant 16 : i32
        %mul3A_360 = arith.muli %add3A_358, %mul3A_359 : i32
        %get3A_361 = arith.index_cast %mul3A_360 : i32 to index
        %get3A_362 = tpu.vector_load %arg7[%get3A_361] {strides = array<i32>} : memref<6400xi32, #tpu.memory_space<vmem>>, vector<16xi32>,
        %and3A_363 = arith.andi %get3A_362, %broadcast_in_dim3A_13 : vector<16xi32>
        %shift_right_logical3A_364 = arith.constant 14 : i32
        %shift_right_logical3A_365 = vector.broadcast %shift_right_logical3A_364 : i32 to vector<16xi32>
        %shift_right_logical3A_366 = arith.shrui %get3A_362, %shift_right_logical3A_365 : vector<16xi32>
        %gather3A_367 = tpu.vector_load_idx %arg5[%and3A_363] : memref<10240xi32, #tpu.memory_space<vmem>>[vector<16xi32>], vector<16xi32>,
        %shift_left3A_368 = arith.constant 16 : i32
        %shift_left3A_369 = vector.broadcast %shift_left3A_368 : i32 to vector<16xi32>
        %shift_left3A_370 = arith.shli %gather3A_367, %shift_left3A_369 : vector<16xi32>
        %bitcast3A_371 = vector.bitcast %shift_left3A_370 : vector<16xi32> to vector<16xf32>
        %and3A_372 = arith.andi %gather3A_367, %broadcast_in_dim3A_15 : vector<16xi32>
        %bitcast3A_373 = vector.bitcast %and3A_372 : vector<16xi32> to vector<16xf32>
        tpu.vector_store_idx %arg6[%broadcast_in_dim3A_9, %shift_right_logical3A_84], %bitcast3A {add = true} : memref<2x10240xf32, #tpu.memory_space<vmem>>[vector<16xi32>, vector<16xi32>], vector<16xf32>,
        tpu.vector_store_idx %arg6[%broadcast_in_dim3A_11, %shift_right_logical3A_84], %bitcast3A_88 {add = true} : memref<2x10240xf32, #tpu.memory_space<vmem>>[vector<16xi32>, vector<16xi32>], vector<16xf32>,
        tpu.vector_store_idx %arg6[%broadcast_in_dim3A_9, %shift_right_logical3A_100], %bitcast3A_105 {add = true} : memref<2x10240xf32, #tpu.memory_space<vmem>>[vector<16xi32>, vector<16xi32>], vector<16xf32>,
        tpu.vector_store_idx %arg6[%broadcast_in_dim3A_11, %shift_right_logical3A_100], %bitcast3A_107 {add = true} : memref<2x10240xf32, #tpu.memory_space<vmem>>[vector<16xi32>, vector<16xi32>], vector<16xf32>,
        tpu.vector_store_idx %arg6[%broadcast_in_dim3A_9, %shift_right_logical3A_119], %bitcast3A_124 {add = true} : memref<2x10240xf32, #tpu.memory_space<vmem>>[vector<16xi32>, vector<16xi32>], vector<16xf32>,
        tpu.vector_store_idx %arg6[%broadcast_in_dim3A_11, %shift_right_logical3A_119], %bitcast3A_126 {add = true} : memref<2x10240xf32, #tpu.memory_space<vmem>>[vector<16xi32>, vector<16xi32>], vector<16xf32>,
        tpu.vector_store_idx %arg6[%broadcast_in_dim3A_9, %shift_right_logical3A_138], %bitcast3A_143 {add = true} : memref<2x10240xf32, #tpu.memory_space<vmem>>[vector<16xi32>, vector<16xi32>], vector<16xf32>,
        tpu.vector_store_idx %arg6[%broadcast_in_dim3A_11, %shift_right_logical3A_138], %bitcast3A_145 {add = true} : memref<2x10240xf32, #tpu.memory_space<vmem>>[vector<16xi32>, vector<16xi32>], vector<16xf32>,
        tpu.vector_store_idx %arg6[%broadcast_in_dim3A_9, %shift_right_logical3A_157], %bitcast3A_162 {add = true} : memref<2x10240xf32, #tpu.memory_space<vmem>>[vector<16xi32>, vector<16xi32>], vector<16xf32>,
        tpu.vector_store_idx %arg6[%broadcast_in_dim3A_11, %shift_right_logical3A_157], %bitcast3A_164 {add = true} : memref<2x10240xf32, #tpu.memory_space<vmem>>[vector<16xi32>, vector<16xi32>], vector<16xf32>,
        tpu.vector_store_idx %arg6[%broadcast_in_dim3A_9, %shift_right_logical3A_176], %bitcast3A_181 {add = true} : memref<2x10240xf32, #tpu.memory_space<vmem>>[vector<16xi32>, vector<16xi32>], vector<16xf32>,
        tpu.vector_store_idx %arg6[%broadcast_in_dim3A_11, %shift_right_logical3A_176], %bitcast3A_183 {add = true} : memref<2x10240xf32, #tpu.memory_space<vmem>>[vector<16xi32>, vector<16xi32>], vector<16xf32>,
        tpu.vector_store_idx %arg6[%broadcast_in_dim3A_9, %shift_right_logical3A_195], %bitcast3A_200 {add = true} : memref<2x10240xf32, #tpu.memory_space<vmem>>[vector<16xi32>, vector<16xi32>], vector<16xf32>,
        tpu.vector_store_idx %arg6[%broadcast_in_dim3A_11, %shift_right_logical3A_195], %bitcast3A_202 {add = true} : memref<2x10240xf32, #tpu.memory_space<vmem>>[vector<16xi32>, vector<16xi32>], vector<16xf32>,
        tpu.vector_store_idx %arg6[%broadcast_in_dim3A_9, %shift_right_logical3A_214], %bitcast3A_219 {add = true} : memref<2x10240xf32, #tpu.memory_space<vmem>>[vector<16xi32>, vector<16xi32>], vector<16xf32>,
        tpu.vector_store_idx %arg6[%broadcast_in_dim3A_11, %shift_right_logical3A_214], %bitcast3A_221 {add = true} : memref<2x10240xf32, #tpu.memory_space<vmem>>[vector<16xi32>, vector<16xi32>], vector<16xf32>,
        tpu.vector_store_idx %arg6[%broadcast_in_dim3A_9, %shift_right_logical3A_233], %bitcast3A_238 {add = true} : memref<2x10240xf32, #tpu.memory_space<vmem>>[vector<16xi32>, vector<16xi32>], vector<16xf32>,
        tpu.vector_store_idx %arg6[%broadcast_in_dim3A_11, %shift_right_logical3A_233], %bitcast3A_240 {add = true} : memref<2x10240xf32, #tpu.memory_space<vmem>>[vector<16xi32>, vector<16xi32>], vector<16xf32>,
        tpu.vector_store_idx %arg6[%broadcast_in_dim3A_9, %shift_right_logical3A_252], %bitcast3A_257 {add = true} : memref<2x10240xf32, #tpu.memory_space<vmem>>[vector<16xi32>, vector<16xi32>], vector<16xf32>,
        tpu.vector_store_idx %arg6[%broadcast_in_dim3A_11, %shift_right_logical3A_252], %bitcast3A_259 {add = true} : memref<2x10240xf32, #tpu.memory_space<vmem>>[vector<16xi32>, vector<16xi32>], vector<16xf32>,
        tpu.vector_store_idx %arg6[%broadcast_in_dim3A_9, %shift_right_logical3A_271], %bitcast3A_276 {add = true} : memref<2x10240xf32, #tpu.memory_space<vmem>>[vector<16xi32>, vector<16xi32>], vector<16xf32>,
        tpu.vector_store_idx %arg6[%broadcast_in_dim3A_11, %shift_right_logical3A_271], %bitcast3A_278 {add = true} : memref<2x10240xf32, #tpu.memory_space<vmem>>[vector<16xi32>, vector<16xi32>], vector<16xf32>,
        tpu.vector_store_idx %arg6[%broadcast_in_dim3A_9, %shift_right_logical3A_290], %bitcast3A_295 {add = true} : memref<2x10240xf32, #tpu.memory_space<vmem>>[vector<16xi32>, vector<16xi32>], vector<16xf32>,
        tpu.vector_store_idx %arg6[%broadcast_in_dim3A_11, %shift_right_logical3A_290], %bitcast3A_297 {add = true} : memref<2x10240xf32, #tpu.memory_space<vmem>>[vector<16xi32>, vector<16xi32>], vector<16xf32>,
        tpu.vector_store_idx %arg6[%broadcast_in_dim3A_9, %shift_right_logical3A_309], %bitcast3A_314 {add = true} : memref<2x10240xf32, #tpu.memory_space<vmem>>[vector<16xi32>, vector<16xi32>], vector<16xf32>,
        tpu.vector_store_idx %arg6[%broadcast_in_dim3A_11, %shift_right_logical3A_309], %bitcast3A_316 {add = true} : memref<2x10240xf32, #tpu.memory_space<vmem>>[vector<16xi32>, vector<16xi32>], vector<16xf32>,
        tpu.vector_store_idx %arg6[%broadcast_in_dim3A_9, %shift_right_logical3A_328], %bitcast3A_333 {add = true} : memref<2x10240xf32, #tpu.memory_space<vmem>>[vector<16xi32>, vector<16xi32>], vector<16xf32>,
        tpu.vector_store_idx %arg6[%broadcast_in_dim3A_11, %shift_right_logical3A_328], %bitcast3A_335 {add = true} : memref<2x10240xf32, #tpu.memory_space<vmem>>[vector<16xi32>, vector<16xi32>], vector<16xf32>,
        tpu.vector_store_idx %arg6[%broadcast_in_dim3A_9, %shift_right_logical3A_347], %bitcast3A_352 {add = true} : memref<2x10240xf32, #tpu.memory_space<vmem>>[vector<16xi32>, vector<16xi32>], vector<16xf32>,
        tpu.vector_store_idx %arg6[%broadcast_in_dim3A_11, %shift_right_logical3A_347], %bitcast3A_354 {add = true} : memref<2x10240xf32, #tpu.memory_space<vmem>>[vector<16xi32>, vector<16xi32>], vector<16xf32>,
        tpu.vector_store_idx %arg6[%broadcast_in_dim3A_9, %shift_right_logical3A_366], %bitcast3A_371 {add = true} : memref<2x10240xf32, #tpu.memory_space<vmem>>[vector<16xi32>, vector<16xi32>], vector<16xf32>,
        tpu.vector_store_idx %arg6[%broadcast_in_dim3A_11, %shift_right_logical3A_366], %bitcast3A_373 {add = true} : memref<2x10240xf32, #tpu.memory_space<vmem>>[vector<16xi32>, vector<16xi32>], vector<16xf32>,
      }
      %scan3A_47 = arith.constant 25 : i32
      %mul3A_48 = arith.constant 2 : i32
      %mul3A_49 = arith.muli %scan3A_25, %mul3A_48 : i32
      %add3A_50 = arith.constant 1 : i32
      %add3A_51 = arith.addi %mul3A_49, %add3A_50 : i32
      %dma_wait3A_52 = arith.constant 0 : i32
      %dma_wait3A_53 = tpu.memref_slice %arg2[%dma_wait3A_52] : memref<320000xi32, #tpu.memory_space<hbm>> -> memref<6400xi32, #tpu.memory_space<hbm>>
      %dma_wait3A_54 = arith.constant 0 : i32
      %dma_wait3A_55 = tpu.memref_slice %arg2[%dma_wait3A_54] : memref<320000xi32, #tpu.memory_space<hbm>> -> memref<6400xi32, #tpu.memory_space<hbm>>
      tpu.wait_dma2 semaphore(%arg10 : memref<!tpu.dma_semaphore, #tpu.memory_space<semaphore_mem>>) src(%dma_wait3A_55 : memref<6400xi32, #tpu.memory_space<hbm>>) dst(%arg8 : memref<6400xi32, #tpu.memory_space<vmem>>)
      %add3A_56 = arith.constant 1 : i32
      %add3A_57 = arith.addi %add3A_51, %add3A_56 : i32
      %mul3A_58 = arith.constant 6400 : i32
      %mul3A_59 = arith.muli %add3A_57, %mul3A_58 : i32
      %min3A_60 = arith.constant 313600 : i32
      %min3A_61 = arith.minsi %mul3A_59, %min3A_60 : i32
      %add3A_62 = arith.constant 1 : i32
      %add3A_63 = arith.addi %add3A_51, %add3A_62 : i32
      %lt3A_64 = arith.constant 50 : i32
      %lt3A_65 = arith.cmpi slt, %add3A_63, %lt3A_64 : i32
      %convert_element_type3A_66 = arith.extui %lt3A_65 : i1 to i32
      %cond3A_67 = arith.constant 0 : i32
      %cond3A_68 = arith.cmpi ne, %convert_element_type3A_66, %cond3A_67 : i32
      scf.if %cond3A_68 {
        %dma_start3A_75 = tpu.memref_slice %arg2[%min3A_61] : memref<320000xi32, #tpu.memory_space<hbm>> -> memref<6400xi32, #tpu.memory_space<hbm>>
        %dma_start3A_76 = tpu.memref_slice %arg2[%min3A_61] : memref<320000xi32, #tpu.memory_space<hbm>> -> memref<6400xi32, #tpu.memory_space<hbm>>
        tpu.enqueue_dma source(%dma_start3A_76 : memref<6400xi32, #tpu.memory_space<hbm>>) target(%arg7 : memref<6400xi32, #tpu.memory_space<vmem>>) target_semaphore(%arg9 : memref<!tpu.dma_semaphore, #tpu.memory_space<semaphore_mem>>)
      } else {
      }
      %scan3A_69 = arith.constant 0 : i32
      %scan3A_70 = arith.constant 0 : i32
      %scan3A_71 = arith.constant 25 : i32
      %scan3A_72 = arith.addi %scan3A_70, %scan3A_71 : i32
      %scan3A_73 = arith.constant 1 : i32
      scf.for %scan3A_75 = %scan3A_70 to %scan3A_72 step %scan3A_73  : i32 {
        %mul3A_76 = arith.constant 16 : i32
        %mul3A_77 = arith.muli %scan3A_75, %mul3A_76 : i32
        %add3A_78 = arith.constant 0 : i32
        %add3A_79 = arith.addi %mul3A_77, %add3A_78 : i32
        %mul3A_80 = arith.constant 16 : i32
        %mul3A_81 = arith.muli %add3A_79, %mul3A_80 : i32
        %get3A = arith.index_cast %mul3A_81 : i32 to index
        %get3A_82 = tpu.vector_load %arg8[%get3A] {strides = array<i32>} : memref<6400xi32, #tpu.memory_space<vmem>>, vector<16xi32>,
        %and3A = arith.andi %get3A_82, %broadcast_in_dim3A_13 : vector<16xi32>
        %shift_right_logical3A = arith.constant 14 : i32
        %shift_right_logical3A_83 = vector.broadcast %shift_right_logical3A : i32 to vector<16xi32>
        %shift_right_logical3A_84 = arith.shrui %get3A_82, %shift_right_logical3A_83 : vector<16xi32>
        %gather3A = tpu.vector_load_idx %arg5[%and3A] : memref<10240xi32, #tpu.memory_space<vmem>>[vector<16xi32>], vector<16xi32>,
        %shift_left3A = arith.constant 16 : i32
        %shift_left3A_85 = vector.broadcast %shift_left3A : i32 to vector<16xi32>
        %shift_left3A_86 = arith.shli %gather3A, %shift_left3A_85 : vector<16xi32>
        %bitcast3A = vector.bitcast %shift_left3A_86 : vector<16xi32> to vector<16xf32>
        %and3A_87 = arith.andi %gather3A, %broadcast_in_dim3A_15 : vector<16xi32>
        %bitcast3A_88 = vector.bitcast %and3A_87 : vector<16xi32> to vector<16xf32>
        %mul3A_89 = arith.constant 16 : i32
        %mul3A_90 = arith.muli %scan3A_75, %mul3A_89 : i32
        %add3A_91 = arith.constant 1 : i32
        %add3A_92 = arith.addi %mul3A_90, %add3A_91 : i32
        %mul3A_93 = arith.constant 16 : i32
        %mul3A_94 = arith.muli %add3A_92, %mul3A_93 : i32
        %get3A_95 = arith.index_cast %mul3A_94 : i32 to index
        %get3A_96 = tpu.vector_load %arg8[%get3A_95] {strides = array<i32>} : memref<6400xi32, #tpu.memory_space<vmem>>, vector<16xi32>,
        %and3A_97 = arith.andi %get3A_96, %broadcast_in_dim3A_13 : vector<16xi32>
        %shift_right_logical3A_98 = arith.constant 14 : i32
        %shift_right_logical3A_99 = vector.broadcast %shift_right_logical3A_98 : i32 to vector<16xi32>
        %shift_right_logical3A_100 = arith.shrui %get3A_96, %shift_right_logical3A_99 : vector<16xi32>
        %gather3A_101 = tpu.vector_load_idx %arg5[%and3A_97] : memref<10240xi32, #tpu.memory_space<vmem>>[vector<16xi32>], vector<16xi32>,
        %shift_left3A_102 = arith.constant 16 : i32
        %shift_left3A_103 = vector.broadcast %shift_left3A_102 : i32 to vector<16xi32>
        %shift_left3A_104 = arith.shli %gather3A_101, %shift_left3A_103 : vector<16xi32>
        %bitcast3A_105 = vector.bitcast %shift_left3A_104 : vector<16xi32> to vector<16xf32>
        %and3A_106 = arith.andi %gather3A_101, %broadcast_in_dim3A_15 : vector<16xi32>
        %bitcast3A_107 = vector.bitcast %and3A_106 : vector<16xi32> to vector<16xf32>
        %mul3A_108 = arith.constant 16 : i32
        %mul3A_109 = arith.muli %scan3A_75, %mul3A_108 : i32
        %add3A_110 = arith.constant 2 : i32
        %add3A_111 = arith.addi %mul3A_109, %add3A_110 : i32
        %mul3A_112 = arith.constant 16 : i32
        %mul3A_113 = arith.muli %add3A_111, %mul3A_112 : i32
        %get3A_114 = arith.index_cast %mul3A_113 : i32 to index
        %get3A_115 = tpu.vector_load %arg8[%get3A_114] {strides = array<i32>} : memref<6400xi32, #tpu.memory_space<vmem>>, vector<16xi32>,
        %and3A_116 = arith.andi %get3A_115, %broadcast_in_dim3A_13 : vector<16xi32>
        %shift_right_logical3A_117 = arith.constant 14 : i32
        %shift_right_logical3A_118 = vector.broadcast %shift_right_logical3A_117 : i32 to vector<16xi32>
        %shift_right_logical3A_119 = arith.shrui %get3A_115, %shift_right_logical3A_118 : vector<16xi32>
        %gather3A_120 = tpu.vector_load_idx %arg5[%and3A_116] : memref<10240xi32, #tpu.memory_space<vmem>>[vector<16xi32>], vector<16xi32>,
        %shift_left3A_121 = arith.constant 16 : i32
        %shift_left3A_122 = vector.broadcast %shift_left3A_121 : i32 to vector<16xi32>
        %shift_left3A_123 = arith.shli %gather3A_120, %shift_left3A_122 : vector<16xi32>
        %bitcast3A_124 = vector.bitcast %shift_left3A_123 : vector<16xi32> to vector<16xf32>
        %and3A_125 = arith.andi %gather3A_120, %broadcast_in_dim3A_15 : vector<16xi32>
        %bitcast3A_126 = vector.bitcast %and3A_125 : vector<16xi32> to vector<16xf32>
        %mul3A_127 = arith.constant 16 : i32
        %mul3A_128 = arith.muli %scan3A_75, %mul3A_127 : i32
        %add3A_129 = arith.constant 3 : i32
        %add3A_130 = arith.addi %mul3A_128, %add3A_129 : i32
        %mul3A_131 = arith.constant 16 : i32
        %mul3A_132 = arith.muli %add3A_130, %mul3A_131 : i32
        %get3A_133 = arith.index_cast %mul3A_132 : i32 to index
        %get3A_134 = tpu.vector_load %arg8[%get3A_133] {strides = array<i32>} : memref<6400xi32, #tpu.memory_space<vmem>>, vector<16xi32>,
        %and3A_135 = arith.andi %get3A_134, %broadcast_in_dim3A_13 : vector<16xi32>
        %shift_right_logical3A_136 = arith.constant 14 : i32
        %shift_right_logical3A_137 = vector.broadcast %shift_right_logical3A_136 : i32 to vector<16xi32>
        %shift_right_logical3A_138 = arith.shrui %get3A_134, %shift_right_logical3A_137 : vector<16xi32>
        %gather3A_139 = tpu.vector_load_idx %arg5[%and3A_135] : memref<10240xi32, #tpu.memory_space<vmem>>[vector<16xi32>], vector<16xi32>,
        %shift_left3A_140 = arith.constant 16 : i32
        %shift_left3A_141 = vector.broadcast %shift_left3A_140 : i32 to vector<16xi32>
        %shift_left3A_142 = arith.shli %gather3A_139, %shift_left3A_141 : vector<16xi32>
        %bitcast3A_143 = vector.bitcast %shift_left3A_142 : vector<16xi32> to vector<16xf32>
        %and3A_144 = arith.andi %gather3A_139, %broadcast_in_dim3A_15 : vector<16xi32>
        %bitcast3A_145 = vector.bitcast %and3A_144 : vector<16xi32> to vector<16xf32>
        %mul3A_146 = arith.constant 16 : i32
        %mul3A_147 = arith.muli %scan3A_75, %mul3A_146 : i32
        %add3A_148 = arith.constant 4 : i32
        %add3A_149 = arith.addi %mul3A_147, %add3A_148 : i32
        %mul3A_150 = arith.constant 16 : i32
        %mul3A_151 = arith.muli %add3A_149, %mul3A_150 : i32
        %get3A_152 = arith.index_cast %mul3A_151 : i32 to index
        %get3A_153 = tpu.vector_load %arg8[%get3A_152] {strides = array<i32>} : memref<6400xi32, #tpu.memory_space<vmem>>, vector<16xi32>,
        %and3A_154 = arith.andi %get3A_153, %broadcast_in_dim3A_13 : vector<16xi32>
        %shift_right_logical3A_155 = arith.constant 14 : i32
        %shift_right_logical3A_156 = vector.broadcast %shift_right_logical3A_155 : i32 to vector<16xi32>
        %shift_right_logical3A_157 = arith.shrui %get3A_153, %shift_right_logical3A_156 : vector<16xi32>
        %gather3A_158 = tpu.vector_load_idx %arg5[%and3A_154] : memref<10240xi32, #tpu.memory_space<vmem>>[vector<16xi32>], vector<16xi32>,
        %shift_left3A_159 = arith.constant 16 : i32
        %shift_left3A_160 = vector.broadcast %shift_left3A_159 : i32 to vector<16xi32>
        %shift_left3A_161 = arith.shli %gather3A_158, %shift_left3A_160 : vector<16xi32>
        %bitcast3A_162 = vector.bitcast %shift_left3A_161 : vector<16xi32> to vector<16xf32>
        %and3A_163 = arith.andi %gather3A_158, %broadcast_in_dim3A_15 : vector<16xi32>
        %bitcast3A_164 = vector.bitcast %and3A_163 : vector<16xi32> to vector<16xf32>
        %mul3A_165 = arith.constant 16 : i32
        %mul3A_166 = arith.muli %scan3A_75, %mul3A_165 : i32
        %add3A_167 = arith.constant 5 : i32
        %add3A_168 = arith.addi %mul3A_166, %add3A_167 : i32
        %mul3A_169 = arith.constant 16 : i32
        %mul3A_170 = arith.muli %add3A_168, %mul3A_169 : i32
        %get3A_171 = arith.index_cast %mul3A_170 : i32 to index
        %get3A_172 = tpu.vector_load %arg8[%get3A_171] {strides = array<i32>} : memref<6400xi32, #tpu.memory_space<vmem>>, vector<16xi32>,
        %and3A_173 = arith.andi %get3A_172, %broadcast_in_dim3A_13 : vector<16xi32>
        %shift_right_logical3A_174 = arith.constant 14 : i32
        %shift_right_logical3A_175 = vector.broadcast %shift_right_logical3A_174 : i32 to vector<16xi32>
        %shift_right_logical3A_176 = arith.shrui %get3A_172, %shift_right_logical3A_175 : vector<16xi32>
        %gather3A_177 = tpu.vector_load_idx %arg5[%and3A_173] : memref<10240xi32, #tpu.memory_space<vmem>>[vector<16xi32>], vector<16xi32>,
        %shift_left3A_178 = arith.constant 16 : i32
        %shift_left3A_179 = vector.broadcast %shift_left3A_178 : i32 to vector<16xi32>
        %shift_left3A_180 = arith.shli %gather3A_177, %shift_left3A_179 : vector<16xi32>
        %bitcast3A_181 = vector.bitcast %shift_left3A_180 : vector<16xi32> to vector<16xf32>
        %and3A_182 = arith.andi %gather3A_177, %broadcast_in_dim3A_15 : vector<16xi32>
        %bitcast3A_183 = vector.bitcast %and3A_182 : vector<16xi32> to vector<16xf32>
        %mul3A_184 = arith.constant 16 : i32
        %mul3A_185 = arith.muli %scan3A_75, %mul3A_184 : i32
        %add3A_186 = arith.constant 6 : i32
        %add3A_187 = arith.addi %mul3A_185, %add3A_186 : i32
        %mul3A_188 = arith.constant 16 : i32
        %mul3A_189 = arith.muli %add3A_187, %mul3A_188 : i32
        %get3A_190 = arith.index_cast %mul3A_189 : i32 to index
        %get3A_191 = tpu.vector_load %arg8[%get3A_190] {strides = array<i32>} : memref<6400xi32, #tpu.memory_space<vmem>>, vector<16xi32>,
        %and3A_192 = arith.andi %get3A_191, %broadcast_in_dim3A_13 : vector<16xi32>
        %shift_right_logical3A_193 = arith.constant 14 : i32
        %shift_right_logical3A_194 = vector.broadcast %shift_right_logical3A_193 : i32 to vector<16xi32>
        %shift_right_logical3A_195 = arith.shrui %get3A_191, %shift_right_logical3A_194 : vector<16xi32>
        %gather3A_196 = tpu.vector_load_idx %arg5[%and3A_192] : memref<10240xi32, #tpu.memory_space<vmem>>[vector<16xi32>], vector<16xi32>,
        %shift_left3A_197 = arith.constant 16 : i32
        %shift_left3A_198 = vector.broadcast %shift_left3A_197 : i32 to vector<16xi32>
        %shift_left3A_199 = arith.shli %gather3A_196, %shift_left3A_198 : vector<16xi32>
        %bitcast3A_200 = vector.bitcast %shift_left3A_199 : vector<16xi32> to vector<16xf32>
        %and3A_201 = arith.andi %gather3A_196, %broadcast_in_dim3A_15 : vector<16xi32>
        %bitcast3A_202 = vector.bitcast %and3A_201 : vector<16xi32> to vector<16xf32>
        %mul3A_203 = arith.constant 16 : i32
        %mul3A_204 = arith.muli %scan3A_75, %mul3A_203 : i32
        %add3A_205 = arith.constant 7 : i32
        %add3A_206 = arith.addi %mul3A_204, %add3A_205 : i32
        %mul3A_207 = arith.constant 16 : i32
        %mul3A_208 = arith.muli %add3A_206, %mul3A_207 : i32
        %get3A_209 = arith.index_cast %mul3A_208 : i32 to index
        %get3A_210 = tpu.vector_load %arg8[%get3A_209] {strides = array<i32>} : memref<6400xi32, #tpu.memory_space<vmem>>, vector<16xi32>,
        %and3A_211 = arith.andi %get3A_210, %broadcast_in_dim3A_13 : vector<16xi32>
        %shift_right_logical3A_212 = arith.constant 14 : i32
        %shift_right_logical3A_213 = vector.broadcast %shift_right_logical3A_212 : i32 to vector<16xi32>
        %shift_right_logical3A_214 = arith.shrui %get3A_210, %shift_right_logical3A_213 : vector<16xi32>
        %gather3A_215 = tpu.vector_load_idx %arg5[%and3A_211] : memref<10240xi32, #tpu.memory_space<vmem>>[vector<16xi32>], vector<16xi32>,
        %shift_left3A_216 = arith.constant 16 : i32
        %shift_left3A_217 = vector.broadcast %shift_left3A_216 : i32 to vector<16xi32>
        %shift_left3A_218 = arith.shli %gather3A_215, %shift_left3A_217 : vector<16xi32>
        %bitcast3A_219 = vector.bitcast %shift_left3A_218 : vector<16xi32> to vector<16xf32>
        %and3A_220 = arith.andi %gather3A_215, %broadcast_in_dim3A_15 : vector<16xi32>
        %bitcast3A_221 = vector.bitcast %and3A_220 : vector<16xi32> to vector<16xf32>
        %mul3A_222 = arith.constant 16 : i32
        %mul3A_223 = arith.muli %scan3A_75, %mul3A_222 : i32
        %add3A_224 = arith.constant 8 : i32
        %add3A_225 = arith.addi %mul3A_223, %add3A_224 : i32
        %mul3A_226 = arith.constant 16 : i32
        %mul3A_227 = arith.muli %add3A_225, %mul3A_226 : i32
        %get3A_228 = arith.index_cast %mul3A_227 : i32 to index
        %get3A_229 = tpu.vector_load %arg8[%get3A_228] {strides = array<i32>} : memref<6400xi32, #tpu.memory_space<vmem>>, vector<16xi32>,
        %and3A_230 = arith.andi %get3A_229, %broadcast_in_dim3A_13 : vector<16xi32>
        %shift_right_logical3A_231 = arith.constant 14 : i32
        %shift_right_logical3A_232 = vector.broadcast %shift_right_logical3A_231 : i32 to vector<16xi32>
        %shift_right_logical3A_233 = arith.shrui %get3A_229, %shift_right_logical3A_232 : vector<16xi32>
        %gather3A_234 = tpu.vector_load_idx %arg5[%and3A_230] : memref<10240xi32, #tpu.memory_space<vmem>>[vector<16xi32>], vector<16xi32>,
        %shift_left3A_235 = arith.constant 16 : i32
        %shift_left3A_236 = vector.broadcast %shift_left3A_235 : i32 to vector<16xi32>
        %shift_left3A_237 = arith.shli %gather3A_234, %shift_left3A_236 : vector<16xi32>
        %bitcast3A_238 = vector.bitcast %shift_left3A_237 : vector<16xi32> to vector<16xf32>
        %and3A_239 = arith.andi %gather3A_234, %broadcast_in_dim3A_15 : vector<16xi32>
        %bitcast3A_240 = vector.bitcast %and3A_239 : vector<16xi32> to vector<16xf32>
        %mul3A_241 = arith.constant 16 : i32
        %mul3A_242 = arith.muli %scan3A_75, %mul3A_241 : i32
        %add3A_243 = arith.constant 9 : i32
        %add3A_244 = arith.addi %mul3A_242, %add3A_243 : i32
        %mul3A_245 = arith.constant 16 : i32
        %mul3A_246 = arith.muli %add3A_244, %mul3A_245 : i32
        %get3A_247 = arith.index_cast %mul3A_246 : i32 to index
        %get3A_248 = tpu.vector_load %arg8[%get3A_247] {strides = array<i32>} : memref<6400xi32, #tpu.memory_space<vmem>>, vector<16xi32>,
        %and3A_249 = arith.andi %get3A_248, %broadcast_in_dim3A_13 : vector<16xi32>
        %shift_right_logical3A_250 = arith.constant 14 : i32
        %shift_right_logical3A_251 = vector.broadcast %shift_right_logical3A_250 : i32 to vector<16xi32>
        %shift_right_logical3A_252 = arith.shrui %get3A_248, %shift_right_logical3A_251 : vector<16xi32>
        %gather3A_253 = tpu.vector_load_idx %arg5[%and3A_249] : memref<10240xi32, #tpu.memory_space<vmem>>[vector<16xi32>], vector<16xi32>,
        %shift_left3A_254 = arith.constant 16 : i32
        %shift_left3A_255 = vector.broadcast %shift_left3A_254 : i32 to vector<16xi32>
        %shift_left3A_256 = arith.shli %gather3A_253, %shift_left3A_255 : vector<16xi32>
        %bitcast3A_257 = vector.bitcast %shift_left3A_256 : vector<16xi32> to vector<16xf32>
        %and3A_258 = arith.andi %gather3A_253, %broadcast_in_dim3A_15 : vector<16xi32>
        %bitcast3A_259 = vector.bitcast %and3A_258 : vector<16xi32> to vector<16xf32>
        %mul3A_260 = arith.constant 16 : i32
        %mul3A_261 = arith.muli %scan3A_75, %mul3A_260 : i32
        %add3A_262 = arith.constant 10 : i32
        %add3A_263 = arith.addi %mul3A_261, %add3A_262 : i32
        %mul3A_264 = arith.constant 16 : i32
        %mul3A_265 = arith.muli %add3A_263, %mul3A_264 : i32
        %get3A_266 = arith.index_cast %mul3A_265 : i32 to index
        %get3A_267 = tpu.vector_load %arg8[%get3A_266] {strides = array<i32>} : memref<6400xi32, #tpu.memory_space<vmem>>, vector<16xi32>,
        %and3A_268 = arith.andi %get3A_267, %broadcast_in_dim3A_13 : vector<16xi32>
        %shift_right_logical3A_269 = arith.constant 14 : i32
        %shift_right_logical3A_270 = vector.broadcast %shift_right_logical3A_269 : i32 to vector<16xi32>
        %shift_right_logical3A_271 = arith.shrui %get3A_267, %shift_right_logical3A_270 : vector<16xi32>
        %gather3A_272 = tpu.vector_load_idx %arg5[%and3A_268] : memref<10240xi32, #tpu.memory_space<vmem>>[vector<16xi32>], vector<16xi32>,
        %shift_left3A_273 = arith.constant 16 : i32
        %shift_left3A_274 = vector.broadcast %shift_left3A_273 : i32 to vector<16xi32>
        %shift_left3A_275 = arith.shli %gather3A_272, %shift_left3A_274 : vector<16xi32>
        %bitcast3A_276 = vector.bitcast %shift_left3A_275 : vector<16xi32> to vector<16xf32>
        %and3A_277 = arith.andi %gather3A_272, %broadcast_in_dim3A_15 : vector<16xi32>
        %bitcast3A_278 = vector.bitcast %and3A_277 : vector<16xi32> to vector<16xf32>
        %mul3A_279 = arith.constant 16 : i32
        %mul3A_280 = arith.muli %scan3A_75, %mul3A_279 : i32
        %add3A_281 = arith.constant 11 : i32
        %add3A_282 = arith.addi %mul3A_280, %add3A_281 : i32
        %mul3A_283 = arith.constant 16 : i32
        %mul3A_284 = arith.muli %add3A_282, %mul3A_283 : i32
        %get3A_285 = arith.index_cast %mul3A_284 : i32 to index
        %get3A_286 = tpu.vector_load %arg8[%get3A_285] {strides = array<i32>} : memref<6400xi32, #tpu.memory_space<vmem>>, vector<16xi32>,
        %and3A_287 = arith.andi %get3A_286, %broadcast_in_dim3A_13 : vector<16xi32>
        %shift_right_logical3A_288 = arith.constant 14 : i32
        %shift_right_logical3A_289 = vector.broadcast %shift_right_logical3A_288 : i32 to vector<16xi32>
        %shift_right_logical3A_290 = arith.shrui %get3A_286, %shift_right_logical3A_289 : vector<16xi32>
        %gather3A_291 = tpu.vector_load_idx %arg5[%and3A_287] : memref<10240xi32, #tpu.memory_space<vmem>>[vector<16xi32>], vector<16xi32>,
        %shift_left3A_292 = arith.constant 16 : i32
        %shift_left3A_293 = vector.broadcast %shift_left3A_292 : i32 to vector<16xi32>
        %shift_left3A_294 = arith.shli %gather3A_291, %shift_left3A_293 : vector<16xi32>
        %bitcast3A_295 = vector.bitcast %shift_left3A_294 : vector<16xi32> to vector<16xf32>
        %and3A_296 = arith.andi %gather3A_291, %broadcast_in_dim3A_15 : vector<16xi32>
        %bitcast3A_297 = vector.bitcast %and3A_296 : vector<16xi32> to vector<16xf32>
        %mul3A_298 = arith.constant 16 : i32
        %mul3A_299 = arith.muli %scan3A_75, %mul3A_298 : i32
        %add3A_300 = arith.constant 12 : i32
        %add3A_301 = arith.addi %mul3A_299, %add3A_300 : i32
        %mul3A_302 = arith.constant 16 : i32
        %mul3A_303 = arith.muli %add3A_301, %mul3A_302 : i32
        %get3A_304 = arith.index_cast %mul3A_303 : i32 to index
        %get3A_305 = tpu.vector_load %arg8[%get3A_304] {strides = array<i32>} : memref<6400xi32, #tpu.memory_space<vmem>>, vector<16xi32>,
        %and3A_306 = arith.andi %get3A_305, %broadcast_in_dim3A_13 : vector<16xi32>
        %shift_right_logical3A_307 = arith.constant 14 : i32
        %shift_right_logical3A_308 = vector.broadcast %shift_right_logical3A_307 : i32 to vector<16xi32>
        %shift_right_logical3A_309 = arith.shrui %get3A_305, %shift_right_logical3A_308 : vector<16xi32>
        %gather3A_310 = tpu.vector_load_idx %arg5[%and3A_306] : memref<10240xi32, #tpu.memory_space<vmem>>[vector<16xi32>], vector<16xi32>,
        %shift_left3A_311 = arith.constant 16 : i32
        %shift_left3A_312 = vector.broadcast %shift_left3A_311 : i32 to vector<16xi32>
        %shift_left3A_313 = arith.shli %gather3A_310, %shift_left3A_312 : vector<16xi32>
        %bitcast3A_314 = vector.bitcast %shift_left3A_313 : vector<16xi32> to vector<16xf32>
        %and3A_315 = arith.andi %gather3A_310, %broadcast_in_dim3A_15 : vector<16xi32>
        %bitcast3A_316 = vector.bitcast %and3A_315 : vector<16xi32> to vector<16xf32>
        %mul3A_317 = arith.constant 16 : i32
        %mul3A_318 = arith.muli %scan3A_75, %mul3A_317 : i32
        %add3A_319 = arith.constant 13 : i32
        %add3A_320 = arith.addi %mul3A_318, %add3A_319 : i32
        %mul3A_321 = arith.constant 16 : i32
        %mul3A_322 = arith.muli %add3A_320, %mul3A_321 : i32
        %get3A_323 = arith.index_cast %mul3A_322 : i32 to index
        %get3A_324 = tpu.vector_load %arg8[%get3A_323] {strides = array<i32>} : memref<6400xi32, #tpu.memory_space<vmem>>, vector<16xi32>,
        %and3A_325 = arith.andi %get3A_324, %broadcast_in_dim3A_13 : vector<16xi32>
        %shift_right_logical3A_326 = arith.constant 14 : i32
        %shift_right_logical3A_327 = vector.broadcast %shift_right_logical3A_326 : i32 to vector<16xi32>
        %shift_right_logical3A_328 = arith.shrui %get3A_324, %shift_right_logical3A_327 : vector<16xi32>
        %gather3A_329 = tpu.vector_load_idx %arg5[%and3A_325] : memref<10240xi32, #tpu.memory_space<vmem>>[vector<16xi32>], vector<16xi32>,
        %shift_left3A_330 = arith.constant 16 : i32
        %shift_left3A_331 = vector.broadcast %shift_left3A_330 : i32 to vector<16xi32>
        %shift_left3A_332 = arith.shli %gather3A_329, %shift_left3A_331 : vector<16xi32>
        %bitcast3A_333 = vector.bitcast %shift_left3A_332 : vector<16xi32> to vector<16xf32>
        %and3A_334 = arith.andi %gather3A_329, %broadcast_in_dim3A_15 : vector<16xi32>
        %bitcast3A_335 = vector.bitcast %and3A_334 : vector<16xi32> to vector<16xf32>
        %mul3A_336 = arith.constant 16 : i32
        %mul3A_337 = arith.muli %scan3A_75, %mul3A_336 : i32
        %add3A_338 = arith.constant 14 : i32
        %add3A_339 = arith.addi %mul3A_337, %add3A_338 : i32
        %mul3A_340 = arith.constant 16 : i32
        %mul3A_341 = arith.muli %add3A_339, %mul3A_340 : i32
        %get3A_342 = arith.index_cast %mul3A_341 : i32 to index
        %get3A_343 = tpu.vector_load %arg8[%get3A_342] {strides = array<i32>} : memref<6400xi32, #tpu.memory_space<vmem>>, vector<16xi32>,
        %and3A_344 = arith.andi %get3A_343, %broadcast_in_dim3A_13 : vector<16xi32>
        %shift_right_logical3A_345 = arith.constant 14 : i32
        %shift_right_logical3A_346 = vector.broadcast %shift_right_logical3A_345 : i32 to vector<16xi32>
        %shift_right_logical3A_347 = arith.shrui %get3A_343, %shift_right_logical3A_346 : vector<16xi32>
        %gather3A_348 = tpu.vector_load_idx %arg5[%and3A_344] : memref<10240xi32, #tpu.memory_space<vmem>>[vector<16xi32>], vector<16xi32>,
        %shift_left3A_349 = arith.constant 16 : i32
        %shift_left3A_350 = vector.broadcast %shift_left3A_349 : i32 to vector<16xi32>
        %shift_left3A_351 = arith.shli %gather3A_348, %shift_left3A_350 : vector<16xi32>
        %bitcast3A_352 = vector.bitcast %shift_left3A_351 : vector<16xi32> to vector<16xf32>
        %and3A_353 = arith.andi %gather3A_348, %broadcast_in_dim3A_15 : vector<16xi32>
        %bitcast3A_354 = vector.bitcast %and3A_353 : vector<16xi32> to vector<16xf32>
        %mul3A_355 = arith.constant 16 : i32
        %mul3A_356 = arith.muli %scan3A_75, %mul3A_355 : i32
        %add3A_357 = arith.constant 15 : i32
        %add3A_358 = arith.addi %mul3A_356, %add3A_357 : i32
        %mul3A_359 = arith.constant 16 : i32
        %mul3A_360 = arith.muli %add3A_358, %mul3A_359 : i32
        %get3A_361 = arith.index_cast %mul3A_360 : i32 to index
        %get3A_362 = tpu.vector_load %arg8[%get3A_361] {strides = array<i32>} : memref<6400xi32, #tpu.memory_space<vmem>>, vector<16xi32>,
        %and3A_363 = arith.andi %get3A_362, %broadcast_in_dim3A_13 : vector<16xi32>
        %shift_right_logical3A_364 = arith.constant 14 : i32
        %shift_right_logical3A_365 = vector.broadcast %shift_right_logical3A_364 : i32 to vector<16xi32>
        %shift_right_logical3A_366 = arith.shrui %get3A_362, %shift_right_logical3A_365 : vector<16xi32>
        %gather3A_367 = tpu.vector_load_idx %arg5[%and3A_363] : memref<10240xi32, #tpu.memory_space<vmem>>[vector<16xi32>], vector<16xi32>,
        %shift_left3A_368 = arith.constant 16 : i32
        %shift_left3A_369 = vector.broadcast %shift_left3A_368 : i32 to vector<16xi32>
        %shift_left3A_370 = arith.shli %gather3A_367, %shift_left3A_369 : vector<16xi32>
        %bitcast3A_371 = vector.bitcast %shift_left3A_370 : vector<16xi32> to vector<16xf32>
        %and3A_372 = arith.andi %gather3A_367, %broadcast_in_dim3A_15 : vector<16xi32>
        %bitcast3A_373 = vector.bitcast %and3A_372 : vector<16xi32> to vector<16xf32>
        tpu.vector_store_idx %arg6[%broadcast_in_dim3A_9, %shift_right_logical3A_84], %bitcast3A {add = true} : memref<2x10240xf32, #tpu.memory_space<vmem>>[vector<16xi32>, vector<16xi32>], vector<16xf32>,
        tpu.vector_store_idx %arg6[%broadcast_in_dim3A_11, %shift_right_logical3A_84], %bitcast3A_88 {add = true} : memref<2x10240xf32, #tpu.memory_space<vmem>>[vector<16xi32>, vector<16xi32>], vector<16xf32>,
        tpu.vector_store_idx %arg6[%broadcast_in_dim3A_9, %shift_right_logical3A_100], %bitcast3A_105 {add = true} : memref<2x10240xf32, #tpu.memory_space<vmem>>[vector<16xi32>, vector<16xi32>], vector<16xf32>,
        tpu.vector_store_idx %arg6[%broadcast_in_dim3A_11, %shift_right_logical3A_100], %bitcast3A_107 {add = true} : memref<2x10240xf32, #tpu.memory_space<vmem>>[vector<16xi32>, vector<16xi32>], vector<16xf32>,
        tpu.vector_store_idx %arg6[%broadcast_in_dim3A_9, %shift_right_logical3A_119], %bitcast3A_124 {add = true} : memref<2x10240xf32, #tpu.memory_space<vmem>>[vector<16xi32>, vector<16xi32>], vector<16xf32>,
        tpu.vector_store_idx %arg6[%broadcast_in_dim3A_11, %shift_right_logical3A_119], %bitcast3A_126 {add = true} : memref<2x10240xf32, #tpu.memory_space<vmem>>[vector<16xi32>, vector<16xi32>], vector<16xf32>,
        tpu.vector_store_idx %arg6[%broadcast_in_dim3A_9, %shift_right_logical3A_138], %bitcast3A_143 {add = true} : memref<2x10240xf32, #tpu.memory_space<vmem>>[vector<16xi32>, vector<16xi32>], vector<16xf32>,
        tpu.vector_store_idx %arg6[%broadcast_in_dim3A_11, %shift_right_logical3A_138], %bitcast3A_145 {add = true} : memref<2x10240xf32, #tpu.memory_space<vmem>>[vector<16xi32>, vector<16xi32>], vector<16xf32>,
        tpu.vector_store_idx %arg6[%broadcast_in_dim3A_9, %shift_right_logical3A_157], %bitcast3A_162 {add = true} : memref<2x10240xf32, #tpu.memory_space<vmem>>[vector<16xi32>, vector<16xi32>], vector<16xf32>,
        tpu.vector_store_idx %arg6[%broadcast_in_dim3A_11, %shift_right_logical3A_157], %bitcast3A_164 {add = true} : memref<2x10240xf32, #tpu.memory_space<vmem>>[vector<16xi32>, vector<16xi32>], vector<16xf32>,
        tpu.vector_store_idx %arg6[%broadcast_in_dim3A_9, %shift_right_logical3A_176], %bitcast3A_181 {add = true} : memref<2x10240xf32, #tpu.memory_space<vmem>>[vector<16xi32>, vector<16xi32>], vector<16xf32>,
        tpu.vector_store_idx %arg6[%broadcast_in_dim3A_11, %shift_right_logical3A_176], %bitcast3A_183 {add = true} : memref<2x10240xf32, #tpu.memory_space<vmem>>[vector<16xi32>, vector<16xi32>], vector<16xf32>,
        tpu.vector_store_idx %arg6[%broadcast_in_dim3A_9, %shift_right_logical3A_195], %bitcast3A_200 {add = true} : memref<2x10240xf32, #tpu.memory_space<vmem>>[vector<16xi32>, vector<16xi32>], vector<16xf32>,
        tpu.vector_store_idx %arg6[%broadcast_in_dim3A_11, %shift_right_logical3A_195], %bitcast3A_202 {add = true} : memref<2x10240xf32, #tpu.memory_space<vmem>>[vector<16xi32>, vector<16xi32>], vector<16xf32>,
        tpu.vector_store_idx %arg6[%broadcast_in_dim3A_9, %shift_right_logical3A_214], %bitcast3A_219 {add = true} : memref<2x10240xf32, #tpu.memory_space<vmem>>[vector<16xi32>, vector<16xi32>], vector<16xf32>,
        tpu.vector_store_idx %arg6[%broadcast_in_dim3A_11, %shift_right_logical3A_214], %bitcast3A_221 {add = true} : memref<2x10240xf32, #tpu.memory_space<vmem>>[vector<16xi32>, vector<16xi32>], vector<16xf32>,
        tpu.vector_store_idx %arg6[%broadcast_in_dim3A_9, %shift_right_logical3A_233], %bitcast3A_238 {add = true} : memref<2x10240xf32, #tpu.memory_space<vmem>>[vector<16xi32>, vector<16xi32>], vector<16xf32>,
        tpu.vector_store_idx %arg6[%broadcast_in_dim3A_11, %shift_right_logical3A_233], %bitcast3A_240 {add = true} : memref<2x10240xf32, #tpu.memory_space<vmem>>[vector<16xi32>, vector<16xi32>], vector<16xf32>,
        tpu.vector_store_idx %arg6[%broadcast_in_dim3A_9, %shift_right_logical3A_252], %bitcast3A_257 {add = true} : memref<2x10240xf32, #tpu.memory_space<vmem>>[vector<16xi32>, vector<16xi32>], vector<16xf32>,
        tpu.vector_store_idx %arg6[%broadcast_in_dim3A_11, %shift_right_logical3A_252], %bitcast3A_259 {add = true} : memref<2x10240xf32, #tpu.memory_space<vmem>>[vector<16xi32>, vector<16xi32>], vector<16xf32>,
        tpu.vector_store_idx %arg6[%broadcast_in_dim3A_9, %shift_right_logical3A_271], %bitcast3A_276 {add = true} : memref<2x10240xf32, #tpu.memory_space<vmem>>[vector<16xi32>, vector<16xi32>], vector<16xf32>,
        tpu.vector_store_idx %arg6[%broadcast_in_dim3A_11, %shift_right_logical3A_271], %bitcast3A_278 {add = true} : memref<2x10240xf32, #tpu.memory_space<vmem>>[vector<16xi32>, vector<16xi32>], vector<16xf32>,
        tpu.vector_store_idx %arg6[%broadcast_in_dim3A_9, %shift_right_logical3A_290], %bitcast3A_295 {add = true} : memref<2x10240xf32, #tpu.memory_space<vmem>>[vector<16xi32>, vector<16xi32>], vector<16xf32>,
        tpu.vector_store_idx %arg6[%broadcast_in_dim3A_11, %shift_right_logical3A_290], %bitcast3A_297 {add = true} : memref<2x10240xf32, #tpu.memory_space<vmem>>[vector<16xi32>, vector<16xi32>], vector<16xf32>,
        tpu.vector_store_idx %arg6[%broadcast_in_dim3A_9, %shift_right_logical3A_309], %bitcast3A_314 {add = true} : memref<2x10240xf32, #tpu.memory_space<vmem>>[vector<16xi32>, vector<16xi32>], vector<16xf32>,
        tpu.vector_store_idx %arg6[%broadcast_in_dim3A_11, %shift_right_logical3A_309], %bitcast3A_316 {add = true} : memref<2x10240xf32, #tpu.memory_space<vmem>>[vector<16xi32>, vector<16xi32>], vector<16xf32>,
        tpu.vector_store_idx %arg6[%broadcast_in_dim3A_9, %shift_right_logical3A_328], %bitcast3A_333 {add = true} : memref<2x10240xf32, #tpu.memory_space<vmem>>[vector<16xi32>, vector<16xi32>], vector<16xf32>,
        tpu.vector_store_idx %arg6[%broadcast_in_dim3A_11, %shift_right_logical3A_328], %bitcast3A_335 {add = true} : memref<2x10240xf32, #tpu.memory_space<vmem>>[vector<16xi32>, vector<16xi32>], vector<16xf32>,
        tpu.vector_store_idx %arg6[%broadcast_in_dim3A_9, %shift_right_logical3A_347], %bitcast3A_352 {add = true} : memref<2x10240xf32, #tpu.memory_space<vmem>>[vector<16xi32>, vector<16xi32>], vector<16xf32>,
        tpu.vector_store_idx %arg6[%broadcast_in_dim3A_11, %shift_right_logical3A_347], %bitcast3A_354 {add = true} : memref<2x10240xf32, #tpu.memory_space<vmem>>[vector<16xi32>, vector<16xi32>], vector<16xf32>,
        tpu.vector_store_idx %arg6[%broadcast_in_dim3A_9, %shift_right_logical3A_366], %bitcast3A_371 {add = true} : memref<2x10240xf32, #tpu.memory_space<vmem>>[vector<16xi32>, vector<16xi32>], vector<16xf32>,
        tpu.vector_store_idx %arg6[%broadcast_in_dim3A_11, %shift_right_logical3A_366], %bitcast3A_373 {add = true} : memref<2x10240xf32, #tpu.memory_space<vmem>>[vector<16xi32>, vector<16xi32>], vector<16xf32>,
      }
      %scan3A_74 = arith.constant 25 : i32
    }
    %scan3A_21 = arith.constant 25 : i32
    %run_scoped3A = arith.constant 0 : i32
    "tpu.region"() ({
      %run_scoped3A_25 = tpu.sem_alloc : memref<!tpu.dma_semaphore, #tpu.memory_space<semaphore_mem>>
      %dma_start3A_26 = arith.constant 0 : i32
      %dma_start3A_27 = tpu.memref_slice %arg6[%run_scoped3A, %dma_start3A_26] : memref<2x10240xf32, #tpu.memory_space<vmem>> -> memref<1x10240xf32, #tpu.memory_space<vmem>>
      %dma_start3A_28 = tpu.memref_squeeze %dma_start3A_27 : memref<1x10240xf32, #tpu.memory_space<vmem>> -> memref<10240xf32, #tpu.memory_space<vmem>>
      %dma_start3A_29 = arith.constant 0 : i32
      %dma_start3A_30 = tpu.memref_slice %arg4[%add3A, %dma_start3A_29] : memref<64x10240xf32, #tpu.memory_space<hbm>> -> memref<1x10240xf32, #tpu.memory_space<hbm>>
      %dma_start3A_31 = tpu.memref_squeeze %dma_start3A_30 : memref<1x10240xf32, #tpu.memory_space<hbm>> -> memref<10240xf32, #tpu.memory_space<hbm>>
      %dma_start3A_32 = arith.constant 0 : i32
      %dma_start3A_33 = tpu.memref_slice %arg4[%add3A, %dma_start3A_32] : memref<64x10240xf32, #tpu.memory_space<hbm>> -> memref<1x10240xf32, #tpu.memory_space<hbm>>
      %dma_start3A_34 = tpu.memref_squeeze %dma_start3A_33 : memref<1x10240xf32, #tpu.memory_space<hbm>> -> memref<10240xf32, #tpu.memory_space<hbm>>
      %dma_start3A_35 = arith.constant 0 : i32
      %dma_start3A_36 = tpu.memref_slice %arg6[%run_scoped3A, %dma_start3A_35] : memref<2x10240xf32, #tpu.memory_space<vmem>> -> memref<1x10240xf32, #tpu.memory_space<vmem>>
      %dma_start3A_37 = tpu.memref_squeeze %dma_start3A_36 : memref<1x10240xf32, #tpu.memory_space<vmem>> -> memref<10240xf32, #tpu.memory_space<vmem>>
      tpu.enqueue_dma source(%dma_start3A_37 : memref<10240xf32, #tpu.memory_space<vmem>>) target(%dma_start3A_34 : memref<10240xf32, #tpu.memory_space<hbm>>) target_semaphore(%run_scoped3A_25 : memref<!tpu.dma_semaphore, #tpu.memory_space<semaphore_mem>>)
      %dma_wait3A = arith.constant 0 : i32
      %dma_wait3A_38 = tpu.memref_slice %arg6[%run_scoped3A, %dma_wait3A] : memref<2x10240xf32, #tpu.memory_space<vmem>> -> memref<1x10240xf32, #tpu.memory_space<vmem>>
      %dma_wait3A_39 = tpu.memref_squeeze %dma_wait3A_38 : memref<1x10240xf32, #tpu.memory_space<vmem>> -> memref<10240xf32, #tpu.memory_space<vmem>>
      %dma_wait3A_40 = arith.constant 0 : i32
      %dma_wait3A_41 = tpu.memref_slice %arg4[%add3A, %dma_wait3A_40] : memref<64x10240xf32, #tpu.memory_space<hbm>> -> memref<1x10240xf32, #tpu.memory_space<hbm>>
      %dma_wait3A_42 = tpu.memref_squeeze %dma_wait3A_41 : memref<1x10240xf32, #tpu.memory_space<hbm>> -> memref<10240xf32, #tpu.memory_space<hbm>>
      %dma_wait3A_43 = arith.constant 0 : i32
      %dma_wait3A_44 = tpu.memref_slice %arg4[%add3A, %dma_wait3A_43] : memref<64x10240xf32, #tpu.memory_space<hbm>> -> memref<1x10240xf32, #tpu.memory_space<hbm>>
      %dma_wait3A_45 = tpu.memref_squeeze %dma_wait3A_44 : memref<1x10240xf32, #tpu.memory_space<hbm>> -> memref<10240xf32, #tpu.memory_space<hbm>>
      %dma_wait3A_46 = arith.constant 0 : i32
      %dma_wait3A_47 = tpu.memref_slice %arg6[%run_scoped3A, %dma_wait3A_46] : memref<2x10240xf32, #tpu.memory_space<vmem>> -> memref<1x10240xf32, #tpu.memory_space<vmem>>
      %dma_wait3A_48 = tpu.memref_squeeze %dma_wait3A_47 : memref<1x10240xf32, #tpu.memory_space<vmem>> -> memref<10240xf32, #tpu.memory_space<vmem>>
      tpu.wait_dma2 semaphore(%run_scoped3A_25 : memref<!tpu.dma_semaphore, #tpu.memory_space<semaphore_mem>>) src(%dma_wait3A_48 : memref<10240xf32, #tpu.memory_space<vmem>>) dst(%dma_wait3A_45 : memref<10240xf32, #tpu.memory_space<hbm>>)
      tpu.yield
    }) : () -> ()
    %add3A_22 = arith.constant 32 : i32
    %add3A_23 = arith.addi %add3A, %add3A_22 : i32
    %run_scoped3A_24 = arith.constant 1 : i32
    "tpu.region"() ({
      %run_scoped3A_25 = tpu.sem_alloc : memref<!tpu.dma_semaphore, #tpu.memory_space<semaphore_mem>>
      %dma_start3A_26 = arith.constant 0 : i32
      %dma_start3A_27 = tpu.memref_slice %arg6[%run_scoped3A_24, %dma_start3A_26] : memref<2x10240xf32, #tpu.memory_space<vmem>> -> memref<1x10240xf32, #tpu.memory_space<vmem>>
      %dma_start3A_28 = tpu.memref_squeeze %dma_start3A_27 : memref<1x10240xf32, #tpu.memory_space<vmem>> -> memref<10240xf32, #tpu.memory_space<vmem>>
      %dma_start3A_29 = arith.constant 0 : i32
      %dma_start3A_30 = tpu.memref_slice %arg4[%add3A_23, %dma_start3A_29] : memref<64x10240xf32, #tpu.memory_space<hbm>> -> memref<1x10240xf32, #tpu.memory_space<hbm>>
      %dma_start3A_31 = tpu.memref_squeeze %dma_start3A_30 : memref<1x10240xf32, #tpu.memory_space<hbm>> -> memref<10240xf32, #tpu.memory_space<hbm>>
      %dma_start3A_32 = arith.constant 0 : i32
      %dma_start3A_33 = tpu.memref_slice %arg4[%add3A_23, %dma_start3A_32] : memref<64x10240xf32, #tpu.memory_space<hbm>> -> memref<1x10240xf32, #tpu.memory_space<hbm>>
      %dma_start3A_34 = tpu.memref_squeeze %dma_start3A_33 : memref<1x10240xf32, #tpu.memory_space<hbm>> -> memref<10240xf32, #tpu.memory_space<hbm>>
      %dma_start3A_35 = arith.constant 0 : i32
      %dma_start3A_36 = tpu.memref_slice %arg6[%run_scoped3A_24, %dma_start3A_35] : memref<2x10240xf32, #tpu.memory_space<vmem>> -> memref<1x10240xf32, #tpu.memory_space<vmem>>
      %dma_start3A_37 = tpu.memref_squeeze %dma_start3A_36 : memref<1x10240xf32, #tpu.memory_space<vmem>> -> memref<10240xf32, #tpu.memory_space<vmem>>
      tpu.enqueue_dma source(%dma_start3A_37 : memref<10240xf32, #tpu.memory_space<vmem>>) target(%dma_start3A_34 : memref<10240xf32, #tpu.memory_space<hbm>>) target_semaphore(%run_scoped3A_25 : memref<!tpu.dma_semaphore, #tpu.memory_space<semaphore_mem>>)
      %dma_wait3A = arith.constant 0 : i32
      %dma_wait3A_38 = tpu.memref_slice %arg6[%run_scoped3A_24, %dma_wait3A] : memref<2x10240xf32, #tpu.memory_space<vmem>> -> memref<1x10240xf32, #tpu.memory_space<vmem>>
      %dma_wait3A_39 = tpu.memref_squeeze %dma_wait3A_38 : memref<1x10240xf32, #tpu.memory_space<vmem>> -> memref<10240xf32, #tpu.memory_space<vmem>>
      %dma_wait3A_40 = arith.constant 0 : i32
      %dma_wait3A_41 = tpu.memref_slice %arg4[%add3A_23, %dma_wait3A_40] : memref<64x10240xf32, #tpu.memory_space<hbm>> -> memref<1x10240xf32, #tpu.memory_space<hbm>>
      %dma_wait3A_42 = tpu.memref_squeeze %dma_wait3A_41 : memref<1x10240xf32, #tpu.memory_space<hbm>> -> memref<10240xf32, #tpu.memory_space<hbm>>
      %dma_wait3A_43 = arith.constant 0 : i32
      %dma_wait3A_44 = tpu.memref_slice %arg4[%add3A_23, %dma_wait3A_43] : memref<64x10240xf32, #tpu.memory_space<hbm>> -> memref<1x10240xf32, #tpu.memory_space<hbm>>
      %dma_wait3A_45 = tpu.memref_squeeze %dma_wait3A_44 : memref<1x10240xf32, #tpu.memory_space<hbm>> -> memref<10240xf32, #tpu.memory_space<hbm>>
      %dma_wait3A_46 = arith.constant 0 : i32
      %dma_wait3A_47 = tpu.memref_slice %arg6[%run_scoped3A_24, %dma_wait3A_46] : memref<2x10240xf32, #tpu.memory_space<vmem>> -> memref<1x10240xf32, #tpu.memory_space<vmem>>
      %dma_wait3A_48 = tpu.memref_squeeze %dma_wait3A_47 : memref<1x10240xf32, #tpu.memory_space<vmem>> -> memref<10240xf32, #tpu.memory_space<vmem>>
      tpu.wait_dma2 semaphore(%run_scoped3A_25 : memref<!tpu.dma_semaphore, #tpu.memory_space<semaphore_mem>>) src(%dma_wait3A_48 : memref<10240xf32, #tpu.memory_space<vmem>>) dst(%dma_wait3A_45 : memref<10240xf32, #tpu.memory_space<hbm>>)
      tpu.yield
    }) : () -> ()
    return
  }
}

module attributes {stable_mosaic.version = 14 : i64} {
  func.func @_prologue_body(%arg0: i32, %arg1: memref<128x512xf32, #tpu.memory_space<vmem>>, %arg2: memref<32x512xf32, #tpu.memory_space<vmem>>, %arg3: memref<128x64xf32, #tpu.memory_space<vmem>>, %arg4: memref<32x512xi32, #tpu.memory_space<vmem>>, %arg5: memref<1x512xf32, #tpu.memory_space<vmem>>) attributes {dimension_semantics = [#tpu.dimension_semantics<arbitrary>], iteration_bounds = array<i64: 20>, scalar_prefetch = 0 : i64, scratch_operands = 0 : i64, tpu.core_type = #tpu.core_type<tc>, window_params = [{transform_indices = @transform_0, window_bounds = array<i64: 128, 512>}, {transform_indices = @transform_1, window_bounds = array<i64: 32, 512>}, {pipeline_mode = #tpu.pipeline_mode<synchronous>, transform_indices = @transform_2, window_bounds = array<i64: 128, 64>}, {transform_indices = @transform_3, window_bounds = array<i64: 32, 512>}, {transform_indices = @transform_4, window_bounds = array<i64: 1, 512>}]} {
    %get3A = arith.constant 0 : index
    %get3A_0 = arith.constant 0 : index
    %get3A_1 = vector.load %arg2[%get3A, %get3A_0] : memref<32x512xf32, #tpu.memory_space<vmem>>, vector<32x512xf32>
    %reduce_sum3A = arith.constant dense<0.000000e+00> : vector<512xf32>
    %reduce_sum3A_2 = vector.multi_reduction <add>, %get3A_1, %reduce_sum3A [0] : vector<32x512xf32> to vector<512xf32>
    %broadcast_in_dim3A = vector.shape_cast %reduce_sum3A_2 : vector<512xf32> to vector<1x512xf32>
    %add3A = arith.constant 1.000000e+00 : f32
    %add3A_3 = vector.broadcast %add3A : f32 to vector<1x512xf32>
    %add3A_4 = arith.addf %add3A_3, %broadcast_in_dim3A : vector<1x512xf32>
    %rsqrt3A = math.rsqrt %add3A_4 : vector<1x512xf32>
    %swap3A = arith.constant 0 : index
    %swap3A_5 = arith.constant 0 : index
    %swap3A_6 = vector.load %arg5[%swap3A, %swap3A_5] : memref<1x512xf32, #tpu.memory_space<vmem>>, vector<1x512xf32>
    tpu.vector_store %arg5[%swap3A, %swap3A_5], %rsqrt3A {strides = array<i32>} : memref<1x512xf32, #tpu.memory_space<vmem>>, vector<1x512xf32>,
    %get3A_7 = arith.constant 0 : index
    %get3A_8 = arith.constant 0 : index
    %get3A_9 = vector.load %arg3[%get3A_7, %get3A_8] : memref<128x64xf32, #tpu.memory_space<vmem>>, vector<128x64xf32>
    %get3A_10 = arith.constant 0 : index
    %get3A_11 = arith.constant 0 : index
    %get3A_12 = vector.load %arg1[%get3A_10, %get3A_11] : memref<128x512xf32, #tpu.memory_space<vmem>>, vector<128x512xf32>
    %dot_general3A = arith.constant dense<0.000000e+00> : vector<64x512xf32>
    %dot_general3A_13 = tpu.matmul %get3A_9, %get3A_12, %dot_general3A {dimension_numbers = #tpu.dot_dimension_numbers<[0], [0], [1], [1], [0, 1, 1, 1], [], []>, transpose_lhs_hint = false} : vector<128x64xf32>, vector<128x512xf32>, vector<64x512xf32> -> vector<64x512xf32>
    %mul3A = vector.broadcast %rsqrt3A : vector<1x512xf32> to vector<64x512xf32>
    %mul3A_14 = arith.mulf %dot_general3A_13, %mul3A : vector<64x512xf32>
    %bitcast_convert_type3A = tpu.bitcast %mul3A_14 : vector<64x512xf32> -> vector<64x512xi32>
    %add3A_15 = arith.constant 32767 : i32
    %add3A_16 = vector.broadcast %add3A_15 : i32 to vector<64x512xi32>
    %add3A_17 = arith.addi %bitcast_convert_type3A, %add3A_16 : vector<64x512xi32>
    %shift_right_logical3A = arith.constant 16 : i32
    %shift_right_logical3A_18 = vector.broadcast %shift_right_logical3A : i32 to vector<64x512xi32>
    %shift_right_logical3A_19 = arith.shrui %bitcast_convert_type3A, %shift_right_logical3A_18 : vector<64x512xi32>
    %and3A = arith.constant 1 : i32
    %and3A_20 = vector.broadcast %and3A : i32 to vector<64x512xi32>
    %and3A_21 = arith.andi %shift_right_logical3A_19, %and3A_20 : vector<64x512xi32>
    %add3A_22 = arith.addi %add3A_17, %and3A_21 : vector<64x512xi32>
    %shift_right_logical3A_23 = arith.constant 16 : i32
    %shift_right_logical3A_24 = vector.broadcast %shift_right_logical3A_23 : i32 to vector<64x512xi32>
    %shift_right_logical3A_25 = arith.shrui %add3A_22, %shift_right_logical3A_24 : vector<64x512xi32>
    %slice3A = vector.extract_strided_slice %shift_right_logical3A_25 {offsets = [0, 0], sizes = [32, 512], strides = [1, 1]} : vector<64x512xi32> to vector<32x512xi32>
    %slice3A_26 = vector.extract_strided_slice %shift_right_logical3A_25 {offsets = [32, 0], sizes = [32, 512], strides = [1, 1]} : vector<64x512xi32> to vector<32x512xi32>
    %shift_left3A = arith.constant 16 : i32
    %shift_left3A_27 = vector.broadcast %shift_left3A : i32 to vector<32x512xi32>
    %shift_left3A_28 = arith.shli %slice3A_26, %shift_left3A_27 : vector<32x512xi32>
    %or3A = arith.ori %slice3A, %shift_left3A_28 : vector<32x512xi32>
    %swap3A_29 = arith.constant 0 : index
    %swap3A_30 = arith.constant 0 : index
    %swap3A_31 = vector.load %arg4[%swap3A_29, %swap3A_30] : memref<32x512xi32, #tpu.memory_space<vmem>>, vector<32x512xi32>
    tpu.vector_store %arg4[%swap3A_29, %swap3A_30], %or3A {strides = array<i32>} : memref<32x512xi32, #tpu.memory_space<vmem>>, vector<32x512xi32>,
    return
  }
  func.func @transform_0(%arg0: i32) -> (i32, i32) {
    %c0_i32 = arith.constant 0 : i32
    %c0_i32_0 = arith.constant 0 : i32
    return %c0_i32, %arg0 : i32, i32
  }
  func.func @transform_1(%arg0: i32) -> (i32, i32) {
    %c0_i32 = arith.constant 0 : i32
    %c0_i32_0 = arith.constant 0 : i32
    return %c0_i32, %arg0 : i32, i32
  }
  func.func @transform_2(%arg0: i32) -> (i32, i32) {
    %c0_i32 = arith.constant 0 : i32
    %c0_i32_0 = arith.constant 0 : i32
    %c0_i32_1 = arith.constant 0 : i32
    return %c0_i32, %c0_i32_0 : i32, i32
  }
  func.func @transform_3(%arg0: i32) -> (i32, i32) {
    %c0_i32 = arith.constant 0 : i32
    %c0_i32_0 = arith.constant 0 : i32
    return %c0_i32, %arg0 : i32, i32
  }
  func.func @transform_4(%arg0: i32) -> (i32, i32) {
    %c0_i32 = arith.constant 0 : i32
    %c0_i32_0 = arith.constant 0 : i32
    return %c0_i32, %arg0 : i32, i32
  }
}

module attributes {stable_mosaic.version = 14 : i64} {
  func.func @_mid_body(%arg0: i32, %arg1: memref<64x512xf32, #tpu.memory_space<vmem>>, %arg2: memref<32x512xi32, #tpu.memory_space<vmem>>, %arg3: memref<1x512xf32, #tpu.memory_space<vmem>>, %arg4: memref<64x1xf32, #tpu.memory_space<vmem>>, %arg5: memref<64x1xf32, #tpu.memory_space<vmem>>, %arg6: memref<64x64xf32, #tpu.memory_space<vmem>>, %arg7: memref<32x512xi32, #tpu.memory_space<vmem>>) attributes {dimension_semantics = [#tpu.dimension_semantics<arbitrary>], iteration_bounds = array<i64: 20>, scalar_prefetch = 0 : i64, scratch_operands = 0 : i64, tpu.core_type = #tpu.core_type<tc>, window_params = [{transform_indices = @transform_0, window_bounds = array<i64: 64, 512>}, {transform_indices = @transform_1, window_bounds = array<i64: 32, 512>}, {transform_indices = @transform_2, window_bounds = array<i64: 1, 512>}, {pipeline_mode = #tpu.pipeline_mode<synchronous>, transform_indices = @transform_3, window_bounds = array<i64: 64, 1>}, {pipeline_mode = #tpu.pipeline_mode<synchronous>, transform_indices = @transform_4, window_bounds = array<i64: 64, 1>}, {pipeline_mode = #tpu.pipeline_mode<synchronous>, transform_indices = @transform_5, window_bounds = array<i64: 64, 64>}, {transform_indices = @transform_6, window_bounds = array<i64: 32, 512>}]} {
    %get3A = arith.constant 0 : index
    %get3A_0 = arith.constant 0 : index
    %get3A_1 = vector.load %arg3[%get3A, %get3A_0] : memref<1x512xf32, #tpu.memory_space<vmem>>, vector<1x512xf32>
    %get3A_2 = arith.constant 0 : index
    %get3A_3 = arith.constant 0 : index
    %get3A_4 = vector.load %arg2[%get3A_2, %get3A_3] : memref<32x512xi32, #tpu.memory_space<vmem>>, vector<32x512xi32>
    %shift_left3A = arith.constant 16 : i32
    %shift_left3A_5 = vector.broadcast %shift_left3A : i32 to vector<32x512xi32>
    %shift_left3A_6 = arith.shli %get3A_4, %shift_left3A_5 : vector<32x512xi32>
    %bitcast_convert_type3A = tpu.bitcast %shift_left3A_6 : vector<32x512xi32> -> vector<32x512xf32>
    %and3A = arith.constant -65536 : i32
    %and3A_7 = vector.broadcast %and3A : i32 to vector<32x512xi32>
    %and3A_8 = arith.andi %get3A_4, %and3A_7 : vector<32x512xi32>
    %bitcast_convert_type3A_9 = tpu.bitcast %and3A_8 : vector<32x512xi32> -> vector<32x512xf32>
    %concatenate3A = tpu.concatenate %bitcast_convert_type3A, %bitcast_convert_type3A_9 in 0 : vector<32x512xf32>, vector<32x512xf32> -> vector<64x512xf32>
    %get3A_10 = arith.constant 0 : index
    %get3A_11 = arith.constant 0 : index
    %get3A_12 = vector.load %arg1[%get3A_10, %get3A_11] : memref<64x512xf32, #tpu.memory_space<vmem>>, vector<64x512xf32>
    %add3A = arith.addf %get3A_12, %concatenate3A : vector<64x512xf32>
    %mul3A = vector.broadcast %get3A_1 : vector<1x512xf32> to vector<64x512xf32>
    %mul3A_13 = arith.mulf %mul3A, %add3A : vector<64x512xf32>
    %get3A_14 = arith.constant 0 : index
    %get3A_15 = arith.constant 0 : index
    %get3A_16 = vector.load %arg4[%get3A_14, %get3A_15] : memref<64x1xf32, #tpu.memory_space<vmem>>, vector<64x1xf32>
    %mul3A_17 = vector.broadcast %get3A_16 : vector<64x1xf32> to vector<64x512xf32>
    %mul3A_18 = arith.mulf %mul3A_13, %mul3A_17 : vector<64x512xf32>
    %get3A_19 = arith.constant 0 : index
    %get3A_20 = arith.constant 0 : index
    %get3A_21 = vector.load %arg5[%get3A_19, %get3A_20] : memref<64x1xf32, #tpu.memory_space<vmem>>, vector<64x1xf32>
    %add3A_22 = vector.broadcast %get3A_21 : vector<64x1xf32> to vector<64x512xf32>
    %add3A_23 = arith.addf %mul3A_18, %add3A_22 : vector<64x512xf32>
    %max3A = arith.constant 0.000000e+00 : f32
    %max3A_24 = vector.broadcast %max3A : f32 to vector<64x512xf32>
    %max3A_25 = arith.maximumf %add3A_23, %max3A_24 : vector<64x512xf32>
    %get3A_26 = arith.constant 0 : index
    %get3A_27 = arith.constant 0 : index
    %get3A_28 = vector.load %arg6[%get3A_26, %get3A_27] : memref<64x64xf32, #tpu.memory_space<vmem>>, vector<64x64xf32>
    %dot_general3A = arith.constant dense<0.000000e+00> : vector<64x512xf32>
    %dot_general3A_29 = tpu.matmul %get3A_28, %max3A_25, %dot_general3A {dimension_numbers = #tpu.dot_dimension_numbers<[0], [0], [1], [1], [0, 1, 1, 1], [], []>, transpose_lhs_hint = false} : vector<64x64xf32>, vector<64x512xf32>, vector<64x512xf32> -> vector<64x512xf32>
    %mul3A_30 = vector.broadcast %get3A_1 : vector<1x512xf32> to vector<64x512xf32>
    %mul3A_31 = arith.mulf %dot_general3A_29, %mul3A_30 : vector<64x512xf32>
    %bitcast_convert_type3A_32 = tpu.bitcast %mul3A_31 : vector<64x512xf32> -> vector<64x512xi32>
    %add3A_33 = arith.constant 32767 : i32
    %add3A_34 = vector.broadcast %add3A_33 : i32 to vector<64x512xi32>
    %add3A_35 = arith.addi %bitcast_convert_type3A_32, %add3A_34 : vector<64x512xi32>
    %shift_right_logical3A = arith.constant 16 : i32
    %shift_right_logical3A_36 = vector.broadcast %shift_right_logical3A : i32 to vector<64x512xi32>
    %shift_right_logical3A_37 = arith.shrui %bitcast_convert_type3A_32, %shift_right_logical3A_36 : vector<64x512xi32>
    %and3A_38 = arith.constant 1 : i32
    %and3A_39 = vector.broadcast %and3A_38 : i32 to vector<64x512xi32>
    %and3A_40 = arith.andi %shift_right_logical3A_37, %and3A_39 : vector<64x512xi32>
    %add3A_41 = arith.addi %add3A_35, %and3A_40 : vector<64x512xi32>
    %shift_right_logical3A_42 = arith.constant 16 : i32
    %shift_right_logical3A_43 = vector.broadcast %shift_right_logical3A_42 : i32 to vector<64x512xi32>
    %shift_right_logical3A_44 = arith.shrui %add3A_41, %shift_right_logical3A_43 : vector<64x512xi32>
    %slice3A = vector.extract_strided_slice %shift_right_logical3A_44 {offsets = [0, 0], sizes = [32, 512], strides = [1, 1]} : vector<64x512xi32> to vector<32x512xi32>
    %slice3A_45 = vector.extract_strided_slice %shift_right_logical3A_44 {offsets = [32, 0], sizes = [32, 512], strides = [1, 1]} : vector<64x512xi32> to vector<32x512xi32>
    %shift_left3A_46 = arith.constant 16 : i32
    %shift_left3A_47 = vector.broadcast %shift_left3A_46 : i32 to vector<32x512xi32>
    %shift_left3A_48 = arith.shli %slice3A_45, %shift_left3A_47 : vector<32x512xi32>
    %or3A = arith.ori %slice3A, %shift_left3A_48 : vector<32x512xi32>
    %swap3A = arith.constant 0 : index
    %swap3A_49 = arith.constant 0 : index
    %swap3A_50 = vector.load %arg7[%swap3A, %swap3A_49] : memref<32x512xi32, #tpu.memory_space<vmem>>, vector<32x512xi32>
    tpu.vector_store %arg7[%swap3A, %swap3A_49], %or3A {strides = array<i32>} : memref<32x512xi32, #tpu.memory_space<vmem>>, vector<32x512xi32>,
    return
  }
  func.func @transform_0(%arg0: i32) -> (i32, i32) {
    %c0_i32 = arith.constant 0 : i32
    %c0_i32_0 = arith.constant 0 : i32
    return %c0_i32, %arg0 : i32, i32
  }
  func.func @transform_1(%arg0: i32) -> (i32, i32) {
    %c0_i32 = arith.constant 0 : i32
    %c0_i32_0 = arith.constant 0 : i32
    return %c0_i32, %arg0 : i32, i32
  }
  func.func @transform_2(%arg0: i32) -> (i32, i32) {
    %c0_i32 = arith.constant 0 : i32
    %c0_i32_0 = arith.constant 0 : i32
    return %c0_i32, %arg0 : i32, i32
  }
  func.func @transform_3(%arg0: i32) -> (i32, i32) {
    %c0_i32 = arith.constant 0 : i32
    %c0_i32_0 = arith.constant 0 : i32
    %c0_i32_1 = arith.constant 0 : i32
    return %c0_i32, %c0_i32_0 : i32, i32
  }
  func.func @transform_4(%arg0: i32) -> (i32, i32) {
    %c0_i32 = arith.constant 0 : i32
    %c0_i32_0 = arith.constant 0 : i32
    %c0_i32_1 = arith.constant 0 : i32
    return %c0_i32, %c0_i32_0 : i32, i32
  }
  func.func @transform_5(%arg0: i32) -> (i32, i32) {
    %c0_i32 = arith.constant 0 : i32
    %c0_i32_0 = arith.constant 0 : i32
    %c0_i32_1 = arith.constant 0 : i32
    return %c0_i32, %c0_i32_0 : i32, i32
  }
  func.func @transform_6(%arg0: i32) -> (i32, i32) {
    %c0_i32 = arith.constant 0 : i32
    %c0_i32_0 = arith.constant 0 : i32
    return %c0_i32, %arg0 : i32, i32
  }
}

module attributes {stable_mosaic.version = 14 : i64} {
  func.func @_pool_body(%arg0: i32, %arg1: memref<64x512xf32, #tpu.memory_space<vmem>>, %arg2: memref<32x512xi32, #tpu.memory_space<vmem>>, %arg3: memref<1x512xf32, #tpu.memory_space<vmem>>, %arg4: memref<64x1xf32, #tpu.memory_space<vmem>>, %arg5: memref<64x1xf32, #tpu.memory_space<vmem>>, %arg6: memref<1x512xi32, #tpu.memory_space<vmem>>, %arg7: memref<64x64xf32, #tpu.memory_space<vmem>>, %arg8: memref<64x1xf32, #tpu.memory_space<vmem>>, %arg9: memref<64x32xf32, #tpu.memory_space<vmem>>, %arg10: memref<32x1xf32, #tpu.memory_space<vmem>>, %arg11: memref<32x16xf32, #tpu.memory_space<vmem>>, %arg12: memref<16x1xf32, #tpu.memory_space<vmem>>, %arg13: memref<16x2xf32, #tpu.memory_space<vmem>>, %arg14: memref<1x2xf32, #tpu.memory_space<vmem>>, %arg15: memref<2x128xf32, #tpu.memory_space<vmem>>, %arg16: memref<1x128xf32, #tpu.memory_space<vmem>>, %arg17: memref<128x256xf32, #tpu.memory_space<vmem>>, %arg18: memref<1x256xf32, #tpu.memory_space<vmem>>, %arg19: memref<256x2xf32, #tpu.memory_space<vmem>>, %arg20: memref<1x2xf32, #tpu.memory_space<vmem>>, %arg21: memref<64x2xf32, #tpu.memory_space<vmem>>, %arg22: memref<1x2xf32, #tpu.memory_space<vmem>>, %arg23: memref<64x2xf32, #tpu.memory_space<vmem>>, %arg24: memref<64x64xf32, #tpu.memory_space<vmem>>, %arg25: memref<64x64xf32, #tpu.memory_space<vmem>>) attributes {dimension_semantics = [#tpu.dimension_semantics<arbitrary>], iteration_bounds = array<i64: 20>, scalar_prefetch = 0 : i64, scratch_operands = 2 : i64, tpu.core_type = #tpu.core_type<tc>, window_params = [{transform_indices = @transform_0, window_bounds = array<i64: 64, 512>}, {transform_indices = @transform_1, window_bounds = array<i64: 32, 512>}, {transform_indices = @transform_2, window_bounds = array<i64: 1, 512>}, {pipeline_mode = #tpu.pipeline_mode<synchronous>, transform_indices = @transform_3, window_bounds = array<i64: 64, 1>}, {pipeline_mode = #tpu.pipeline_mode<synchronous>, transform_indices = @transform_4, window_bounds = array<i64: 64, 1>}, {transform_indices = @transform_5, window_bounds = array<i64: 1, 512>}, {pipeline_mode = #tpu.pipeline_mode<synchronous>, transform_indices = @transform_6, window_bounds = array<i64: 64, 64>}, {pipeline_mode = #tpu.pipeline_mode<synchronous>, transform_indices = @transform_7, window_bounds = array<i64: 64, 1>}, {pipeline_mode = #tpu.pipeline_mode<synchronous>, transform_indices = @transform_8, window_bounds = array<i64: 64, 32>}, {pipeline_mode = #tpu.pipeline_mode<synchronous>, transform_indices = @transform_9, window_bounds = array<i64: 32, 1>}, {pipeline_mode = #tpu.pipeline_mode<synchronous>, transform_indices = @transform_10, window_bounds = array<i64: 32, 16>}, {pipeline_mode = #tpu.pipeline_mode<synchronous>, transform_indices = @transform_11, window_bounds = array<i64: 16, 1>}, {pipeline_mode = #tpu.pipeline_mode<synchronous>, transform_indices = @transform_12, window_bounds = array<i64: 16, 2>}, {pipeline_mode = #tpu.pipeline_mode<synchronous>, transform_indices = @transform_13, window_bounds = array<i64: 1, 2>}, {pipeline_mode = #tpu.pipeline_mode<synchronous>, transform_indices = @transform_14, window_bounds = array<i64: 2, 128>}, {pipeline_mode = #tpu.pipeline_mode<synchronous>, transform_indices = @transform_15, window_bounds = array<i64: 1, 128>}, {pipeline_mode = #tpu.pipeline_mode<synchronous>, transform_indices = @transform_16, window_bounds = array<i64: 128, 256>}, {pipeline_mode = #tpu.pipeline_mode<synchronous>, transform_indices = @transform_17, window_bounds = array<i64: 1, 256>}, {pipeline_mode = #tpu.pipeline_mode<synchronous>, transform_indices = @transform_18, window_bounds = array<i64: 256, 2>}, {pipeline_mode = #tpu.pipeline_mode<synchronous>, transform_indices = @transform_19, window_bounds = array<i64: 1, 2>}, {pipeline_mode = #tpu.pipeline_mode<synchronous>, transform_indices = @transform_20, window_bounds = array<i64: 64, 2>}, {pipeline_mode = #tpu.pipeline_mode<synchronous>, transform_indices = @transform_21, window_bounds = array<i64: 1, 2>}, {pipeline_mode = #tpu.pipeline_mode<synchronous>, transform_indices = @transform_22, window_bounds = array<i64: 64, 2>}]} {
    %get3A = arith.constant 0 : index
    %get3A_0 = arith.constant 0 : index
    %get3A_1 = vector.load %arg3[%get3A, %get3A_0] : memref<1x512xf32, #tpu.memory_space<vmem>>, vector<1x512xf32>
    %get3A_2 = arith.constant 0 : index
    %get3A_3 = arith.constant 0 : index
    %get3A_4 = vector.load %arg2[%get3A_2, %get3A_3] : memref<32x512xi32, #tpu.memory_space<vmem>>, vector<32x512xi32>
    %shift_left3A = arith.constant 16 : i32
    %shift_left3A_5 = vector.broadcast %shift_left3A : i32 to vector<32x512xi32>
    %shift_left3A_6 = arith.shli %get3A_4, %shift_left3A_5 : vector<32x512xi32>
    %bitcast_convert_type3A = tpu.bitcast %shift_left3A_6 : vector<32x512xi32> -> vector<32x512xf32>
    %and3A = arith.constant -65536 : i32
    %and3A_7 = vector.broadcast %and3A : i32 to vector<32x512xi32>
    %and3A_8 = arith.andi %get3A_4, %and3A_7 : vector<32x512xi32>
    %bitcast_convert_type3A_9 = tpu.bitcast %and3A_8 : vector<32x512xi32> -> vector<32x512xf32>
    %concatenate3A = tpu.concatenate %bitcast_convert_type3A, %bitcast_convert_type3A_9 in 0 : vector<32x512xf32>, vector<32x512xf32> -> vector<64x512xf32>
    %get3A_10 = arith.constant 0 : index
    %get3A_11 = arith.constant 0 : index
    %get3A_12 = vector.load %arg1[%get3A_10, %get3A_11] : memref<64x512xf32, #tpu.memory_space<vmem>>, vector<64x512xf32>
    %add3A = arith.addf %get3A_12, %concatenate3A : vector<64x512xf32>
    %mul3A = vector.broadcast %get3A_1 : vector<1x512xf32> to vector<64x512xf32>
    %mul3A_13 = arith.mulf %mul3A, %add3A : vector<64x512xf32>
    %get3A_14 = arith.constant 0 : index
    %get3A_15 = arith.constant 0 : index
    %get3A_16 = vector.load %arg4[%get3A_14, %get3A_15] : memref<64x1xf32, #tpu.memory_space<vmem>>, vector<64x1xf32>
    %mul3A_17 = vector.broadcast %get3A_16 : vector<64x1xf32> to vector<64x512xf32>
    %mul3A_18 = arith.mulf %mul3A_13, %mul3A_17 : vector<64x512xf32>
    %get3A_19 = arith.constant 0 : index
    %get3A_20 = arith.constant 0 : index
    %get3A_21 = vector.load %arg5[%get3A_19, %get3A_20] : memref<64x1xf32, #tpu.memory_space<vmem>>, vector<64x1xf32>
    %add3A_22 = vector.broadcast %get3A_21 : vector<64x1xf32> to vector<64x512xf32>
    %add3A_23 = arith.addf %mul3A_18, %add3A_22 : vector<64x512xf32>
    %max3A = arith.constant 0.000000e+00 : f32
    %max3A_24 = vector.broadcast %max3A : f32 to vector<64x512xf32>
    %max3A_25 = arith.maximumf %add3A_23, %max3A_24 : vector<64x512xf32>
    %iota3A = tpu.iota {dimensions = array<i32: 0>} : vector<64x512xi32>
    %get3A_26 = arith.constant 0 : index
    %get3A_27 = arith.constant 0 : index
    %get3A_28 = vector.load %arg6[%get3A_26, %get3A_27] : memref<1x512xi32, #tpu.memory_space<vmem>>, vector<1x512xi32>
    %eq3A = vector.broadcast %get3A_28 : vector<1x512xi32> to vector<64x512xi32>
    %eq3A_29 = arith.cmpi eq, %eq3A, %iota3A : vector<64x512xi32>
    %convert_element_type3A = arith.extui %eq3A_29 : vector<64x512xi1> to vector<64x512xi32>
    %convert_element_type3A_30 = arith.sitofp %convert_element_type3A : vector<64x512xi32> to vector<64x512xf32>
    %dot_general3A = arith.constant dense<0.000000e+00> : vector<64x64xf32>
    %dot_general3A_31 = tpu.matmul %max3A_25, %convert_element_type3A_30, %dot_general3A {dimension_numbers = #tpu.dot_dimension_numbers<[1], [1], [0], [0], [0, 0, 1, 0], [], []>, transpose_lhs_hint = false} : vector<64x512xf32>, vector<64x512xf32>, vector<64x64xf32> -> vector<64x64xf32>
    %broadcast_in_dim3A = arith.constant 1.000000e+00 : f32
    %broadcast_in_dim3A_32 = vector.broadcast %broadcast_in_dim3A : f32 to vector<64x512xf32>
    %dot_general3A_33 = arith.constant dense<0.000000e+00> : vector<64x64xf32>
    %dot_general3A_34 = tpu.matmul %broadcast_in_dim3A_32, %convert_element_type3A_30, %dot_general3A_33 {dimension_numbers = #tpu.dot_dimension_numbers<[1], [1], [0], [0], [0, 0, 1, 0], [], []>, transpose_lhs_hint = false} : vector<64x512xf32>, vector<64x512xf32>, vector<64x64xf32> -> vector<64x64xf32>
    %eq3A_35 = arith.constant 0 : i32
    %eq3A_36 = arith.cmpi eq, %arg0, %eq3A_35 : i32
    %convert_element_type3A_37 = arith.extui %eq3A_36 : i1 to i32
    %cond3A = arith.constant 0 : i32
    %cond3A_38 = arith.cmpi ne, %convert_element_type3A_37, %cond3A : i32
    scf.if %cond3A_38 {
      %broadcast_in_dim3A_57 = arith.constant 0.000000e+00 : f32
      %broadcast_in_dim3A_58 = vector.broadcast %broadcast_in_dim3A_57 : f32 to vector<64x64xf32>
      %swap3A_59 = arith.constant 0 : index
      %swap3A_60 = arith.constant 0 : index
      %swap3A_61 = vector.load %arg24[%swap3A_59, %swap3A_60] : memref<64x64xf32, #tpu.memory_space<vmem>>, vector<64x64xf32>
      tpu.vector_store %arg24[%swap3A_59, %swap3A_60], %broadcast_in_dim3A_58 {strides = array<i32>} : memref<64x64xf32, #tpu.memory_space<vmem>>, vector<64x64xf32>,
      %broadcast_in_dim3A_62 = arith.constant 0.000000e+00 : f32
      %broadcast_in_dim3A_63 = vector.broadcast %broadcast_in_dim3A_62 : f32 to vector<64x64xf32>
      %swap3A_64 = arith.constant 0 : index
      %swap3A_65 = arith.constant 0 : index
      %swap3A_66 = vector.load %arg25[%swap3A_64, %swap3A_65] : memref<64x64xf32, #tpu.memory_space<vmem>>, vector<64x64xf32>
      tpu.vector_store %arg25[%swap3A_64, %swap3A_65], %broadcast_in_dim3A_63 {strides = array<i32>} : memref<64x64xf32, #tpu.memory_space<vmem>>, vector<64x64xf32>,
    } else {
    }
    %get3A_39 = arith.constant 0 : index
    %get3A_40 = arith.constant 0 : index
    %get3A_41 = vector.load %arg24[%get3A_39, %get3A_40] : memref<64x64xf32, #tpu.memory_space<vmem>>, vector<64x64xf32>
    %add3A_42 = arith.addf %get3A_41, %dot_general3A_31 : vector<64x64xf32>
    %swap3A = arith.constant 0 : index
    %swap3A_43 = arith.constant 0 : index
    %swap3A_44 = vector.load %arg24[%swap3A, %swap3A_43] : memref<64x64xf32, #tpu.memory_space<vmem>>, vector<64x64xf32>
    tpu.vector_store %arg24[%swap3A, %swap3A_43], %add3A_42 {strides = array<i32>} : memref<64x64xf32, #tpu.memory_space<vmem>>, vector<64x64xf32>,
    %get3A_45 = arith.constant 0 : index
    %get3A_46 = arith.constant 0 : index
    %get3A_47 = vector.load %arg25[%get3A_45, %get3A_46] : memref<64x64xf32, #tpu.memory_space<vmem>>, vector<64x64xf32>
    %add3A_48 = arith.addf %get3A_47, %dot_general3A_34 : vector<64x64xf32>
    %swap3A_49 = arith.constant 0 : index
    %swap3A_50 = arith.constant 0 : index
    %swap3A_51 = vector.load %arg25[%swap3A_49, %swap3A_50] : memref<64x64xf32, #tpu.memory_space<vmem>>, vector<64x64xf32>
    tpu.vector_store %arg25[%swap3A_49, %swap3A_50], %add3A_48 {strides = array<i32>} : memref<64x64xf32, #tpu.memory_space<vmem>>, vector<64x64xf32>,
    %eq3A_52 = arith.constant 19 : i32
    %eq3A_53 = arith.cmpi eq, %arg0, %eq3A_52 : i32
    %convert_element_type3A_54 = arith.extui %eq3A_53 : i1 to i32
    %cond3A_55 = arith.constant 0 : i32
    %cond3A_56 = arith.cmpi ne, %convert_element_type3A_54, %cond3A_55 : i32
    scf.if %cond3A_56 {
      %get3A_57 = arith.constant 0 : index
      %get3A_58 = arith.constant 0 : index
      %get3A_59 = vector.load %arg24[%get3A_57, %get3A_58] : memref<64x64xf32, #tpu.memory_space<vmem>>, vector<64x64xf32>
      %get3A_60 = arith.constant 0 : index
      %get3A_61 = arith.constant 0 : index
      %get3A_62 = vector.load %arg25[%get3A_60, %get3A_61] : memref<64x64xf32, #tpu.memory_space<vmem>>, vector<64x64xf32>
      %max3A_63 = arith.constant 1.000000e+00 : f32
      %max3A_64 = vector.broadcast %max3A_63 : f32 to vector<64x64xf32>
      %max3A_65 = arith.maximumf %get3A_62, %max3A_64 : vector<64x64xf32>
      %div3A = arith.divf %get3A_59, %max3A_65 : vector<64x64xf32>
      %get3A_66 = arith.constant 0 : index
      %get3A_67 = arith.constant 0 : index
      %get3A_68 = vector.load %arg7[%get3A_66, %get3A_67] : memref<64x64xf32, #tpu.memory_space<vmem>>, vector<64x64xf32>
      %dot_general3A_69 = arith.constant dense<0.000000e+00> : vector<64x64xf32>
      %dot_general3A_70 = tpu.matmul %get3A_68, %div3A, %dot_general3A_69 {dimension_numbers = #tpu.dot_dimension_numbers<[0], [0], [1], [1], [0, 1, 1, 1], [], []>, transpose_lhs_hint = false} : vector<64x64xf32>, vector<64x64xf32>, vector<64x64xf32> -> vector<64x64xf32>
      %get3A_71 = arith.constant 0 : index
      %get3A_72 = arith.constant 0 : index
      %get3A_73 = vector.load %arg8[%get3A_71, %get3A_72] : memref<64x1xf32, #tpu.memory_space<vmem>>, vector<64x1xf32>
      %add3A_74 = vector.broadcast %get3A_73 : vector<64x1xf32> to vector<64x64xf32>
      %add3A_75 = arith.addf %dot_general3A_70, %add3A_74 : vector<64x64xf32>
      %max3A_76 = arith.constant 0.000000e+00 : f32
      %max3A_77 = vector.broadcast %max3A_76 : f32 to vector<64x64xf32>
      %max3A_78 = arith.maximumf %add3A_75, %max3A_77 : vector<64x64xf32>
      %get3A_79 = arith.constant 0 : index
      %get3A_80 = arith.constant 0 : index
      %get3A_81 = vector.load %arg9[%get3A_79, %get3A_80] : memref<64x32xf32, #tpu.memory_space<vmem>>, vector<64x32xf32>
      %dot_general3A_82 = arith.constant dense<0.000000e+00> : vector<32x64xf32>
      %dot_general3A_83 = tpu.matmul %get3A_81, %max3A_78, %dot_general3A_82 {dimension_numbers = #tpu.dot_dimension_numbers<[0], [0], [1], [1], [0, 1, 1, 1], [], []>, transpose_lhs_hint = false} : vector<64x32xf32>, vector<64x64xf32>, vector<32x64xf32> -> vector<32x64xf32>
      %get3A_84 = arith.constant 0 : index
      %get3A_85 = arith.constant 0 : index
      %get3A_86 = vector.load %arg10[%get3A_84, %get3A_85] : memref<32x1xf32, #tpu.memory_space<vmem>>, vector<32x1xf32>
      %add3A_87 = vector.broadcast %get3A_86 : vector<32x1xf32> to vector<32x64xf32>
      %add3A_88 = arith.addf %dot_general3A_83, %add3A_87 : vector<32x64xf32>
      %max3A_89 = arith.constant 0.000000e+00 : f32
      %max3A_90 = vector.broadcast %max3A_89 : f32 to vector<32x64xf32>
      %max3A_91 = arith.maximumf %add3A_88, %max3A_90 : vector<32x64xf32>
      %get3A_92 = arith.constant 0 : index
      %get3A_93 = arith.constant 0 : index
      %get3A_94 = vector.load %arg11[%get3A_92, %get3A_93] : memref<32x16xf32, #tpu.memory_space<vmem>>, vector<32x16xf32>
      %dot_general3A_95 = arith.constant dense<0.000000e+00> : vector<16x64xf32>
      %dot_general3A_96 = tpu.matmul %get3A_94, %max3A_91, %dot_general3A_95 {dimension_numbers = #tpu.dot_dimension_numbers<[0], [0], [1], [1], [0, 1, 1, 1], [], []>, transpose_lhs_hint = false} : vector<32x16xf32>, vector<32x64xf32>, vector<16x64xf32> -> vector<16x64xf32>
      %get3A_97 = arith.constant 0 : index
      %get3A_98 = arith.constant 0 : index
      %get3A_99 = vector.load %arg12[%get3A_97, %get3A_98] : memref<16x1xf32, #tpu.memory_space<vmem>>, vector<16x1xf32>
      %add3A_100 = vector.broadcast %get3A_99 : vector<16x1xf32> to vector<16x64xf32>
      %add3A_101 = arith.addf %dot_general3A_96, %add3A_100 : vector<16x64xf32>
      %max3A_102 = arith.constant 0.000000e+00 : f32
      %max3A_103 = vector.broadcast %max3A_102 : f32 to vector<16x64xf32>
      %max3A_104 = arith.maximumf %add3A_101, %max3A_103 : vector<16x64xf32>
      %get3A_105 = arith.constant 0 : index
      %get3A_106 = arith.constant 0 : index
      %get3A_107 = vector.load %arg13[%get3A_105, %get3A_106] : memref<16x2xf32, #tpu.memory_space<vmem>>, vector<16x2xf32>
      %dot_general3A_108 = arith.constant dense<0.000000e+00> : vector<64x2xf32>
      %dot_general3A_109 = tpu.matmul %max3A_104, %get3A_107, %dot_general3A_108 {dimension_numbers = #tpu.dot_dimension_numbers<[0], [0], [1], [1], [0, 1, 1, 1], [], []>, transpose_lhs_hint = false} : vector<16x64xf32>, vector<16x2xf32>, vector<64x2xf32> -> vector<64x2xf32>
      %get3A_110 = arith.constant 0 : index
      %get3A_111 = arith.constant 0 : index
      %get3A_112 = vector.load %arg14[%get3A_110, %get3A_111] : memref<1x2xf32, #tpu.memory_space<vmem>>, vector<1x2xf32>
      %add3A_113 = vector.broadcast %get3A_112 : vector<1x2xf32> to vector<64x2xf32>
      %add3A_114 = arith.addf %dot_general3A_109, %add3A_113 : vector<64x2xf32>
      %get3A_115 = arith.constant 0 : index
      %get3A_116 = arith.constant 0 : index
      %get3A_117 = vector.load %arg21[%get3A_115, %get3A_116] : memref<64x2xf32, #tpu.memory_space<vmem>>, vector<64x2xf32>
      %get3A_118 = arith.constant 0 : index
      %get3A_119 = arith.constant 0 : index
      %get3A_120 = vector.load %arg15[%get3A_118, %get3A_119] : memref<2x128xf32, #tpu.memory_space<vmem>>, vector<2x128xf32>
      %dot_general3A_121 = arith.constant dense<0.000000e+00> : vector<64x128xf32>
      %dot_general3A_122 = tpu.matmul %get3A_117, %get3A_120, %dot_general3A_121 {dimension_numbers = #tpu.dot_dimension_numbers<[1], [0], [0], [1], [0, 0, 1, 1], [], []>, transpose_lhs_hint = false} : vector<64x2xf32>, vector<2x128xf32>, vector<64x128xf32> -> vector<64x128xf32>
      %get3A_123 = arith.constant 0 : index
      %get3A_124 = arith.constant 0 : index
      %get3A_125 = vector.load %arg16[%get3A_123, %get3A_124] : memref<1x128xf32, #tpu.memory_space<vmem>>, vector<1x128xf32>
      %add3A_126 = vector.broadcast %get3A_125 : vector<1x128xf32> to vector<64x128xf32>
      %add3A_127 = arith.addf %dot_general3A_122, %add3A_126 : vector<64x128xf32>
      %max3A_128 = arith.constant 0.000000e+00 : f32
      %max3A_129 = vector.broadcast %max3A_128 : f32 to vector<64x128xf32>
      %max3A_130 = arith.maximumf %add3A_127, %max3A_129 : vector<64x128xf32>
      %get3A_131 = arith.constant 0 : index
      %get3A_132 = arith.constant 0 : index
      %get3A_133 = vector.load %arg17[%get3A_131, %get3A_132] : memref<128x256xf32, #tpu.memory_space<vmem>>, vector<128x256xf32>
      %dot_general3A_134 = arith.constant dense<0.000000e+00> : vector<64x256xf32>
      %dot_general3A_135 = tpu.matmul %max3A_130, %get3A_133, %dot_general3A_134 {dimension_numbers = #tpu.dot_dimension_numbers<[1], [0], [0], [1], [0, 0, 1, 1], [], []>, transpose_lhs_hint = false} : vector<64x128xf32>, vector<128x256xf32>, vector<64x256xf32> -> vector<64x256xf32>
      %get3A_136 = arith.constant 0 : index
      %get3A_137 = arith.constant 0 : index
      %get3A_138 = vector.load %arg18[%get3A_136, %get3A_137] : memref<1x256xf32, #tpu.memory_space<vmem>>, vector<1x256xf32>
      %add3A_139 = vector.broadcast %get3A_138 : vector<1x256xf32> to vector<64x256xf32>
      %add3A_140 = arith.addf %dot_general3A_135, %add3A_139 : vector<64x256xf32>
      %max3A_141 = arith.constant 0.000000e+00 : f32
      %max3A_142 = vector.broadcast %max3A_141 : f32 to vector<64x256xf32>
      %max3A_143 = arith.maximumf %add3A_140, %max3A_142 : vector<64x256xf32>
      %get3A_144 = arith.constant 0 : index
      %get3A_145 = arith.constant 0 : index
      %get3A_146 = vector.load %arg19[%get3A_144, %get3A_145] : memref<256x2xf32, #tpu.memory_space<vmem>>, vector<256x2xf32>
      %dot_general3A_147 = arith.constant dense<0.000000e+00> : vector<64x2xf32>
      %dot_general3A_148 = tpu.matmul %max3A_143, %get3A_146, %dot_general3A_147 {dimension_numbers = #tpu.dot_dimension_numbers<[1], [0], [0], [1], [0, 0, 1, 1], [], []>, transpose_lhs_hint = false} : vector<64x256xf32>, vector<256x2xf32>, vector<64x2xf32> -> vector<64x2xf32>
      %get3A_149 = arith.constant 0 : index
      %get3A_150 = arith.constant 0 : index
      %get3A_151 = vector.load %arg20[%get3A_149, %get3A_150] : memref<1x2xf32, #tpu.memory_space<vmem>>, vector<1x2xf32>
      %add3A_152 = vector.broadcast %get3A_151 : vector<1x2xf32> to vector<64x2xf32>
      %add3A_153 = arith.addf %dot_general3A_148, %add3A_152 : vector<64x2xf32>
      %mul3A_154 = arith.mulf %add3A_114, %add3A_153 : vector<64x2xf32>
      %get3A_155 = arith.constant 0 : index
      %get3A_156 = arith.constant 0 : index
      %get3A_157 = vector.load %arg22[%get3A_155, %get3A_156] : memref<1x2xf32, #tpu.memory_space<vmem>>, vector<1x2xf32>
      %add3A_158 = vector.broadcast %get3A_157 : vector<1x2xf32> to vector<64x2xf32>
      %add3A_159 = arith.addf %mul3A_154, %add3A_158 : vector<64x2xf32>
      %swap3A_160 = arith.constant 0 : index
      %swap3A_161 = arith.constant 0 : index
      %swap3A_162 = vector.load %arg23[%swap3A_160, %swap3A_161] : memref<64x2xf32, #tpu.memory_space<vmem>>, vector<64x2xf32>
      tpu.vector_store %arg23[%swap3A_160, %swap3A_161], %add3A_159 {strides = array<i32>} : memref<64x2xf32, #tpu.memory_space<vmem>>, vector<64x2xf32>,
    } else {
    }
    return
  }
  func.func @transform_0(%arg0: i32) -> (i32, i32) {
    %c0_i32 = arith.constant 0 : i32
    %c0_i32_0 = arith.constant 0 : i32
    return %c0_i32, %arg0 : i32, i32
  }
  func.func @transform_1(%arg0: i32) -> (i32, i32) {
    %c0_i32 = arith.constant 0 : i32
    %c0_i32_0 = arith.constant 0 : i32
    return %c0_i32, %arg0 : i32, i32
  }
  func.func @transform_2(%arg0: i32) -> (i32, i32) {
    %c0_i32 = arith.constant 0 : i32
    %c0_i32_0 = arith.constant 0 : i32
    return %c0_i32, %arg0 : i32, i32
  }
  func.func @transform_3(%arg0: i32) -> (i32, i32) {
    %c0_i32 = arith.constant 0 : i32
    %c0_i32_0 = arith.constant 0 : i32
    %c0_i32_1 = arith.constant 0 : i32
    return %c0_i32, %c0_i32_0 : i32, i32
  }
  func.func @transform_4(%arg0: i32) -> (i32, i32) {
    %c0_i32 = arith.constant 0 : i32
    %c0_i32_0 = arith.constant 0 : i32
    %c0_i32_1 = arith.constant 0 : i32
    return %c0_i32, %c0_i32_0 : i32, i32
  }
  func.func @transform_5(%arg0: i32) -> (i32, i32) {
    %c0_i32 = arith.constant 0 : i32
    %c0_i32_0 = arith.constant 0 : i32
    return %c0_i32, %arg0 : i32, i32
  }
  func.func @transform_6(%arg0: i32) -> (i32, i32) {
    %c0_i32 = arith.constant 0 : i32
    %c0_i32_0 = arith.constant 0 : i32
    %c0_i32_1 = arith.constant 0 : i32
    return %c0_i32, %c0_i32_0 : i32, i32
  }
  func.func @transform_7(%arg0: i32) -> (i32, i32) {
    %c0_i32 = arith.constant 0 : i32
    %c0_i32_0 = arith.constant 0 : i32
    %c0_i32_1 = arith.constant 0 : i32
    return %c0_i32, %c0_i32_0 : i32, i32
  }
  func.func @transform_8(%arg0: i32) -> (i32, i32) {
    %c0_i32 = arith.constant 0 : i32
    %c0_i32_0 = arith.constant 0 : i32
    %c0_i32_1 = arith.constant 0 : i32
    return %c0_i32, %c0_i32_0 : i32, i32
  }
  func.func @transform_9(%arg0: i32) -> (i32, i32) {
    %c0_i32 = arith.constant 0 : i32
    %c0_i32_0 = arith.constant 0 : i32
    %c0_i32_1 = arith.constant 0 : i32
    return %c0_i32, %c0_i32_0 : i32, i32
  }
  func.func @transform_10(%arg0: i32) -> (i32, i32) {
    %c0_i32 = arith.constant 0 : i32
    %c0_i32_0 = arith.constant 0 : i32
    %c0_i32_1 = arith.constant 0 : i32
    return %c0_i32, %c0_i32_0 : i32, i32
  }
  func.func @transform_11(%arg0: i32) -> (i32, i32) {
    %c0_i32 = arith.constant 0 : i32
    %c0_i32_0 = arith.constant 0 : i32
    %c0_i32_1 = arith.constant 0 : i32
    return %c0_i32, %c0_i32_0 : i32, i32
  }
  func.func @transform_12(%arg0: i32) -> (i32, i32) {
    %c0_i32 = arith.constant 0 : i32
    %c0_i32_0 = arith.constant 0 : i32
    %c0_i32_1 = arith.constant 0 : i32
    return %c0_i32, %c0_i32_0 : i32, i32
  }
  func.func @transform_13(%arg0: i32) -> (i32, i32) {
    %c0_i32 = arith.constant 0 : i32
    %c0_i32_0 = arith.constant 0 : i32
    %c0_i32_1 = arith.constant 0 : i32
    return %c0_i32, %c0_i32_0 : i32, i32
  }
  func.func @transform_14(%arg0: i32) -> (i32, i32) {
    %c0_i32 = arith.constant 0 : i32
    %c0_i32_0 = arith.constant 0 : i32
    %c0_i32_1 = arith.constant 0 : i32
    return %c0_i32, %c0_i32_0 : i32, i32
  }
  func.func @transform_15(%arg0: i32) -> (i32, i32) {
    %c0_i32 = arith.constant 0 : i32
    %c0_i32_0 = arith.constant 0 : i32
    %c0_i32_1 = arith.constant 0 : i32
    return %c0_i32, %c0_i32_0 : i32, i32
  }
  func.func @transform_16(%arg0: i32) -> (i32, i32) {
    %c0_i32 = arith.constant 0 : i32
    %c0_i32_0 = arith.constant 0 : i32
    %c0_i32_1 = arith.constant 0 : i32
    return %c0_i32, %c0_i32_0 : i32, i32
  }
  func.func @transform_17(%arg0: i32) -> (i32, i32) {
    %c0_i32 = arith.constant 0 : i32
    %c0_i32_0 = arith.constant 0 : i32
    %c0_i32_1 = arith.constant 0 : i32
    return %c0_i32, %c0_i32_0 : i32, i32
  }
  func.func @transform_18(%arg0: i32) -> (i32, i32) {
    %c0_i32 = arith.constant 0 : i32
    %c0_i32_0 = arith.constant 0 : i32
    %c0_i32_1 = arith.constant 0 : i32
    return %c0_i32, %c0_i32_0 : i32, i32
  }
  func.func @transform_19(%arg0: i32) -> (i32, i32) {
    %c0_i32 = arith.constant 0 : i32
    %c0_i32_0 = arith.constant 0 : i32
    %c0_i32_1 = arith.constant 0 : i32
    return %c0_i32, %c0_i32_0 : i32, i32
  }
  func.func @transform_20(%arg0: i32) -> (i32, i32) {
    %c0_i32 = arith.constant 0 : i32
    %c0_i32_0 = arith.constant 0 : i32
    %c0_i32_1 = arith.constant 0 : i32
    return %c0_i32, %c0_i32_0 : i32, i32
  }
  func.func @transform_21(%arg0: i32) -> (i32, i32) {
    %c0_i32 = arith.constant 0 : i32
    %c0_i32_0 = arith.constant 0 : i32
    %c0_i32_1 = arith.constant 0 : i32
    return %c0_i32, %c0_i32_0 : i32, i32
  }
  func.func @transform_22(%arg0: i32) -> (i32, i32) {
    %c0_i32 = arith.constant 0 : i32
    %c0_i32_0 = arith.constant 0 : i32
    %c0_i32_1 = arith.constant 0 : i32
    return %c0_i32, %c0_i32_0 : i32, i32
  }
}

</mosaic_0001>

<sc_bundles>
// kernel: kernel.10.cloned.1.call-start
scs
__scs_entry_jumppad:
0x0: {  	(pc) =	sbr.rel $0x88, $3  }
0x1: {  	(tag) =	ssettag $0x0;
	lr =	simm.s32 $0x1  }
0x2: {  	[smem:$0x3F82] =	sst lr;
	_ =	strace $0xD0000000  }
0x3: {  	_ = 	snop  }
0x4: {  	_ = 	snop  }
0x5: {  	_ = 	snop  }
0x6: {  	_ = 	snop  }
0x7: {  	_ = 	snop  }
__scs_overlays_trampoline_lowered:
0x8: {  	[smem:$0x3F91] =	sst s0  }
0x9: {  	[smem:$0x3F92] =	sst s1  }
0xa: {  	[smem:$0x3F93] =	sst s2  }
0xb: {  	[smem:$0x3F94] =	sst s3  }
0xc: {  	[smem:$0x3F95] =	sst s4  }
0xd: {  	[smem:$0x3F96] =	sst s5  }
0xe: {  	[smem:$0x3F97] =	sst s6  }
0xf: {  	[smem:$0x3F98] =	sst s7  }
0x10: {  	[smem:$0x3F99] =	sst s8  }
0x11: {  	[smem:$0x3F9A] =	sst s9;
	s0 =	simm.s32 @!p0 $0x0  }
0x12: {  	s1 =	sld [smem:$0x3F80];
	s0 =	simm.s32 @p0 $0x1  }
0x13: {  	[smem:$0x3F9B] =	sst s0;
	s0 =	simm.s32 @!p1 $0x0  }
0x14: {  	s2 =	sld [smem:$0x3F7F];
	s0 =	simm.s32 @p1 $0x1  }
0x15: {  	[smem:$0x3F9C] =	sst s0;
	s0 =	simm.s32 @!p2 $0x0  }
0x16: {  	s3 =	sld [smem:$0x3FDB];
	s0 =	simm.s32 @p2 $0x1  }
0x17: {  	s4 =	simm.s32 $0x1BF5;
	[smem:$0x3F9E] =	sst s0  }
0x18: {  	s0 =	sld [smem:$0x3F81];
	_ =	swait.ge [sflag:s4], $0x0  }
0x19: {  	s7 =	sld [smem:$0x3F82]  }
0x1a: {  	s8 =	sadd.s32 $0xFFFFE003, lr  }
0x1b: {  	s9 =	sadd.s32 $0xFFFFFEF7, lr;
	s5 =	simm.s32 $0xFFFFFFFF;
	p2 =	slt.u32 s8, $0xFFFFF086  }
0x1c: {  	p1 =	slt.u32 s9, $0xF7A;
	s5 =	simm.s32 @!p2 $0x0  }
0x1d: {  	s5 =	simm.s32 @p1 $0x1;
	p0 =	seq.s32 s7, s2  }
0x1e: {  	s7 =	smul.u32 @!p0 $0xF7A, s2;
	p2 =	seq.s32 @!p0 s5, $0x0  }
0x1f: {  	s9 =	smul.u32 $0xF7A, s1;
	s8 =	simm.s32 @!p0 $0x1BF5;
	p2 =	por !p2, p0  }
0x20: {  	[sflag:s8] =	ssyncset.s32 @!p0 $0xFFFFF086;
	s6 =	sadd.s32 @!p0 s3, s7;
	s7 =	simm.s32 @!p0 $0x108  }
0x21: {  	s3 =	sadd.s32 s3, s9;
	s6 =	sadd.s32 @!p0 $0x88, s6;
	s7 =	simm.s32 @p2 $0x1082  }
0x22: {  	[simem:s7], [sflag:s8] =	dma.local @!p0 [hbm:s6], $0xF7A  }
0x23: {  	s9 =	sor.u32 $0xD0000000, s2;
	s6 =	simm.s32 $0x108;
	_ =	swait.ge @!p0 [sflag:s8], $0x0  }
0x24: {  	s3 =	sadd.s32 $0x88, s3;
	s6 =	simm.s32 @!p1 $0x1082;
	[sflag:s4] =	ssyncset.s32 $0xFFFFF086  }
0x25: {  	[simem:s6], [sflag:s4] =	dma.local [hbm:s3], $0xF7A  }
0x26: {  	[smem:$0x3F82] =	sst s1;
	(tag) =	ssettag s2;
	_ =	strace s9  }
0x27: {  	s1 =	sld [smem:$0x3F92]  }
0x28: {  	s2 =	sld [smem:$0x3F93]  }
0x29: {  	s4 =	sld [smem:$0x3F95]  }
0x2a: {  	p0 =	seq.s32 s5, $0x0;
	s5 =	sld [smem:$0x3F96]  }
0x2b: {  	s6 =	sld [smem:$0x3F97]  }
0x2c: {  	s7 =	sld [smem:$0x3F98]  }
0x2d: {  	s3 =	simm.s32 $0x108;
	s8 =	sld [smem:$0x3F99]  }
0x2e: {  	s3 =	simm.s32 @!p0 $0x1082;
	s9 =	sld [smem:$0x3F9A]  }
0x2f: {  	lr =	sadd.s32 s0, s3;
	s0 =	sld [smem:$0x3F91]  }
0x30: {  	s3 =	sld [smem:$0x3F94]  }
0x31: {  	[smem:$0x3F9D] =	sst s10  }
0x32: {  	s10 =	sld [smem:$0x3F9B];
	_ =	sdelay $0x3  }
0x33: {  	p0 =	seq.s32 s10, $0x1;
	s10 =	sld [smem:$0x3F9D];
	_ =	sdelay $0x3  }
0x34: {  	[smem:$0x3F9D] =	sst s10  }
0x35: {  	s10 =	sld [smem:$0x3F9C];
	_ =	sdelay $0x3  }
0x36: {  	p1 =	seq.s32 s10, $0x1;
	s10 =	sld [smem:$0x3F9D];
	_ =	sdelay $0x3  }
0x37: {  	[smem:$0x3F9D] =	sst s10  }
0x38: {  	s10 =	sld [smem:$0x3F9E]  }
0x39: {  	_ = 	snop;
	(pc) =	sbr.ind lr, $3  }
0x3a: {  	_ = 	snop  }
0x3b: {  	_ = 	snop  }
0x3c: {  	p2 =	seq.s32 s10, $0x1;
	s10 =	sld [smem:$0x3F9D]  }
0x3d: {  	_ =	shalt  }
0x3e: {  	_ =	shalt  }
0x3f: {  	_ =	shalt  }
0x40: {  	_ =	shalt  }
0x41: {  	_ =	shalt  }
0x42: {  	_ =	shalt  }
0x43: {  	_ =	shalt  }
0x44: {  	_ =	shalt  }
0x45: {  	_ =	shalt  }
0x46: {  	_ =	shalt  }
0x47: {  	_ =	shalt  }
0x48: {  	_ =	shalt  }
0x49: {  	_ =	shalt  }
0x4a: {  	_ =	shalt  }
0x4b: {  	_ =	shalt  }
0x4c: {  	_ =	shalt  }
0x4d: {  	_ =	shalt  }
0x4e: {  	_ =	shalt  }
0x4f: {  	_ =	shalt  }
0x50: {  	_ =	shalt  }
0x51: {  	_ =	shalt  }
0x52: {  	_ =	shalt  }
0x53: {  	_ =	shalt  }
0x54: {  	_ =	shalt  }
0x55: {  	_ =	shalt  }
0x56: {  	_ =	shalt  }
0x57: {  	_ =	shalt  }
0x58: {  	_ =	shalt  }
0x59: {  	_ =	shalt  }
0x5a: {  	_ =	shalt  }
0x5b: {  	_ =	shalt  }
0x5c: {  	_ =	shalt  }
0x5d: {  	_ =	shalt  }
0x5e: {  	_ =	shalt  }
0x5f: {  	_ =	shalt  }
0x60: {  	_ =	shalt  }
0x61: {  	_ =	shalt  }
0x62: {  	_ =	shalt  }
0x63: {  	_ =	shalt  }
0x64: {  	_ =	shalt  }
0x65: {  	_ =	shalt  }
0x66: {  	_ =	shalt  }
0x67: {  	_ =	shalt  }
0x68: {  	_ =	shalt  }
0x69: {  	_ =	shalt  }
0x6a: {  	_ =	shalt  }
0x6b: {  	_ =	shalt  }
0x6c: {  	_ =	shalt  }
0x6d: {  	_ =	shalt  }
0x6e: {  	_ =	shalt  }
0x6f: {  	_ =	shalt  }
0x70: {  	_ =	shalt  }
0x71: {  	_ =	shalt  }
0x72: {  	_ =	shalt  }
0x73: {  	_ =	shalt  }
0x74: {  	_ =	shalt  }
0x75: {  	_ =	shalt  }
0x76: {  	_ =	shalt  }
0x77: {  	_ =	shalt  }
0x78: {  	_ =	shalt  }
0x79: {  	_ =	shalt  }
0x7a: {  	_ =	shalt  }
0x7b: {  	_ =	shalt  }
0x7c: {  	_ =	shalt  }
0x7d: {  	_ =	shalt  }
0x7e: {  	_ =	shalt  }
0x7f: {  	_ =	shalt  }
0x80: {  	_ =	shalt  }
0x81: {  	_ =	shalt  }
0x82: {  	_ =	shalt  }
0x83: {  	_ =	shalt  }
0x84: {  	_ =	shalt  }
0x85: {  	_ =	shalt  }
0x86: {  	_ =	shalt  }
0x87: {  	_ =	shalt  }
.Lfunc_end0:
.L_simem_size_0:
called_computation_lowered:
.L_overlay_start_0:
0x88: {  	s2 =	sld [smem:$0x3FD9]  }
0x89: {  	s3 =	sld [smem:$0x3FFE];
	_ =	sdelay $0x1  }
0x8a: {  	s1 =	srdreg.scid  }
0x8b: {  	s0 =	sand.u32 $0x1, s1  }
0x8c: {  	s16 =	sshll.u32 s0, $0xA;
	s2 =	sadd.s32 s3, s2  }
0x8d: {  	s2 =	sadd.s32 s2, s16  }
0x8e: {  	[smem:$0x3FA9] =	sst s2  }
0x8f: {  	_ = 	snop  }
0x90: {  	(tm) =	ssettm $0x1  }
0x91: {  	s17 =	sld [smem:$0x3FFB];
	_ =	sdelay $0x3  }
0x92: {  	_ =	strace s17  }
0x93: {  	s2 =	sld [smem:$0x3FFC];
	_ =	sdelay $0x3  }
0x94: {  	_ =	strace s2  }
0x95: {  	s2 =	sld [smem:$0x3FFD];
	_ =	sdelay $0x3  }
0x96: {  	_ =	strace s2  }
0x97: {  	_ =	strace $0x8FFFFFFF  }
0x98: {  	s18 =	sld [smem:$0x3FDB];
	_ =	sdelay $0x1  }
0x99: {  	s19 =	simm.s32 $_scs_section_size  }
0x9a: {  	s4 =	simm.s32 $_size__tile_overlayer_lowered;
	s5 =	simm.s32 $_tile_overlayer_lowered  }
0x9b: {  	s22 =	simm.s32 $0x1BFF;
	s21 =	sshll.u32 s5, $0x1;
	s2 =	sadd.s32 s19, s18  }
0x9c: {  	s6 =	simm.s32 $0x0;
	s20 =	sshll.u32 s4, $0x1;
	s4 =	sadd.s32 s21, s2  }
0x9d: {  	[timem:s6], [sflag:s22] =	dma.local [hbm:s4], s20  }
0x9e: {  	_ =	swait.ge [sflag:s22], s20  }
0x9f: {  	s3 =	ssub.s32 $0x0, s20;
	[sflag:s22] =	ssyncset.done $0x0  }
0xa0: {  	[sflag:s22] =	ssyncadd.s32 s3;
	_ =	sdelay $0x1  }
0xa1: {  	s23 =	simm.s32 $0x1B8B  }
0xa2: {  	_ =	swait.ge [sflag:s23], $0x1  }
0xa3: {  	[sflag:s23] =	ssyncset.done $0x0  }
0xa4: {  	s25 =	simm.s32 $0x1B8E;
	s24 =	sld [smem:$0x3FFE];
	[sflag:s23] =	ssyncadd.s32 $0xFFFFFFFF  }
0xa5: {  	s26 =	simm.s32 $execute0_lowered;
	[smem:$0x3FD2] =	sst s25  }
0xa6: {  	s4 =	sshll.u32 s26, $0x1;
	_ =	strace $0x80000046;
	[dreg:$0x1] =	wrdreg $0xFFFFFFFF  }
0xa7: {  	s28 =	simm.s32 $_size_execute0_lowered;
	s2 =	sadd.s32 s2, s4;
	[dreg:$0x0] =	wrdreg $0x0  }
0xa8: {  	s4 =	sshll.u32 s28, $0x1;
	[dreg:$0x2] =	wrdreg s2  }
0xa9: {  	[dreg:$0x3] =	wrdreg s4  }
0xaa: {  	[dreg:$0x4] =	wrdreg $0xC0  }
0xab: {  	_ =	task [dreg:s6], $0x5FFFF  }
0xac: {  	[dreg:$0x1] =	wrdreg $0xFFFFFFFF  }
0xad: {  	[dreg:$0x0] =	wrdreg $0x60  }
0xae: {  	[dreg:$0x2] =	wrdreg s24  }
0xaf: {  	[dreg:$0x3] =	wrdreg $0x9  }
0xb0: {  	_ =	task.clear_ibuf [dreg:s6], $0x4FFFF;
	_ =	strace $0x90000046  }
0xb1: {  	s29 =	simm.s32 $0x9;
	_ =	strace $0x80000048  }
0xb2: {  	_ =	swait.ge [sflag:s29], $0x1  }
0xb3: {  	[sflag:s29] =	ssyncadd.s32 $0xFFFFFFFF  }
0xb4: {  	_ =	strace $0x90000048  }
0xb5: {  	_ =	sfence  }
0xb6: {  	s30 =	sld [smem:$0x0];
	_ =	sdelay $0x2  }
0xb7: {  	s31 =	sshll.u32 s1, $0xD;
	s1 =	sshrl.u32 s1, $0x2  }
0xb8: {  	s3 =	sand.u32 $0x4000, s31;
	s1 =	sadd.s32 s1, s30  }
0xb9: {  	s0 =	sor.u32 s3, s0;
	s1 =	sshll.u32 s1, $0x11  }
0xba: {  	s0 =	sor.u32 s1, s0  }
0xbb: {  	s0 =	sadd.s32 $0x8F2B, s0  }
0xbc: {  	[sflag:s0] =	ssyncadd.remote.s32 $0x1  }
0xbd: {  	_ =	sfence.sel $0xFFFF  }
0xbe: {  	[dreg:$0x0] =	wrdreg $0xFFFFFFFF;
	(pc) =	sbr.abs _section_cstart, $3  }
0xbf: {  	[dreg:$0x1] =	wrdreg $0xFFFFFFFF  }
0xc0: {  	_ =	task.clear_ibuf [dreg:s6], $0x2FFFF;
	_ =	strace $0x9FFFFFFF  }
0xc1: {  	(tm) =	ssettm $0x7FFFFFFF  }
tec
execute0_lowered:
.L_overlay_start_1:
0x0: {  	(tag) =	ssettag $0x1  }
0x1: {  	s0 =	srdreg.scid  }
0x2: {  	s3 =	sand.u32 $0x1, s0  }
0x3: {  	s4 =	rddreg [dreg:$0x0];
	s0 =	stileid.u32;
	s1 =	sshll.u32 s3, $0x4  }
0x4: {  	s2 =	simm.s32 $0x0;
	s8 =	simm.s32 $0x0;
	s5 =	sor.u32 s0, s1  }
0x5: {  	[smem:$0x7FF] =	sst s2;
	s3 =	ssub.s32 $0x2, s3;
	s6 =	smul.u32 $0x4E2, s5  }
0x6: {  	s1 =	rddreg [dreg:$0x1];
	s7 =	sshrl.u32 s3, $0x1;
	s5 =	smul.u32 $0x500, s5  }
0x7: {  	_ =	strace $0x80000047;
	s31 =	ssub.s32 s3, s7;
	s7 =	simm.s32 $0x2710  }
0x8: {  	s6 =	sadd.s32 s6, s4;
	s4 =	sadd.s32 s5, s4;
	s5 =	smax.u32 s31, $0x1  }
0x9: {  	v0 =	vimm.f32 $0.0e+00;
	v1 =	vimm.f32 $1.000000000e+00;
	s3 =	sadd.s32 $0x5600, s6;
	s4 =	sadd.s32 $0xF400, s4;
	s6 =	simm.s32 $0x1  }
.LBB2_1:
0xa: {  	s9 =	simm.s32 $0x40;
	s10 =	simm.s32 $0x0  }
.LBB2_2:
0xb: {  	p0 =	sne.s32 s9, $0x9FC0;
	[tilespmem:s10+$0x2710] =	vst v0;
	s10 =	smov.u32 s9;
	s9 =	sadd.s32 $0x40, s9  }
.Ltmp0:
0xc: {  	(pc) =	sbr.rel @p0 .LBB2_2-.Ltmp0, $2  }
0xd: {  	_ =	sdelay $0x2  }
0xe: {  	s10 =	sshra.s32 s10, $0x2  }
0xf: {  	[tilespmem:s10+$0x2710] =	vst v0;
	s9 =	simm.s32 $0x0  }
0x10: {  	[tilespmem:s9], [sflag:$0x1] =	stream.linear.gather [hbm4b:s3+s9], $0x2710, $0x38;
	[tilespmem:$0x4F10] =	vst v63  }
0x11: {  	_ =	swait.ge [sflag:s6], $0x2710  }
0x12: {  	[sflag:s6] =	ssyncset.done $0x0  }
0x13: {  	s31 =	simm.s32 $0x0;
	[sflag:s6] =	ssyncadd.s32 $0xFFFFD8F0  }
0x14: {  	v2 =	vld [tilespmem:s31+$0x0]  }
0x15: {  	v3 =	vld [tilespmem:s31+$0x10]  }
0x16: {  	v4 =	vld [tilespmem:s31+$0x20]  }
0x17: {  	v5 =	vld [tilespmem:s31+$0x30]  }
0x18: {  	v6 =	vld [tilespmem:s31+$0x40]  }
0x19: {  	v7 =	vld [tilespmem:s31+$0x50];
	v2 =	vshrl.u32 v2, $0xE  }
0x1a: {  	v8 =	vld [tilespmem:s31+$0x60];
	v3 =	vshrl.u32 v3, $0xE  }
0x1b: {  	v4 =	vshrl.u32 v4, $0xE  }
0x1c: {  	v9 =	vld [tilespmem:s31+$0x70];
	v5 =	vshrl.u32 v5, $0xE  }
0x1d: {  	v6 =	vshrl.u32 v6, $0xE  }
0x1e: {  	v7 =	vshrl.u32 v7, $0xE;
	[tilespmem:v2+s7+$0x0] =	vst.idx.add.f32.msk $0xffff, v1  }
0x1f: {  	v8 =	vshrl.u32 v8, $0xE;
	[tilespmem:v3+s7+$0x0] =	vst.idx.add.f32.msk $0xffff, v1  }
0x20: {  	[tilespmem:v4+s7+$0x0] =	vst.idx.add.f32.msk $0xffff, v1  }
0x21: {  	v2 =	vshrl.u32 v9, $0xE;
	[tilespmem:v5+s7+$0x0] =	vst.idx.add.f32.msk $0xffff, v1  }
0x22: {  	[tilespmem:v6+s7+$0x0] =	vst.idx.add.f32.msk $0xffff, v1  }
0x23: {  	[tilespmem:v7+s7+$0x0] =	vst.idx.add.f32.msk $0xffff, v1  }
0x24: {  	s10 =	simm.s32 $0x400;
	s9 =	simm.s32 $0x200;
	[tilespmem:v8+s7+$0x0] =	vst.idx.add.f32.msk $0xffff, v1  }
.LBB2_4:
0x25: {  	p0 =	sne.s32 s10, $0x9A00  }
0x26: {  	s11 =	sshra.s32 s9, $0x2;
	[tilespmem:v2+s7+$0x0] =	vst.idx.add.f32.msk $0xffff, v1;
	s9 =	smov.u32 s10;
	s10 =	sadd.s32 $0x200, s10  }
0x27: {  	v2 =	vld [tilespmem:s11+$0x0]  }
0x28: {  	v3 =	vld [tilespmem:s11+$0x10]  }
0x29: {  	v4 =	vld [tilespmem:s11+$0x20]  }
0x2a: {  	v5 =	vld [tilespmem:s11+$0x30]  }
0x2b: {  	v6 =	vld [tilespmem:s11+$0x40]  }
0x2c: {  	v2 =	vshrl.u32 v2, $0xE;
	v7 =	vld [tilespmem:s11+$0x50]  }
0x2d: {  	v3 =	vshrl.u32 v3, $0xE;
	v8 =	vld [tilespmem:s11+$0x60]  }
0x2e: {  	v4 =	vshrl.u32 v4, $0xE;
	v9 =	vld [tilespmem:s11+$0x70]  }
0x2f: {  	v5 =	vshrl.u32 v5, $0xE  }
0x30: {  	v6 =	vshrl.u32 v6, $0xE  }
0x31: {  	v7 =	vshrl.u32 v7, $0xE;
	[tilespmem:v2+s7+$0x0] =	vst.idx.add.f32.msk $0xffff, v1  }
0x32: {  	v8 =	vshrl.u32 v8, $0xE;
	[tilespmem:v3+s7+$0x0] =	vst.idx.add.f32.msk $0xffff, v1  }
.Ltmp1:
0x33: {  	v2 =	vshrl.u32 v9, $0xE;
	[tilespmem:v4+s7+$0x0] =	vst.idx.add.f32.msk $0xffff, v1;
	(pc) =	sbr.rel @p0 .LBB2_4-.Ltmp1, $4  }
0x34: {  	[tilespmem:v5+s7+$0x0] =	vst.idx.add.f32.msk $0xffff, v1  }
0x35: {  	[tilespmem:v6+s7+$0x0] =	vst.idx.add.f32.msk $0xffff, v1  }
0x36: {  	[tilespmem:v7+s7+$0x0] =	vst.idx.add.f32.msk $0xffff, v1  }
0x37: {  	[tilespmem:v8+s7+$0x0] =	vst.idx.add.f32.msk $0xffff, v1  }
0x38: {  	_ =	sdelay $0x3  }
0x39: {  	s9 =	sshra.s32 s9, $0x2;
	[tilespmem:v2+s7+$0x0] =	vst.idx.add.f32.msk $0xffff, v1  }
0x3a: {  	v2 =	vld [tilespmem:s9+$0x0]  }
0x3b: {  	v3 =	vld [tilespmem:s9+$0x10]  }
0x3c: {  	v4 =	vld [tilespmem:s9+$0x20]  }
0x3d: {  	v5 =	vld [tilespmem:s9+$0x30]  }
0x3e: {  	v6 =	vld [tilespmem:s9+$0x40]  }
0x3f: {  	v7 =	vld [tilespmem:s9+$0x50];
	v2 =	vshrl.u32 v2, $0xE  }
0x40: {  	v8 =	vld [tilespmem:s9+$0x60];
	v3 =	vshrl.u32 v3, $0xE  }
0x41: {  	v9 =	vld [tilespmem:s9+$0x70];
	v4 =	vshrl.u32 v4, $0xE  }
0x42: {  	v5 =	vshrl.u32 v5, $0xE  }
0x43: {  	v6 =	vshrl.u32 v6, $0xE  }
0x44: {  	v7 =	vshrl.u32 v7, $0xE;
	[tilespmem:v2+s7+$0x0] =	vst.idx.add.f32.msk $0xffff, v1  }
0x45: {  	v2 =	vshrl.u32 v8, $0xE;
	[tilespmem:v3+s7+$0x0] =	vst.idx.add.f32.msk $0xffff, v1  }
0x46: {  	v3 =	vshrl.u32 v9, $0xE;
	[tilespmem:v4+s7+$0x0] =	vst.idx.add.f32.msk $0xffff, v1  }
0x47: {  	[tilespmem:v5+s7+$0x0] =	vst.idx.add.f32.msk $0xffff, v1  }
0x48: {  	[tilespmem:v6+s7+$0x0] =	vst.idx.add.f32.msk $0xffff, v1  }
0x49: {  	s8 =	sadd.s32 $0x1, s8;
	[tilespmem:v7+s7+$0x0] =	vst.idx.add.f32.msk $0xffff, v1  }
0x4a: {  	p0 =	sne.s32 s8, s5;
	[tilespmem:v2+s7+$0x0] =	vst.idx.add.f32.msk $0xffff, v1  }
.Ltmp2:
0x4b: {  	[tilespmem:v3+s7+$0x0] =	vst.idx.add.f32.msk $0xffff, v1;
	(pc) =	sbr.rel @p0 .LBB2_1-.Ltmp2, $4  }
0x4c: {  	[hbm4b:s4+s2] =	stream.linear.scatter [tilespmem:s7], [sflag:$0x1], $0x2800, $0x38;
	[tilespmem:$0x4F10] =	vst v63  }
0x4d: {  	_ =	swait.ge [sflag:s6], $0x2800  }
0x4e: {  	[sflag:s6] =	ssyncset.done $0x0  }
0x4f: {  	[sflag:s6] =	ssyncadd.s32 $0xFFFFD800  }
0x50: {  	_ =	sfence.sel $0x180000  }
0x51: {  	[bflag:$0x0] =	sbarrier.arrive $0xFFFF  }
0x52: {  	p0 =	sne.s32 s0, $0x0;
	_ =	strace $0x90000047  }
0x53: {  	s0 =	sadd.s32 @!p0 $0x100000, s1;
	[bflag:$0x2] =	sbarrier.arrive $0xFFFF  }
0x54: {  	[sflag:s0] =	ssyncadd.tile.s32 @!p0 $0x1;
	_ =	shalt  }
.Lfunc_end2:
_tile_overlayer_lowered:
.L_overlay_start_2:
0x55: {  	(tag) =	ssettag $0x2  }
0x56: {  	s0 =	rddreg [dreg:$0x0];
	s2 =	stileid.u32  }
0x57: {  	s1 =	rddreg [dreg:$0x1];
	p0 =	sne.s32 s2, $0x0  }
0x58: {  	s3 =	rddreg [dreg:$0x2];
	[bflag:$0x3] =	sbarrier.arrive $0xFFFF;
	s2 =	simm.s32 @!p0 $0x1C01  }
0x59: {  	[timem:s3], [sflag:s2] =	dma.local @!p0 [hbm:s0], s1  }
0x5a: {  	s0 =	simm.s32 @!p0 $0x1  }
0x5b: {  	_ =	swait.ge @!p0 [sflag:s0], s1  }
0x5c: {  	s1 =	ssub.s32 @!p0 $0x0, s1;
	[sflag:s0] =	ssyncset.done @!p0 $0x0  }
0x5d: {  	[sflag:s0] =	ssyncadd.s32 @!p0 s1  }
0x5e: {  	[bflag:$0x3] =	sbarrier.arrive $0xFFFF  }
0x5f: {  	_ =	shalt  }

// kernel: kernel.13.cloned.1.call-start
scs
__scs_entry_jumppad:
0x0: {  	(pc) =	sbr.rel $0x88, $3  }
0x1: {  	(tag) =	ssettag $0x0;
	lr =	simm.s32 $0x1  }
0x2: {  	[smem:$0x3F82] =	sst lr;
	_ =	strace $0xD0000000  }
0x3: {  	_ = 	snop  }
0x4: {  	_ = 	snop  }
0x5: {  	_ = 	snop  }
0x6: {  	_ = 	snop  }
0x7: {  	_ = 	snop  }
__scs_overlays_trampoline_lowered:
0x8: {  	[smem:$0x3F91] =	sst s0  }
0x9: {  	[smem:$0x3F92] =	sst s1  }
0xa: {  	[smem:$0x3F93] =	sst s2  }
0xb: {  	[smem:$0x3F94] =	sst s3  }
0xc: {  	[smem:$0x3F95] =	sst s4  }
0xd: {  	[smem:$0x3F96] =	sst s5  }
0xe: {  	[smem:$0x3F97] =	sst s6  }
0xf: {  	[smem:$0x3F98] =	sst s7  }
0x10: {  	[smem:$0x3F99] =	sst s8  }
0x11: {  	[smem:$0x3F9A] =	sst s9;
	s0 =	simm.s32 @!p0 $0x0  }
0x12: {  	s1 =	sld [smem:$0x3F80];
	s0 =	simm.s32 @p0 $0x1  }
0x13: {  	[smem:$0x3F9B] =	sst s0;
	s0 =	simm.s32 @!p1 $0x0  }
0x14: {  	s2 =	sld [smem:$0x3F7F];
	s0 =	simm.s32 @p1 $0x1  }
0x15: {  	[smem:$0x3F9C] =	sst s0;
	s0 =	simm.s32 @!p2 $0x0  }
0x16: {  	s3 =	sld [smem:$0x3FDB];
	s0 =	simm.s32 @p2 $0x1  }
0x17: {  	s4 =	simm.s32 $0x1BF5;
	[smem:$0x3F9E] =	sst s0  }
0x18: {  	s0 =	sld [smem:$0x3F81];
	_ =	swait.ge [sflag:s4], $0x0  }
0x19: {  	s7 =	sld [smem:$0x3F82]  }
0x1a: {  	s8 =	sadd.s32 $0xFFFFE003, lr  }
0x1b: {  	s9 =	sadd.s32 $0xFFFFFEF7, lr;
	s5 =	simm.s32 $0xFFFFFFFF;
	p2 =	slt.u32 s8, $0xFFFFF086  }
0x1c: {  	p1 =	slt.u32 s9, $0xF7A;
	s5 =	simm.s32 @!p2 $0x0  }
0x1d: {  	s5 =	simm.s32 @p1 $0x1;
	p0 =	seq.s32 s7, s2  }
0x1e: {  	s7 =	smul.u32 @!p0 $0xF7A, s2;
	p2 =	seq.s32 @!p0 s5, $0x0  }
0x1f: {  	s9 =	smul.u32 $0xF7A, s1;
	s8 =	simm.s32 @!p0 $0x1BF5;
	p2 =	por !p2, p0  }
0x20: {  	[sflag:s8] =	ssyncset.s32 @!p0 $0xFFFFF086;
	s6 =	sadd.s32 @!p0 s3, s7;
	s7 =	simm.s32 @!p0 $0x108  }
0x21: {  	s3 =	sadd.s32 s3, s9;
	s6 =	sadd.s32 @!p0 $0x88, s6;
	s7 =	simm.s32 @p2 $0x1082  }
0x22: {  	[simem:s7], [sflag:s8] =	dma.local @!p0 [hbm:s6], $0xF7A  }
0x23: {  	s9 =	sor.u32 $0xD0000000, s2;
	s6 =	simm.s32 $0x108;
	_ =	swait.ge @!p0 [sflag:s8], $0x0  }
0x24: {  	s3 =	sadd.s32 $0x88, s3;
	s6 =	simm.s32 @!p1 $0x1082;
	[sflag:s4] =	ssyncset.s32 $0xFFFFF086  }
0x25: {  	[simem:s6], [sflag:s4] =	dma.local [hbm:s3], $0xF7A  }
0x26: {  	[smem:$0x3F82] =	sst s1;
	(tag) =	ssettag s2;
	_ =	strace s9  }
0x27: {  	s1 =	sld [smem:$0x3F92]  }
0x28: {  	s2 =	sld [smem:$0x3F93]  }
0x29: {  	s4 =	sld [smem:$0x3F95]  }
0x2a: {  	p0 =	seq.s32 s5, $0x0;
	s5 =	sld [smem:$0x3F96]  }
0x2b: {  	s6 =	sld [smem:$0x3F97]  }
0x2c: {  	s7 =	sld [smem:$0x3F98]  }
0x2d: {  	s3 =	simm.s32 $0x108;
	s8 =	sld [smem:$0x3F99]  }
0x2e: {  	s3 =	simm.s32 @!p0 $0x1082;
	s9 =	sld [smem:$0x3F9A]  }
0x2f: {  	lr =	sadd.s32 s0, s3;
	s0 =	sld [smem:$0x3F91]  }
0x30: {  	s3 =	sld [smem:$0x3F94]  }
0x31: {  	[smem:$0x3F9D] =	sst s10  }
0x32: {  	s10 =	sld [smem:$0x3F9B];
	_ =	sdelay $0x3  }
0x33: {  	p0 =	seq.s32 s10, $0x1;
	s10 =	sld [smem:$0x3F9D];
	_ =	sdelay $0x3  }
0x34: {  	[smem:$0x3F9D] =	sst s10  }
0x35: {  	s10 =	sld [smem:$0x3F9C];
	_ =	sdelay $0x3  }
0x36: {  	p1 =	seq.s32 s10, $0x1;
	s10 =	sld [smem:$0x3F9D];
	_ =	sdelay $0x3  }
0x37: {  	[smem:$0x3F9D] =	sst s10  }
0x38: {  	s10 =	sld [smem:$0x3F9E]  }
0x39: {  	_ = 	snop;
	(pc) =	sbr.ind lr, $3  }
0x3a: {  	_ = 	snop  }
0x3b: {  	_ = 	snop  }
0x3c: {  	p2 =	seq.s32 s10, $0x1;
	s10 =	sld [smem:$0x3F9D]  }
0x3d: {  	_ =	shalt  }
0x3e: {  	_ =	shalt  }
0x3f: {  	_ =	shalt  }
0x40: {  	_ =	shalt  }
0x41: {  	_ =	shalt  }
0x42: {  	_ =	shalt  }
0x43: {  	_ =	shalt  }
0x44: {  	_ =	shalt  }
0x45: {  	_ =	shalt  }
0x46: {  	_ =	shalt  }
0x47: {  	_ =	shalt  }
0x48: {  	_ =	shalt  }
0x49: {  	_ =	shalt  }
0x4a: {  	_ =	shalt  }
0x4b: {  	_ =	shalt  }
0x4c: {  	_ =	shalt  }
0x4d: {  	_ =	shalt  }
0x4e: {  	_ =	shalt  }
0x4f: {  	_ =	shalt  }
0x50: {  	_ =	shalt  }
0x51: {  	_ =	shalt  }
0x52: {  	_ =	shalt  }
0x53: {  	_ =	shalt  }
0x54: {  	_ =	shalt  }
0x55: {  	_ =	shalt  }
0x56: {  	_ =	shalt  }
0x57: {  	_ =	shalt  }
0x58: {  	_ =	shalt  }
0x59: {  	_ =	shalt  }
0x5a: {  	_ =	shalt  }
0x5b: {  	_ =	shalt  }
0x5c: {  	_ =	shalt  }
0x5d: {  	_ =	shalt  }
0x5e: {  	_ =	shalt  }
0x5f: {  	_ =	shalt  }
0x60: {  	_ =	shalt  }
0x61: {  	_ =	shalt  }
0x62: {  	_ =	shalt  }
0x63: {  	_ =	shalt  }
0x64: {  	_ =	shalt  }
0x65: {  	_ =	shalt  }
0x66: {  	_ =	shalt  }
0x67: {  	_ =	shalt  }
0x68: {  	_ =	shalt  }
0x69: {  	_ =	shalt  }
0x6a: {  	_ =	shalt  }
0x6b: {  	_ =	shalt  }
0x6c: {  	_ =	shalt  }
0x6d: {  	_ =	shalt  }
0x6e: {  	_ =	shalt  }
0x6f: {  	_ =	shalt  }
0x70: {  	_ =	shalt  }
0x71: {  	_ =	shalt  }
0x72: {  	_ =	shalt  }
0x73: {  	_ =	shalt  }
0x74: {  	_ =	shalt  }
0x75: {  	_ =	shalt  }
0x76: {  	_ =	shalt  }
0x77: {  	_ =	shalt  }
0x78: {  	_ =	shalt  }
0x79: {  	_ =	shalt  }
0x7a: {  	_ =	shalt  }
0x7b: {  	_ =	shalt  }
0x7c: {  	_ =	shalt  }
0x7d: {  	_ =	shalt  }
0x7e: {  	_ =	shalt  }
0x7f: {  	_ =	shalt  }
0x80: {  	_ =	shalt  }
0x81: {  	_ =	shalt  }
0x82: {  	_ =	shalt  }
0x83: {  	_ =	shalt  }
0x84: {  	_ =	shalt  }
0x85: {  	_ =	shalt  }
0x86: {  	_ =	shalt  }
0x87: {  	_ =	shalt  }
.Lfunc_end0:
.L_simem_size_0:
called_computation.1_lowered:
.L_overlay_start_0:
0x88: {  	s2 =	sld [smem:$0x3FD9]  }
0x89: {  	s3 =	sld [smem:$0x3FFE];
	_ =	sdelay $0x1  }
0x8a: {  	s1 =	srdreg.scid  }
0x8b: {  	s0 =	sand.u32 $0x1, s1  }
0x8c: {  	s16 =	sshll.u32 s0, $0xA;
	s2 =	sadd.s32 s3, s2  }
0x8d: {  	s2 =	sadd.s32 s2, s16  }
0x8e: {  	[smem:$0x3FA9] =	sst s2  }
0x8f: {  	_ = 	snop  }
0x90: {  	(tm) =	ssettm $0x1  }
0x91: {  	s17 =	sld [smem:$0x3FFB];
	_ =	sdelay $0x3  }
0x92: {  	_ =	strace s17  }
0x93: {  	s2 =	sld [smem:$0x3FFC];
	_ =	sdelay $0x3  }
0x94: {  	_ =	strace s2  }
0x95: {  	s2 =	sld [smem:$0x3FFD];
	_ =	sdelay $0x3  }
0x96: {  	_ =	strace s2  }
0x97: {  	_ =	strace $0x8FFFFFFF  }
0x98: {  	s18 =	sld [smem:$0x3FDB];
	_ =	sdelay $0x1  }
0x99: {  	s19 =	simm.s32 $_scs_section_size  }
0x9a: {  	s4 =	simm.s32 $_size__tile_overlayer_lowered;
	s5 =	simm.s32 $_tile_overlayer_lowered  }
0x9b: {  	s22 =	simm.s32 $0x1BFF;
	s21 =	sshll.u32 s5, $0x1;
	s2 =	sadd.s32 s19, s18  }
0x9c: {  	s6 =	simm.s32 $0x0;
	s20 =	sshll.u32 s4, $0x1;
	s4 =	sadd.s32 s21, s2  }
0x9d: {  	[timem:s6], [sflag:s22] =	dma.local [hbm:s4], s20  }
0x9e: {  	_ =	swait.ge [sflag:s22], s20  }
0x9f: {  	s3 =	ssub.s32 $0x0, s20;
	[sflag:s22] =	ssyncset.done $0x0  }
0xa0: {  	[sflag:s22] =	ssyncadd.s32 s3;
	_ =	sdelay $0x1  }
0xa1: {  	s23 =	simm.s32 $0x1B8B  }
0xa2: {  	_ =	swait.ge [sflag:s23], $0x1  }
0xa3: {  	[sflag:s23] =	ssyncset.done $0x0  }
0xa4: {  	s25 =	simm.s32 $0x1B8E;
	s24 =	sld [smem:$0x3FFE];
	[sflag:s23] =	ssyncadd.s32 $0xFFFFFFFF  }
0xa5: {  	s26 =	simm.s32 $execute0_lowered;
	[smem:$0x3FD2] =	sst s25  }
0xa6: {  	s4 =	sshll.u32 s26, $0x1;
	_ =	strace $0x80000049;
	[dreg:$0x1] =	wrdreg $0xFFFFFFFF  }
0xa7: {  	s28 =	simm.s32 $_size_execute0_lowered;
	s2 =	sadd.s32 s2, s4;
	[dreg:$0x0] =	wrdreg $0x0  }
0xa8: {  	s4 =	sshll.u32 s28, $0x1;
	[dreg:$0x2] =	wrdreg s2  }
0xa9: {  	[dreg:$0x3] =	wrdreg s4  }
0xaa: {  	[dreg:$0x4] =	wrdreg $0xC0  }
0xab: {  	_ =	task [dreg:s6], $0x5FFFF  }
0xac: {  	[dreg:$0x1] =	wrdreg $0xFFFFFFFF  }
0xad: {  	[dreg:$0x0] =	wrdreg $0x60  }
0xae: {  	[dreg:$0x2] =	wrdreg s24  }
0xaf: {  	[dreg:$0x3] =	wrdreg $0x9  }
0xb0: {  	_ =	task.clear_ibuf [dreg:s6], $0x4FFFF;
	_ =	strace $0x90000049  }
0xb1: {  	s29 =	simm.s32 $0x9;
	_ =	strace $0x8000004B  }
0xb2: {  	_ =	swait.ge [sflag:s29], $0x1  }
0xb3: {  	[sflag:s29] =	ssyncadd.s32 $0xFFFFFFFF  }
0xb4: {  	_ =	strace $0x9000004B  }
0xb5: {  	_ =	sfence  }
0xb6: {  	s30 =	sld [smem:$0x0];
	_ =	sdelay $0x2  }
0xb7: {  	s31 =	sshll.u32 s1, $0xD;
	s1 =	sshrl.u32 s1, $0x2  }
0xb8: {  	s3 =	sand.u32 $0x4000, s31;
	s1 =	sadd.s32 s1, s30  }
0xb9: {  	s0 =	sor.u32 s3, s0;
	s1 =	sshll.u32 s1, $0x11  }
0xba: {  	s0 =	sor.u32 s1, s0  }
0xbb: {  	s0 =	sadd.s32 $0x8F2B, s0  }
0xbc: {  	[sflag:s0] =	ssyncadd.remote.s32 $0x1  }
0xbd: {  	_ =	sfence.sel $0xFFFF  }
0xbe: {  	[dreg:$0x0] =	wrdreg $0xFFFFFFFF;
	(pc) =	sbr.abs _section_cstart, $3  }
0xbf: {  	[dreg:$0x1] =	wrdreg $0xFFFFFFFF  }
0xc0: {  	_ =	task.clear_ibuf [dreg:s6], $0x2FFFF;
	_ =	strace $0x9FFFFFFF  }
0xc1: {  	(tm) =	ssettm $0x7FFFFFFF  }
tec
execute0_lowered:
.L_overlay_start_1:
0x0: {  	(tag) =	ssettag $0x1  }
0x1: {  	s4 =	rddreg [dreg:$0x0];
	s1 =	srdreg.scid  }
0x2: {  	s0 =	rddreg [dreg:$0x1];
	s2 =	simm.s32 $0x0;
	s10 =	simm.s32 $0x1  }
0x3: {  	s11 =	simm.s32 $0x9100;
	s12 =	simm.s32 $0x2800;
	s5 =	sand.u32 $0x1, s1  }
0x4: {  	s13 =	simm.s32 $0x2;
	s1 =	stileid.u32;
	s3 =	sshll.u32 s5, $0x4  }
0x5: {  	s14 =	simm.s32 $0x5000;
	s15 =	simm.s32 $0x0;
	s6 =	sor.u32 s1, s3  }
0x6: {  	[smem:$0x7FF] =	sst s2;
	s5 =	ssub.s32 $0x2, s5;
	s7 =	smul.u32 $0x2800, s6  }
0x7: {  	s8 =	sadd.s32 $0x19400, s4;
	s9 =	sshrl.u32 s5, $0x1;
	s6 =	smul.u32 $0x500, s6  }
0x8: {  	_ =	strace $0x8000004A;
	s3 =	sadd.s32 $0x5600, s4;
	s9 =	ssub.s32 s5, s9  }
0x9: {  	s7 =	sshrl.u32 s7, $0x3;
	s4 =	sadd.s32 s6, s4;
	s5 =	sadd.s32 s8, s6  }
0xa: {  	s7 =	sadd.s32 s8, s7;
	s4 =	sadd.s32 $0xF400, s4;
	s8 =	simm.s32 $0x3  }
0xb: {  	v0 =	vimm.f32 $0.0e+00;
	s6 =	sadd.s32 $0xA000, s7;
	s7 =	smax.u32 s9, $0x1;
	s9 =	simm.s32 $0x7800  }
.LBB2_1:
0xc: {  	[tilespmem:s2], [sflag:$0x3] =	stream.linear.gather [hbm4b:s4+s2], $0x2800, $0x38;
	[tilespmem:$0xAA00] =	vst v63  }
0xd: {  	_ =	swait.ge [sflag:s8], $0x2800  }
0xe: {  	[sflag:s8] =	ssyncset.done $0x0  }
0xf: {  	s16 =	simm.s32 $0x40;
	s17 =	simm.s32 $0x0;
	[sflag:s8] =	ssyncadd.s32 $0xFFFFD800  }
.LBB2_2:
0x10: {  	p0 =	sne.s32 s16, $0x9FC0;
	[tilespmem:s17+$0x2800] =	vst v0;
	s18 =	smov.u32 s16;
	s16 =	sadd.s32 $0x40, s16  }
.Ltmp0:
0x11: {  	[tilespmem:s17+$0x5000] =	vst v0;
	(pc) =	sbr.rel @p0 .LBB2_2-.Ltmp0, $2  }
0x12: {  	_ =	sdelay $0x2  }
0x13: {  	s17 =	sshra.s32 s18, $0x2  }
0x14: {  	[tilespmem:s17+$0x2800] =	vst v0  }
0x15: {  	[tilespmem:s17+$0x5000] =	vst v0;
	s16 =	simm.s32 $0x0;
	s17 =	simm.s32 $0x0  }
0x16: {  	[tilespmem:s9], [sflag:$0x1] =	stream.linear.gather [hbm4b:s3+s16], $0x1900, $0x38;
	[tilespmem:$0xAA00] =	vst v63  }
.LBB2_4:
0x17: {  	s18 =	smul.u32 $0x3200, s17;
	_ =	sdelay $0x1  }
0x18: {  	_ =	swait.ge [sflag:s10], $0x1900;
	s19 =	sshrl.u32 s18, $0x3  }
0x19: {  	[sflag:s10] =	ssyncset.done $0x0;
	s19 =	sadd.s32 s3, s19  }
0x1a: {  	s31 =	simm.s32 $0x0;
	[sflag:s10] =	ssyncadd.s32 $0xFFFFE700;
	s19 =	sadd.s32 $0x320, s19  }
0x1b: {  	[tilespmem:s11], [sflag:$0x2] =	stream.linear.gather [hbm4b:s19+s16], $0x1900, $0x38;
	[tilespmem:$0xAA00] =	vst v63  }
0x1c: {  	v1 =	vld [tilespmem:s31+$0x78E0]  }
0x1d: {  	v2 =	vld [tilespmem:s31+$0x7830]  }
0x1e: {  	v3 =	vld [tilespmem:s31+$0x78B0]  }
0x1f: {  	v4 =	vld [tilespmem:s31+$0x7860]  }
0x20: {  	v5 =	vld [tilespmem:s31+$0x78A0]  }
0x21: {  	v6 =	vld [tilespmem:s31+$0x7890]  }
0x22: {  	v7 =	vld [tilespmem:s31+$0x7820]  }
0x23: {  	v8 =	vld [tilespmem:s31+$0x7840]  }
0x24: {  	v9 =	vld [tilespmem:s31+$0x7850]  }
0x25: {  	v10 =	vld [tilespmem:s31+$0x78F0]  }
0x26: {  	v11 =	vld [tilespmem:s31+$0x7810]  }
0x27: {  	v13 =	vld [tilespmem:s31+$0x7800];
	v12 =	vand.u32 $0x3FFF, v1  }
0x28: {  	v15 =	vld [tilespmem:s31+$0x7870];
	v14 =	vand.u32 $0x3FFF, v7  }
0x29: {  	v17 =	vld [tilespmem:s31+$0x78C0];
	v16 =	vand.u32 $0x3FFF, v9  }
0x2a: {  	v19 =	vld [tilespmem:s31+$0x78D0];
	v18 =	vand.u32 $0x3FFF, v8  }
0x2b: {  	v21 =	vld [tilespmem:s31+$0x7880];
	v20 =	vand.u32 $0x3FFF, v11  }
0x2c: {  	v22 =	vand.u32 $0x3FFF, v10;
	v12 =	vld.idx.msk [tilespmem:v12+s2+$0x0], $0xffff  }
0x2d: {  	v23 =	vand.u32 $0x3FFF, v13;
	v14 =	vld.idx.msk [tilespmem:v14+s2+$0x0], $0xffff  }
0x2e: {  	v24 =	vand.u32 $0x3FFF, v4;
	v16 =	vld.idx.msk [tilespmem:v16+s2+$0x0], $0xffff  }
0x2f: {  	v25 =	vand.u32 $0x3FFF, v3;
	v18 =	vld.idx.msk [tilespmem:v18+s2+$0x0], $0xffff  }
0x30: {  	v26 =	vand.u32 $0x3FFF, v6;
	v20 =	vld.idx.msk [tilespmem:v20+s2+$0x0], $0xffff  }
0x31: {  	v27 =	vand.u32 $0x3FFF, v21;
	v22 =	vld.idx.msk [tilespmem:v22+s2+$0x0], $0xffff  }
0x32: {  	v28 =	vand.u32 $0x3FFF, v19;
	v23 =	vld.idx.msk [tilespmem:v23+s2+$0x0], $0xffff  }
0x33: {  	v29 =	vand.u32 $0x3FFF, v17;
	v24 =	vld.idx.msk [tilespmem:v24+s2+$0x0], $0xffff  }
0x34: {  	v30 =	vand.u32 $0x3FFF, v2;
	v25 =	vld.idx.msk [tilespmem:v25+s2+$0x0], $0xffff  }
0x35: {  	v31 =	vand.u32 $0x3FFF, v5;
	v26 =	vld.idx.msk [tilespmem:v26+s2+$0x0], $0xffff  }
0x36: {  	v32 =	vand.u32 $0x3FFF, v15;
	v27 =	vld.idx.msk [tilespmem:v27+s2+$0x0], $0xffff  }
0x37: {  	v13 =	vshrl.u32 v13, $0xE;
	v28 =	vld.idx.msk [tilespmem:v28+s2+$0x0], $0xffff  }
0x38: {  	v33 =	vadd.s32 $0x2800, v13;
	v29 =	vld.idx.msk [tilespmem:v29+s2+$0x0], $0xffff  }
0x39: {  	v11 =	vshrl.u32 v11, $0xE;
	v30 =	vld.idx.msk [tilespmem:v30+s2+$0x0], $0xffff  }
0x3a: {  	v34 =	vadd.s32 $0x2800, v11;
	v31 =	vld.idx.msk [tilespmem:v31+s2+$0x0], $0xffff  }
0x3b: {  	v7 =	vshrl.u32 v7, $0xE;
	v32 =	vld.idx.msk [tilespmem:v32+s2+$0x0], $0xffff;
	v35 =	vshll.u32 v23, $0x10  }
0x3c: {  	v61 =	vadd.s32 $0x2800, v7;
	v23 =	vand.u32 $0xFFFF0000, v23;
	[tilespmem:v13+s12+$0x0] =	vst.idx.add.f32.msk $0xffff, v35  }
0x3d: {  	v2 =	vshrl.u32 v2, $0xE;
	v62 =	vshll.u32 v20, $0x10;
	[tilespmem:v33+s12+$0x0] =	vst.idx.add.f32.msk $0xffff, v23  }
0x3e: {  	v63 =	vadd.s32 $0x2800, v2;
	v20 =	vand.u32 $0xFFFF0000, v20;
	[tilespmem:v11+s12+$0x0] =	vst.idx.add.f32.msk $0xffff, v62  }
0x3f: {  	v8 =	vshrl.u32 v8, $0xE;
	v33 =	vshll.u32 v14, $0x10;
	[tilespmem:v34+s12+$0x0] =	vst.idx.add.f32.msk $0xffff, v20  }
0x40: {  	v35 =	vadd.s32 $0x2800, v8;
	v14 =	vand.u32 $0xFFFF0000, v14;
	[tilespmem:v7+s12+$0x0] =	vst.idx.add.f32.msk $0xffff, v33  }
0x41: {  	v9 =	vshrl.u32 v9, $0xE;
	v36 =	vshll.u32 v30, $0x10;
	[tilespmem:v61+s12+$0x0] =	vst.idx.add.f32.msk $0xffff, v14  }
0x42: {  	v37 =	vand.u32 $0xFFFF0000, v30;
	[tilespmem:v2+s12+$0x0] =	vst.idx.add.f32.msk $0xffff, v36;
	v2 =	vadd.s32 $0x2800, v9  }
0x43: {  	v4 =	vshrl.u32 v4, $0xE;
	v38 =	vshll.u32 v18, $0x10;
	[tilespmem:v63+s12+$0x0] =	vst.idx.add.f32.msk $0xffff, v37  }
0x44: {  	v40 =	vadd.s32 $0x2800, v4;
	v39 =	vand.u32 $0xFFFF0000, v18;
	[tilespmem:v8+s12+$0x0] =	vst.idx.add.f32.msk $0xffff, v38  }
0x45: {  	v42 =	vshrl.u32 v15, $0xE;
	v41 =	vshll.u32 v16, $0x10;
	[tilespmem:v35+s12+$0x0] =	vst.idx.add.f32.msk $0xffff, v39  }
0x46: {  	v44 =	vadd.s32 $0x2800, v42;
	v43 =	vand.u32 $0xFFFF0000, v16;
	[tilespmem:v9+s12+$0x0] =	vst.idx.add.f32.msk $0xffff, v41  }
0x47: {  	v46 =	vshrl.u32 v21, $0xE;
	v45 =	vshll.u32 v24, $0x10;
	[tilespmem:v2+s12+$0x0] =	vst.idx.add.f32.msk $0xffff, v43  }
0x48: {  	v47 =	vadd.s32 $0x2800, v46;
	v2 =	vand.u32 $0xFFFF0000, v24;
	[tilespmem:v4+s12+$0x0] =	vst.idx.add.f32.msk $0xffff, v45  }
0x49: {  	v6 =	vshrl.u32 v6, $0xE;
	v48 =	vshll.u32 v32, $0x10;
	[tilespmem:v40+s12+$0x0] =	vst.idx.add.f32.msk $0xffff, v2  }
0x4a: {  	v49 =	vadd.s32 $0x2800, v6;
	v2 =	vand.u32 $0xFFFF0000, v32;
	[tilespmem:v42+s12+$0x0] =	vst.idx.add.f32.msk $0xffff, v48  }
0x4b: {  	v5 =	vshrl.u32 v5, $0xE;
	v50 =	vshll.u32 v27, $0x10;
	[tilespmem:v44+s12+$0x0] =	vst.idx.add.f32.msk $0xffff, v2  }
0x4c: {  	v51 =	vadd.s32 $0x2800, v5;
	v2 =	vand.u32 $0xFFFF0000, v27;
	[tilespmem:v46+s12+$0x0] =	vst.idx.add.f32.msk $0xffff, v50  }
0x4d: {  	v3 =	vshrl.u32 v3, $0xE;
	v52 =	vshll.u32 v26, $0x10;
	[tilespmem:v47+s12+$0x0] =	vst.idx.add.f32.msk $0xffff, v2  }
0x4e: {  	v53 =	vadd.s32 $0x2800, v3;
	v2 =	vand.u32 $0xFFFF0000, v26;
	[tilespmem:v6+s12+$0x0] =	vst.idx.add.f32.msk $0xffff, v52  }
0x4f: {  	v55 =	vshrl.u32 v17, $0xE;
	v54 =	vshll.u32 v31, $0x10;
	[tilespmem:v49+s12+$0x0] =	vst.idx.add.f32.msk $0xffff, v2  }
0x50: {  	v56 =	vadd.s32 $0x2800, v55;
	v2 =	vand.u32 $0xFFFF0000, v31;
	[tilespmem:v5+s12+$0x0] =	vst.idx.add.f32.msk $0xffff, v54  }
0x51: {  	v58 =	vshrl.u32 v19, $0xE;
	v57 =	vshll.u32 v25, $0x10;
	[tilespmem:v51+s12+$0x0] =	vst.idx.add.f32.msk $0xffff, v2  }
0x52: {  	v2 =	vand.u32 $0xFFFF0000, v25;
	[tilespmem:v3+s12+$0x0] =	vst.idx.add.f32.msk $0xffff, v57;
	v3 =	vadd.s32 $0x2800, v58  }
0x53: {  	v1 =	vshrl.u32 v1, $0xE;
	v59 =	vshll.u32 v29, $0x10;
	[tilespmem:v53+s12+$0x0] =	vst.idx.add.f32.msk $0xffff, v2  }
0x54: {  	v2 =	vand.u32 $0xFFFF0000, v29;
	[tilespmem:v55+s12+$0x0] =	vst.idx.add.f32.msk $0xffff, v59  }
0x55: {  	v61 =	vshll.u32 v28, $0x10;
	[tilespmem:v56+s12+$0x0] =	vst.idx.add.f32.msk $0xffff, v2  }
0x56: {  	v60 =	vadd.s32 $0x2800, v1;
	v2 =	vand.u32 $0xFFFF0000, v28;
	[tilespmem:v58+s12+$0x0] =	vst.idx.add.f32.msk $0xffff, v61  }
0x57: {  	v62 =	vshrl.u32 v10, $0xE;
	v63 =	vshll.u32 v12, $0x10;
	[tilespmem:v3+s12+$0x0] =	vst.idx.add.f32.msk $0xffff, v2  }
0x58: {  	[tilespmem:v1+s12+$0x0] =	vst.idx.add.f32.msk $0xffff, v63;
	v1 =	vadd.s32 $0x2800, v62;
	_ =	sdelay $0x1  }
0x59: {  	v2 =	vand.u32 $0xFFFF0000, v12  }
0x5a: {  	v3 =	vshll.u32 v22, $0x10;
	[tilespmem:v60+s12+$0x0] =	vst.idx.add.f32.msk $0xffff, v2  }
0x5b: {  	s19 =	simm.s32 $0x400;
	v2 =	vand.u32 $0xFFFF0000, v22;
	[tilespmem:v62+s12+$0x0] =	vst.idx.add.f32.msk $0xffff, v3  }
.LBB2_5:
0x5c: {  	s20 =	sshra.s32 s19, $0x2;
	p0 =	sne.s32 s19, $0x6000;
	s19 =	sadd.s32 $0x400, s19;
	[tilespmem:v1+s12+$0x0] =	vst.idx.add.f32.msk $0xffff, v2  }
0x5d: {  	v1 =	vld [tilespmem:s20+$0x78E0]  }
0x5e: {  	v10 =	vld [tilespmem:s20+$0x7830]  }
0x5f: {  	v4 =	vld [tilespmem:s20+$0x78B0]  }
0x60: {  	v11 =	vld [tilespmem:s20+$0x7860]  }
0x61: {  	v6 =	vld [tilespmem:s20+$0x78A0]  }
0x62: {  	v9 =	vld [tilespmem:s20+$0x7890];
	v3 =	vand.u32 $0x3FFF, v1  }
0x63: {  	v12 =	vld [tilespmem:s20+$0x7820]  }
0x64: {  	v13 =	vld [tilespmem:s20+$0x7840]  }
0x65: {  	v14 =	vld [tilespmem:s20+$0x7850]  }
0x66: {  	v2 =	vld [tilespmem:s20+$0x78F0]  }
0x67: {  	v15 =	vld [tilespmem:s20+$0x7810]  }
0x68: {  	v16 =	vld [tilespmem:s20+$0x7800];
	v5 =	vand.u32 $0x3FFF, v12  }
0x69: {  	v18 =	vand.u32 $0x3FFF, v9;
	v17 =	vld [tilespmem:s20+$0x7870]  }
0x6a: {  	v20 =	vand.u32 $0x3FFF, v11;
	v19 =	vand.u32 $0x3FFF, v14;
	v8 =	vld [tilespmem:s20+$0x78C0]  }
0x6b: {  	v21 =	vand.u32 $0x3FFF, v10;
	v22 =	vand.u32 $0x3FFF, v13;
	v7 =	vld [tilespmem:s20+$0x78D0]  }
0x6c: {  	v25 =	vand.u32 $0x3FFF, v4;
	v26 =	vand.u32 $0x3FFF, v2;
	v23 =	vand.u32 $0x3FFF, v15;
	v24 =	vld [tilespmem:s20+$0x7880]  }
0x6d: {  	v28 =	vand.u32 $0x3FFF, v6;
	v27 =	vand.u32 $0x3FFF, v16;
	v3 =	vld.idx.msk [tilespmem:v3+s2+$0x0], $0xffff  }
0x6e: {  	v29 =	vld.idx.msk [tilespmem:v5+s2+$0x0], $0xffff;
	v30 =	vand.u32 $0x3FFF, v17  }
0x6f: {  	v19 =	vld.idx.msk [tilespmem:v19+s2+$0x0], $0xffff;
	v31 =	vand.u32 $0x3FFF, v8  }
0x70: {  	v22 =	vld.idx.msk [tilespmem:v22+s2+$0x0], $0xffff;
	v32 =	vand.u32 $0x3FFF, v7  }
0x71: {  	v23 =	vld.idx.msk [tilespmem:v23+s2+$0x0], $0xffff;
	v33 =	vand.u32 $0x3FFF, v24  }
0x72: {  	v5 =	vld.idx.msk [tilespmem:v26+s2+$0x0], $0xffff  }
0x73: {  	v26 =	vld.idx.msk [tilespmem:v27+s2+$0x0], $0xffff  }
0x74: {  	v20 =	vld.idx.msk [tilespmem:v20+s2+$0x0], $0xffff  }
0x75: {  	v25 =	vld.idx.msk [tilespmem:v25+s2+$0x0], $0xffff  }
0x76: {  	v18 =	vld.idx.msk [tilespmem:v18+s2+$0x0], $0xffff  }
0x77: {  	v27 =	vld.idx.msk [tilespmem:v33+s2+$0x0], $0xffff  }
0x78: {  	v16 =	vshrl.u32 v16, $0xE;
	v32 =	vld.idx.msk [tilespmem:v32+s2+$0x0], $0xffff  }
0x79: {  	v33 =	vadd.s32 $0x2800, v16;
	v31 =	vld.idx.msk [tilespmem:v31+s2+$0x0], $0xffff  }
0x7a: {  	v15 =	vshrl.u32 v15, $0xE;
	v21 =	vld.idx.msk [tilespmem:v21+s2+$0x0], $0xffff  }
0x7b: {  	v35 =	vadd.s32 $0x2800, v15;
	v34 =	vshll.u32 v26, $0x10;
	v28 =	vld.idx.msk [tilespmem:v28+s2+$0x0], $0xffff  }
0x7c: {  	v12 =	vshrl.u32 v12, $0xE;
	v26 =	vand.u32 $0xFFFF0000, v26;
	v30 =	vld.idx.msk [tilespmem:v30+s2+$0x0], $0xffff  }
0x7d: {  	[tilespmem:v16+s12+$0x0] =	vst.idx.add.f32.msk $0xffff, v34;
	v16 =	vadd.s32 $0x2800, v12  }
0x7e: {  	v10 =	vshrl.u32 v10, $0xE;
	v34 =	vshll.u32 v23, $0x10;
	[tilespmem:v33+s12+$0x0] =	vst.idx.add.f32.msk $0xffff, v26  }
0x7f: {  	v23 =	vand.u32 $0xFFFF0000, v23;
	[tilespmem:v15+s12+$0x0] =	vst.idx.add.f32.msk $0xffff, v34;
	v15 =	vadd.s32 $0x2800, v10  }
0x80: {  	v13 =	vshrl.u32 v13, $0xE;
	v26 =	vshll.u32 v29, $0x10;
	[tilespmem:v35+s12+$0x0] =	vst.idx.add.f32.msk $0xffff, v23  }
0x81: {  	v23 =	vand.u32 $0xFFFF0000, v29;
	v29 =	vshll.u32 v21, $0x10;
	[tilespmem:v12+s12+$0x0] =	vst.idx.add.f32.msk $0xffff, v26;
	v12 =	vadd.s32 $0x2800, v13  }
0x82: {  	v14 =	vshrl.u32 v14, $0xE;
	v21 =	vand.u32 $0xFFFF0000, v21;
	[tilespmem:v16+s12+$0x0] =	vst.idx.add.f32.msk $0xffff, v23  }
0x83: {  	[tilespmem:v10+s12+$0x0] =	vst.idx.add.f32.msk $0xffff, v29;
	v10 =	vadd.s32 $0x2800, v14  }
0x84: {  	v11 =	vshrl.u32 v11, $0xE;
	v16 =	vshll.u32 v22, $0x10;
	[tilespmem:v15+s12+$0x0] =	vst.idx.add.f32.msk $0xffff, v21  }
0x85: {  	v15 =	vand.u32 $0xFFFF0000, v22;
	[tilespmem:v13+s12+$0x0] =	vst.idx.add.f32.msk $0xffff, v16;
	v13 =	vadd.s32 $0x2800, v11  }
0x86: {  	v17 =	vshrl.u32 v17, $0xE;
	v16 =	vshll.u32 v19, $0x10;
	[tilespmem:v12+s12+$0x0] =	vst.idx.add.f32.msk $0xffff, v15  }
0x87: {  	v12 =	vand.u32 $0xFFFF0000, v19;
	[tilespmem:v14+s12+$0x0] =	vst.idx.add.f32.msk $0xffff, v16;
	v14 =	vadd.s32 $0x2800, v17  }
0x88: {  	v15 =	vshll.u32 v20, $0x10;
	v16 =	vshrl.u32 v24, $0xE;
	[tilespmem:v10+s12+$0x0] =	vst.idx.add.f32.msk $0xffff, v12  }
0x89: {  	v10 =	vand.u32 $0xFFFF0000, v20;
	[tilespmem:v11+s12+$0x0] =	vst.idx.add.f32.msk $0xffff, v15;
	v11 =	vadd.s32 $0x2800, v16  }
0x8a: {  	v9 =	vshrl.u32 v9, $0xE;
	v12 =	vshll.u32 v30, $0x10;
	[tilespmem:v13+s12+$0x0] =	vst.idx.add.f32.msk $0xffff, v10  }
0x8b: {  	v10 =	vand.u32 $0xFFFF0000, v30;
	[tilespmem:v17+s12+$0x0] =	vst.idx.add.f32.msk $0xffff, v12;
	v12 =	vadd.s32 $0x2800, v9  }
0x8c: {  	v6 =	vshrl.u32 v6, $0xE;
	v13 =	vshll.u32 v27, $0x10;
	[tilespmem:v14+s12+$0x0] =	vst.idx.add.f32.msk $0xffff, v10  }
0x8d: {  	v10 =	vand.u32 $0xFFFF0000, v27;
	[tilespmem:v16+s12+$0x0] =	vst.idx.add.f32.msk $0xffff, v13;
	v13 =	vadd.s32 $0x2800, v6  }
0x8e: {  	v4 =	vshrl.u32 v4, $0xE;
	v14 =	vshll.u32 v18, $0x10;
	[tilespmem:v11+s12+$0x0] =	vst.idx.add.f32.msk $0xffff, v10  }
0x8f: {  	v10 =	vand.u32 $0xFFFF0000, v18;
	[tilespmem:v9+s12+$0x0] =	vst.idx.add.f32.msk $0xffff, v14;
	v9 =	vadd.s32 $0x2800, v4  }
0x90: {  	v8 =	vshrl.u32 v8, $0xE;
	v11 =	vshll.u32 v28, $0x10;
	[tilespmem:v12+s12+$0x0] =	vst.idx.add.f32.msk $0xffff, v10  }
0x91: {  	v10 =	vand.u32 $0xFFFF0000, v28;
	[tilespmem:v6+s12+$0x0] =	vst.idx.add.f32.msk $0xffff, v11;
	v6 =	vadd.s32 $0x2800, v8  }
0x92: {  	v7 =	vshrl.u32 v7, $0xE;
	v11 =	vshll.u32 v25, $0x10;
	[tilespmem:v13+s12+$0x0] =	vst.idx.add.f32.msk $0xffff, v10  }
0x93: {  	v10 =	vand.u32 $0xFFFF0000, v25;
	[tilespmem:v4+s12+$0x0] =	vst.idx.add.f32.msk $0xffff, v11;
	v4 =	vadd.s32 $0x2800, v7  }
0x94: {  	v12 =	vshrl.u32 v1, $0xE;
	v11 =	vshll.u32 v31, $0x10;
	[tilespmem:v9+s12+$0x0] =	vst.idx.add.f32.msk $0xffff, v10  }
0x95: {  	v1 =	vand.u32 $0xFFFF0000, v31;
	[tilespmem:v8+s12+$0x0] =	vst.idx.add.f32.msk $0xffff, v11;
	v8 =	vadd.s32 $0x2800, v12  }
0x96: {  	v9 =	vshll.u32 v32, $0x10;
	v10 =	vshrl.u32 v2, $0xE;
	[tilespmem:v6+s12+$0x0] =	vst.idx.add.f32.msk $0xffff, v1  }
.Ltmp1:
0x97: {  	v2 =	vand.u32 $0xFFFF0000, v32;
	v1 =	vadd.s32 $0x2800, v10;
	[tilespmem:v7+s12+$0x0] =	vst.idx.add.f32.msk $0xffff, v9;
	(pc) =	sbr.rel @p0 .LBB2_5-.Ltmp1, $4  }
0x98: {  	v6 =	vshll.u32 v3, $0x10;
	[tilespmem:v4+s12+$0x0] =	vst.idx.add.f32.msk $0xffff, v2  }
0x99: {  	v2 =	vand.u32 $0xFFFF0000, v3;
	[tilespmem:v12+s12+$0x0] =	vst.idx.add.f32.msk $0xffff, v6  }
0x9a: {  	v3 =	vshll.u32 v5, $0x10;
	[tilespmem:v8+s12+$0x0] =	vst.idx.add.f32.msk $0xffff, v2  }
0x9b: {  	v2 =	vand.u32 $0xFFFF0000, v5;
	[tilespmem:v10+s12+$0x0] =	vst.idx.add.f32.msk $0xffff, v3  }
0x9c: {  	_ =	sdelay $0x2  }
0x9d: {  	p0 =	seq.s32 s17, $0x18  }
0x9e: {  	[tilespmem:v1+s12+$0x0] =	vst.idx.add.f32.msk $0xffff, v2;
	s18 =	smin.u32 @!p0 s18, $0x49700  }
0x9f: {  	s31 =	simm.s32 $0x0;
	_ =	swait.ge [sflag:s13], $0x1900;
	s18 =	sshrl.u32 @!p0 s18, $0x3  }
0xa0: {  	s19 =	simm.s32 @!p0 $0x0;
	[sflag:s13] =	ssyncset.done $0x0;
	s18 =	sadd.s32 @!p0 s3, s18  }
0xa1: {  	s20 =	simm.s32 @!p0 $0x7800;
	[sflag:s13] =	ssyncadd.s32 $0xFFFFE700;
	s18 =	sadd.s32 @!p0 $0x640, s18  }
0xa2: {  	[tilespmem:s20], [sflag:$0x1] =	stream.linear.gather @!p0 [hbm4b:s18+s19], $0x1900, $0x38;
	[tilespmem:$0xAA00] =	vst v63  }
0xa3: {  	v1 =	vld [tilespmem:s31+$0x91E0]  }
0xa4: {  	v2 =	vld [tilespmem:s31+$0x9130]  }
0xa5: {  	v3 =	vld [tilespmem:s31+$0x91B0]  }
0xa6: {  	v4 =	vld [tilespmem:s31+$0x9160]  }
0xa7: {  	v5 =	vld [tilespmem:s31+$0x91A0]  }
0xa8: {  	v6 =	vld [tilespmem:s31+$0x9190]  }
0xa9: {  	v7 =	vld [tilespmem:s31+$0x9120]  }
0xaa: {  	v8 =	vld [tilespmem:s31+$0x9140]  }
0xab: {  	v9 =	vld [tilespmem:s31+$0x9150]  }
0xac: {  	v10 =	vld [tilespmem:s31+$0x91F0]  }
0xad: {  	v11 =	vld [tilespmem:s31+$0x9110]  }
0xae: {  	v13 =	vld [tilespmem:s31+$0x9100];
	v12 =	vand.u32 $0x3FFF, v1  }
0xaf: {  	v15 =	vld [tilespmem:s31+$0x9170];
	v14 =	vand.u32 $0x3FFF, v7  }
0xb0: {  	v17 =	vld [tilespmem:s31+$0x91C0];
	v16 =	vand.u32 $0x3FFF, v9  }
0xb1: {  	v19 =	vld [tilespmem:s31+$0x91D0];
	v18 =	vand.u32 $0x3FFF, v8  }
0xb2: {  	v21 =	vld [tilespmem:s31+$0x9180];
	v20 =	vand.u32 $0x3FFF, v11  }
0xb3: {  	v22 =	vand.u32 $0x3FFF, v10;
	v12 =	vld.idx.msk [tilespmem:v12+s2+$0x0], $0xffff  }
0xb4: {  	v23 =	vand.u32 $0x3FFF, v13;
	v14 =	vld.idx.msk [tilespmem:v14+s2+$0x0], $0xffff  }
0xb5: {  	v24 =	vand.u32 $0x3FFF, v4;
	v16 =	vld.idx.msk [tilespmem:v16+s2+$0x0], $0xffff  }
0xb6: {  	v25 =	vand.u32 $0x3FFF, v3;
	v18 =	vld.idx.msk [tilespmem:v18+s2+$0x0], $0xffff  }
0xb7: {  	v26 =	vand.u32 $0x3FFF, v6;
	v20 =	vld.idx.msk [tilespmem:v20+s2+$0x0], $0xffff  }
0xb8: {  	v27 =	vand.u32 $0x3FFF, v21;
	v22 =	vld.idx.msk [tilespmem:v22+s2+$0x0], $0xffff  }
0xb9: {  	v28 =	vand.u32 $0x3FFF, v19;
	v23 =	vld.idx.msk [tilespmem:v23+s2+$0x0], $0xffff  }
0xba: {  	v29 =	vand.u32 $0x3FFF, v17;
	v24 =	vld.idx.msk [tilespmem:v24+s2+$0x0], $0xffff  }
0xbb: {  	v30 =	vand.u32 $0x3FFF, v2;
	v25 =	vld.idx.msk [tilespmem:v25+s2+$0x0], $0xffff  }
0xbc: {  	v31 =	vand.u32 $0x3FFF, v5;
	v26 =	vld.idx.msk [tilespmem:v26+s2+$0x0], $0xffff  }
0xbd: {  	v32 =	vand.u32 $0x3FFF, v15;
	v27 =	vld.idx.msk [tilespmem:v27+s2+$0x0], $0xffff  }
0xbe: {  	v13 =	vshrl.u32 v13, $0xE;
	v28 =	vld.idx.msk [tilespmem:v28+s2+$0x0], $0xffff  }
0xbf: {  	v33 =	vadd.s32 $0x2800, v13;
	v29 =	vld.idx.msk [tilespmem:v29+s2+$0x0], $0xffff  }
0xc0: {  	v11 =	vshrl.u32 v11, $0xE;
	v30 =	vld.idx.msk [tilespmem:v30+s2+$0x0], $0xffff  }
0xc1: {  	v34 =	vadd.s32 $0x2800, v11;
	v31 =	vld.idx.msk [tilespmem:v31+s2+$0x0], $0xffff  }
0xc2: {  	v7 =	vshrl.u32 v7, $0xE;
	v32 =	vld.idx.msk [tilespmem:v32+s2+$0x0], $0xffff;
	v35 =	vshll.u32 v23, $0x10  }
0xc3: {  	v61 =	vadd.s32 $0x2800, v7;
	v23 =	vand.u32 $0xFFFF0000, v23;
	[tilespmem:v13+s12+$0x0] =	vst.idx.add.f32.msk $0xffff, v35  }
0xc4: {  	v2 =	vshrl.u32 v2, $0xE;
	v62 =	vshll.u32 v20, $0x10;
	[tilespmem:v33+s12+$0x0] =	vst.idx.add.f32.msk $0xffff, v23  }
0xc5: {  	v63 =	vadd.s32 $0x2800, v2;
	v20 =	vand.u32 $0xFFFF0000, v20;
	[tilespmem:v11+s12+$0x0] =	vst.idx.add.f32.msk $0xffff, v62  }
0xc6: {  	v8 =	vshrl.u32 v8, $0xE;
	v33 =	vshll.u32 v14, $0x10;
	[tilespmem:v34+s12+$0x0] =	vst.idx.add.f32.msk $0xffff, v20  }
0xc7: {  	v35 =	vadd.s32 $0x2800, v8;
	v14 =	vand.u32 $0xFFFF0000, v14;
	[tilespmem:v7+s12+$0x0] =	vst.idx.add.f32.msk $0xffff, v33  }
0xc8: {  	v9 =	vshrl.u32 v9, $0xE;
	v36 =	vshll.u32 v30, $0x10;
	[tilespmem:v61+s12+$0x0] =	vst.idx.add.f32.msk $0xffff, v14  }
0xc9: {  	v37 =	vand.u32 $0xFFFF0000, v30;
	[tilespmem:v2+s12+$0x0] =	vst.idx.add.f32.msk $0xffff, v36;
	v2 =	vadd.s32 $0x2800, v9  }
0xca: {  	v4 =	vshrl.u32 v4, $0xE;
	v38 =	vshll.u32 v18, $0x10;
	[tilespmem:v63+s12+$0x0] =	vst.idx.add.f32.msk $0xffff, v37  }
0xcb: {  	v40 =	vadd.s32 $0x2800, v4;
	v39 =	vand.u32 $0xFFFF0000, v18;
	[tilespmem:v8+s12+$0x0] =	vst.idx.add.f32.msk $0xffff, v38  }
0xcc: {  	v42 =	vshrl.u32 v15, $0xE;
	v41 =	vshll.u32 v16, $0x10;
	[tilespmem:v35+s12+$0x0] =	vst.idx.add.f32.msk $0xffff, v39  }
0xcd: {  	v44 =	vadd.s32 $0x2800, v42;
	v43 =	vand.u32 $0xFFFF0000, v16;
	[tilespmem:v9+s12+$0x0] =	vst.idx.add.f32.msk $0xffff, v41  }
0xce: {  	v46 =	vshrl.u32 v21, $0xE;
	v45 =	vshll.u32 v24, $0x10;
	[tilespmem:v2+s12+$0x0] =	vst.idx.add.f32.msk $0xffff, v43  }
0xcf: {  	v47 =	vadd.s32 $0x2800, v46;
	v2 =	vand.u32 $0xFFFF0000, v24;
	[tilespmem:v4+s12+$0x0] =	vst.idx.add.f32.msk $0xffff, v45  }
0xd0: {  	v6 =	vshrl.u32 v6, $0xE;
	v48 =	vshll.u32 v32, $0x10;
	[tilespmem:v40+s12+$0x0] =	vst.idx.add.f32.msk $0xffff, v2  }
0xd1: {  	v49 =	vadd.s32 $0x2800, v6;
	v2 =	vand.u32 $0xFFFF0000, v32;
	[tilespmem:v42+s12+$0x0] =	vst.idx.add.f32.msk $0xffff, v48  }
0xd2: {  	v5 =	vshrl.u32 v5, $0xE;
	v50 =	vshll.u32 v27, $0x10;
	[tilespmem:v44+s12+$0x0] =	vst.idx.add.f32.msk $0xffff, v2  }
0xd3: {  	v51 =	vadd.s32 $0x2800, v5;
	v2 =	vand.u32 $0xFFFF0000, v27;
	[tilespmem:v46+s12+$0x0] =	vst.idx.add.f32.msk $0xffff, v50  }
0xd4: {  	v3 =	vshrl.u32 v3, $0xE;
	v52 =	vshll.u32 v26, $0x10;
	[tilespmem:v47+s12+$0x0] =	vst.idx.add.f32.msk $0xffff, v2  }
0xd5: {  	v53 =	vadd.s32 $0x2800, v3;
	v2 =	vand.u32 $0xFFFF0000, v26;
	[tilespmem:v6+s12+$0x0] =	vst.idx.add.f32.msk $0xffff, v52  }
0xd6: {  	v55 =	vshrl.u32 v17, $0xE;
	v54 =	vshll.u32 v31, $0x10;
	[tilespmem:v49+s12+$0x0] =	vst.idx.add.f32.msk $0xffff, v2  }
0xd7: {  	v56 =	vadd.s32 $0x2800, v55;
	v2 =	vand.u32 $0xFFFF0000, v31;
	[tilespmem:v5+s12+$0x0] =	vst.idx.add.f32.msk $0xffff, v54  }
0xd8: {  	v58 =	vshrl.u32 v19, $0xE;
	v57 =	vshll.u32 v25, $0x10;
	[tilespmem:v51+s12+$0x0] =	vst.idx.add.f32.msk $0xffff, v2  }
0xd9: {  	v2 =	vand.u32 $0xFFFF0000, v25;
	[tilespmem:v3+s12+$0x0] =	vst.idx.add.f32.msk $0xffff, v57;
	v3 =	vadd.s32 $0x2800, v58  }
0xda: {  	v1 =	vshrl.u32 v1, $0xE;
	v59 =	vshll.u32 v29, $0x10;
	[tilespmem:v53+s12+$0x0] =	vst.idx.add.f32.msk $0xffff, v2  }
0xdb: {  	v2 =	vand.u32 $0xFFFF0000, v29;
	[tilespmem:v55+s12+$0x0] =	vst.idx.add.f32.msk $0xffff, v59  }
0xdc: {  	v61 =	vshll.u32 v28, $0x10;
	[tilespmem:v56+s12+$0x0] =	vst.idx.add.f32.msk $0xffff, v2  }
0xdd: {  	v60 =	vadd.s32 $0x2800, v1;
	v2 =	vand.u32 $0xFFFF0000, v28;
	[tilespmem:v58+s12+$0x0] =	vst.idx.add.f32.msk $0xffff, v61  }
0xde: {  	v62 =	vshrl.u32 v10, $0xE;
	v63 =	vshll.u32 v12, $0x10;
	[tilespmem:v3+s12+$0x0] =	vst.idx.add.f32.msk $0xffff, v2  }
0xdf: {  	[tilespmem:v1+s12+$0x0] =	vst.idx.add.f32.msk $0xffff, v63;
	v1 =	vadd.s32 $0x2800, v62;
	_ =	sdelay $0x1  }
0xe0: {  	v2 =	vand.u32 $0xFFFF0000, v12  }
0xe1: {  	v3 =	vshll.u32 v22, $0x10;
	[tilespmem:v60+s12+$0x0] =	vst.idx.add.f32.msk $0xffff, v2  }
0xe2: {  	s18 =	simm.s32 $0x400;
	v2 =	vand.u32 $0xFFFF0000, v22;
	[tilespmem:v62+s12+$0x0] =	vst.idx.add.f32.msk $0xffff, v3  }
.LBB2_7:
0xe3: {  	s19 =	sshra.s32 s18, $0x2;
	p0 =	sne.s32 s18, $0x6000;
	s18 =	sadd.s32 $0x400, s18;
	[tilespmem:v1+s12+$0x0] =	vst.idx.add.f32.msk $0xffff, v2  }
0xe4: {  	v1 =	vld [tilespmem:s19+$0x91E0]  }
0xe5: {  	v10 =	vld [tilespmem:s19+$0x9130]  }
0xe6: {  	v4 =	vld [tilespmem:s19+$0x91B0]  }
0xe7: {  	v11 =	vld [tilespmem:s19+$0x9160]  }
0xe8: {  	v6 =	vld [tilespmem:s19+$0x91A0]  }
0xe9: {  	v9 =	vld [tilespmem:s19+$0x9190];
	v3 =	vand.u32 $0x3FFF, v1  }
0xea: {  	v12 =	vld [tilespmem:s19+$0x9120]  }
0xeb: {  	v13 =	vld [tilespmem:s19+$0x9140]  }
0xec: {  	v14 =	vld [tilespmem:s19+$0x9150]  }
0xed: {  	v2 =	vld [tilespmem:s19+$0x91F0]  }
0xee: {  	v15 =	vld [tilespmem:s19+$0x9110]  }
0xef: {  	v16 =	vld [tilespmem:s19+$0x9100];
	v5 =	vand.u32 $0x3FFF, v12  }
0xf0: {  	v18 =	vand.u32 $0x3FFF, v9;
	v17 =	vld [tilespmem:s19+$0x9170]  }
0xf1: {  	v20 =	vand.u32 $0x3FFF, v11;
	v19 =	vand.u32 $0x3FFF, v14;
	v8 =	vld [tilespmem:s19+$0x91C0]  }
0xf2: {  	v21 =	vand.u32 $0x3FFF, v10;
	v22 =	vand.u32 $0x3FFF, v13;
	v7 =	vld [tilespmem:s19+$0x91D0]  }
0xf3: {  	v25 =	vand.u32 $0x3FFF, v4;
	v26 =	vand.u32 $0x3FFF, v2;
	v23 =	vand.u32 $0x3FFF, v15;
	v24 =	vld [tilespmem:s19+$0x9180]  }
0xf4: {  	v28 =	vand.u32 $0x3FFF, v6;
	v27 =	vand.u32 $0x3FFF, v16;
	v3 =	vld.idx.msk [tilespmem:v3+s2+$0x0], $0xffff  }
0xf5: {  	v29 =	vld.idx.msk [tilespmem:v5+s2+$0x0], $0xffff;
	v30 =	vand.u32 $0x3FFF, v17  }
0xf6: {  	v19 =	vld.idx.msk [tilespmem:v19+s2+$0x0], $0xffff;
	v31 =	vand.u32 $0x3FFF, v8  }
0xf7: {  	v22 =	vld.idx.msk [tilespmem:v22+s2+$0x0], $0xffff;
	v32 =	vand.u32 $0x3FFF, v7  }
0xf8: {  	v23 =	vld.idx.msk [tilespmem:v23+s2+$0x0], $0xffff;
	v33 =	vand.u32 $0x3FFF, v24  }
0xf9: {  	v5 =	vld.idx.msk [tilespmem:v26+s2+$0x0], $0xffff  }
0xfa: {  	v26 =	vld.idx.msk [tilespmem:v27+s2+$0x0], $0xffff  }
0xfb: {  	v20 =	vld.idx.msk [tilespmem:v20+s2+$0x0], $0xffff  }
0xfc: {  	v25 =	vld.idx.msk [tilespmem:v25+s2+$0x0], $0xffff  }
0xfd: {  	v18 =	vld.idx.msk [tilespmem:v18+s2+$0x0], $0xffff  }
0xfe: {  	v27 =	vld.idx.msk [tilespmem:v33+s2+$0x0], $0xffff  }
0xff: {  	v16 =	vshrl.u32 v16, $0xE;
	v32 =	vld.idx.msk [tilespmem:v32+s2+$0x0], $0xffff  }
0x100: {  	v33 =	vadd.s32 $0x2800, v16;
	v31 =	vld.idx.msk [tilespmem:v31+s2+$0x0], $0xffff  }
0x101: {  	v15 =	vshrl.u32 v15, $0xE;
	v21 =	vld.idx.msk [tilespmem:v21+s2+$0x0], $0xffff  }
0x102: {  	v35 =	vadd.s32 $0x2800, v15;
	v34 =	vshll.u32 v26, $0x10;
	v28 =	vld.idx.msk [tilespmem:v28+s2+$0x0], $0xffff  }
0x103: {  	v12 =	vshrl.u32 v12, $0xE;
	v26 =	vand.u32 $0xFFFF0000, v26;
	v30 =	vld.idx.msk [tilespmem:v30+s2+$0x0], $0xffff  }
0x104: {  	[tilespmem:v16+s12+$0x0] =	vst.idx.add.f32.msk $0xffff, v34;
	v16 =	vadd.s32 $0x2800, v12  }
0x105: {  	v10 =	vshrl.u32 v10, $0xE;
	v34 =	vshll.u32 v23, $0x10;
	[tilespmem:v33+s12+$0x0] =	vst.idx.add.f32.msk $0xffff, v26  }
0x106: {  	v23 =	vand.u32 $0xFFFF0000, v23;
	[tilespmem:v15+s12+$0x0] =	vst.idx.add.f32.msk $0xffff, v34;
	v15 =	vadd.s32 $0x2800, v10  }
0x107: {  	v13 =	vshrl.u32 v13, $0xE;
	v26 =	vshll.u32 v29, $0x10;
	[tilespmem:v35+s12+$0x0] =	vst.idx.add.f32.msk $0xffff, v23  }
0x108: {  	v23 =	vand.u32 $0xFFFF0000, v29;
	v29 =	vshll.u32 v21, $0x10;
	[tilespmem:v12+s12+$0x0] =	vst.idx.add.f32.msk $0xffff, v26;
	v12 =	vadd.s32 $0x2800, v13  }
0x109: {  	v14 =	vshrl.u32 v14, $0xE;
	v21 =	vand.u32 $0xFFFF0000, v21;
	[tilespmem:v16+s12+$0x0] =	vst.idx.add.f32.msk $0xffff, v23  }
0x10a: {  	[tilespmem:v10+s12+$0x0] =	vst.idx.add.f32.msk $0xffff, v29;
	v10 =	vadd.s32 $0x2800, v14  }
0x10b: {  	v11 =	vshrl.u32 v11, $0xE;
	v16 =	vshll.u32 v22, $0x10;
	[tilespmem:v15+s12+$0x0] =	vst.idx.add.f32.msk $0xffff, v21  }
0x10c: {  	v15 =	vand.u32 $0xFFFF0000, v22;
	[tilespmem:v13+s12+$0x0] =	vst.idx.add.f32.msk $0xffff, v16;
	v13 =	vadd.s32 $0x2800, v11  }
0x10d: {  	v17 =	vshrl.u32 v17, $0xE;
	v16 =	vshll.u32 v19, $0x10;
	[tilespmem:v12+s12+$0x0] =	vst.idx.add.f32.msk $0xffff, v15  }
0x10e: {  	v12 =	vand.u32 $0xFFFF0000, v19;
	[tilespmem:v14+s12+$0x0] =	vst.idx.add.f32.msk $0xffff, v16;
	v14 =	vadd.s32 $0x2800, v17  }
0x10f: {  	v15 =	vshll.u32 v20, $0x10;
	v16 =	vshrl.u32 v24, $0xE;
	[tilespmem:v10+s12+$0x0] =	vst.idx.add.f32.msk $0xffff, v12  }
0x110: {  	v10 =	vand.u32 $0xFFFF0000, v20;
	[tilespmem:v11+s12+$0x0] =	vst.idx.add.f32.msk $0xffff, v15;
	v11 =	vadd.s32 $0x2800, v16  }
0x111: {  	v9 =	vshrl.u32 v9, $0xE;
	v12 =	vshll.u32 v30, $0x10;
	[tilespmem:v13+s12+$0x0] =	vst.idx.add.f32.msk $0xffff, v10  }
0x112: {  	v10 =	vand.u32 $0xFFFF0000, v30;
	[tilespmem:v17+s12+$0x0] =	vst.idx.add.f32.msk $0xffff, v12;
	v12 =	vadd.s32 $0x2800, v9  }
0x113: {  	v6 =	vshrl.u32 v6, $0xE;
	v13 =	vshll.u32 v27, $0x10;
	[tilespmem:v14+s12+$0x0] =	vst.idx.add.f32.msk $0xffff, v10  }
0x114: {  	v10 =	vand.u32 $0xFFFF0000, v27;
	[tilespmem:v16+s12+$0x0] =	vst.idx.add.f32.msk $0xffff, v13;
	v13 =	vadd.s32 $0x2800, v6  }
0x115: {  	v4 =	vshrl.u32 v4, $0xE;
	v14 =	vshll.u32 v18, $0x10;
	[tilespmem:v11+s12+$0x0] =	vst.idx.add.f32.msk $0xffff, v10  }
0x116: {  	v10 =	vand.u32 $0xFFFF0000, v18;
	[tilespmem:v9+s12+$0x0] =	vst.idx.add.f32.msk $0xffff, v14;
	v9 =	vadd.s32 $0x2800, v4  }
0x117: {  	v8 =	vshrl.u32 v8, $0xE;
	v11 =	vshll.u32 v28, $0x10;
	[tilespmem:v12+s12+$0x0] =	vst.idx.add.f32.msk $0xffff, v10  }
0x118: {  	v10 =	vand.u32 $0xFFFF0000, v28;
	[tilespmem:v6+s12+$0x0] =	vst.idx.add.f32.msk $0xffff, v11;
	v6 =	vadd.s32 $0x2800, v8  }
0x119: {  	v7 =	vshrl.u32 v7, $0xE;
	v11 =	vshll.u32 v25, $0x10;
	[tilespmem:v13+s12+$0x0] =	vst.idx.add.f32.msk $0xffff, v10  }
0x11a: {  	v10 =	vand.u32 $0xFFFF0000, v25;
	[tilespmem:v4+s12+$0x0] =	vst.idx.add.f32.msk $0xffff, v11;
	v4 =	vadd.s32 $0x2800, v7  }
0x11b: {  	v12 =	vshrl.u32 v1, $0xE;
	v11 =	vshll.u32 v31, $0x10;
	[tilespmem:v9+s12+$0x0] =	vst.idx.add.f32.msk $0xffff, v10  }
0x11c: {  	v1 =	vand.u32 $0xFFFF0000, v31;
	[tilespmem:v8+s12+$0x0] =	vst.idx.add.f32.msk $0xffff, v11;
	v8 =	vadd.s32 $0x2800, v12  }
0x11d: {  	v9 =	vshll.u32 v32, $0x10;
	v10 =	vshrl.u32 v2, $0xE;
	[tilespmem:v6+s12+$0x0] =	vst.idx.add.f32.msk $0xffff, v1  }
.Ltmp2:
0x11e: {  	v2 =	vand.u32 $0xFFFF0000, v32;
	v1 =	vadd.s32 $0x2800, v10;
	[tilespmem:v7+s12+$0x0] =	vst.idx.add.f32.msk $0xffff, v9;
	(pc) =	sbr.rel @p0 .LBB2_7-.Ltmp2, $4  }
0x11f: {  	v6 =	vshll.u32 v3, $0x10;
	[tilespmem:v4+s12+$0x0] =	vst.idx.add.f32.msk $0xffff, v2  }
0x120: {  	v2 =	vand.u32 $0xFFFF0000, v3;
	[tilespmem:v12+s12+$0x0] =	vst.idx.add.f32.msk $0xffff, v6  }
0x121: {  	v3 =	vshll.u32 v5, $0x10;
	[tilespmem:v8+s12+$0x0] =	vst.idx.add.f32.msk $0xffff, v2  }
0x122: {  	v2 =	vand.u32 $0xFFFF0000, v5;
	[tilespmem:v10+s12+$0x0] =	vst.idx.add.f32.msk $0xffff, v3  }
0x123: {  	s17 =	sadd.s32 $0x1, s17  }
0x124: {  	p0 =	sne.s32 s17, $0x19  }
.Ltmp3:
0x125: {  	_ = 	snop;
	(pc) =	sbr.rel @p0 .LBB2_4-.Ltmp3, $2  }
0x126: {  	_ =	sdelay $0x2  }
0x127: {  	[tilespmem:v1+s12+$0x0] =	vst.idx.add.f32.msk $0xffff, v2  }
0x128: {  	[hbm4b:s5+s2] =	stream.linear.scatter [tilespmem:s12], [sflag:$0x3], $0x2800, $0x38;
	[tilespmem:$0xAA00] =	vst v63  }
0x129: {  	s15 =	sadd.s32 $0x1, s15;
	_ =	swait.ge [sflag:s8], $0x2800  }
0x12a: {  	p0 =	sne.s32 s15, s7;
	[sflag:s8] =	ssyncset.done $0x0  }
.Ltmp4:
0x12b: {  	[sflag:s8] =	ssyncadd.s32 $0xFFFFD800;
	(pc) =	sbr.rel @p0 .LBB2_1-.Ltmp4, $4  }
0x12c: {  	[hbm4b:s6+s2] =	stream.linear.scatter [tilespmem:s14], [sflag:$0x3], $0x2800, $0x38;
	[tilespmem:$0xAA00] =	vst v63  }
0x12d: {  	_ =	swait.ge [sflag:s8], $0x2800  }
0x12e: {  	[sflag:s8] =	ssyncset.done $0x0  }
0x12f: {  	[sflag:s8] =	ssyncadd.s32 $0xFFFFD800  }
0x130: {  	_ =	sfence.sel $0x180000  }
0x131: {  	[bflag:$0x0] =	sbarrier.arrive $0xFFFF  }
0x132: {  	p0 =	sne.s32 s1, $0x0;
	_ =	strace $0x9000004A  }
0x133: {  	s0 =	sadd.s32 @!p0 $0x100000, s0;
	[bflag:$0x2] =	sbarrier.arrive $0xFFFF  }
0x134: {  	[sflag:s0] =	ssyncadd.tile.s32 @!p0 $0x1;
	_ =	shalt  }
.Lfunc_end2:
_tile_overlayer_lowered:
.L_overlay_start_2:
0x135: {  	(tag) =	ssettag $0x2  }
0x136: {  	s0 =	rddreg [dreg:$0x0];
	s2 =	stileid.u32  }
0x137: {  	s1 =	rddreg [dreg:$0x1];
	p0 =	sne.s32 s2, $0x0  }
0x138: {  	s3 =	rddreg [dreg:$0x2];
	[bflag:$0x3] =	sbarrier.arrive $0xFFFF;
	s2 =	simm.s32 @!p0 $0x1C03  }
0x139: {  	[timem:s3], [sflag:s2] =	dma.local @!p0 [hbm:s0], s1  }
0x13a: {  	s0 =	simm.s32 @!p0 $0x3  }
0x13b: {  	_ =	swait.ge @!p0 [sflag:s0], s1  }
0x13c: {  	s1 =	ssub.s32 @!p0 $0x0, s1;
	[sflag:s0] =	ssyncset.done @!p0 $0x0  }
0x13d: {  	[sflag:s0] =	ssyncadd.s32 @!p0 s1  }
0x13e: {  	[bflag:$0x3] =	sbarrier.arrive $0xFFFF  }
0x13f: {  	_ =	shalt  }

// kernel: kernel.16.cloned.1.call-start
scs
__scs_entry_jumppad:
0x0: {  	(pc) =	sbr.rel $0x88, $3  }
0x1: {  	(tag) =	ssettag $0x0;
	lr =	simm.s32 $0x1  }
0x2: {  	[smem:$0x3F82] =	sst lr;
	_ =	strace $0xD0000000  }
0x3: {  	_ = 	snop  }
0x4: {  	_ = 	snop  }
0x5: {  	_ = 	snop  }
0x6: {  	_ = 	snop  }
0x7: {  	_ = 	snop  }
__scs_overlays_trampoline_lowered:
0x8: {  	[smem:$0x3F91] =	sst s0  }
0x9: {  	[smem:$0x3F92] =	sst s1  }
0xa: {  	[smem:$0x3F93] =	sst s2  }
0xb: {  	[smem:$0x3F94] =	sst s3  }
0xc: {  	[smem:$0x3F95] =	sst s4  }
0xd: {  	[smem:$0x3F96] =	sst s5  }
0xe: {  	[smem:$0x3F97] =	sst s6  }
0xf: {  	[smem:$0x3F98] =	sst s7  }
0x10: {  	[smem:$0x3F99] =	sst s8  }
0x11: {  	[smem:$0x3F9A] =	sst s9;
	s0 =	simm.s32 @!p0 $0x0  }
0x12: {  	s1 =	sld [smem:$0x3F80];
	s0 =	simm.s32 @p0 $0x1  }
0x13: {  	[smem:$0x3F9B] =	sst s0;
	s0 =	simm.s32 @!p1 $0x0  }
0x14: {  	s2 =	sld [smem:$0x3F7F];
	s0 =	simm.s32 @p1 $0x1  }
0x15: {  	[smem:$0x3F9C] =	sst s0;
	s0 =	simm.s32 @!p2 $0x0  }
0x16: {  	s3 =	sld [smem:$0x3FDB];
	s0 =	simm.s32 @p2 $0x1  }
0x17: {  	s4 =	simm.s32 $0x1BF5;
	[smem:$0x3F9E] =	sst s0  }
0x18: {  	s0 =	sld [smem:$0x3F81];
	_ =	swait.ge [sflag:s4], $0x0  }
0x19: {  	s7 =	sld [smem:$0x3F82]  }
0x1a: {  	s8 =	sadd.s32 $0xFFFFE003, lr  }
0x1b: {  	s9 =	sadd.s32 $0xFFFFFEF7, lr;
	s5 =	simm.s32 $0xFFFFFFFF;
	p2 =	slt.u32 s8, $0xFFFFF086  }
0x1c: {  	p1 =	slt.u32 s9, $0xF7A;
	s5 =	simm.s32 @!p2 $0x0  }
0x1d: {  	s5 =	simm.s32 @p1 $0x1;
	p0 =	seq.s32 s7, s2  }
0x1e: {  	s7 =	smul.u32 @!p0 $0xF7A, s2;
	p2 =	seq.s32 @!p0 s5, $0x0  }
0x1f: {  	s9 =	smul.u32 $0xF7A, s1;
	s8 =	simm.s32 @!p0 $0x1BF5;
	p2 =	por !p2, p0  }
0x20: {  	[sflag:s8] =	ssyncset.s32 @!p0 $0xFFFFF086;
	s6 =	sadd.s32 @!p0 s3, s7;
	s7 =	simm.s32 @!p0 $0x108  }
0x21: {  	s3 =	sadd.s32 s3, s9;
	s6 =	sadd.s32 @!p0 $0x88, s6;
	s7 =	simm.s32 @p2 $0x1082  }
0x22: {  	[simem:s7], [sflag:s8] =	dma.local @!p0 [hbm:s6], $0xF7A  }
0x23: {  	s9 =	sor.u32 $0xD0000000, s2;
	s6 =	simm.s32 $0x108;
	_ =	swait.ge @!p0 [sflag:s8], $0x0  }
0x24: {  	s3 =	sadd.s32 $0x88, s3;
	s6 =	simm.s32 @!p1 $0x1082;
	[sflag:s4] =	ssyncset.s32 $0xFFFFF086  }
0x25: {  	[simem:s6], [sflag:s4] =	dma.local [hbm:s3], $0xF7A  }
0x26: {  	[smem:$0x3F82] =	sst s1;
	(tag) =	ssettag s2;
	_ =	strace s9  }
0x27: {  	s1 =	sld [smem:$0x3F92]  }
0x28: {  	s2 =	sld [smem:$0x3F93]  }
0x29: {  	s4 =	sld [smem:$0x3F95]  }
0x2a: {  	p0 =	seq.s32 s5, $0x0;
	s5 =	sld [smem:$0x3F96]  }
0x2b: {  	s6 =	sld [smem:$0x3F97]  }
0x2c: {  	s7 =	sld [smem:$0x3F98]  }
0x2d: {  	s3 =	simm.s32 $0x108;
	s8 =	sld [smem:$0x3F99]  }
0x2e: {  	s3 =	simm.s32 @!p0 $0x1082;
	s9 =	sld [smem:$0x3F9A]  }
0x2f: {  	lr =	sadd.s32 s0, s3;
	s0 =	sld [smem:$0x3F91]  }
0x30: {  	s3 =	sld [smem:$0x3F94]  }
0x31: {  	[smem:$0x3F9D] =	sst s10  }
0x32: {  	s10 =	sld [smem:$0x3F9B];
	_ =	sdelay $0x3  }
0x33: {  	p0 =	seq.s32 s10, $0x1;
	s10 =	sld [smem:$0x3F9D];
	_ =	sdelay $0x3  }
0x34: {  	[smem:$0x3F9D] =	sst s10  }
0x35: {  	s10 =	sld [smem:$0x3F9C];
	_ =	sdelay $0x3  }
0x36: {  	p1 =	seq.s32 s10, $0x1;
	s10 =	sld [smem:$0x3F9D];
	_ =	sdelay $0x3  }
0x37: {  	[smem:$0x3F9D] =	sst s10  }
0x38: {  	s10 =	sld [smem:$0x3F9E]  }
0x39: {  	_ = 	snop;
	(pc) =	sbr.ind lr, $3  }
0x3a: {  	_ = 	snop  }
0x3b: {  	_ = 	snop  }
0x3c: {  	p2 =	seq.s32 s10, $0x1;
	s10 =	sld [smem:$0x3F9D]  }
0x3d: {  	_ =	shalt  }
0x3e: {  	_ =	shalt  }
0x3f: {  	_ =	shalt  }
0x40: {  	_ =	shalt  }
0x41: {  	_ =	shalt  }
0x42: {  	_ =	shalt  }
0x43: {  	_ =	shalt  }
0x44: {  	_ =	shalt  }
0x45: {  	_ =	shalt  }
0x46: {  	_ =	shalt  }
0x47: {  	_ =	shalt  }
0x48: {  	_ =	shalt  }
0x49: {  	_ =	shalt  }
0x4a: {  	_ =	shalt  }
0x4b: {  	_ =	shalt  }
0x4c: {  	_ =	shalt  }
0x4d: {  	_ =	shalt  }
0x4e: {  	_ =	shalt  }
0x4f: {  	_ =	shalt  }
0x50: {  	_ =	shalt  }
0x51: {  	_ =	shalt  }
0x52: {  	_ =	shalt  }
0x53: {  	_ =	shalt  }
0x54: {  	_ =	shalt  }
0x55: {  	_ =	shalt  }
0x56: {  	_ =	shalt  }
0x57: {  	_ =	shalt  }
0x58: {  	_ =	shalt  }
0x59: {  	_ =	shalt  }
0x5a: {  	_ =	shalt  }
0x5b: {  	_ =	shalt  }
0x5c: {  	_ =	shalt  }
0x5d: {  	_ =	shalt  }
0x5e: {  	_ =	shalt  }
0x5f: {  	_ =	shalt  }
0x60: {  	_ =	shalt  }
0x61: {  	_ =	shalt  }
0x62: {  	_ =	shalt  }
0x63: {  	_ =	shalt  }
0x64: {  	_ =	shalt  }
0x65: {  	_ =	shalt  }
0x66: {  	_ =	shalt  }
0x67: {  	_ =	shalt  }
0x68: {  	_ =	shalt  }
0x69: {  	_ =	shalt  }
0x6a: {  	_ =	shalt  }
0x6b: {  	_ =	shalt  }
0x6c: {  	_ =	shalt  }
0x6d: {  	_ =	shalt  }
0x6e: {  	_ =	shalt  }
0x6f: {  	_ =	shalt  }
0x70: {  	_ =	shalt  }
0x71: {  	_ =	shalt  }
0x72: {  	_ =	shalt  }
0x73: {  	_ =	shalt  }
0x74: {  	_ =	shalt  }
0x75: {  	_ =	shalt  }
0x76: {  	_ =	shalt  }
0x77: {  	_ =	shalt  }
0x78: {  	_ =	shalt  }
0x79: {  	_ =	shalt  }
0x7a: {  	_ =	shalt  }
0x7b: {  	_ =	shalt  }
0x7c: {  	_ =	shalt  }
0x7d: {  	_ =	shalt  }
0x7e: {  	_ =	shalt  }
0x7f: {  	_ =	shalt  }
0x80: {  	_ =	shalt  }
0x81: {  	_ =	shalt  }
0x82: {  	_ =	shalt  }
0x83: {  	_ =	shalt  }
0x84: {  	_ =	shalt  }
0x85: {  	_ =	shalt  }
0x86: {  	_ =	shalt  }
0x87: {  	_ =	shalt  }
.Lfunc_end0:
.L_simem_size_0:
called_computation.2_lowered:
.L_overlay_start_0:
0x88: {  	s2 =	sld [smem:$0x3FD9]  }
0x89: {  	s3 =	sld [smem:$0x3FFE];
	_ =	sdelay $0x1  }
0x8a: {  	s1 =	srdreg.scid  }
0x8b: {  	s0 =	sand.u32 $0x1, s1  }
0x8c: {  	s16 =	sshll.u32 s0, $0xA;
	s2 =	sadd.s32 s3, s2  }
0x8d: {  	s2 =	sadd.s32 s2, s16  }
0x8e: {  	[smem:$0x3FA9] =	sst s2  }
0x8f: {  	_ = 	snop  }
0x90: {  	(tm) =	ssettm $0x1  }
0x91: {  	s17 =	sld [smem:$0x3FFB];
	_ =	sdelay $0x3  }
0x92: {  	_ =	strace s17  }
0x93: {  	s2 =	sld [smem:$0x3FFC];
	_ =	sdelay $0x3  }
0x94: {  	_ =	strace s2  }
0x95: {  	s2 =	sld [smem:$0x3FFD];
	_ =	sdelay $0x3  }
0x96: {  	_ =	strace s2  }
0x97: {  	_ =	strace $0x8FFFFFFF  }
0x98: {  	s18 =	sld [smem:$0x3FDB];
	_ =	sdelay $0x1  }
0x99: {  	s19 =	simm.s32 $_scs_section_size  }
0x9a: {  	s4 =	simm.s32 $_size__tile_overlayer_lowered;
	s5 =	simm.s32 $_tile_overlayer_lowered  }
0x9b: {  	s22 =	simm.s32 $0x1BFF;
	s21 =	sshll.u32 s5, $0x1;
	s2 =	sadd.s32 s19, s18  }
0x9c: {  	s6 =	simm.s32 $0x0;
	s20 =	sshll.u32 s4, $0x1;
	s4 =	sadd.s32 s21, s2  }
0x9d: {  	[timem:s6], [sflag:s22] =	dma.local [hbm:s4], s20  }
0x9e: {  	_ =	swait.ge [sflag:s22], s20  }
0x9f: {  	s3 =	ssub.s32 $0x0, s20;
	[sflag:s22] =	ssyncset.done $0x0  }
0xa0: {  	[sflag:s22] =	ssyncadd.s32 s3;
	_ =	sdelay $0x1  }
0xa1: {  	s23 =	simm.s32 $0x1B8B  }
0xa2: {  	_ =	swait.ge [sflag:s23], $0x1  }
0xa3: {  	[sflag:s23] =	ssyncset.done $0x0  }
0xa4: {  	s25 =	simm.s32 $0x1B8E;
	s24 =	sld [smem:$0x3FFE];
	[sflag:s23] =	ssyncadd.s32 $0xFFFFFFFF  }
0xa5: {  	s26 =	simm.s32 $execute0_lowered;
	[smem:$0x3FD2] =	sst s25  }
0xa6: {  	s4 =	sshll.u32 s26, $0x1;
	_ =	strace $0x8000004C;
	[dreg:$0x1] =	wrdreg $0xFFFFFFFF  }
0xa7: {  	s28 =	simm.s32 $_size_execute0_lowered;
	s2 =	sadd.s32 s2, s4;
	[dreg:$0x0] =	wrdreg $0x0  }
0xa8: {  	s4 =	sshll.u32 s28, $0x1;
	[dreg:$0x2] =	wrdreg s2  }
0xa9: {  	[dreg:$0x3] =	wrdreg s4  }
0xaa: {  	[dreg:$0x4] =	wrdreg $0xC0  }
0xab: {  	_ =	task [dreg:s6], $0x5FFFF  }
0xac: {  	[dreg:$0x1] =	wrdreg $0xFFFFFFFF  }
0xad: {  	[dreg:$0x0] =	wrdreg $0x60  }
0xae: {  	[dreg:$0x2] =	wrdreg s24  }
0xaf: {  	[dreg:$0x3] =	wrdreg $0x9  }
0xb0: {  	_ =	task.clear_ibuf [dreg:s6], $0x4FFFF;
	_ =	strace $0x9000004C  }
0xb1: {  	s29 =	simm.s32 $0x9;
	_ =	strace $0x8000004E  }
0xb2: {  	_ =	swait.ge [sflag:s29], $0x1  }
0xb3: {  	[sflag:s29] =	ssyncadd.s32 $0xFFFFFFFF  }
0xb4: {  	_ =	strace $0x9000004E  }
0xb5: {  	_ =	sfence  }
0xb6: {  	s30 =	sld [smem:$0x0];
	_ =	sdelay $0x2  }
0xb7: {  	s31 =	sshll.u32 s1, $0xD;
	s1 =	sshrl.u32 s1, $0x2  }
0xb8: {  	s3 =	sand.u32 $0x4000, s31;
	s1 =	sadd.s32 s1, s30  }
0xb9: {  	s0 =	sor.u32 s3, s0;
	s1 =	sshll.u32 s1, $0x11  }
0xba: {  	s0 =	sor.u32 s1, s0  }
0xbb: {  	s0 =	sadd.s32 $0x8F2B, s0  }
0xbc: {  	[sflag:s0] =	ssyncadd.remote.s32 $0x1  }
0xbd: {  	_ =	sfence.sel $0xFFFF  }
0xbe: {  	[dreg:$0x0] =	wrdreg $0xFFFFFFFF;
	(pc) =	sbr.abs _section_cstart, $3  }
0xbf: {  	[dreg:$0x1] =	wrdreg $0xFFFFFFFF  }
0xc0: {  	_ =	task.clear_ibuf [dreg:s6], $0x2FFFF;
	_ =	strace $0x9FFFFFFF  }
0xc1: {  	(tm) =	ssettm $0x7FFFFFFF  }
tec
execute0_lowered:
.L_overlay_start_1:
0x0: {  	(tag) =	ssettag $0x1  }
0x1: {  	s4 =	rddreg [dreg:$0x0];
	s1 =	srdreg.scid  }
0x2: {  	s0 =	rddreg [dreg:$0x1];
	s2 =	simm.s32 $0x0;
	s10 =	simm.s32 $0x1  }
0x3: {  	s11 =	simm.s32 $0x9100;
	s12 =	simm.s32 $0x2800;
	s5 =	sand.u32 $0x1, s1  }
0x4: {  	s13 =	simm.s32 $0x2;
	s1 =	stileid.u32;
	s3 =	sshll.u32 s5, $0x4  }
0x5: {  	s14 =	simm.s32 $0x5000;
	s15 =	simm.s32 $0x0;
	s6 =	sor.u32 s1, s3  }
0x6: {  	[smem:$0x7FF] =	sst s2;
	s5 =	ssub.s32 $0x2, s5;
	s7 =	smul.u32 $0x2800, s6  }
0x7: {  	s8 =	sadd.s32 $0x19400, s4;
	s9 =	sshrl.u32 s5, $0x1;
	s6 =	smul.u32 $0x500, s6  }
0x8: {  	_ =	strace $0x8000004D;
	s3 =	sadd.s32 $0x5600, s4;
	s9 =	ssub.s32 s5, s9  }
0x9: {  	s7 =	sshrl.u32 s7, $0x3;
	s4 =	sadd.s32 s6, s4;
	s5 =	sadd.s32 s8, s6  }
0xa: {  	s7 =	sadd.s32 s8, s7;
	s4 =	sadd.s32 $0xF400, s4;
	s8 =	simm.s32 $0x3  }
0xb: {  	v0 =	vimm.f32 $0.0e+00;
	s6 =	sadd.s32 $0xA000, s7;
	s7 =	smax.u32 s9, $0x1;
	s9 =	simm.s32 $0x7800  }
.LBB2_1:
0xc: {  	[tilespmem:s2], [sflag:$0x3] =	stream.linear.gather [hbm4b:s4+s2], $0x2800, $0x38;
	[tilespmem:$0xAA00] =	vst v63  }
0xd: {  	_ =	swait.ge [sflag:s8], $0x2800  }
0xe: {  	[sflag:s8] =	ssyncset.done $0x0  }
0xf: {  	s16 =	simm.s32 $0x40;
	s17 =	simm.s32 $0x0;
	[sflag:s8] =	ssyncadd.s32 $0xFFFFD800  }
.LBB2_2:
0x10: {  	p0 =	sne.s32 s16, $0x9FC0;
	[tilespmem:s17+$0x2800] =	vst v0;
	s18 =	smov.u32 s16;
	s16 =	sadd.s32 $0x40, s16  }
.Ltmp0:
0x11: {  	[tilespmem:s17+$0x5000] =	vst v0;
	(pc) =	sbr.rel @p0 .LBB2_2-.Ltmp0, $2  }
0x12: {  	_ =	sdelay $0x2  }
0x13: {  	s17 =	sshra.s32 s18, $0x2  }
0x14: {  	[tilespmem:s17+$0x2800] =	vst v0  }
0x15: {  	[tilespmem:s17+$0x5000] =	vst v0;
	s16 =	simm.s32 $0x0;
	s17 =	simm.s32 $0x0  }
0x16: {  	[tilespmem:s9], [sflag:$0x1] =	stream.linear.gather [hbm4b:s3+s16], $0x1900, $0x38;
	[tilespmem:$0xAA00] =	vst v63  }
.LBB2_4:
0x17: {  	s18 =	smul.u32 $0x3200, s17;
	_ =	sdelay $0x1  }
0x18: {  	_ =	swait.ge [sflag:s10], $0x1900;
	s19 =	sshrl.u32 s18, $0x3  }
0x19: {  	[sflag:s10] =	ssyncset.done $0x0;
	s19 =	sadd.s32 s3, s19  }
0x1a: {  	s31 =	simm.s32 $0x0;
	[sflag:s10] =	ssyncadd.s32 $0xFFFFE700;
	s19 =	sadd.s32 $0x320, s19  }
0x1b: {  	[tilespmem:s11], [sflag:$0x2] =	stream.linear.gather [hbm4b:s19+s16], $0x1900, $0x38;
	[tilespmem:$0xAA00] =	vst v63  }
0x1c: {  	v1 =	vld [tilespmem:s31+$0x78E0]  }
0x1d: {  	v2 =	vld [tilespmem:s31+$0x7830]  }
0x1e: {  	v3 =	vld [tilespmem:s31+$0x78B0]  }
0x1f: {  	v4 =	vld [tilespmem:s31+$0x7860]  }
0x20: {  	v5 =	vld [tilespmem:s31+$0x78A0]  }
0x21: {  	v6 =	vld [tilespmem:s31+$0x7890]  }
0x22: {  	v7 =	vld [tilespmem:s31+$0x7820]  }
0x23: {  	v8 =	vld [tilespmem:s31+$0x7840]  }
0x24: {  	v9 =	vld [tilespmem:s31+$0x7850]  }
0x25: {  	v10 =	vld [tilespmem:s31+$0x78F0]  }
0x26: {  	v11 =	vld [tilespmem:s31+$0x7810]  }
0x27: {  	v13 =	vld [tilespmem:s31+$0x7800];
	v12 =	vand.u32 $0x3FFF, v1  }
0x28: {  	v15 =	vld [tilespmem:s31+$0x7870];
	v14 =	vand.u32 $0x3FFF, v7  }
0x29: {  	v17 =	vld [tilespmem:s31+$0x78C0];
	v16 =	vand.u32 $0x3FFF, v9  }
0x2a: {  	v19 =	vld [tilespmem:s31+$0x78D0];
	v18 =	vand.u32 $0x3FFF, v8  }
0x2b: {  	v21 =	vld [tilespmem:s31+$0x7880];
	v20 =	vand.u32 $0x3FFF, v11  }
0x2c: {  	v22 =	vand.u32 $0x3FFF, v10;
	v12 =	vld.idx.msk [tilespmem:v12+s2+$0x0], $0xffff  }
0x2d: {  	v23 =	vand.u32 $0x3FFF, v13;
	v14 =	vld.idx.msk [tilespmem:v14+s2+$0x0], $0xffff  }
0x2e: {  	v24 =	vand.u32 $0x3FFF, v4;
	v16 =	vld.idx.msk [tilespmem:v16+s2+$0x0], $0xffff  }
0x2f: {  	v25 =	vand.u32 $0x3FFF, v3;
	v18 =	vld.idx.msk [tilespmem:v18+s2+$0x0], $0xffff  }
0x30: {  	v26 =	vand.u32 $0x3FFF, v6;
	v20 =	vld.idx.msk [tilespmem:v20+s2+$0x0], $0xffff  }
0x31: {  	v27 =	vand.u32 $0x3FFF, v21;
	v22 =	vld.idx.msk [tilespmem:v22+s2+$0x0], $0xffff  }
0x32: {  	v28 =	vand.u32 $0x3FFF, v19;
	v23 =	vld.idx.msk [tilespmem:v23+s2+$0x0], $0xffff  }
0x33: {  	v29 =	vand.u32 $0x3FFF, v17;
	v24 =	vld.idx.msk [tilespmem:v24+s2+$0x0], $0xffff  }
0x34: {  	v30 =	vand.u32 $0x3FFF, v2;
	v25 =	vld.idx.msk [tilespmem:v25+s2+$0x0], $0xffff  }
0x35: {  	v31 =	vand.u32 $0x3FFF, v5;
	v26 =	vld.idx.msk [tilespmem:v26+s2+$0x0], $0xffff  }
0x36: {  	v32 =	vand.u32 $0x3FFF, v15;
	v27 =	vld.idx.msk [tilespmem:v27+s2+$0x0], $0xffff  }
0x37: {  	v13 =	vshrl.u32 v13, $0xE;
	v28 =	vld.idx.msk [tilespmem:v28+s2+$0x0], $0xffff  }
0x38: {  	v33 =	vadd.s32 $0x2800, v13;
	v29 =	vld.idx.msk [tilespmem:v29+s2+$0x0], $0xffff  }
0x39: {  	v11 =	vshrl.u32 v11, $0xE;
	v30 =	vld.idx.msk [tilespmem:v30+s2+$0x0], $0xffff  }
0x3a: {  	v34 =	vadd.s32 $0x2800, v11;
	v31 =	vld.idx.msk [tilespmem:v31+s2+$0x0], $0xffff  }
0x3b: {  	v7 =	vshrl.u32 v7, $0xE;
	v32 =	vld.idx.msk [tilespmem:v32+s2+$0x0], $0xffff;
	v35 =	vshll.u32 v23, $0x10  }
0x3c: {  	v61 =	vadd.s32 $0x2800, v7;
	v23 =	vand.u32 $0xFFFF0000, v23;
	[tilespmem:v13+s12+$0x0] =	vst.idx.add.f32.msk $0xffff, v35  }
0x3d: {  	v2 =	vshrl.u32 v2, $0xE;
	v62 =	vshll.u32 v20, $0x10;
	[tilespmem:v33+s12+$0x0] =	vst.idx.add.f32.msk $0xffff, v23  }
0x3e: {  	v63 =	vadd.s32 $0x2800, v2;
	v20 =	vand.u32 $0xFFFF0000, v20;
	[tilespmem:v11+s12+$0x0] =	vst.idx.add.f32.msk $0xffff, v62  }
0x3f: {  	v8 =	vshrl.u32 v8, $0xE;
	v33 =	vshll.u32 v14, $0x10;
	[tilespmem:v34+s12+$0x0] =	vst.idx.add.f32.msk $0xffff, v20  }
0x40: {  	v35 =	vadd.s32 $0x2800, v8;
	v14 =	vand.u32 $0xFFFF0000, v14;
	[tilespmem:v7+s12+$0x0] =	vst.idx.add.f32.msk $0xffff, v33  }
0x41: {  	v9 =	vshrl.u32 v9, $0xE;
	v36 =	vshll.u32 v30, $0x10;
	[tilespmem:v61+s12+$0x0] =	vst.idx.add.f32.msk $0xffff, v14  }
0x42: {  	v37 =	vand.u32 $0xFFFF0000, v30;
	[tilespmem:v2+s12+$0x0] =	vst.idx.add.f32.msk $0xffff, v36;
	v2 =	vadd.s32 $0x2800, v9  }
0x43: {  	v4 =	vshrl.u32 v4, $0xE;
	v38 =	vshll.u32 v18, $0x10;
	[tilespmem:v63+s12+$0x0] =	vst.idx.add.f32.msk $0xffff, v37  }
0x44: {  	v40 =	vadd.s32 $0x2800, v4;
	v39 =	vand.u32 $0xFFFF0000, v18;
	[tilespmem:v8+s12+$0x0] =	vst.idx.add.f32.msk $0xffff, v38  }
0x45: {  	v42 =	vshrl.u32 v15, $0xE;
	v41 =	vshll.u32 v16, $0x10;
	[tilespmem:v35+s12+$0x0] =	vst.idx.add.f32.msk $0xffff, v39  }
0x46: {  	v44 =	vadd.s32 $0x2800, v42;
	v43 =	vand.u32 $0xFFFF0000, v16;
	[tilespmem:v9+s12+$0x0] =	vst.idx.add.f32.msk $0xffff, v41  }
0x47: {  	v46 =	vshrl.u32 v21, $0xE;
	v45 =	vshll.u32 v24, $0x10;
	[tilespmem:v2+s12+$0x0] =	vst.idx.add.f32.msk $0xffff, v43  }
0x48: {  	v47 =	vadd.s32 $0x2800, v46;
	v2 =	vand.u32 $0xFFFF0000, v24;
	[tilespmem:v4+s12+$0x0] =	vst.idx.add.f32.msk $0xffff, v45  }
0x49: {  	v6 =	vshrl.u32 v6, $0xE;
	v48 =	vshll.u32 v32, $0x10;
	[tilespmem:v40+s12+$0x0] =	vst.idx.add.f32.msk $0xffff, v2  }
0x4a: {  	v49 =	vadd.s32 $0x2800, v6;
	v2 =	vand.u32 $0xFFFF0000, v32;
	[tilespmem:v42+s12+$0x0] =	vst.idx.add.f32.msk $0xffff, v48  }
0x4b: {  	v5 =	vshrl.u32 v5, $0xE;
	v50 =	vshll.u32 v27, $0x10;
	[tilespmem:v44+s12+$0x0] =	vst.idx.add.f32.msk $0xffff, v2  }
0x4c: {  	v51 =	vadd.s32 $0x2800, v5;
	v2 =	vand.u32 $0xFFFF0000, v27;
	[tilespmem:v46+s12+$0x0] =	vst.idx.add.f32.msk $0xffff, v50  }
0x4d: {  	v3 =	vshrl.u32 v3, $0xE;
	v52 =	vshll.u32 v26, $0x10;
	[tilespmem:v47+s12+$0x0] =	vst.idx.add.f32.msk $0xffff, v2  }
0x4e: {  	v53 =	vadd.s32 $0x2800, v3;
	v2 =	vand.u32 $0xFFFF0000, v26;
	[tilespmem:v6+s12+$0x0] =	vst.idx.add.f32.msk $0xffff, v52  }
0x4f: {  	v55 =	vshrl.u32 v17, $0xE;
	v54 =	vshll.u32 v31, $0x10;
	[tilespmem:v49+s12+$0x0] =	vst.idx.add.f32.msk $0xffff, v2  }
0x50: {  	v56 =	vadd.s32 $0x2800, v55;
	v2 =	vand.u32 $0xFFFF0000, v31;
	[tilespmem:v5+s12+$0x0] =	vst.idx.add.f32.msk $0xffff, v54  }
0x51: {  	v58 =	vshrl.u32 v19, $0xE;
	v57 =	vshll.u32 v25, $0x10;
	[tilespmem:v51+s12+$0x0] =	vst.idx.add.f32.msk $0xffff, v2  }
0x52: {  	v2 =	vand.u32 $0xFFFF0000, v25;
	[tilespmem:v3+s12+$0x0] =	vst.idx.add.f32.msk $0xffff, v57;
	v3 =	vadd.s32 $0x2800, v58  }
0x53: {  	v1 =	vshrl.u32 v1, $0xE;
	v59 =	vshll.u32 v29, $0x10;
	[tilespmem:v53+s12+$0x0] =	vst.idx.add.f32.msk $0xffff, v2  }
0x54: {  	v2 =	vand.u32 $0xFFFF0000, v29;
	[tilespmem:v55+s12+$0x0] =	vst.idx.add.f32.msk $0xffff, v59  }
0x55: {  	v61 =	vshll.u32 v28, $0x10;
	[tilespmem:v56+s12+$0x0] =	vst.idx.add.f32.msk $0xffff, v2  }
0x56: {  	v60 =	vadd.s32 $0x2800, v1;
	v2 =	vand.u32 $0xFFFF0000, v28;
	[tilespmem:v58+s12+$0x0] =	vst.idx.add.f32.msk $0xffff, v61  }
0x57: {  	v62 =	vshrl.u32 v10, $0xE;
	v63 =	vshll.u32 v12, $0x10;
	[tilespmem:v3+s12+$0x0] =	vst.idx.add.f32.msk $0xffff, v2  }
0x58: {  	[tilespmem:v1+s12+$0x0] =	vst.idx.add.f32.msk $0xffff, v63;
	v1 =	vadd.s32 $0x2800, v62;
	_ =	sdelay $0x1  }
0x59: {  	v2 =	vand.u32 $0xFFFF0000, v12  }
0x5a: {  	v3 =	vshll.u32 v22, $0x10;
	[tilespmem:v60+s12+$0x0] =	vst.idx.add.f32.msk $0xffff, v2  }
0x5b: {  	s19 =	simm.s32 $0x400;
	v2 =	vand.u32 $0xFFFF0000, v22;
	[tilespmem:v62+s12+$0x0] =	vst.idx.add.f32.msk $0xffff, v3  }
.LBB2_5:
0x5c: {  	s20 =	sshra.s32 s19, $0x2;
	p0 =	sne.s32 s19, $0x6000;
	s19 =	sadd.s32 $0x400, s19;
	[tilespmem:v1+s12+$0x0] =	vst.idx.add.f32.msk $0xffff, v2  }
0x5d: {  	v1 =	vld [tilespmem:s20+$0x78E0]  }
0x5e: {  	v10 =	vld [tilespmem:s20+$0x7830]  }
0x5f: {  	v4 =	vld [tilespmem:s20+$0x78B0]  }
0x60: {  	v11 =	vld [tilespmem:s20+$0x7860]  }
0x61: {  	v6 =	vld [tilespmem:s20+$0x78A0]  }
0x62: {  	v9 =	vld [tilespmem:s20+$0x7890];
	v3 =	vand.u32 $0x3FFF, v1  }
0x63: {  	v12 =	vld [tilespmem:s20+$0x7820]  }
0x64: {  	v13 =	vld [tilespmem:s20+$0x7840]  }
0x65: {  	v14 =	vld [tilespmem:s20+$0x7850]  }
0x66: {  	v2 =	vld [tilespmem:s20+$0x78F0]  }
0x67: {  	v15 =	vld [tilespmem:s20+$0x7810]  }
0x68: {  	v16 =	vld [tilespmem:s20+$0x7800];
	v5 =	vand.u32 $0x3FFF, v12  }
0x69: {  	v18 =	vand.u32 $0x3FFF, v9;
	v17 =	vld [tilespmem:s20+$0x7870]  }
0x6a: {  	v20 =	vand.u32 $0x3FFF, v11;
	v19 =	vand.u32 $0x3FFF, v14;
	v8 =	vld [tilespmem:s20+$0x78C0]  }
0x6b: {  	v21 =	vand.u32 $0x3FFF, v10;
	v22 =	vand.u32 $0x3FFF, v13;
	v7 =	vld [tilespmem:s20+$0x78D0]  }
0x6c: {  	v25 =	vand.u32 $0x3FFF, v4;
	v26 =	vand.u32 $0x3FFF, v2;
	v23 =	vand.u32 $0x3FFF, v15;
	v24 =	vld [tilespmem:s20+$0x7880]  }
0x6d: {  	v28 =	vand.u32 $0x3FFF, v6;
	v27 =	vand.u32 $0x3FFF, v16;
	v3 =	vld.idx.msk [tilespmem:v3+s2+$0x0], $0xffff  }
0x6e: {  	v29 =	vld.idx.msk [tilespmem:v5+s2+$0x0], $0xffff;
	v30 =	vand.u32 $0x3FFF, v17  }
0x6f: {  	v19 =	vld.idx.msk [tilespmem:v19+s2+$0x0], $0xffff;
	v31 =	vand.u32 $0x3FFF, v8  }
0x70: {  	v22 =	vld.idx.msk [tilespmem:v22+s2+$0x0], $0xffff;
	v32 =	vand.u32 $0x3FFF, v7  }
0x71: {  	v23 =	vld.idx.msk [tilespmem:v23+s2+$0x0], $0xffff;
	v33 =	vand.u32 $0x3FFF, v24  }
0x72: {  	v5 =	vld.idx.msk [tilespmem:v26+s2+$0x0], $0xffff  }
0x73: {  	v26 =	vld.idx.msk [tilespmem:v27+s2+$0x0], $0xffff  }
0x74: {  	v20 =	vld.idx.msk [tilespmem:v20+s2+$0x0], $0xffff  }
0x75: {  	v25 =	vld.idx.msk [tilespmem:v25+s2+$0x0], $0xffff  }
0x76: {  	v18 =	vld.idx.msk [tilespmem:v18+s2+$0x0], $0xffff  }
0x77: {  	v27 =	vld.idx.msk [tilespmem:v33+s2+$0x0], $0xffff  }
0x78: {  	v16 =	vshrl.u32 v16, $0xE;
	v32 =	vld.idx.msk [tilespmem:v32+s2+$0x0], $0xffff  }
0x79: {  	v33 =	vadd.s32 $0x2800, v16;
	v31 =	vld.idx.msk [tilespmem:v31+s2+$0x0], $0xffff  }
0x7a: {  	v15 =	vshrl.u32 v15, $0xE;
	v21 =	vld.idx.msk [tilespmem:v21+s2+$0x0], $0xffff  }
0x7b: {  	v35 =	vadd.s32 $0x2800, v15;
	v34 =	vshll.u32 v26, $0x10;
	v28 =	vld.idx.msk [tilespmem:v28+s2+$0x0], $0xffff  }
0x7c: {  	v12 =	vshrl.u32 v12, $0xE;
	v26 =	vand.u32 $0xFFFF0000, v26;
	v30 =	vld.idx.msk [tilespmem:v30+s2+$0x0], $0xffff  }
0x7d: {  	[tilespmem:v16+s12+$0x0] =	vst.idx.add.f32.msk $0xffff, v34;
	v16 =	vadd.s32 $0x2800, v12  }
0x7e: {  	v10 =	vshrl.u32 v10, $0xE;
	v34 =	vshll.u32 v23, $0x10;
	[tilespmem:v33+s12+$0x0] =	vst.idx.add.f32.msk $0xffff, v26  }
0x7f: {  	v23 =	vand.u32 $0xFFFF0000, v23;
	[tilespmem:v15+s12+$0x0] =	vst.idx.add.f32.msk $0xffff, v34;
	v15 =	vadd.s32 $0x2800, v10  }
0x80: {  	v13 =	vshrl.u32 v13, $0xE;
	v26 =	vshll.u32 v29, $0x10;
	[tilespmem:v35+s12+$0x0] =	vst.idx.add.f32.msk $0xffff, v23  }
0x81: {  	v23 =	vand.u32 $0xFFFF0000, v29;
	v29 =	vshll.u32 v21, $0x10;
	[tilespmem:v12+s12+$0x0] =	vst.idx.add.f32.msk $0xffff, v26;
	v12 =	vadd.s32 $0x2800, v13  }
0x82: {  	v14 =	vshrl.u32 v14, $0xE;
	v21 =	vand.u32 $0xFFFF0000, v21;
	[tilespmem:v16+s12+$0x0] =	vst.idx.add.f32.msk $0xffff, v23  }
0x83: {  	[tilespmem:v10+s12+$0x0] =	vst.idx.add.f32.msk $0xffff, v29;
	v10 =	vadd.s32 $0x2800, v14  }
0x84: {  	v11 =	vshrl.u32 v11, $0xE;
	v16 =	vshll.u32 v22, $0x10;
	[tilespmem:v15+s12+$0x0] =	vst.idx.add.f32.msk $0xffff, v21  }
0x85: {  	v15 =	vand.u32 $0xFFFF0000, v22;
	[tilespmem:v13+s12+$0x0] =	vst.idx.add.f32.msk $0xffff, v16;
	v13 =	vadd.s32 $0x2800, v11  }
0x86: {  	v17 =	vshrl.u32 v17, $0xE;
	v16 =	vshll.u32 v19, $0x10;
	[tilespmem:v12+s12+$0x0] =	vst.idx.add.f32.msk $0xffff, v15  }
0x87: {  	v12 =	vand.u32 $0xFFFF0000, v19;
	[tilespmem:v14+s12+$0x0] =	vst.idx.add.f32.msk $0xffff, v16;
	v14 =	vadd.s32 $0x2800, v17  }
0x88: {  	v15 =	vshll.u32 v20, $0x10;
	v16 =	vshrl.u32 v24, $0xE;
	[tilespmem:v10+s12+$0x0] =	vst.idx.add.f32.msk $0xffff, v12  }
0x89: {  	v10 =	vand.u32 $0xFFFF0000, v20;
	[tilespmem:v11+s12+$0x0] =	vst.idx.add.f32.msk $0xffff, v15;
	v11 =	vadd.s32 $0x2800, v16  }
0x8a: {  	v9 =	vshrl.u32 v9, $0xE;
	v12 =	vshll.u32 v30, $0x10;
	[tilespmem:v13+s12+$0x0] =	vst.idx.add.f32.msk $0xffff, v10  }
0x8b: {  	v10 =	vand.u32 $0xFFFF0000, v30;
	[tilespmem:v17+s12+$0x0] =	vst.idx.add.f32.msk $0xffff, v12;
	v12 =	vadd.s32 $0x2800, v9  }
0x8c: {  	v6 =	vshrl.u32 v6, $0xE;
	v13 =	vshll.u32 v27, $0x10;
	[tilespmem:v14+s12+$0x0] =	vst.idx.add.f32.msk $0xffff, v10  }
0x8d: {  	v10 =	vand.u32 $0xFFFF0000, v27;
	[tilespmem:v16+s12+$0x0] =	vst.idx.add.f32.msk $0xffff, v13;
	v13 =	vadd.s32 $0x2800, v6  }
0x8e: {  	v4 =	vshrl.u32 v4, $0xE;
	v14 =	vshll.u32 v18, $0x10;
	[tilespmem:v11+s12+$0x0] =	vst.idx.add.f32.msk $0xffff, v10  }
0x8f: {  	v10 =	vand.u32 $0xFFFF0000, v18;
	[tilespmem:v9+s12+$0x0] =	vst.idx.add.f32.msk $0xffff, v14;
	v9 =	vadd.s32 $0x2800, v4  }
0x90: {  	v8 =	vshrl.u32 v8, $0xE;
	v11 =	vshll.u32 v28, $0x10;
	[tilespmem:v12+s12+$0x0] =	vst.idx.add.f32.msk $0xffff, v10  }
0x91: {  	v10 =	vand.u32 $0xFFFF0000, v28;
	[tilespmem:v6+s12+$0x0] =	vst.idx.add.f32.msk $0xffff, v11;
	v6 =	vadd.s32 $0x2800, v8  }
0x92: {  	v7 =	vshrl.u32 v7, $0xE;
	v11 =	vshll.u32 v25, $0x10;
	[tilespmem:v13+s12+$0x0] =	vst.idx.add.f32.msk $0xffff, v10  }
0x93: {  	v10 =	vand.u32 $0xFFFF0000, v25;
	[tilespmem:v4+s12+$0x0] =	vst.idx.add.f32.msk $0xffff, v11;
	v4 =	vadd.s32 $0x2800, v7  }
0x94: {  	v12 =	vshrl.u32 v1, $0xE;
	v11 =	vshll.u32 v31, $0x10;
	[tilespmem:v9+s12+$0x0] =	vst.idx.add.f32.msk $0xffff, v10  }
0x95: {  	v1 =	vand.u32 $0xFFFF0000, v31;
	[tilespmem:v8+s12+$0x0] =	vst.idx.add.f32.msk $0xffff, v11;
	v8 =	vadd.s32 $0x2800, v12  }
0x96: {  	v9 =	vshll.u32 v32, $0x10;
	v10 =	vshrl.u32 v2, $0xE;
	[tilespmem:v6+s12+$0x0] =	vst.idx.add.f32.msk $0xffff, v1  }
.Ltmp1:
0x97: {  	v2 =	vand.u32 $0xFFFF0000, v32;
	v1 =	vadd.s32 $0x2800, v10;
	[tilespmem:v7+s12+$0x0] =	vst.idx.add.f32.msk $0xffff, v9;
	(pc) =	sbr.rel @p0 .LBB2_5-.Ltmp1, $4  }
0x98: {  	v6 =	vshll.u32 v3, $0x10;
	[tilespmem:v4+s12+$0x0] =	vst.idx.add.f32.msk $0xffff, v2  }
0x99: {  	v2 =	vand.u32 $0xFFFF0000, v3;
	[tilespmem:v12+s12+$0x0] =	vst.idx.add.f32.msk $0xffff, v6  }
0x9a: {  	v3 =	vshll.u32 v5, $0x10;
	[tilespmem:v8+s12+$0x0] =	vst.idx.add.f32.msk $0xffff, v2  }
0x9b: {  	v2 =	vand.u32 $0xFFFF0000, v5;
	[tilespmem:v10+s12+$0x0] =	vst.idx.add.f32.msk $0xffff, v3  }
0x9c: {  	_ =	sdelay $0x2  }
0x9d: {  	p0 =	seq.s32 s17, $0x18  }
0x9e: {  	[tilespmem:v1+s12+$0x0] =	vst.idx.add.f32.msk $0xffff, v2;
	s18 =	smin.u32 @!p0 s18, $0x49700  }
0x9f: {  	s31 =	simm.s32 $0x0;
	_ =	swait.ge [sflag:s13], $0x1900;
	s18 =	sshrl.u32 @!p0 s18, $0x3  }
0xa0: {  	s19 =	simm.s32 @!p0 $0x0;
	[sflag:s13] =	ssyncset.done $0x0;
	s18 =	sadd.s32 @!p0 s3, s18  }
0xa1: {  	s20 =	simm.s32 @!p0 $0x7800;
	[sflag:s13] =	ssyncadd.s32 $0xFFFFE700;
	s18 =	sadd.s32 @!p0 $0x640, s18  }
0xa2: {  	[tilespmem:s20], [sflag:$0x1] =	stream.linear.gather @!p0 [hbm4b:s18+s19], $0x1900, $0x38;
	[tilespmem:$0xAA00] =	vst v63  }
0xa3: {  	v1 =	vld [tilespmem:s31+$0x91E0]  }
0xa4: {  	v2 =	vld [tilespmem:s31+$0x9130]  }
0xa5: {  	v3 =	vld [tilespmem:s31+$0x91B0]  }
0xa6: {  	v4 =	vld [tilespmem:s31+$0x9160]  }
0xa7: {  	v5 =	vld [tilespmem:s31+$0x91A0]  }
0xa8: {  	v6 =	vld [tilespmem:s31+$0x9190]  }
0xa9: {  	v7 =	vld [tilespmem:s31+$0x9120]  }
0xaa: {  	v8 =	vld [tilespmem:s31+$0x9140]  }
0xab: {  	v9 =	vld [tilespmem:s31+$0x9150]  }
0xac: {  	v10 =	vld [tilespmem:s31+$0x91F0]  }
0xad: {  	v11 =	vld [tilespmem:s31+$0x9110]  }
0xae: {  	v13 =	vld [tilespmem:s31+$0x9100];
	v12 =	vand.u32 $0x3FFF, v1  }
0xaf: {  	v15 =	vld [tilespmem:s31+$0x9170];
	v14 =	vand.u32 $0x3FFF, v7  }
0xb0: {  	v17 =	vld [tilespmem:s31+$0x91C0];
	v16 =	vand.u32 $0x3FFF, v9  }
0xb1: {  	v19 =	vld [tilespmem:s31+$0x91D0];
	v18 =	vand.u32 $0x3FFF, v8  }
0xb2: {  	v21 =	vld [tilespmem:s31+$0x9180];
	v20 =	vand.u32 $0x3FFF, v11  }
0xb3: {  	v22 =	vand.u32 $0x3FFF, v10;
	v12 =	vld.idx.msk [tilespmem:v12+s2+$0x0], $0xffff  }
0xb4: {  	v23 =	vand.u32 $0x3FFF, v13;
	v14 =	vld.idx.msk [tilespmem:v14+s2+$0x0], $0xffff  }
0xb5: {  	v24 =	vand.u32 $0x3FFF, v4;
	v16 =	vld.idx.msk [tilespmem:v16+s2+$0x0], $0xffff  }
0xb6: {  	v25 =	vand.u32 $0x3FFF, v3;
	v18 =	vld.idx.msk [tilespmem:v18+s2+$0x0], $0xffff  }
0xb7: {  	v26 =	vand.u32 $0x3FFF, v6;
	v20 =	vld.idx.msk [tilespmem:v20+s2+$0x0], $0xffff  }
0xb8: {  	v27 =	vand.u32 $0x3FFF, v21;
	v22 =	vld.idx.msk [tilespmem:v22+s2+$0x0], $0xffff  }
0xb9: {  	v28 =	vand.u32 $0x3FFF, v19;
	v23 =	vld.idx.msk [tilespmem:v23+s2+$0x0], $0xffff  }
0xba: {  	v29 =	vand.u32 $0x3FFF, v17;
	v24 =	vld.idx.msk [tilespmem:v24+s2+$0x0], $0xffff  }
0xbb: {  	v30 =	vand.u32 $0x3FFF, v2;
	v25 =	vld.idx.msk [tilespmem:v25+s2+$0x0], $0xffff  }
0xbc: {  	v31 =	vand.u32 $0x3FFF, v5;
	v26 =	vld.idx.msk [tilespmem:v26+s2+$0x0], $0xffff  }
0xbd: {  	v32 =	vand.u32 $0x3FFF, v15;
	v27 =	vld.idx.msk [tilespmem:v27+s2+$0x0], $0xffff  }
0xbe: {  	v13 =	vshrl.u32 v13, $0xE;
	v28 =	vld.idx.msk [tilespmem:v28+s2+$0x0], $0xffff  }
0xbf: {  	v33 =	vadd.s32 $0x2800, v13;
	v29 =	vld.idx.msk [tilespmem:v29+s2+$0x0], $0xffff  }
0xc0: {  	v11 =	vshrl.u32 v11, $0xE;
	v30 =	vld.idx.msk [tilespmem:v30+s2+$0x0], $0xffff  }
0xc1: {  	v34 =	vadd.s32 $0x2800, v11;
	v31 =	vld.idx.msk [tilespmem:v31+s2+$0x0], $0xffff  }
0xc2: {  	v7 =	vshrl.u32 v7, $0xE;
	v32 =	vld.idx.msk [tilespmem:v32+s2+$0x0], $0xffff;
	v35 =	vshll.u32 v23, $0x10  }
0xc3: {  	v61 =	vadd.s32 $0x2800, v7;
	v23 =	vand.u32 $0xFFFF0000, v23;
	[tilespmem:v13+s12+$0x0] =	vst.idx.add.f32.msk $0xffff, v35  }
0xc4: {  	v2 =	vshrl.u32 v2, $0xE;
	v62 =	vshll.u32 v20, $0x10;
	[tilespmem:v33+s12+$0x0] =	vst.idx.add.f32.msk $0xffff, v23  }
0xc5: {  	v63 =	vadd.s32 $0x2800, v2;
	v20 =	vand.u32 $0xFFFF0000, v20;
	[tilespmem:v11+s12+$0x0] =	vst.idx.add.f32.msk $0xffff, v62  }
0xc6: {  	v8 =	vshrl.u32 v8, $0xE;
	v33 =	vshll.u32 v14, $0x10;
	[tilespmem:v34+s12+$0x0] =	vst.idx.add.f32.msk $0xffff, v20  }
0xc7: {  	v35 =	vadd.s32 $0x2800, v8;
	v14 =	vand.u32 $0xFFFF0000, v14;
	[tilespmem:v7+s12+$0x0] =	vst.idx.add.f32.msk $0xffff, v33  }
0xc8: {  	v9 =	vshrl.u32 v9, $0xE;
	v36 =	vshll.u32 v30, $0x10;
	[tilespmem:v61+s12+$0x0] =	vst.idx.add.f32.msk $0xffff, v14  }
0xc9: {  	v37 =	vand.u32 $0xFFFF0000, v30;
	[tilespmem:v2+s12+$0x0] =	vst.idx.add.f32.msk $0xffff, v36;
	v2 =	vadd.s32 $0x2800, v9  }
0xca: {  	v4 =	vshrl.u32 v4, $0xE;
	v38 =	vshll.u32 v18, $0x10;
	[tilespmem:v63+s12+$0x0] =	vst.idx.add.f32.msk $0xffff, v37  }
0xcb: {  	v40 =	vadd.s32 $0x2800, v4;
	v39 =	vand.u32 $0xFFFF0000, v18;
	[tilespmem:v8+s12+$0x0] =	vst.idx.add.f32.msk $0xffff, v38  }
0xcc: {  	v42 =	vshrl.u32 v15, $0xE;
	v41 =	vshll.u32 v16, $0x10;
	[tilespmem:v35+s12+$0x0] =	vst.idx.add.f32.msk $0xffff, v39  }
0xcd: {  	v44 =	vadd.s32 $0x2800, v42;
	v43 =	vand.u32 $0xFFFF0000, v16;
	[tilespmem:v9+s12+$0x0] =	vst.idx.add.f32.msk $0xffff, v41  }
0xce: {  	v46 =	vshrl.u32 v21, $0xE;
	v45 =	vshll.u32 v24, $0x10;
	[tilespmem:v2+s12+$0x0] =	vst.idx.add.f32.msk $0xffff, v43  }
0xcf: {  	v47 =	vadd.s32 $0x2800, v46;
	v2 =	vand.u32 $0xFFFF0000, v24;
	[tilespmem:v4+s12+$0x0] =	vst.idx.add.f32.msk $0xffff, v45  }
0xd0: {  	v6 =	vshrl.u32 v6, $0xE;
	v48 =	vshll.u32 v32, $0x10;
	[tilespmem:v40+s12+$0x0] =	vst.idx.add.f32.msk $0xffff, v2  }
0xd1: {  	v49 =	vadd.s32 $0x2800, v6;
	v2 =	vand.u32 $0xFFFF0000, v32;
	[tilespmem:v42+s12+$0x0] =	vst.idx.add.f32.msk $0xffff, v48  }
0xd2: {  	v5 =	vshrl.u32 v5, $0xE;
	v50 =	vshll.u32 v27, $0x10;
	[tilespmem:v44+s12+$0x0] =	vst.idx.add.f32.msk $0xffff, v2  }
0xd3: {  	v51 =	vadd.s32 $0x2800, v5;
	v2 =	vand.u32 $0xFFFF0000, v27;
	[tilespmem:v46+s12+$0x0] =	vst.idx.add.f32.msk $0xffff, v50  }
0xd4: {  	v3 =	vshrl.u32 v3, $0xE;
	v52 =	vshll.u32 v26, $0x10;
	[tilespmem:v47+s12+$0x0] =	vst.idx.add.f32.msk $0xffff, v2  }
0xd5: {  	v53 =	vadd.s32 $0x2800, v3;
	v2 =	vand.u32 $0xFFFF0000, v26;
	[tilespmem:v6+s12+$0x0] =	vst.idx.add.f32.msk $0xffff, v52  }
0xd6: {  	v55 =	vshrl.u32 v17, $0xE;
	v54 =	vshll.u32 v31, $0x10;
	[tilespmem:v49+s12+$0x0] =	vst.idx.add.f32.msk $0xffff, v2  }
0xd7: {  	v56 =	vadd.s32 $0x2800, v55;
	v2 =	vand.u32 $0xFFFF0000, v31;
	[tilespmem:v5+s12+$0x0] =	vst.idx.add.f32.msk $0xffff, v54  }
0xd8: {  	v58 =	vshrl.u32 v19, $0xE;
	v57 =	vshll.u32 v25, $0x10;
	[tilespmem:v51+s12+$0x0] =	vst.idx.add.f32.msk $0xffff, v2  }
0xd9: {  	v2 =	vand.u32 $0xFFFF0000, v25;
	[tilespmem:v3+s12+$0x0] =	vst.idx.add.f32.msk $0xffff, v57;
	v3 =	vadd.s32 $0x2800, v58  }
0xda: {  	v1 =	vshrl.u32 v1, $0xE;
	v59 =	vshll.u32 v29, $0x10;
	[tilespmem:v53+s12+$0x0] =	vst.idx.add.f32.msk $0xffff, v2  }
0xdb: {  	v2 =	vand.u32 $0xFFFF0000, v29;
	[tilespmem:v55+s12+$0x0] =	vst.idx.add.f32.msk $0xffff, v59  }
0xdc: {  	v61 =	vshll.u32 v28, $0x10;
	[tilespmem:v56+s12+$0x0] =	vst.idx.add.f32.msk $0xffff, v2  }
0xdd: {  	v60 =	vadd.s32 $0x2800, v1;
	v2 =	vand.u32 $0xFFFF0000, v28;
	[tilespmem:v58+s12+$0x0] =	vst.idx.add.f32.msk $0xffff, v61  }
0xde: {  	v62 =	vshrl.u32 v10, $0xE;
	v63 =	vshll.u32 v12, $0x10;
	[tilespmem:v3+s12+$0x0] =	vst.idx.add.f32.msk $0xffff, v2  }
0xdf: {  	[tilespmem:v1+s12+$0x0] =	vst.idx.add.f32.msk $0xffff, v63;
	v1 =	vadd.s32 $0x2800, v62;
	_ =	sdelay $0x1  }
0xe0: {  	v2 =	vand.u32 $0xFFFF0000, v12  }
0xe1: {  	v3 =	vshll.u32 v22, $0x10;
	[tilespmem:v60+s12+$0x0] =	vst.idx.add.f32.msk $0xffff, v2  }
0xe2: {  	s18 =	simm.s32 $0x400;
	v2 =	vand.u32 $0xFFFF0000, v22;
	[tilespmem:v62+s12+$0x0] =	vst.idx.add.f32.msk $0xffff, v3  }
.LBB2_7:
0xe3: {  	s19 =	sshra.s32 s18, $0x2;
	p0 =	sne.s32 s18, $0x6000;
	s18 =	sadd.s32 $0x400, s18;
	[tilespmem:v1+s12+$0x0] =	vst.idx.add.f32.msk $0xffff, v2  }
0xe4: {  	v1 =	vld [tilespmem:s19+$0x91E0]  }
0xe5: {  	v10 =	vld [tilespmem:s19+$0x9130]  }
0xe6: {  	v4 =	vld [tilespmem:s19+$0x91B0]  }
0xe7: {  	v11 =	vld [tilespmem:s19+$0x9160]  }
0xe8: {  	v6 =	vld [tilespmem:s19+$0x91A0]  }
0xe9: {  	v9 =	vld [tilespmem:s19+$0x9190];
	v3 =	vand.u32 $0x3FFF, v1  }
0xea: {  	v12 =	vld [tilespmem:s19+$0x9120]  }
0xeb: {  	v13 =	vld [tilespmem:s19+$0x9140]  }
0xec: {  	v14 =	vld [tilespmem:s19+$0x9150]  }
0xed: {  	v2 =	vld [tilespmem:s19+$0x91F0]  }
0xee: {  	v15 =	vld [tilespmem:s19+$0x9110]  }
0xef: {  	v16 =	vld [tilespmem:s19+$0x9100];
	v5 =	vand.u32 $0x3FFF, v12  }
0xf0: {  	v18 =	vand.u32 $0x3FFF, v9;
	v17 =	vld [tilespmem:s19+$0x9170]  }
0xf1: {  	v20 =	vand.u32 $0x3FFF, v11;
	v19 =	vand.u32 $0x3FFF, v14;
	v8 =	vld [tilespmem:s19+$0x91C0]  }
0xf2: {  	v21 =	vand.u32 $0x3FFF, v10;
	v22 =	vand.u32 $0x3FFF, v13;
	v7 =	vld [tilespmem:s19+$0x91D0]  }
0xf3: {  	v25 =	vand.u32 $0x3FFF, v4;
	v26 =	vand.u32 $0x3FFF, v2;
	v23 =	vand.u32 $0x3FFF, v15;
	v24 =	vld [tilespmem:s19+$0x9180]  }
0xf4: {  	v28 =	vand.u32 $0x3FFF, v6;
	v27 =	vand.u32 $0x3FFF, v16;
	v3 =	vld.idx.msk [tilespmem:v3+s2+$0x0], $0xffff  }
0xf5: {  	v29 =	vld.idx.msk [tilespmem:v5+s2+$0x0], $0xffff;
	v30 =	vand.u32 $0x3FFF, v17  }
0xf6: {  	v19 =	vld.idx.msk [tilespmem:v19+s2+$0x0], $0xffff;
	v31 =	vand.u32 $0x3FFF, v8  }
0xf7: {  	v22 =	vld.idx.msk [tilespmem:v22+s2+$0x0], $0xffff;
	v32 =	vand.u32 $0x3FFF, v7  }
0xf8: {  	v23 =	vld.idx.msk [tilespmem:v23+s2+$0x0], $0xffff;
	v33 =	vand.u32 $0x3FFF, v24  }
0xf9: {  	v5 =	vld.idx.msk [tilespmem:v26+s2+$0x0], $0xffff  }
0xfa: {  	v26 =	vld.idx.msk [tilespmem:v27+s2+$0x0], $0xffff  }
0xfb: {  	v20 =	vld.idx.msk [tilespmem:v20+s2+$0x0], $0xffff  }
0xfc: {  	v25 =	vld.idx.msk [tilespmem:v25+s2+$0x0], $0xffff  }
0xfd: {  	v18 =	vld.idx.msk [tilespmem:v18+s2+$0x0], $0xffff  }
0xfe: {  	v27 =	vld.idx.msk [tilespmem:v33+s2+$0x0], $0xffff  }
0xff: {  	v16 =	vshrl.u32 v16, $0xE;
	v32 =	vld.idx.msk [tilespmem:v32+s2+$0x0], $0xffff  }
0x100: {  	v33 =	vadd.s32 $0x2800, v16;
	v31 =	vld.idx.msk [tilespmem:v31+s2+$0x0], $0xffff  }
0x101: {  	v15 =	vshrl.u32 v15, $0xE;
	v21 =	vld.idx.msk [tilespmem:v21+s2+$0x0], $0xffff  }
0x102: {  	v35 =	vadd.s32 $0x2800, v15;
	v34 =	vshll.u32 v26, $0x10;
	v28 =	vld.idx.msk [tilespmem:v28+s2+$0x0], $0xffff  }
0x103: {  	v12 =	vshrl.u32 v12, $0xE;
	v26 =	vand.u32 $0xFFFF0000, v26;
	v30 =	vld.idx.msk [tilespmem:v30+s2+$0x0], $0xffff  }
0x104: {  	[tilespmem:v16+s12+$0x0] =	vst.idx.add.f32.msk $0xffff, v34;
	v16 =	vadd.s32 $0x2800, v12  }
0x105: {  	v10 =	vshrl.u32 v10, $0xE;
	v34 =	vshll.u32 v23, $0x10;
	[tilespmem:v33+s12+$0x0] =	vst.idx.add.f32.msk $0xffff, v26  }
0x106: {  	v23 =	vand.u32 $0xFFFF0000, v23;
	[tilespmem:v15+s12+$0x0] =	vst.idx.add.f32.msk $0xffff, v34;
	v15 =	vadd.s32 $0x2800, v10  }
0x107: {  	v13 =	vshrl.u32 v13, $0xE;
	v26 =	vshll.u32 v29, $0x10;
	[tilespmem:v35+s12+$0x0] =	vst.idx.add.f32.msk $0xffff, v23  }
0x108: {  	v23 =	vand.u32 $0xFFFF0000, v29;
	v29 =	vshll.u32 v21, $0x10;
	[tilespmem:v12+s12+$0x0] =	vst.idx.add.f32.msk $0xffff, v26;
	v12 =	vadd.s32 $0x2800, v13  }
0x109: {  	v14 =	vshrl.u32 v14, $0xE;
	v21 =	vand.u32 $0xFFFF0000, v21;
	[tilespmem:v16+s12+$0x0] =	vst.idx.add.f32.msk $0xffff, v23  }
0x10a: {  	[tilespmem:v10+s12+$0x0] =	vst.idx.add.f32.msk $0xffff, v29;
	v10 =	vadd.s32 $0x2800, v14  }
0x10b: {  	v11 =	vshrl.u32 v11, $0xE;
	v16 =	vshll.u32 v22, $0x10;
	[tilespmem:v15+s12+$0x0] =	vst.idx.add.f32.msk $0xffff, v21  }
0x10c: {  	v15 =	vand.u32 $0xFFFF0000, v22;
	[tilespmem:v13+s12+$0x0] =	vst.idx.add.f32.msk $0xffff, v16;
	v13 =	vadd.s32 $0x2800, v11  }
0x10d: {  	v17 =	vshrl.u32 v17, $0xE;
	v16 =	vshll.u32 v19, $0x10;
	[tilespmem:v12+s12+$0x0] =	vst.idx.add.f32.msk $0xffff, v15  }
0x10e: {  	v12 =	vand.u32 $0xFFFF0000, v19;
	[tilespmem:v14+s12+$0x0] =	vst.idx.add.f32.msk $0xffff, v16;
	v14 =	vadd.s32 $0x2800, v17  }
0x10f: {  	v15 =	vshll.u32 v20, $0x10;
	v16 =	vshrl.u32 v24, $0xE;
	[tilespmem:v10+s12+$0x0] =	vst.idx.add.f32.msk $0xffff, v12  }
0x110: {  	v10 =	vand.u32 $0xFFFF0000, v20;
	[tilespmem:v11+s12+$0x0] =	vst.idx.add.f32.msk $0xffff, v15;
	v11 =	vadd.s32 $0x2800, v16  }
0x111: {  	v9 =	vshrl.u32 v9, $0xE;
	v12 =	vshll.u32 v30, $0x10;
	[tilespmem:v13+s12+$0x0] =	vst.idx.add.f32.msk $0xffff, v10  }
0x112: {  	v10 =	vand.u32 $0xFFFF0000, v30;
	[tilespmem:v17+s12+$0x0] =	vst.idx.add.f32.msk $0xffff, v12;
	v12 =	vadd.s32 $0x2800, v9  }
0x113: {  	v6 =	vshrl.u32 v6, $0xE;
	v13 =	vshll.u32 v27, $0x10;
	[tilespmem:v14+s12+$0x0] =	vst.idx.add.f32.msk $0xffff, v10  }
0x114: {  	v10 =	vand.u32 $0xFFFF0000, v27;
	[tilespmem:v16+s12+$0x0] =	vst.idx.add.f32.msk $0xffff, v13;
	v13 =	vadd.s32 $0x2800, v6  }
0x115: {  	v4 =	vshrl.u32 v4, $0xE;
	v14 =	vshll.u32 v18, $0x10;
	[tilespmem:v11+s12+$0x0] =	vst.idx.add.f32.msk $0xffff, v10  }
0x116: {  	v10 =	vand.u32 $0xFFFF0000, v18;
	[tilespmem:v9+s12+$0x0] =	vst.idx.add.f32.msk $0xffff, v14;
	v9 =	vadd.s32 $0x2800, v4  }
0x117: {  	v8 =	vshrl.u32 v8, $0xE;
	v11 =	vshll.u32 v28, $0x10;
	[tilespmem:v12+s12+$0x0] =	vst.idx.add.f32.msk $0xffff, v10  }
0x118: {  	v10 =	vand.u32 $0xFFFF0000, v28;
	[tilespmem:v6+s12+$0x0] =	vst.idx.add.f32.msk $0xffff, v11;
	v6 =	vadd.s32 $0x2800, v8  }
0x119: {  	v7 =	vshrl.u32 v7, $0xE;
	v11 =	vshll.u32 v25, $0x10;
	[tilespmem:v13+s12+$0x0] =	vst.idx.add.f32.msk $0xffff, v10  }
0x11a: {  	v10 =	vand.u32 $0xFFFF0000, v25;
	[tilespmem:v4+s12+$0x0] =	vst.idx.add.f32.msk $0xffff, v11;
	v4 =	vadd.s32 $0x2800, v7  }
0x11b: {  	v12 =	vshrl.u32 v1, $0xE;
	v11 =	vshll.u32 v31, $0x10;
	[tilespmem:v9+s12+$0x0] =	vst.idx.add.f32.msk $0xffff, v10  }
0x11c: {  	v1 =	vand.u32 $0xFFFF0000, v31;
	[tilespmem:v8+s12+$0x0] =	vst.idx.add.f32.msk $0xffff, v11;
	v8 =	vadd.s32 $0x2800, v12  }
0x11d: {  	v9 =	vshll.u32 v32, $0x10;
	v10 =	vshrl.u32 v2, $0xE;
	[tilespmem:v6+s12+$0x0] =	vst.idx.add.f32.msk $0xffff, v1  }
.Ltmp2:
0x11e: {  	v2 =	vand.u32 $0xFFFF0000, v32;
	v1 =	vadd.s32 $0x2800, v10;
	[tilespmem:v7+s12+$0x0] =	vst.idx.add.f32.msk $0xffff, v9;
	(pc) =	sbr.rel @p0 .LBB2_7-.Ltmp2, $4  }
0x11f: {  	v6 =	vshll.u32 v3, $0x10;
	[tilespmem:v4+s12+$0x0] =	vst.idx.add.f32.msk $0xffff, v2  }
0x120: {  	v2 =	vand.u32 $0xFFFF0000, v3;
	[tilespmem:v12+s12+$0x0] =	vst.idx.add.f32.msk $0xffff, v6  }
0x121: {  	v3 =	vshll.u32 v5, $0x10;
	[tilespmem:v8+s12+$0x0] =	vst.idx.add.f32.msk $0xffff, v2  }
0x122: {  	v2 =	vand.u32 $0xFFFF0000, v5;
	[tilespmem:v10+s12+$0x0] =	vst.idx.add.f32.msk $0xffff, v3  }
0x123: {  	s17 =	sadd.s32 $0x1, s17  }
0x124: {  	p0 =	sne.s32 s17, $0x19  }
.Ltmp3:
0x125: {  	_ = 	snop;
	(pc) =	sbr.rel @p0 .LBB2_4-.Ltmp3, $2  }
0x126: {  	_ =	sdelay $0x2  }
0x127: {  	[tilespmem:v1+s12+$0x0] =	vst.idx.add.f32.msk $0xffff, v2  }
0x128: {  	[hbm4b:s5+s2] =	stream.linear.scatter [tilespmem:s12], [sflag:$0x3], $0x2800, $0x38;
	[tilespmem:$0xAA00] =	vst v63  }
0x129: {  	s15 =	sadd.s32 $0x1, s15;
	_ =	swait.ge [sflag:s8], $0x2800  }
0x12a: {  	p0 =	sne.s32 s15, s7;
	[sflag:s8] =	ssyncset.done $0x0  }
.Ltmp4:
0x12b: {  	[sflag:s8] =	ssyncadd.s32 $0xFFFFD800;
	(pc) =	sbr.rel @p0 .LBB2_1-.Ltmp4, $4  }
0x12c: {  	[hbm4b:s6+s2] =	stream.linear.scatter [tilespmem:s14], [sflag:$0x3], $0x2800, $0x38;
	[tilespmem:$0xAA00] =	vst v63  }
0x12d: {  	_ =	swait.ge [sflag:s8], $0x2800  }
0x12e: {  	[sflag:s8] =	ssyncset.done $0x0  }
0x12f: {  	[sflag:s8] =	ssyncadd.s32 $0xFFFFD800  }
0x130: {  	_ =	sfence.sel $0x180000  }
0x131: {  	[bflag:$0x0] =	sbarrier.arrive $0xFFFF  }
0x132: {  	p0 =	sne.s32 s1, $0x0;
	_ =	strace $0x9000004D  }
0x133: {  	s0 =	sadd.s32 @!p0 $0x100000, s0;
	[bflag:$0x2] =	sbarrier.arrive $0xFFFF  }
0x134: {  	[sflag:s0] =	ssyncadd.tile.s32 @!p0 $0x1;
	_ =	shalt  }
.Lfunc_end2:
_tile_overlayer_lowered:
.L_overlay_start_2:
0x135: {  	(tag) =	ssettag $0x2  }
0x136: {  	s0 =	rddreg [dreg:$0x0];
	s2 =	stileid.u32  }
0x137: {  	s1 =	rddreg [dreg:$0x1];
	p0 =	sne.s32 s2, $0x0  }
0x138: {  	s3 =	rddreg [dreg:$0x2];
	[bflag:$0x3] =	sbarrier.arrive $0xFFFF;
	s2 =	simm.s32 @!p0 $0x1C03  }
0x139: {  	[timem:s3], [sflag:s2] =	dma.local @!p0 [hbm:s0], s1  }
0x13a: {  	s0 =	simm.s32 @!p0 $0x3  }
0x13b: {  	_ =	swait.ge @!p0 [sflag:s0], s1  }
0x13c: {  	s1 =	ssub.s32 @!p0 $0x0, s1;
	[sflag:s0] =	ssyncset.done @!p0 $0x0  }
0x13d: {  	[sflag:s0] =	ssyncadd.s32 @!p0 s1  }
0x13e: {  	[bflag:$0x3] =	sbarrier.arrive $0xFFFF  }
0x13f: {  	_ =	shalt  }

// kernel: kernel.19.cloned.1.call-start
scs
__scs_entry_jumppad:
0x0: {  	(pc) =	sbr.rel $0x88, $3  }
0x1: {  	(tag) =	ssettag $0x0;
	lr =	simm.s32 $0x1  }
0x2: {  	[smem:$0x3F82] =	sst lr;
	_ =	strace $0xD0000000  }
0x3: {  	_ = 	snop  }
0x4: {  	_ = 	snop  }
0x5: {  	_ = 	snop  }
0x6: {  	_ = 	snop  }
0x7: {  	_ = 	snop  }
__scs_overlays_trampoline_lowered:
0x8: {  	[smem:$0x3F91] =	sst s0  }
0x9: {  	[smem:$0x3F92] =	sst s1  }
0xa: {  	[smem:$0x3F93] =	sst s2  }
0xb: {  	[smem:$0x3F94] =	sst s3  }
0xc: {  	[smem:$0x3F95] =	sst s4  }
0xd: {  	[smem:$0x3F96] =	sst s5  }
0xe: {  	[smem:$0x3F97] =	sst s6  }
0xf: {  	[smem:$0x3F98] =	sst s7  }
0x10: {  	[smem:$0x3F99] =	sst s8  }
0x11: {  	[smem:$0x3F9A] =	sst s9;
	s0 =	simm.s32 @!p0 $0x0  }
0x12: {  	s1 =	sld [smem:$0x3F80];
	s0 =	simm.s32 @p0 $0x1  }
0x13: {  	[smem:$0x3F9B] =	sst s0;
	s0 =	simm.s32 @!p1 $0x0  }
0x14: {  	s2 =	sld [smem:$0x3F7F];
	s0 =	simm.s32 @p1 $0x1  }
0x15: {  	[smem:$0x3F9C] =	sst s0;
	s0 =	simm.s32 @!p2 $0x0  }
0x16: {  	s3 =	sld [smem:$0x3FDB];
	s0 =	simm.s32 @p2 $0x1  }
0x17: {  	s4 =	simm.s32 $0x1BF5;
	[smem:$0x3F9E] =	sst s0  }
0x18: {  	s0 =	sld [smem:$0x3F81];
	_ =	swait.ge [sflag:s4], $0x0  }
0x19: {  	s7 =	sld [smem:$0x3F82]  }
0x1a: {  	s8 =	sadd.s32 $0xFFFFE003, lr  }
0x1b: {  	s9 =	sadd.s32 $0xFFFFFEF7, lr;
	s5 =	simm.s32 $0xFFFFFFFF;
	p2 =	slt.u32 s8, $0xFFFFF086  }
0x1c: {  	p1 =	slt.u32 s9, $0xF7A;
	s5 =	simm.s32 @!p2 $0x0  }
0x1d: {  	s5 =	simm.s32 @p1 $0x1;
	p0 =	seq.s32 s7, s2  }
0x1e: {  	s7 =	smul.u32 @!p0 $0xF7A, s2;
	p2 =	seq.s32 @!p0 s5, $0x0  }
0x1f: {  	s9 =	smul.u32 $0xF7A, s1;
	s8 =	simm.s32 @!p0 $0x1BF5;
	p2 =	por !p2, p0  }
0x20: {  	[sflag:s8] =	ssyncset.s32 @!p0 $0xFFFFF086;
	s6 =	sadd.s32 @!p0 s3, s7;
	s7 =	simm.s32 @!p0 $0x108  }
0x21: {  	s3 =	sadd.s32 s3, s9;
	s6 =	sadd.s32 @!p0 $0x88, s6;
	s7 =	simm.s32 @p2 $0x1082  }
0x22: {  	[simem:s7], [sflag:s8] =	dma.local @!p0 [hbm:s6], $0xF7A  }
0x23: {  	s9 =	sor.u32 $0xD0000000, s2;
	s6 =	simm.s32 $0x108;
	_ =	swait.ge @!p0 [sflag:s8], $0x0  }
0x24: {  	s3 =	sadd.s32 $0x88, s3;
	s6 =	simm.s32 @!p1 $0x1082;
	[sflag:s4] =	ssyncset.s32 $0xFFFFF086  }
0x25: {  	[simem:s6], [sflag:s4] =	dma.local [hbm:s3], $0xF7A  }
0x26: {  	[smem:$0x3F82] =	sst s1;
	(tag) =	ssettag s2;
	_ =	strace s9  }
0x27: {  	s1 =	sld [smem:$0x3F92]  }
0x28: {  	s2 =	sld [smem:$0x3F93]  }
0x29: {  	s4 =	sld [smem:$0x3F95]  }
0x2a: {  	p0 =	seq.s32 s5, $0x0;
	s5 =	sld [smem:$0x3F96]  }
0x2b: {  	s6 =	sld [smem:$0x3F97]  }
0x2c: {  	s7 =	sld [smem:$0x3F98]  }
0x2d: {  	s3 =	simm.s32 $0x108;
	s8 =	sld [smem:$0x3F99]  }
0x2e: {  	s3 =	simm.s32 @!p0 $0x1082;
	s9 =	sld [smem:$0x3F9A]  }
0x2f: {  	lr =	sadd.s32 s0, s3;
	s0 =	sld [smem:$0x3F91]  }
0x30: {  	s3 =	sld [smem:$0x3F94]  }
0x31: {  	[smem:$0x3F9D] =	sst s10  }
0x32: {  	s10 =	sld [smem:$0x3F9B];
	_ =	sdelay $0x3  }
0x33: {  	p0 =	seq.s32 s10, $0x1;
	s10 =	sld [smem:$0x3F9D];
	_ =	sdelay $0x3  }
0x34: {  	[smem:$0x3F9D] =	sst s10  }
0x35: {  	s10 =	sld [smem:$0x3F9C];
	_ =	sdelay $0x3  }
0x36: {  	p1 =	seq.s32 s10, $0x1;
	s10 =	sld [smem:$0x3F9D];
	_ =	sdelay $0x3  }
0x37: {  	[smem:$0x3F9D] =	sst s10  }
0x38: {  	s10 =	sld [smem:$0x3F9E]  }
0x39: {  	_ = 	snop;
	(pc) =	sbr.ind lr, $3  }
0x3a: {  	_ = 	snop  }
0x3b: {  	_ = 	snop  }
0x3c: {  	p2 =	seq.s32 s10, $0x1;
	s10 =	sld [smem:$0x3F9D]  }
0x3d: {  	_ =	shalt  }
0x3e: {  	_ =	shalt  }
0x3f: {  	_ =	shalt  }
0x40: {  	_ =	shalt  }
0x41: {  	_ =	shalt  }
0x42: {  	_ =	shalt  }
0x43: {  	_ =	shalt  }
0x44: {  	_ =	shalt  }
0x45: {  	_ =	shalt  }
0x46: {  	_ =	shalt  }
0x47: {  	_ =	shalt  }
0x48: {  	_ =	shalt  }
0x49: {  	_ =	shalt  }
0x4a: {  	_ =	shalt  }
0x4b: {  	_ =	shalt  }
0x4c: {  	_ =	shalt  }
0x4d: {  	_ =	shalt  }
0x4e: {  	_ =	shalt  }
0x4f: {  	_ =	shalt  }
0x50: {  	_ =	shalt  }
0x51: {  	_ =	shalt  }
0x52: {  	_ =	shalt  }
0x53: {  	_ =	shalt  }
0x54: {  	_ =	shalt  }
0x55: {  	_ =	shalt  }
0x56: {  	_ =	shalt  }
0x57: {  	_ =	shalt  }
0x58: {  	_ =	shalt  }
0x59: {  	_ =	shalt  }
0x5a: {  	_ =	shalt  }
0x5b: {  	_ =	shalt  }
0x5c: {  	_ =	shalt  }
0x5d: {  	_ =	shalt  }
0x5e: {  	_ =	shalt  }
0x5f: {  	_ =	shalt  }
0x60: {  	_ =	shalt  }
0x61: {  	_ =	shalt  }
0x62: {  	_ =	shalt  }
0x63: {  	_ =	shalt  }
0x64: {  	_ =	shalt  }
0x65: {  	_ =	shalt  }
0x66: {  	_ =	shalt  }
0x67: {  	_ =	shalt  }
0x68: {  	_ =	shalt  }
0x69: {  	_ =	shalt  }
0x6a: {  	_ =	shalt  }
0x6b: {  	_ =	shalt  }
0x6c: {  	_ =	shalt  }
0x6d: {  	_ =	shalt  }
0x6e: {  	_ =	shalt  }
0x6f: {  	_ =	shalt  }
0x70: {  	_ =	shalt  }
0x71: {  	_ =	shalt  }
0x72: {  	_ =	shalt  }
0x73: {  	_ =	shalt  }
0x74: {  	_ =	shalt  }
0x75: {  	_ =	shalt  }
0x76: {  	_ =	shalt  }
0x77: {  	_ =	shalt  }
0x78: {  	_ =	shalt  }
0x79: {  	_ =	shalt  }
0x7a: {  	_ =	shalt  }
0x7b: {  	_ =	shalt  }
0x7c: {  	_ =	shalt  }
0x7d: {  	_ =	shalt  }
0x7e: {  	_ =	shalt  }
0x7f: {  	_ =	shalt  }
0x80: {  	_ =	shalt  }
0x81: {  	_ =	shalt  }
0x82: {  	_ =	shalt  }
0x83: {  	_ =	shalt  }
0x84: {  	_ =	shalt  }
0x85: {  	_ =	shalt  }
0x86: {  	_ =	shalt  }
0x87: {  	_ =	shalt  }
.Lfunc_end0:
.L_simem_size_0:
called_computation.3_lowered:
.L_overlay_start_0:
0x88: {  	s2 =	sld [smem:$0x3FD9]  }
0x89: {  	s3 =	sld [smem:$0x3FFE];
	_ =	sdelay $0x1  }
0x8a: {  	s1 =	srdreg.scid  }
0x8b: {  	s0 =	sand.u32 $0x1, s1  }
0x8c: {  	s16 =	sshll.u32 s0, $0xA;
	s2 =	sadd.s32 s3, s2  }
0x8d: {  	s2 =	sadd.s32 s2, s16  }
0x8e: {  	[smem:$0x3FA9] =	sst s2  }
0x8f: {  	_ = 	snop  }
0x90: {  	(tm) =	ssettm $0x1  }
0x91: {  	s17 =	sld [smem:$0x3FFB];
	_ =	sdelay $0x3  }
0x92: {  	_ =	strace s17  }
0x93: {  	s2 =	sld [smem:$0x3FFC];
	_ =	sdelay $0x3  }
0x94: {  	_ =	strace s2  }
0x95: {  	s2 =	sld [smem:$0x3FFD];
	_ =	sdelay $0x3  }
0x96: {  	_ =	strace s2  }
0x97: {  	_ =	strace $0x8FFFFFFF  }
0x98: {  	s18 =	sld [smem:$0x3FDB];
	_ =	sdelay $0x1  }
0x99: {  	s19 =	simm.s32 $_scs_section_size  }
0x9a: {  	s4 =	simm.s32 $_size__tile_overlayer_lowered;
	s5 =	simm.s32 $_tile_overlayer_lowered  }
0x9b: {  	s22 =	simm.s32 $0x1BFF;
	s21 =	sshll.u32 s5, $0x1;
	s2 =	sadd.s32 s19, s18  }
0x9c: {  	s6 =	simm.s32 $0x0;
	s20 =	sshll.u32 s4, $0x1;
	s4 =	sadd.s32 s21, s2  }
0x9d: {  	[timem:s6], [sflag:s22] =	dma.local [hbm:s4], s20  }
0x9e: {  	_ =	swait.ge [sflag:s22], s20  }
0x9f: {  	s3 =	ssub.s32 $0x0, s20;
	[sflag:s22] =	ssyncset.done $0x0  }
0xa0: {  	[sflag:s22] =	ssyncadd.s32 s3;
	_ =	sdelay $0x1  }
0xa1: {  	s23 =	simm.s32 $0x1B8B  }
0xa2: {  	_ =	swait.ge [sflag:s23], $0x1  }
0xa3: {  	[sflag:s23] =	ssyncset.done $0x0  }
0xa4: {  	s25 =	simm.s32 $0x1B8E;
	s24 =	sld [smem:$0x3FFE];
	[sflag:s23] =	ssyncadd.s32 $0xFFFFFFFF  }
0xa5: {  	s26 =	simm.s32 $execute0_lowered;
	[smem:$0x3FD2] =	sst s25  }
0xa6: {  	s4 =	sshll.u32 s26, $0x1;
	_ =	strace $0x8000004F;
	[dreg:$0x1] =	wrdreg $0xFFFFFFFF  }
0xa7: {  	s28 =	simm.s32 $_size_execute0_lowered;
	s2 =	sadd.s32 s2, s4;
	[dreg:$0x0] =	wrdreg $0x0  }
0xa8: {  	s4 =	sshll.u32 s28, $0x1;
	[dreg:$0x2] =	wrdreg s2  }
0xa9: {  	[dreg:$0x3] =	wrdreg s4  }
0xaa: {  	[dreg:$0x4] =	wrdreg $0xC0  }
0xab: {  	_ =	task [dreg:s6], $0x5FFFF  }
0xac: {  	[dreg:$0x1] =	wrdreg $0xFFFFFFFF  }
0xad: {  	[dreg:$0x0] =	wrdreg $0x60  }
0xae: {  	[dreg:$0x2] =	wrdreg s24  }
0xaf: {  	[dreg:$0x3] =	wrdreg $0x9  }
0xb0: {  	_ =	task.clear_ibuf [dreg:s6], $0x4FFFF;
	_ =	strace $0x9000004F  }
0xb1: {  	s29 =	simm.s32 $0x9;
	_ =	strace $0x80000051  }
0xb2: {  	_ =	swait.ge [sflag:s29], $0x1  }
0xb3: {  	[sflag:s29] =	ssyncadd.s32 $0xFFFFFFFF  }
0xb4: {  	_ =	strace $0x90000051  }
0xb5: {  	_ =	sfence  }
0xb6: {  	s30 =	sld [smem:$0x0];
	_ =	sdelay $0x2  }
0xb7: {  	s31 =	sshll.u32 s1, $0xD;
	s1 =	sshrl.u32 s1, $0x2  }
0xb8: {  	s3 =	sand.u32 $0x4000, s31;
	s1 =	sadd.s32 s1, s30  }
0xb9: {  	s0 =	sor.u32 s3, s0;
	s1 =	sshll.u32 s1, $0x11  }
0xba: {  	s0 =	sor.u32 s1, s0  }
0xbb: {  	s0 =	sadd.s32 $0x8F2B, s0  }
0xbc: {  	[sflag:s0] =	ssyncadd.remote.s32 $0x1  }
0xbd: {  	_ =	sfence.sel $0xFFFF  }
0xbe: {  	[dreg:$0x0] =	wrdreg $0xFFFFFFFF;
	(pc) =	sbr.abs _section_cstart, $3  }
0xbf: {  	[dreg:$0x1] =	wrdreg $0xFFFFFFFF  }
0xc0: {  	_ =	task.clear_ibuf [dreg:s6], $0x2FFFF;
	_ =	strace $0x9FFFFFFF  }
0xc1: {  	(tm) =	ssettm $0x7FFFFFFF  }
tec
execute0_lowered:
.L_overlay_start_1:
0x0: {  	(tag) =	ssettag $0x1  }
0x1: {  	s4 =	rddreg [dreg:$0x0];
	s1 =	srdreg.scid  }
0x2: {  	s0 =	rddreg [dreg:$0x1];
	s2 =	simm.s32 $0x0;
	s10 =	simm.s32 $0x1  }
0x3: {  	s11 =	simm.s32 $0x9100;
	s12 =	simm.s32 $0x2800;
	s5 =	sand.u32 $0x1, s1  }
0x4: {  	s13 =	simm.s32 $0x2;
	s1 =	stileid.u32;
	s3 =	sshll.u32 s5, $0x4  }
0x5: {  	s14 =	simm.s32 $0x5000;
	s15 =	simm.s32 $0x0;
	s6 =	sor.u32 s1, s3  }
0x6: {  	[smem:$0x7FF] =	sst s2;
	s5 =	ssub.s32 $0x2, s5;
	s7 =	smul.u32 $0x2800, s6  }
0x7: {  	s8 =	sadd.s32 $0x19400, s4;
	s9 =	sshrl.u32 s5, $0x1;
	s6 =	smul.u32 $0x500, s6  }
0x8: {  	_ =	strace $0x80000050;
	s3 =	sadd.s32 $0x5600, s4;
	s9 =	ssub.s32 s5, s9  }
0x9: {  	s7 =	sshrl.u32 s7, $0x3;
	s4 =	sadd.s32 s6, s4;
	s5 =	sadd.s32 s8, s6  }
0xa: {  	s7 =	sadd.s32 s8, s7;
	s4 =	sadd.s32 $0xF400, s4;
	s8 =	simm.s32 $0x3  }
0xb: {  	v0 =	vimm.f32 $0.0e+00;
	s6 =	sadd.s32 $0xA000, s7;
	s7 =	smax.u32 s9, $0x1;
	s9 =	simm.s32 $0x7800  }
.LBB2_1:
0xc: {  	[tilespmem:s2], [sflag:$0x3] =	stream.linear.gather [hbm4b:s4+s2], $0x2800, $0x38;
	[tilespmem:$0xAA00] =	vst v63  }
0xd: {  	_ =	swait.ge [sflag:s8], $0x2800  }
0xe: {  	[sflag:s8] =	ssyncset.done $0x0  }
0xf: {  	s16 =	simm.s32 $0x40;
	s17 =	simm.s32 $0x0;
	[sflag:s8] =	ssyncadd.s32 $0xFFFFD800  }
.LBB2_2:
0x10: {  	p0 =	sne.s32 s16, $0x9FC0;
	[tilespmem:s17+$0x2800] =	vst v0;
	s18 =	smov.u32 s16;
	s16 =	sadd.s32 $0x40, s16  }
.Ltmp0:
0x11: {  	[tilespmem:s17+$0x5000] =	vst v0;
	(pc) =	sbr.rel @p0 .LBB2_2-.Ltmp0, $2  }
0x12: {  	_ =	sdelay $0x2  }
0x13: {  	s17 =	sshra.s32 s18, $0x2  }
0x14: {  	[tilespmem:s17+$0x2800] =	vst v0  }
0x15: {  	[tilespmem:s17+$0x5000] =	vst v0;
	s16 =	simm.s32 $0x0;
	s17 =	simm.s32 $0x0  }
0x16: {  	[tilespmem:s9], [sflag:$0x1] =	stream.linear.gather [hbm4b:s3+s16], $0x1900, $0x38;
	[tilespmem:$0xAA00] =	vst v63  }
.LBB2_4:
0x17: {  	s18 =	smul.u32 $0x3200, s17;
	_ =	sdelay $0x1  }
0x18: {  	_ =	swait.ge [sflag:s10], $0x1900;
	s19 =	sshrl.u32 s18, $0x3  }
0x19: {  	[sflag:s10] =	ssyncset.done $0x0;
	s19 =	sadd.s32 s3, s19  }
0x1a: {  	s31 =	simm.s32 $0x0;
	[sflag:s10] =	ssyncadd.s32 $0xFFFFE700;
	s19 =	sadd.s32 $0x320, s19  }
0x1b: {  	[tilespmem:s11], [sflag:$0x2] =	stream.linear.gather [hbm4b:s19+s16], $0x1900, $0x38;
	[tilespmem:$0xAA00] =	vst v63  }
0x1c: {  	v1 =	vld [tilespmem:s31+$0x78E0]  }
0x1d: {  	v2 =	vld [tilespmem:s31+$0x7830]  }
0x1e: {  	v3 =	vld [tilespmem:s31+$0x78B0]  }
0x1f: {  	v4 =	vld [tilespmem:s31+$0x7860]  }
0x20: {  	v5 =	vld [tilespmem:s31+$0x78A0]  }
0x21: {  	v6 =	vld [tilespmem:s31+$0x7890]  }
0x22: {  	v7 =	vld [tilespmem:s31+$0x7820]  }
0x23: {  	v8 =	vld [tilespmem:s31+$0x7840]  }
0x24: {  	v9 =	vld [tilespmem:s31+$0x7850]  }
0x25: {  	v10 =	vld [tilespmem:s31+$0x78F0]  }
0x26: {  	v11 =	vld [tilespmem:s31+$0x7810]  }
0x27: {  	v13 =	vld [tilespmem:s31+$0x7800];
	v12 =	vand.u32 $0x3FFF, v1  }
0x28: {  	v15 =	vld [tilespmem:s31+$0x7870];
	v14 =	vand.u32 $0x3FFF, v7  }
0x29: {  	v17 =	vld [tilespmem:s31+$0x78C0];
	v16 =	vand.u32 $0x3FFF, v9  }
0x2a: {  	v19 =	vld [tilespmem:s31+$0x78D0];
	v18 =	vand.u32 $0x3FFF, v8  }
0x2b: {  	v21 =	vld [tilespmem:s31+$0x7880];
	v20 =	vand.u32 $0x3FFF, v11  }
0x2c: {  	v22 =	vand.u32 $0x3FFF, v10;
	v12 =	vld.idx.msk [tilespmem:v12+s2+$0x0], $0xffff  }
0x2d: {  	v23 =	vand.u32 $0x3FFF, v13;
	v14 =	vld.idx.msk [tilespmem:v14+s2+$0x0], $0xffff  }
0x2e: {  	v24 =	vand.u32 $0x3FFF, v4;
	v16 =	vld.idx.msk [tilespmem:v16+s2+$0x0], $0xffff  }
0x2f: {  	v25 =	vand.u32 $0x3FFF, v3;
	v18 =	vld.idx.msk [tilespmem:v18+s2+$0x0], $0xffff  }
0x30: {  	v26 =	vand.u32 $0x3FFF, v6;
	v20 =	vld.idx.msk [tilespmem:v20+s2+$0x0], $0xffff  }
0x31: {  	v27 =	vand.u32 $0x3FFF, v21;
	v22 =	vld.idx.msk [tilespmem:v22+s2+$0x0], $0xffff  }
0x32: {  	v28 =	vand.u32 $0x3FFF, v19;
	v23 =	vld.idx.msk [tilespmem:v23+s2+$0x0], $0xffff  }
0x33: {  	v29 =	vand.u32 $0x3FFF, v17;
	v24 =	vld.idx.msk [tilespmem:v24+s2+$0x0], $0xffff  }
0x34: {  	v30 =	vand.u32 $0x3FFF, v2;
	v25 =	vld.idx.msk [tilespmem:v25+s2+$0x0], $0xffff  }
0x35: {  	v31 =	vand.u32 $0x3FFF, v5;
	v26 =	vld.idx.msk [tilespmem:v26+s2+$0x0], $0xffff  }
0x36: {  	v32 =	vand.u32 $0x3FFF, v15;
	v27 =	vld.idx.msk [tilespmem:v27+s2+$0x0], $0xffff  }
0x37: {  	v13 =	vshrl.u32 v13, $0xE;
	v28 =	vld.idx.msk [tilespmem:v28+s2+$0x0], $0xffff  }
0x38: {  	v33 =	vadd.s32 $0x2800, v13;
	v29 =	vld.idx.msk [tilespmem:v29+s2+$0x0], $0xffff  }
0x39: {  	v11 =	vshrl.u32 v11, $0xE;
	v30 =	vld.idx.msk [tilespmem:v30+s2+$0x0], $0xffff  }
0x3a: {  	v34 =	vadd.s32 $0x2800, v11;
	v31 =	vld.idx.msk [tilespmem:v31+s2+$0x0], $0xffff  }
0x3b: {  	v7 =	vshrl.u32 v7, $0xE;
	v32 =	vld.idx.msk [tilespmem:v32+s2+$0x0], $0xffff;
	v35 =	vshll.u32 v23, $0x10  }
0x3c: {  	v61 =	vadd.s32 $0x2800, v7;
	v23 =	vand.u32 $0xFFFF0000, v23;
	[tilespmem:v13+s12+$0x0] =	vst.idx.add.f32.msk $0xffff, v35  }
0x3d: {  	v2 =	vshrl.u32 v2, $0xE;
	v62 =	vshll.u32 v20, $0x10;
	[tilespmem:v33+s12+$0x0] =	vst.idx.add.f32.msk $0xffff, v23  }
0x3e: {  	v63 =	vadd.s32 $0x2800, v2;
	v20 =	vand.u32 $0xFFFF0000, v20;
	[tilespmem:v11+s12+$0x0] =	vst.idx.add.f32.msk $0xffff, v62  }
0x3f: {  	v8 =	vshrl.u32 v8, $0xE;
	v33 =	vshll.u32 v14, $0x10;
	[tilespmem:v34+s12+$0x0] =	vst.idx.add.f32.msk $0xffff, v20  }
0x40: {  	v35 =	vadd.s32 $0x2800, v8;
	v14 =	vand.u32 $0xFFFF0000, v14;
	[tilespmem:v7+s12+$0x0] =	vst.idx.add.f32.msk $0xffff, v33  }
0x41: {  	v9 =	vshrl.u32 v9, $0xE;
	v36 =	vshll.u32 v30, $0x10;
	[tilespmem:v61+s12+$0x0] =	vst.idx.add.f32.msk $0xffff, v14  }
0x42: {  	v37 =	vand.u32 $0xFFFF0000, v30;
	[tilespmem:v2+s12+$0x0] =	vst.idx.add.f32.msk $0xffff, v36;
	v2 =	vadd.s32 $0x2800, v9  }
0x43: {  	v4 =	vshrl.u32 v4, $0xE;
	v38 =	vshll.u32 v18, $0x10;
	[tilespmem:v63+s12+$0x0] =	vst.idx.add.f32.msk $0xffff, v37  }
0x44: {  	v40 =	vadd.s32 $0x2800, v4;
	v39 =	vand.u32 $0xFFFF0000, v18;
	[tilespmem:v8+s12+$0x0] =	vst.idx.add.f32.msk $0xffff, v38  }
0x45: {  	v42 =	vshrl.u32 v15, $0xE;
	v41 =	vshll.u32 v16, $0x10;
	[tilespmem:v35+s12+$0x0] =	vst.idx.add.f32.msk $0xffff, v39  }
0x46: {  	v44 =	vadd.s32 $0x2800, v42;
	v43 =	vand.u32 $0xFFFF0000, v16;
	[tilespmem:v9+s12+$0x0] =	vst.idx.add.f32.msk $0xffff, v41  }
0x47: {  	v46 =	vshrl.u32 v21, $0xE;
	v45 =	vshll.u32 v24, $0x10;
	[tilespmem:v2+s12+$0x0] =	vst.idx.add.f32.msk $0xffff, v43  }
0x48: {  	v47 =	vadd.s32 $0x2800, v46;
	v2 =	vand.u32 $0xFFFF0000, v24;
	[tilespmem:v4+s12+$0x0] =	vst.idx.add.f32.msk $0xffff, v45  }
0x49: {  	v6 =	vshrl.u32 v6, $0xE;
	v48 =	vshll.u32 v32, $0x10;
	[tilespmem:v40+s12+$0x0] =	vst.idx.add.f32.msk $0xffff, v2  }
0x4a: {  	v49 =	vadd.s32 $0x2800, v6;
	v2 =	vand.u32 $0xFFFF0000, v32;
	[tilespmem:v42+s12+$0x0] =	vst.idx.add.f32.msk $0xffff, v48  }
0x4b: {  	v5 =	vshrl.u32 v5, $0xE;
	v50 =	vshll.u32 v27, $0x10;
	[tilespmem:v44+s12+$0x0] =	vst.idx.add.f32.msk $0xffff, v2  }
0x4c: {  	v51 =	vadd.s32 $0x2800, v5;
	v2 =	vand.u32 $0xFFFF0000, v27;
	[tilespmem:v46+s12+$0x0] =	vst.idx.add.f32.msk $0xffff, v50  }
0x4d: {  	v3 =	vshrl.u32 v3, $0xE;
	v52 =	vshll.u32 v26, $0x10;
	[tilespmem:v47+s12+$0x0] =	vst.idx.add.f32.msk $0xffff, v2  }
0x4e: {  	v53 =	vadd.s32 $0x2800, v3;
	v2 =	vand.u32 $0xFFFF0000, v26;
	[tilespmem:v6+s12+$0x0] =	vst.idx.add.f32.msk $0xffff, v52  }
0x4f: {  	v55 =	vshrl.u32 v17, $0xE;
	v54 =	vshll.u32 v31, $0x10;
	[tilespmem:v49+s12+$0x0] =	vst.idx.add.f32.msk $0xffff, v2  }
0x50: {  	v56 =	vadd.s32 $0x2800, v55;
	v2 =	vand.u32 $0xFFFF0000, v31;
	[tilespmem:v5+s12+$0x0] =	vst.idx.add.f32.msk $0xffff, v54  }
0x51: {  	v58 =	vshrl.u32 v19, $0xE;
	v57 =	vshll.u32 v25, $0x10;
	[tilespmem:v51+s12+$0x0] =	vst.idx.add.f32.msk $0xffff, v2  }
0x52: {  	v2 =	vand.u32 $0xFFFF0000, v25;
	[tilespmem:v3+s12+$0x0] =	vst.idx.add.f32.msk $0xffff, v57;
	v3 =	vadd.s32 $0x2800, v58  }
0x53: {  	v1 =	vshrl.u32 v1, $0xE;
	v59 =	vshll.u32 v29, $0x10;
	[tilespmem:v53+s12+$0x0] =	vst.idx.add.f32.msk $0xffff, v2  }
0x54: {  	v2 =	vand.u32 $0xFFFF0000, v29;
	[tilespmem:v55+s12+$0x0] =	vst.idx.add.f32.msk $0xffff, v59  }
0x55: {  	v61 =	vshll.u32 v28, $0x10;
	[tilespmem:v56+s12+$0x0] =	vst.idx.add.f32.msk $0xffff, v2  }
0x56: {  	v60 =	vadd.s32 $0x2800, v1;
	v2 =	vand.u32 $0xFFFF0000, v28;
	[tilespmem:v58+s12+$0x0] =	vst.idx.add.f32.msk $0xffff, v61  }
0x57: {  	v62 =	vshrl.u32 v10, $0xE;
	v63 =	vshll.u32 v12, $0x10;
	[tilespmem:v3+s12+$0x0] =	vst.idx.add.f32.msk $0xffff, v2  }
0x58: {  	[tilespmem:v1+s12+$0x0] =	vst.idx.add.f32.msk $0xffff, v63;
	v1 =	vadd.s32 $0x2800, v62;
	_ =	sdelay $0x1  }
0x59: {  	v2 =	vand.u32 $0xFFFF0000, v12  }
0x5a: {  	v3 =	vshll.u32 v22, $0x10;
	[tilespmem:v60+s12+$0x0] =	vst.idx.add.f32.msk $0xffff, v2  }
0x5b: {  	s19 =	simm.s32 $0x400;
	v2 =	vand.u32 $0xFFFF0000, v22;
	[tilespmem:v62+s12+$0x0] =	vst.idx.add.f32.msk $0xffff, v3  }
.LBB2_5:
0x5c: {  	s20 =	sshra.s32 s19, $0x2;
	p0 =	sne.s32 s19, $0x6000;
	s19 =	sadd.s32 $0x400, s19;
	[tilespmem:v1+s12+$0x0] =	vst.idx.add.f32.msk $0xffff, v2  }
0x5d: {  	v1 =	vld [tilespmem:s20+$0x78E0]  }
0x5e: {  	v10 =	vld [tilespmem:s20+$0x7830]  }
0x5f: {  	v4 =	vld [tilespmem:s20+$0x78B0]  }
0x60: {  	v11 =	vld [tilespmem:s20+$0x7860]  }
0x61: {  	v6 =	vld [tilespmem:s20+$0x78A0]  }
0x62: {  	v9 =	vld [tilespmem:s20+$0x7890];
	v3 =	vand.u32 $0x3FFF, v1  }
0x63: {  	v12 =	vld [tilespmem:s20+$0x7820]  }
0x64: {  	v13 =	vld [tilespmem:s20+$0x7840]  }
0x65: {  	v14 =	vld [tilespmem:s20+$0x7850]  }
0x66: {  	v2 =	vld [tilespmem:s20+$0x78F0]  }
0x67: {  	v15 =	vld [tilespmem:s20+$0x7810]  }
0x68: {  	v16 =	vld [tilespmem:s20+$0x7800];
	v5 =	vand.u32 $0x3FFF, v12  }
0x69: {  	v18 =	vand.u32 $0x3FFF, v9;
	v17 =	vld [tilespmem:s20+$0x7870]  }
0x6a: {  	v20 =	vand.u32 $0x3FFF, v11;
	v19 =	vand.u32 $0x3FFF, v14;
	v8 =	vld [tilespmem:s20+$0x78C0]  }
0x6b: {  	v21 =	vand.u32 $0x3FFF, v10;
	v22 =	vand.u32 $0x3FFF, v13;
	v7 =	vld [tilespmem:s20+$0x78D0]  }
0x6c: {  	v25 =	vand.u32 $0x3FFF, v4;
	v26 =	vand.u32 $0x3FFF, v2;
	v23 =	vand.u32 $0x3FFF, v15;
	v24 =	vld [tilespmem:s20+$0x7880]  }
0x6d: {  	v28 =	vand.u32 $0x3FFF, v6;
	v27 =	vand.u32 $0x3FFF, v16;
	v3 =	vld.idx.msk [tilespmem:v3+s2+$0x0], $0xffff  }
0x6e: {  	v29 =	vld.idx.msk [tilespmem:v5+s2+$0x0], $0xffff;
	v30 =	vand.u32 $0x3FFF, v17  }
0x6f: {  	v19 =	vld.idx.msk [tilespmem:v19+s2+$0x0], $0xffff;
	v31 =	vand.u32 $0x3FFF, v8  }
0x70: {  	v22 =	vld.idx.msk [tilespmem:v22+s2+$0x0], $0xffff;
	v32 =	vand.u32 $0x3FFF, v7  }
0x71: {  	v23 =	vld.idx.msk [tilespmem:v23+s2+$0x0], $0xffff;
	v33 =	vand.u32 $0x3FFF, v24  }
0x72: {  	v5 =	vld.idx.msk [tilespmem:v26+s2+$0x0], $0xffff  }
0x73: {  	v26 =	vld.idx.msk [tilespmem:v27+s2+$0x0], $0xffff  }
0x74: {  	v20 =	vld.idx.msk [tilespmem:v20+s2+$0x0], $0xffff  }
0x75: {  	v25 =	vld.idx.msk [tilespmem:v25+s2+$0x0], $0xffff  }
0x76: {  	v18 =	vld.idx.msk [tilespmem:v18+s2+$0x0], $0xffff  }
0x77: {  	v27 =	vld.idx.msk [tilespmem:v33+s2+$0x0], $0xffff  }
0x78: {  	v16 =	vshrl.u32 v16, $0xE;
	v32 =	vld.idx.msk [tilespmem:v32+s2+$0x0], $0xffff  }
0x79: {  	v33 =	vadd.s32 $0x2800, v16;
	v31 =	vld.idx.msk [tilespmem:v31+s2+$0x0], $0xffff  }
0x7a: {  	v15 =	vshrl.u32 v15, $0xE;
	v21 =	vld.idx.msk [tilespmem:v21+s2+$0x0], $0xffff  }
0x7b: {  	v35 =	vadd.s32 $0x2800, v15;
	v34 =	vshll.u32 v26, $0x10;
	v28 =	vld.idx.msk [tilespmem:v28+s2+$0x0], $0xffff  }
0x7c: {  	v12 =	vshrl.u32 v12, $0xE;
	v26 =	vand.u32 $0xFFFF0000, v26;
	v30 =	vld.idx.msk [tilespmem:v30+s2+$0x0], $0xffff  }
0x7d: {  	[tilespmem:v16+s12+$0x0] =	vst.idx.add.f32.msk $0xffff, v34;
	v16 =	vadd.s32 $0x2800, v12  }
0x7e: {  	v10 =	vshrl.u32 v10, $0xE;
	v34 =	vshll.u32 v23, $0x10;
	[tilespmem:v33+s12+$0x0] =	vst.idx.add.f32.msk $0xffff, v26  }
0x7f: {  	v23 =	vand.u32 $0xFFFF0000, v23;
	[tilespmem:v15+s12+$0x0] =	vst.idx.add.f32.msk $0xffff, v34;
	v15 =	vadd.s32 $0x2800, v10  }
0x80: {  	v13 =	vshrl.u32 v13, $0xE;
	v26 =	vshll.u32 v29, $0x10;
	[tilespmem:v35+s12+$0x0] =	vst.idx.add.f32.msk $0xffff, v23  }
0x81: {  	v23 =	vand.u32 $0xFFFF0000, v29;
	v29 =	vshll.u32 v21, $0x10;
	[tilespmem:v12+s12+$0x0] =	vst.idx.add.f32.msk $0xffff, v26;
	v12 =	vadd.s32 $0x2800, v13  }
0x82: {  	v14 =	vshrl.u32 v14, $0xE;
	v21 =	vand.u32 $0xFFFF0000, v21;
	[tilespmem:v16+s12+$0x0] =	vst.idx.add.f32.msk $0xffff, v23  }
0x83: {  	[tilespmem:v10+s12+$0x0] =	vst.idx.add.f32.msk $0xffff, v29;
	v10 =	vadd.s32 $0x2800, v14  }
0x84: {  	v11 =	vshrl.u32 v11, $0xE;
	v16 =	vshll.u32 v22, $0x10;
	[tilespmem:v15+s12+$0x0] =	vst.idx.add.f32.msk $0xffff, v21  }
0x85: {  	v15 =	vand.u32 $0xFFFF0000, v22;
	[tilespmem:v13+s12+$0x0] =	vst.idx.add.f32.msk $0xffff, v16;
	v13 =	vadd.s32 $0x2800, v11  }
0x86: {  	v17 =	vshrl.u32 v17, $0xE;
	v16 =	vshll.u32 v19, $0x10;
	[tilespmem:v12+s12+$0x0] =	vst.idx.add.f32.msk $0xffff, v15  }
0x87: {  	v12 =	vand.u32 $0xFFFF0000, v19;
	[tilespmem:v14+s12+$0x0] =	vst.idx.add.f32.msk $0xffff, v16;
	v14 =	vadd.s32 $0x2800, v17  }
0x88: {  	v15 =	vshll.u32 v20, $0x10;
	v16 =	vshrl.u32 v24, $0xE;
	[tilespmem:v10+s12+$0x0] =	vst.idx.add.f32.msk $0xffff, v12  }
0x89: {  	v10 =	vand.u32 $0xFFFF0000, v20;
	[tilespmem:v11+s12+$0x0] =	vst.idx.add.f32.msk $0xffff, v15;
	v11 =	vadd.s32 $0x2800, v16  }
0x8a: {  	v9 =	vshrl.u32 v9, $0xE;
	v12 =	vshll.u32 v30, $0x10;
	[tilespmem:v13+s12+$0x0] =	vst.idx.add.f32.msk $0xffff, v10  }
0x8b: {  	v10 =	vand.u32 $0xFFFF0000, v30;
	[tilespmem:v17+s12+$0x0] =	vst.idx.add.f32.msk $0xffff, v12;
	v12 =	vadd.s32 $0x2800, v9  }
0x8c: {  	v6 =	vshrl.u32 v6, $0xE;
	v13 =	vshll.u32 v27, $0x10;
	[tilespmem:v14+s12+$0x0] =	vst.idx.add.f32.msk $0xffff, v10  }
0x8d: {  	v10 =	vand.u32 $0xFFFF0000, v27;
	[tilespmem:v16+s12+$0x0] =	vst.idx.add.f32.msk $0xffff, v13;
	v13 =	vadd.s32 $0x2800, v6  }
0x8e: {  	v4 =	vshrl.u32 v4, $0xE;
	v14 =	vshll.u32 v18, $0x10;
	[tilespmem:v11+s12+$0x0] =	vst.idx.add.f32.msk $0xffff, v10  }
0x8f: {  	v10 =	vand.u32 $0xFFFF0000, v18;
	[tilespmem:v9+s12+$0x0] =	vst.idx.add.f32.msk $0xffff, v14;
	v9 =	vadd.s32 $0x2800, v4  }
0x90: {  	v8 =	vshrl.u32 v8, $0xE;
	v11 =	vshll.u32 v28, $0x10;
	[tilespmem:v12+s12+$0x0] =	vst.idx.add.f32.msk $0xffff, v10  }
0x91: {  	v10 =	vand.u32 $0xFFFF0000, v28;
	[tilespmem:v6+s12+$0x0] =	vst.idx.add.f32.msk $0xffff, v11;
	v6 =	vadd.s32 $0x2800, v8  }
0x92: {  	v7 =	vshrl.u32 v7, $0xE;
	v11 =	vshll.u32 v25, $0x10;
	[tilespmem:v13+s12+$0x0] =	vst.idx.add.f32.msk $0xffff, v10  }
0x93: {  	v10 =	vand.u32 $0xFFFF0000, v25;
	[tilespmem:v4+s12+$0x0] =	vst.idx.add.f32.msk $0xffff, v11;
	v4 =	vadd.s32 $0x2800, v7  }
0x94: {  	v12 =	vshrl.u32 v1, $0xE;
	v11 =	vshll.u32 v31, $0x10;
	[tilespmem:v9+s12+$0x0] =	vst.idx.add.f32.msk $0xffff, v10  }
0x95: {  	v1 =	vand.u32 $0xFFFF0000, v31;
	[tilespmem:v8+s12+$0x0] =	vst.idx.add.f32.msk $0xffff, v11;
	v8 =	vadd.s32 $0x2800, v12  }
0x96: {  	v9 =	vshll.u32 v32, $0x10;
	v10 =	vshrl.u32 v2, $0xE;
	[tilespmem:v6+s12+$0x0] =	vst.idx.add.f32.msk $0xffff, v1  }
.Ltmp1:
0x97: {  	v2 =	vand.u32 $0xFFFF0000, v32;
	v1 =	vadd.s32 $0x2800, v10;
	[tilespmem:v7+s12+$0x0] =	vst.idx.add.f32.msk $0xffff, v9;
	(pc) =	sbr.rel @p0 .LBB2_5-.Ltmp1, $4  }
0x98: {  	v6 =	vshll.u32 v3, $0x10;
	[tilespmem:v4+s12+$0x0] =	vst.idx.add.f32.msk $0xffff, v2  }
0x99: {  	v2 =	vand.u32 $0xFFFF0000, v3;
	[tilespmem:v12+s12+$0x0] =	vst.idx.add.f32.msk $0xffff, v6  }
0x9a: {  	v3 =	vshll.u32 v5, $0x10;
	[tilespmem:v8+s12+$0x0] =	vst.idx.add.f32.msk $0xffff, v2  }
0x9b: {  	v2 =	vand.u32 $0xFFFF0000, v5;
	[tilespmem:v10+s12+$0x0] =	vst.idx.add.f32.msk $0xffff, v3  }
0x9c: {  	_ =	sdelay $0x2  }
0x9d: {  	p0 =	seq.s32 s17, $0x18  }
0x9e: {  	[tilespmem:v1+s12+$0x0] =	vst.idx.add.f32.msk $0xffff, v2;
	s18 =	smin.u32 @!p0 s18, $0x49700  }
0x9f: {  	s31 =	simm.s32 $0x0;
	_ =	swait.ge [sflag:s13], $0x1900;
	s18 =	sshrl.u32 @!p0 s18, $0x3  }
0xa0: {  	s19 =	simm.s32 @!p0 $0x0;
	[sflag:s13] =	ssyncset.done $0x0;
	s18 =	sadd.s32 @!p0 s3, s18  }
0xa1: {  	s20 =	simm.s32 @!p0 $0x7800;
	[sflag:s13] =	ssyncadd.s32 $0xFFFFE700;
	s18 =	sadd.s32 @!p0 $0x640, s18  }
0xa2: {  	[tilespmem:s20], [sflag:$0x1] =	stream.linear.gather @!p0 [hbm4b:s18+s19], $0x1900, $0x38;
	[tilespmem:$0xAA00] =	vst v63  }
0xa3: {  	v1 =	vld [tilespmem:s31+$0x91E0]  }
0xa4: {  	v2 =	vld [tilespmem:s31+$0x9130]  }
0xa5: {  	v3 =	vld [tilespmem:s31+$0x91B0]  }
0xa6: {  	v4 =	vld [tilespmem:s31+$0x9160]  }
0xa7: {  	v5 =	vld [tilespmem:s31+$0x91A0]  }
0xa8: {  	v6 =	vld [tilespmem:s31+$0x9190]  }
0xa9: {  	v7 =	vld [tilespmem:s31+$0x9120]  }
0xaa: {  	v8 =	vld [tilespmem:s31+$0x9140]  }
0xab: {  	v9 =	vld [tilespmem:s31+$0x9150]  }
0xac: {  	v10 =	vld [tilespmem:s31+$0x91F0]  }
0xad: {  	v11 =	vld [tilespmem:s31+$0x9110]  }
0xae: {  	v13 =	vld [tilespmem:s31+$0x9100];
	v12 =	vand.u32 $0x3FFF, v1  }
0xaf: {  	v15 =	vld [tilespmem:s31+$0x9170];
	v14 =	vand.u32 $0x3FFF, v7  }
0xb0: {  	v17 =	vld [tilespmem:s31+$0x91C0];
	v16 =	vand.u32 $0x3FFF, v9  }
0xb1: {  	v19 =	vld [tilespmem:s31+$0x91D0];
	v18 =	vand.u32 $0x3FFF, v8  }
0xb2: {  	v21 =	vld [tilespmem:s31+$0x9180];
	v20 =	vand.u32 $0x3FFF, v11  }
0xb3: {  	v22 =	vand.u32 $0x3FFF, v10;
	v12 =	vld.idx.msk [tilespmem:v12+s2+$0x0], $0xffff  }
0xb4: {  	v23 =	vand.u32 $0x3FFF, v13;
	v14 =	vld.idx.msk [tilespmem:v14+s2+$0x0], $0xffff  }
0xb5: {  	v24 =	vand.u32 $0x3FFF, v4;
	v16 =	vld.idx.msk [tilespmem:v16+s2+$0x0], $0xffff  }
0xb6: {  	v25 =	vand.u32 $0x3FFF, v3;
	v18 =	vld.idx.msk [tilespmem:v18+s2+$0x0], $0xffff  }
0xb7: {  	v26 =	vand.u32 $0x3FFF, v6;
	v20 =	vld.idx.msk [tilespmem:v20+s2+$0x0], $0xffff  }
0xb8: {  	v27 =	vand.u32 $0x3FFF, v21;
	v22 =	vld.idx.msk [tilespmem:v22+s2+$0x0], $0xffff  }
0xb9: {  	v28 =	vand.u32 $0x3FFF, v19;
	v23 =	vld.idx.msk [tilespmem:v23+s2+$0x0], $0xffff  }
0xba: {  	v29 =	vand.u32 $0x3FFF, v17;
	v24 =	vld.idx.msk [tilespmem:v24+s2+$0x0], $0xffff  }
0xbb: {  	v30 =	vand.u32 $0x3FFF, v2;
	v25 =	vld.idx.msk [tilespmem:v25+s2+$0x0], $0xffff  }
0xbc: {  	v31 =	vand.u32 $0x3FFF, v5;
	v26 =	vld.idx.msk [tilespmem:v26+s2+$0x0], $0xffff  }
0xbd: {  	v32 =	vand.u32 $0x3FFF, v15;
	v27 =	vld.idx.msk [tilespmem:v27+s2+$0x0], $0xffff  }
0xbe: {  	v13 =	vshrl.u32 v13, $0xE;
	v28 =	vld.idx.msk [tilespmem:v28+s2+$0x0], $0xffff  }
0xbf: {  	v33 =	vadd.s32 $0x2800, v13;
	v29 =	vld.idx.msk [tilespmem:v29+s2+$0x0], $0xffff  }
0xc0: {  	v11 =	vshrl.u32 v11, $0xE;
	v30 =	vld.idx.msk [tilespmem:v30+s2+$0x0], $0xffff  }
0xc1: {  	v34 =	vadd.s32 $0x2800, v11;
	v31 =	vld.idx.msk [tilespmem:v31+s2+$0x0], $0xffff  }
0xc2: {  	v7 =	vshrl.u32 v7, $0xE;
	v32 =	vld.idx.msk [tilespmem:v32+s2+$0x0], $0xffff;
	v35 =	vshll.u32 v23, $0x10  }
0xc3: {  	v61 =	vadd.s32 $0x2800, v7;
	v23 =	vand.u32 $0xFFFF0000, v23;
	[tilespmem:v13+s12+$0x0] =	vst.idx.add.f32.msk $0xffff, v35  }
0xc4: {  	v2 =	vshrl.u32 v2, $0xE;
	v62 =	vshll.u32 v20, $0x10;
	[tilespmem:v33+s12+$0x0] =	vst.idx.add.f32.msk $0xffff, v23  }
0xc5: {  	v63 =	vadd.s32 $0x2800, v2;
	v20 =	vand.u32 $0xFFFF0000, v20;
	[tilespmem:v11+s12+$0x0] =	vst.idx.add.f32.msk $0xffff, v62  }
0xc6: {  	v8 =	vshrl.u32 v8, $0xE;
	v33 =	vshll.u32 v14, $0x10;
	[tilespmem:v34+s12+$0x0] =	vst.idx.add.f32.msk $0xffff, v20  }
0xc7: {  	v35 =	vadd.s32 $0x2800, v8;
	v14 =	vand.u32 $0xFFFF0000, v14;
	[tilespmem:v7+s12+$0x0] =	vst.idx.add.f32.msk $0xffff, v33  }
0xc8: {  	v9 =	vshrl.u32 v9, $0xE;
	v36 =	vshll.u32 v30, $0x10;
	[tilespmem:v61+s12+$0x0] =	vst.idx.add.f32.msk $0xffff, v14  }
0xc9: {  	v37 =	vand.u32 $0xFFFF0000, v30;
	[tilespmem:v2+s12+$0x0] =	vst.idx.add.f32.msk $0xffff, v36;
	v2 =	vadd.s32 $0x2800, v9  }
0xca: {  	v4 =	vshrl.u32 v4, $0xE;
	v38 =	vshll.u32 v18, $0x10;
	[tilespmem:v63+s12+$0x0] =	vst.idx.add.f32.msk $0xffff, v37  }
0xcb: {  	v40 =	vadd.s32 $0x2800, v4;
	v39 =	vand.u32 $0xFFFF0000, v18;
	[tilespmem:v8+s12+$0x0] =	vst.idx.add.f32.msk $0xffff, v38  }
0xcc: {  	v42 =	vshrl.u32 v15, $0xE;
	v41 =	vshll.u32 v16, $0x10;
	[tilespmem:v35+s12+$0x0] =	vst.idx.add.f32.msk $0xffff, v39  }
0xcd: {  	v44 =	vadd.s32 $0x2800, v42;
	v43 =	vand.u32 $0xFFFF0000, v16;
	[tilespmem:v9+s12+$0x0] =	vst.idx.add.f32.msk $0xffff, v41  }
0xce: {  	v46 =	vshrl.u32 v21, $0xE;
	v45 =	vshll.u32 v24, $0x10;
	[tilespmem:v2+s12+$0x0] =	vst.idx.add.f32.msk $0xffff, v43  }
0xcf: {  	v47 =	vadd.s32 $0x2800, v46;
	v2 =	vand.u32 $0xFFFF0000, v24;
	[tilespmem:v4+s12+$0x0] =	vst.idx.add.f32.msk $0xffff, v45  }
0xd0: {  	v6 =	vshrl.u32 v6, $0xE;
	v48 =	vshll.u32 v32, $0x10;
	[tilespmem:v40+s12+$0x0] =	vst.idx.add.f32.msk $0xffff, v2  }
0xd1: {  	v49 =	vadd.s32 $0x2800, v6;
	v2 =	vand.u32 $0xFFFF0000, v32;
	[tilespmem:v42+s12+$0x0] =	vst.idx.add.f32.msk $0xffff, v48  }
0xd2: {  	v5 =	vshrl.u32 v5, $0xE;
	v50 =	vshll.u32 v27, $0x10;
	[tilespmem:v44+s12+$0x0] =	vst.idx.add.f32.msk $0xffff, v2  }
0xd3: {  	v51 =	vadd.s32 $0x2800, v5;
	v2 =	vand.u32 $0xFFFF0000, v27;
	[tilespmem:v46+s12+$0x0] =	vst.idx.add.f32.msk $0xffff, v50  }
0xd4: {  	v3 =	vshrl.u32 v3, $0xE;
	v52 =	vshll.u32 v26, $0x10;
	[tilespmem:v47+s12+$0x0] =	vst.idx.add.f32.msk $0xffff, v2  }
0xd5: {  	v53 =	vadd.s32 $0x2800, v3;
	v2 =	vand.u32 $0xFFFF0000, v26;
	[tilespmem:v6+s12+$0x0] =	vst.idx.add.f32.msk $0xffff, v52  }
0xd6: {  	v55 =	vshrl.u32 v17, $0xE;
	v54 =	vshll.u32 v31, $0x10;
	[tilespmem:v49+s12+$0x0] =	vst.idx.add.f32.msk $0xffff, v2  }
0xd7: {  	v56 =	vadd.s32 $0x2800, v55;
	v2 =	vand.u32 $0xFFFF0000, v31;
	[tilespmem:v5+s12+$0x0] =	vst.idx.add.f32.msk $0xffff, v54  }
0xd8: {  	v58 =	vshrl.u32 v19, $0xE;
	v57 =	vshll.u32 v25, $0x10;
	[tilespmem:v51+s12+$0x0] =	vst.idx.add.f32.msk $0xffff, v2  }
0xd9: {  	v2 =	vand.u32 $0xFFFF0000, v25;
	[tilespmem:v3+s12+$0x0] =	vst.idx.add.f32.msk $0xffff, v57;
	v3 =	vadd.s32 $0x2800, v58  }
0xda: {  	v1 =	vshrl.u32 v1, $0xE;
	v59 =	vshll.u32 v29, $0x10;
	[tilespmem:v53+s12+$0x0] =	vst.idx.add.f32.msk $0xffff, v2  }
0xdb: {  	v2 =	vand.u32 $0xFFFF0000, v29;
	[tilespmem:v55+s12+$0x0] =	vst.idx.add.f32.msk $0xffff, v59  }
0xdc: {  	v61 =	vshll.u32 v28, $0x10;
	[tilespmem:v56+s12+$0x0] =	vst.idx.add.f32.msk $0xffff, v2  }
0xdd: {  	v60 =	vadd.s32 $0x2800, v1;
	v2 =	vand.u32 $0xFFFF0000, v28;
	[tilespmem:v58+s12+$0x0] =	vst.idx.add.f32.msk $0xffff, v61  }
0xde: {  	v62 =	vshrl.u32 v10, $0xE;
	v63 =	vshll.u32 v12, $0x10;
	[tilespmem:v3+s12+$0x0] =	vst.idx.add.f32.msk $0xffff, v2  }
0xdf: {  	[tilespmem:v1+s12+$0x0] =	vst.idx.add.f32.msk $0xffff, v63;
	v1 =	vadd.s32 $0x2800, v62;
	_ =	sdelay $0x1  }
0xe0: {  	v2 =	vand.u32 $0xFFFF0000, v12  }
0xe1: {  	v3 =	vshll.u32 v22, $0x10;
	[tilespmem:v60+s12+$0x0] =	vst.idx.add.f32.msk $0xffff, v2  }
0xe2: {  	s18 =	simm.s32 $0x400;
	v2 =	vand.u32 $0xFFFF0000, v22;
	[tilespmem:v62+s12+$0x0] =	vst.idx.add.f32.msk $0xffff, v3  }
.LBB2_7:
0xe3: {  	s19 =	sshra.s32 s18, $0x2;
	p0 =	sne.s32 s18, $0x6000;
	s18 =	sadd.s32 $0x400, s18;
	[tilespmem:v1+s12+$0x0] =	vst.idx.add.f32.msk $0xffff, v2  }
0xe4: {  	v1 =	vld [tilespmem:s19+$0x91E0]  }
0xe5: {  	v10 =	vld [tilespmem:s19+$0x9130]  }
0xe6: {  	v4 =	vld [tilespmem:s19+$0x91B0]  }
0xe7: {  	v11 =	vld [tilespmem:s19+$0x9160]  }
0xe8: {  	v6 =	vld [tilespmem:s19+$0x91A0]  }
0xe9: {  	v9 =	vld [tilespmem:s19+$0x9190];
	v3 =	vand.u32 $0x3FFF, v1  }
0xea: {  	v12 =	vld [tilespmem:s19+$0x9120]  }
0xeb: {  	v13 =	vld [tilespmem:s19+$0x9140]  }
0xec: {  	v14 =	vld [tilespmem:s19+$0x9150]  }
0xed: {  	v2 =	vld [tilespmem:s19+$0x91F0]  }
0xee: {  	v15 =	vld [tilespmem:s19+$0x9110]  }
0xef: {  	v16 =	vld [tilespmem:s19+$0x9100];
	v5 =	vand.u32 $0x3FFF, v12  }
0xf0: {  	v18 =	vand.u32 $0x3FFF, v9;
	v17 =	vld [tilespmem:s19+$0x9170]  }
0xf1: {  	v20 =	vand.u32 $0x3FFF, v11;
	v19 =	vand.u32 $0x3FFF, v14;
	v8 =	vld [tilespmem:s19+$0x91C0]  }
0xf2: {  	v21 =	vand.u32 $0x3FFF, v10;
	v22 =	vand.u32 $0x3FFF, v13;
	v7 =	vld [tilespmem:s19+$0x91D0]  }
0xf3: {  	v25 =	vand.u32 $0x3FFF, v4;
	v26 =	vand.u32 $0x3FFF, v2;
	v23 =	vand.u32 $0x3FFF, v15;
	v24 =	vld [tilespmem:s19+$0x9180]  }
0xf4: {  	v28 =	vand.u32 $0x3FFF, v6;
	v27 =	vand.u32 $0x3FFF, v16;
	v3 =	vld.idx.msk [tilespmem:v3+s2+$0x0], $0xffff  }
0xf5: {  	v29 =	vld.idx.msk [tilespmem:v5+s2+$0x0], $0xffff;
	v30 =	vand.u32 $0x3FFF, v17  }
0xf6: {  	v19 =	vld.idx.msk [tilespmem:v19+s2+$0x0], $0xffff;
	v31 =	vand.u32 $0x3FFF, v8  }
0xf7: {  	v22 =	vld.idx.msk [tilespmem:v22+s2+$0x0], $0xffff;
	v32 =	vand.u32 $0x3FFF, v7  }
0xf8: {  	v23 =	vld.idx.msk [tilespmem:v23+s2+$0x0], $0xffff;
	v33 =	vand.u32 $0x3FFF, v24  }
0xf9: {  	v5 =	vld.idx.msk [tilespmem:v26+s2+$0x0], $0xffff  }
0xfa: {  	v26 =	vld.idx.msk [tilespmem:v27+s2+$0x0], $0xffff  }
0xfb: {  	v20 =	vld.idx.msk [tilespmem:v20+s2+$0x0], $0xffff  }
0xfc: {  	v25 =	vld.idx.msk [tilespmem:v25+s2+$0x0], $0xffff  }
0xfd: {  	v18 =	vld.idx.msk [tilespmem:v18+s2+$0x0], $0xffff  }
0xfe: {  	v27 =	vld.idx.msk [tilespmem:v33+s2+$0x0], $0xffff  }
0xff: {  	v16 =	vshrl.u32 v16, $0xE;
	v32 =	vld.idx.msk [tilespmem:v32+s2+$0x0], $0xffff  }
0x100: {  	v33 =	vadd.s32 $0x2800, v16;
	v31 =	vld.idx.msk [tilespmem:v31+s2+$0x0], $0xffff  }
0x101: {  	v15 =	vshrl.u32 v15, $0xE;
	v21 =	vld.idx.msk [tilespmem:v21+s2+$0x0], $0xffff  }
0x102: {  	v35 =	vadd.s32 $0x2800, v15;
	v34 =	vshll.u32 v26, $0x10;
	v28 =	vld.idx.msk [tilespmem:v28+s2+$0x0], $0xffff  }
0x103: {  	v12 =	vshrl.u32 v12, $0xE;
	v26 =	vand.u32 $0xFFFF0000, v26;
	v30 =	vld.idx.msk [tilespmem:v30+s2+$0x0], $0xffff  }
0x104: {  	[tilespmem:v16+s12+$0x0] =	vst.idx.add.f32.msk $0xffff, v34;
	v16 =	vadd.s32 $0x2800, v12  }
0x105: {  	v10 =	vshrl.u32 v10, $0xE;
	v34 =	vshll.u32 v23, $0x10;
	[tilespmem:v33+s12+$0x0] =	vst.idx.add.f32.msk $0xffff, v26  }
0x106: {  	v23 =	vand.u32 $0xFFFF0000, v23;
	[tilespmem:v15+s12+$0x0] =	vst.idx.add.f32.msk $0xffff, v34;
	v15 =	vadd.s32 $0x2800, v10  }
0x107: {  	v13 =	vshrl.u32 v13, $0xE;
	v26 =	vshll.u32 v29, $0x10;
	[tilespmem:v35+s12+$0x0] =	vst.idx.add.f32.msk $0xffff, v23  }
0x108: {  	v23 =	vand.u32 $0xFFFF0000, v29;
	v29 =	vshll.u32 v21, $0x10;
	[tilespmem:v12+s12+$0x0] =	vst.idx.add.f32.msk $0xffff, v26;
	v12 =	vadd.s32 $0x2800, v13  }
0x109: {  	v14 =	vshrl.u32 v14, $0xE;
	v21 =	vand.u32 $0xFFFF0000, v21;
	[tilespmem:v16+s12+$0x0] =	vst.idx.add.f32.msk $0xffff, v23  }
0x10a: {  	[tilespmem:v10+s12+$0x0] =	vst.idx.add.f32.msk $0xffff, v29;
	v10 =	vadd.s32 $0x2800, v14  }
0x10b: {  	v11 =	vshrl.u32 v11, $0xE;
	v16 =	vshll.u32 v22, $0x10;
	[tilespmem:v15+s12+$0x0] =	vst.idx.add.f32.msk $0xffff, v21  }
0x10c: {  	v15 =	vand.u32 $0xFFFF0000, v22;
	[tilespmem:v13+s12+$0x0] =	vst.idx.add.f32.msk $0xffff, v16;
	v13 =	vadd.s32 $0x2800, v11  }
0x10d: {  	v17 =	vshrl.u32 v17, $0xE;
	v16 =	vshll.u32 v19, $0x10;
	[tilespmem:v12+s12+$0x0] =	vst.idx.add.f32.msk $0xffff, v15  }
0x10e: {  	v12 =	vand.u32 $0xFFFF0000, v19;
	[tilespmem:v14+s12+$0x0] =	vst.idx.add.f32.msk $0xffff, v16;
	v14 =	vadd.s32 $0x2800, v17  }
0x10f: {  	v15 =	vshll.u32 v20, $0x10;
	v16 =	vshrl.u32 v24, $0xE;
	[tilespmem:v10+s12+$0x0] =	vst.idx.add.f32.msk $0xffff, v12  }
0x110: {  	v10 =	vand.u32 $0xFFFF0000, v20;
	[tilespmem:v11+s12+$0x0] =	vst.idx.add.f32.msk $0xffff, v15;
	v11 =	vadd.s32 $0x2800, v16  }
0x111: {  	v9 =	vshrl.u32 v9, $0xE;
	v12 =	vshll.u32 v30, $0x10;
	[tilespmem:v13+s12+$0x0] =	vst.idx.add.f32.msk $0xffff, v10  }
0x112: {  	v10 =	vand.u32 $0xFFFF0000, v30;
	[tilespmem:v17+s12+$0x0] =	vst.idx.add.f32.msk $0xffff, v12;
	v12 =	vadd.s32 $0x2800, v9  }
0x113: {  	v6 =	vshrl.u32 v6, $0xE;
	v13 =	vshll.u32 v27, $0x10;
	[tilespmem:v14+s12+$0x0] =	vst.idx.add.f32.msk $0xffff, v10  }
0x114: {  	v10 =	vand.u32 $0xFFFF0000, v27;
	[tilespmem:v16+s12+$0x0] =	vst.idx.add.f32.msk $0xffff, v13;
	v13 =	vadd.s32 $0x2800, v6  }
0x115: {  	v4 =	vshrl.u32 v4, $0xE;
	v14 =	vshll.u32 v18, $0x10;
	[tilespmem:v11+s12+$0x0] =	vst.idx.add.f32.msk $0xffff, v10  }
0x116: {  	v10 =	vand.u32 $0xFFFF0000, v18;
	[tilespmem:v9+s12+$0x0] =	vst.idx.add.f32.msk $0xffff, v14;
	v9 =	vadd.s32 $0x2800, v4  }
0x117: {  	v8 =	vshrl.u32 v8, $0xE;
	v11 =	vshll.u32 v28, $0x10;
	[tilespmem:v12+s12+$0x0] =	vst.idx.add.f32.msk $0xffff, v10  }
0x118: {  	v10 =	vand.u32 $0xFFFF0000, v28;
	[tilespmem:v6+s12+$0x0] =	vst.idx.add.f32.msk $0xffff, v11;
	v6 =	vadd.s32 $0x2800, v8  }
0x119: {  	v7 =	vshrl.u32 v7, $0xE;
	v11 =	vshll.u32 v25, $0x10;
	[tilespmem:v13+s12+$0x0] =	vst.idx.add.f32.msk $0xffff, v10  }
0x11a: {  	v10 =	vand.u32 $0xFFFF0000, v25;
	[tilespmem:v4+s12+$0x0] =	vst.idx.add.f32.msk $0xffff, v11;
	v4 =	vadd.s32 $0x2800, v7  }
0x11b: {  	v12 =	vshrl.u32 v1, $0xE;
	v11 =	vshll.u32 v31, $0x10;
	[tilespmem:v9+s12+$0x0] =	vst.idx.add.f32.msk $0xffff, v10  }
0x11c: {  	v1 =	vand.u32 $0xFFFF0000, v31;
	[tilespmem:v8+s12+$0x0] =	vst.idx.add.f32.msk $0xffff, v11;
	v8 =	vadd.s32 $0x2800, v12  }
0x11d: {  	v9 =	vshll.u32 v32, $0x10;
	v10 =	vshrl.u32 v2, $0xE;
	[tilespmem:v6+s12+$0x0] =	vst.idx.add.f32.msk $0xffff, v1  }
.Ltmp2:
0x11e: {  	v2 =	vand.u32 $0xFFFF0000, v32;
	v1 =	vadd.s32 $0x2800, v10;
	[tilespmem:v7+s12+$0x0] =	vst.idx.add.f32.msk $0xffff, v9;
	(pc) =	sbr.rel @p0 .LBB2_7-.Ltmp2, $4  }
0x11f: {  	v6 =	vshll.u32 v3, $0x10;
	[tilespmem:v4+s12+$0x0] =	vst.idx.add.f32.msk $0xffff, v2  }
0x120: {  	v2 =	vand.u32 $0xFFFF0000, v3;
	[tilespmem:v12+s12+$0x0] =	vst.idx.add.f32.msk $0xffff, v6  }
0x121: {  	v3 =	vshll.u32 v5, $0x10;
	[tilespmem:v8+s12+$0x0] =	vst.idx.add.f32.msk $0xffff, v2  }
0x122: {  	v2 =	vand.u32 $0xFFFF0000, v5;
	[tilespmem:v10+s12+$0x0] =	vst.idx.add.f32.msk $0xffff, v3  }
0x123: {  	s17 =	sadd.s32 $0x1, s17  }
0x124: {  	p0 =	sne.s32 s17, $0x19  }
.Ltmp3:
0x125: {  	_ = 	snop;
	(pc) =	sbr.rel @p0 .LBB2_4-.Ltmp3, $2  }
0x126: {  	_ =	sdelay $0x2  }
0x127: {  	[tilespmem:v1+s12+$0x0] =	vst.idx.add.f32.msk $0xffff, v2  }
0x128: {  	[hbm4b:s5+s2] =	stream.linear.scatter [tilespmem:s12], [sflag:$0x3], $0x2800, $0x38;
	[tilespmem:$0xAA00] =	vst v63  }
0x129: {  	s15 =	sadd.s32 $0x1, s15;
	_ =	swait.ge [sflag:s8], $0x2800  }
0x12a: {  	p0 =	sne.s32 s15, s7;
	[sflag:s8] =	ssyncset.done $0x0  }
.Ltmp4:
0x12b: {  	[sflag:s8] =	ssyncadd.s32 $0xFFFFD800;
	(pc) =	sbr.rel @p0 .LBB2_1-.Ltmp4, $4  }
0x12c: {  	[hbm4b:s6+s2] =	stream.linear.scatter [tilespmem:s14], [sflag:$0x3], $0x2800, $0x38;
	[tilespmem:$0xAA00] =	vst v63  }
0x12d: {  	_ =	swait.ge [sflag:s8], $0x2800  }
0x12e: {  	[sflag:s8] =	ssyncset.done $0x0  }
0x12f: {  	[sflag:s8] =	ssyncadd.s32 $0xFFFFD800  }
0x130: {  	_ =	sfence.sel $0x180000  }
0x131: {  	[bflag:$0x0] =	sbarrier.arrive $0xFFFF  }
0x132: {  	p0 =	sne.s32 s1, $0x0;
	_ =	strace $0x90000050  }
0x133: {  	s0 =	sadd.s32 @!p0 $0x100000, s0;
	[bflag:$0x2] =	sbarrier.arrive $0xFFFF  }
0x134: {  	[sflag:s0] =	ssyncadd.tile.s32 @!p0 $0x1;
	_ =	shalt  }
.Lfunc_end2:
_tile_overlayer_lowered:
.L_overlay_start_2:
0x135: {  	(tag) =	ssettag $0x2  }
0x136: {  	s0 =	rddreg [dreg:$0x0];
	s2 =	stileid.u32  }
0x137: {  	s1 =	rddreg [dreg:$0x1];
	p0 =	sne.s32 s2, $0x0  }
0x138: {  	s3 =	rddreg [dreg:$0x2];
	[bflag:$0x3] =	sbarrier.arrive $0xFFFF;
	s2 =	simm.s32 @!p0 $0x1C03  }
0x139: {  	[timem:s3], [sflag:s2] =	dma.local @!p0 [hbm:s0], s1  }
0x13a: {  	s0 =	simm.s32 @!p0 $0x3  }
0x13b: {  	_ =	swait.ge @!p0 [sflag:s0], s1  }
0x13c: {  	s1 =	ssub.s32 @!p0 $0x0, s1;
	[sflag:s0] =	ssyncset.done @!p0 $0x0  }
0x13d: {  	[sflag:s0] =	ssyncadd.s32 @!p0 s1  }
0x13e: {  	[bflag:$0x3] =	sbarrier.arrive $0xFFFF  }
0x13f: {  	_ =	shalt  }

</sc_bundles>
